<compile_context>
chip_gen: v7x
topology: tpu7x:2x2x1
jax: 0.10.2.dev20260603
libtpu: 0.0.44.dev20260713+nightly
codegen_flags: <defaults>
</compile_context>

<pallas_src>
import functools

import jax
import jax.numpy as jnp
from jax import lax
from jax.experimental import pallas as pl
from jax.experimental.pallas import tpu as pltpu
from jax.experimental.pallas import tpu_sc as plsc

N = 10000
E = 320000
D = 128

NPAD = 10240
NC = 2
NS = 16
NW = NC * NS
EPAD = 327680
CH32 = EPAD // NW // 128
ROWS_PER_TILE = NPAD // NS


@functools.cache
def _sc_mesh():
    return plsc.VectorSubcoreMesh(
        core_axis_name="c", subcore_axis_name="s", num_cores=NC, num_subcores=NS)


def _zero_vec_buf(buf, n):
    z16 = jnp.zeros((16,), jnp.float32)

    def body(k, carry):
        buf[pl.ds(k * 16, 16)] = z16
        return carry

    lax.fori_loop(0, n // 16, body, 0)


def _zero_row_buf(buf, rows, cols):
    z16 = jnp.zeros((16,), jnp.float32)
    cs = cols // 16

    def body(k, carry):
        r = k // cs
        c = (k % cs) * 16
        buf[r, pl.ds(c, 16)] = z16
        return carry

    lax.fori_loop(0, rows * cs, body, 0)


def _pipelined_edge_loop(nchunks, src_v, dst_v, dst_off, table_hbm, buf0,
                         buf1, acc_sh, sem0, sem1):
    assert nchunks % 2 == 0
    pltpu.async_copy(table_hbm.at[src_v.at[0]], buf0, sem0).wait()

    def pair(j, carry):
        nxt = pltpu.async_copy(table_hbm.at[src_v.at[j + 1]], buf1, sem1)
        pltpu.sync_copy(buf0, acc_sh.at[dst_v.at[dst_off + j]], add=True)
        nxt.wait()
        nxt2 = pltpu.async_copy(table_hbm.at[src_v.at[j + 2]], buf0, sem0)
        pltpu.sync_copy(buf1, acc_sh.at[dst_v.at[dst_off + j + 1]], add=True)
        nxt2.wait()
        return carry

    npairs = nchunks // 2 - 1
    lax.fori_loop(0, npairs, lambda i, c: pair(i * 2, c), 0)
    rem = 2 * npairs
    nxt = pltpu.async_copy(table_hbm.at[src_v.at[rem + 1]], buf1, sem1)
    pltpu.sync_copy(buf0, acc_sh.at[dst_v.at[dst_off + rem]], add=True)
    nxt.wait()
    pltpu.sync_copy(buf1, acc_sh.at[dst_v.at[dst_off + rem + 1]], add=True)


def _deg_body(dst_hbm, out_hbm, dst_v, ones_v, zeros_v, deg_sh):
    cid = lax.axis_index("c")
    sid = lax.axis_index("s")
    wid = cid * NS + sid

    pltpu.sync_copy(dst_hbm.at[wid], dst_v)
    one16 = jnp.ones((16,), jnp.float32)
    for i in range(8):
        ones_v[pl.ds(i * 16, 16)] = one16
    _zero_vec_buf(zeros_v, ROWS_PER_TILE)
    pltpu.sync_copy(zeros_v, deg_sh.at[pl.ds(sid * ROWS_PER_TILE, ROWS_PER_TILE)])
    plsc.subcore_barrier()

    def body(j, carry):
        pltpu.sync_copy(ones_v, deg_sh.at[dst_v.at[j]], add=True)
        return carry

    lax.fori_loop(0, CH32, body, 0)
    plsc.subcore_barrier()
    pltpu.sync_copy(deg_sh.at[pl.ds(sid * ROWS_PER_TILE, ROWS_PER_TILE)],
                    out_hbm.at[cid, sid])


def _edge_body(src_hbm, dst_hbm, g_hbm, out_hbm,
               src_v, dst_v, rows0, rows1, acc_sh, sem0, sem1):
    cid = lax.axis_index("c")
    sid = lax.axis_index("s")
    wid = cid * NS + sid
    half = CH32 // 2

    pltpu.sync_copy(dst_hbm.at[wid], dst_v)
    pltpu.sync_copy(src_hbm.at[wid].at[pl.ds(0, half)], src_v)

    _zero_row_buf(rows0, 128, D)
    base = sid * ROWS_PER_TILE
    for b in range(ROWS_PER_TILE // 128):
        pltpu.sync_copy(rows0, acc_sh.at[pl.ds(base + b * 128, 128)])
    plsc.subcore_barrier()

    _pipelined_edge_loop(half, src_v, dst_v, 0, g_hbm, rows0, rows1,
                         acc_sh, sem0, sem1)
    pltpu.sync_copy(src_hbm.at[wid].at[pl.ds(half, half)], src_v)
    _pipelined_edge_loop(half, src_v, dst_v, half, g_hbm, rows0, rows1,
                         acc_sh, sem0, sem1)

    plsc.subcore_barrier()
    for b in range(ROWS_PER_TILE // 128):
        pltpu.sync_copy(acc_sh.at[pl.ds(base + b * 128, 128)],
                        out_hbm.at[cid, sid].at[pl.ds(b * 128, 128)])


_NB2 = 8


def _edge2_body(src_hbm, dst_hbm, u_hbm, out_hbm,
                src_v, dst_v, vals, zeros_v, acc_sh, *sems):
    cid = lax.axis_index("c")
    sid = lax.axis_index("s")
    wid = cid * NS + sid
    gsem = sems[:_NB2]
    ssem = sems[_NB2:]

    pltpu.sync_copy(src_hbm.at[wid], src_v)
    pltpu.sync_copy(dst_hbm.at[wid], dst_v)
    _zero_vec_buf(zeros_v, ROWS_PER_TILE)
    pltpu.sync_copy(zeros_v, acc_sh.at[pl.ds(sid * ROWS_PER_TILE, ROWS_PER_TILE)])
    plsc.subcore_barrier()

    def wait_g(s, j):
        pltpu.make_async_copy(u_hbm.at[src_v.at[j]], vals.at[s], gsem[s]).wait()

    def wait_s(s, j):
        pltpu.make_async_copy(vals.at[s], acc_sh.at[dst_v.at[j]], ssem[s]).wait()

    for s in range(_NB2):
        pltpu.async_copy(u_hbm.at[src_v.at[s]], vals.at[s], gsem[s])

    nrounds = CH32 // _NB2

    def ring(i, carry):
        for s in range(_NB2):
            j = i * _NB2 + s
            wait_g(s, j)
            pltpu.async_copy(vals.at[s], acc_sh.at[dst_v.at[j]], ssem[s],
                             add=True)
        for s in range(_NB2):
            j = i * _NB2 + s
            wait_s(s, j)
            pltpu.async_copy(u_hbm.at[src_v.at[j + _NB2]], vals.at[s], gsem[s])
        return carry

    lax.fori_loop(0, nrounds - 1, ring, 0)
    last = (nrounds - 1) * _NB2
    for s in range(_NB2):
        wait_g(s, last + s)
        pltpu.async_copy(vals.at[s], acc_sh.at[dst_v.at[last + s]], ssem[s],
                         add=True)
    for s in range(_NB2):
        wait_s(s, last + s)

    plsc.subcore_barrier()
    pltpu.sync_copy(acc_sh.at[pl.ds(sid * ROWS_PER_TILE, ROWS_PER_TILE)],
                    out_hbm.at[cid, sid])


@functools.cache
def _sc_fns():
    mesh = _sc_mesh()
    deg = pl.kernel(
        _deg_body,
        out_type=jax.ShapeDtypeStruct((NC, NS, ROWS_PER_TILE), jnp.float32),
        mesh=mesh,
        scratch_types=[
            pltpu.VMEM((CH32, 128), jnp.int32),
            pltpu.VMEM((128,), jnp.float32),
            pltpu.VMEM((ROWS_PER_TILE,), jnp.float32),
            pltpu.VMEM_SHARED((NPAD,), jnp.float32),
        ],
        name="gcn_deg_sc",
    )
    edge = pl.kernel(
        _edge_body,
        out_type=jax.ShapeDtypeStruct((NC, NS, ROWS_PER_TILE, D), jnp.float32),
        mesh=mesh,
        scratch_types=[
            pltpu.VMEM((CH32 // 2, 128), jnp.int32),
            pltpu.VMEM((CH32, 128), jnp.int32),
            pltpu.VMEM((128, D), jnp.float32),
            pltpu.VMEM((128, D), jnp.float32),
            pltpu.VMEM_SHARED((NPAD, D), jnp.float32),
            pltpu.SemaphoreType.DMA,
            pltpu.SemaphoreType.DMA,
        ],
        name="gcn_edge_sc",
    )
    edge2 = pl.kernel(
        _edge2_body,
        out_type=jax.ShapeDtypeStruct((NC, NS, ROWS_PER_TILE), jnp.float32),
        mesh=mesh,
        scratch_types=[
            pltpu.VMEM((CH32, 128), jnp.int32),
            pltpu.VMEM((CH32, 128), jnp.int32),
            pltpu.VMEM((_NB2, 128), jnp.float32),
            pltpu.VMEM((ROWS_PER_TILE,), jnp.float32),
            pltpu.VMEM_SHARED((NPAD,), jnp.float32),
        ] + [pltpu.SemaphoreType.DMA] * (2 * _NB2),
        name="gcn_edge2_sc",
    )
    return deg, edge, edge2


_BR = 512


def _mm1_body(x_ref, w1_ref, h_ref):
    h_ref[...] = jnp.dot(x_ref[...], w1_ref[...],
                         preferred_element_type=jnp.float32)


def _diag(dinv_row):
    ri = lax.broadcasted_iota(jnp.int32, (D, D), 0)
    ci = lax.broadcasted_iota(jnp.int32, (D, D), 1)
    return jnp.where(ri == ci, jnp.broadcast_to(dinv_row, (D, D)), 0.0)


def _scale_body(h_ref, degp_ref, g_ref, dinv_ref):
    deg = degp_ref[0] + degp_ref[1] + 1.0
    dinv = lax.rsqrt(deg)
    dinv_ref[...] = dinv
    for r in range(8):
        dr = dinv[r:r + 1, :]
        blk = h_ref[pl.ds(r * 128, 128), :]
        g_ref[pl.ds(r * 128, 128), :] = jnp.dot(
            _diag(dr), blk, preferred_element_type=jnp.float32)


def _dense2_body(accp_ref, g_ref, dinv_ref, b1_ref, w2_ref, u_ref):
    dinv = dinv_ref[...]
    for r in range(8):
        sl = pl.ds(r * 128, 128)
        acc = accp_ref[0, sl, :] + accp_ref[1, sl, :] + g_ref[sl, :]
        dr = dinv[r:r + 1, :]
        out1 = jnp.dot(_diag(dr), acc,
                       preferred_element_type=jnp.float32) + b1_ref[...]
        rr = jnp.maximum(out1, 0.0)
        z = lax.dot_general(w2_ref[...], rr, (((1,), (1,)), ((), ())),
                            preferred_element_type=jnp.float32)
        u_ref[pl.ds(r, 1), :] = z * dr


def _final_body(saccp_ref, u_ref, dinv_ref, b2_ref, out_ref):
    s = saccp_ref[0] + saccp_ref[1] + u_ref[...]
    out_ref[...] = s * dinv_ref[...] + b2_ref[0, 0]


def kernel(x, edge_index, W1, b1, W2, b2):
    src = edge_index[0]
    dst = edge_index[1]
    npad_e = EPAD - E
    dummy = (N + (jnp.arange(npad_e, dtype=jnp.int32) % (NPAD - N))).astype(jnp.int32)
    src_p = jnp.concatenate([src, dummy])
    dst_p = jnp.concatenate([dst, dummy])
    src3 = src_p.reshape(NW, CH32, 128)
    dst3 = dst_p.reshape(NW, CH32, 128)
    deg_fn, edge_fn, edge2_fn = _sc_fns()

    nrow = NPAD // 128

    degp = deg_fn(dst3)
    degp80 = degp.reshape(NC, nrow, 128)

    nblk = NPAD // _BR
    h = pl.pallas_call(
        _mm1_body,
        grid=(nblk,),
        in_specs=[
            pl.BlockSpec((_BR, D), lambda i: (i, 0)),
            pl.BlockSpec((D, D), lambda i: (0, 0)),
        ],
        out_specs=pl.BlockSpec((_BR, D), lambda i: (i, 0)),
        out_shape=jax.ShapeDtypeStruct((NPAD, D), jnp.float32),
        name="gcn_mm1_tc",
    )(x, W1)

    g, dinv = pl.pallas_call(
        _scale_body,
        grid=(nrow // 8,),
        in_specs=[
            pl.BlockSpec((1024, D), lambda i: (i, 0)),
            pl.BlockSpec((NC, 8, 128), lambda i: (0, i, 0)),
        ],
        out_specs=[
            pl.BlockSpec((1024, D), lambda i: (i, 0)),
            pl.BlockSpec((8, 128), lambda i: (i, 0)),
        ],
        out_shape=[
            jax.ShapeDtypeStruct((NPAD, D), jnp.float32),
            jax.ShapeDtypeStruct((nrow, 128), jnp.float32),
        ],
        name="gcn_scale_tc",
    )(h, degp80)

    accp = edge_fn(src3, dst3, g)
    accp3 = accp.reshape(NC, NPAD, D)

    u = pl.pallas_call(
        _dense2_body,
        grid=(nrow // 8,),
        in_specs=[
            pl.BlockSpec((NC, 1024, D), lambda i: (0, i, 0)),
            pl.BlockSpec((1024, D), lambda i: (i, 0)),
            pl.BlockSpec((8, 128), lambda i: (i, 0)),
            pl.BlockSpec((1, D), lambda i: (0, 0)),
            pl.BlockSpec((1, D), lambda i: (0, 0)),
        ],
        out_specs=pl.BlockSpec((8, 128), lambda i: (i, 0)),
        out_shape=jax.ShapeDtypeStruct((nrow, 128), jnp.float32),
        name="gcn_dense2_tc",
    )(accp3, g, dinv, b1.reshape(1, D), W2.reshape(1, D))

    u1d = u.reshape(NPAD)
    saccp = edge2_fn(src3, dst3, u1d)

    out = pl.pallas_call(
        _final_body,
        in_specs=[
            pl.BlockSpec((NC, nrow, 128), lambda: (0, 0, 0)),
            pl.BlockSpec((nrow, 128), lambda: (0, 0)),
            pl.BlockSpec((nrow, 128), lambda: (0, 0)),
            pl.BlockSpec((1, 1), lambda: (0, 0)),
        ],
        out_specs=pl.BlockSpec((nrow, 128), lambda: (0, 0)),
        out_shape=jax.ShapeDtypeStruct((nrow, 128), jnp.float32),
        name="gcn_final_tc",
    )(saccp.reshape(NC, nrow, 128), u, dinv, b2.reshape(1, 1))

    return out.reshape(NPAD)[:N]

# --- scband reference (transcript-rebuilt; emitter-appended) ---
"""Pipeline reference for scband-climate-gnn-72043781423723 (READ-ONLY COPY).

The authoritative reference and input builder live on the scoring server;
editing this copy changes nothing except your own understanding.
"""

import jax, jax.numpy as jnp
import numpy as np

N_NODES = 10000
N_EDGES = 320000
D_FEAT = 128
D_HID = 128


def gcn_conv(x, src, dst, W, b, num_nodes):
    # PyG-style GCNConv with self-loops and symmetric normalization
    deg = jax.ops.segment_sum(jnp.ones(src.shape[0], dtype=x.dtype), dst, num_segments=num_nodes)
    dinv = jnp.where(deg > 0, deg ** -0.5, 0.0)
    norm = dinv[src] * dinv[dst]
    h = x @ W
    msg = h[src] * norm[:, None]
    out = jax.ops.segment_sum(msg, dst, num_segments=num_nodes)
    return out + b


def setup_inputs(seed: int = 0) -> dict:
    key = jax.random.key(seed)
    k1, k2, k3, k4, k5 = jax.random.split(key, 5)
    x = jax.random.normal(k1, (N_NODES, D_FEAT), dtype=jnp.float32)
    edge_index = jax.random.randint(k2, (2, N_EDGES), 0, N_NODES, dtype=jnp.int64 if jax.config.jax_enable_x64 else jnp.int32).astype(jnp.int32)
    scale1 = 1.0 / np.sqrt(D_FEAT)
    W1 = jax.random.normal(k3, (D_FEAT, D_HID), dtype=jnp.float32) * scale1
    b1 = jnp.zeros((D_HID,), dtype=jnp.float32)
    W2 = jax.random.normal(k4, (D_HID, 1), dtype=jnp.float32) * (1.0 / np.sqrt(D_HID))
    b2 = jnp.zeros((1,), dtype=jnp.float32)
    return {"x": x, "edge_index": edge_index, "W1": W1, "b1": b1, "W2": W2, "b2": b2}


def reference(x, edge_index, W1, b1, W2, b2):
    num_nodes = x.shape[0]
    loops = jnp.arange(num_nodes, dtype=edge_index.dtype)
    src = jnp.concatenate([edge_index[0], loops])
    dst = jnp.concatenate([edge_index[1], loops])
    # conv 1 + relu (dropout omitted: deterministic eval-mode reference)
    h = gcn_conv(x, src, dst, W1, b1, num_nodes)
    h = jax.nn.relu(h)
    # final conv to scalar output per node
    out = gcn_conv(h, src, dst, W2, b2, num_nodes)
    return out.squeeze(-1)

if __name__ == "__main__":
    import jax
    _d = setup_inputs()
    print(jax.jit(kernel)(*tuple(_d.values())))

</pallas_src>

<mosaic_0001>
#map = affine_map<(d0, d1) -> (0, 0, 0)>
module attributes {stable_mosaic.version = 14 : i64} {
  func.func @gcn_deg_sc(%arg0: i32, %arg1: i32, %arg2: memref<32x80x128xi32, #tpu.memory_space<hbm>>, %arg3: memref<2x16x640xf32, #tpu.memory_space<hbm>>, %arg4: memref<80x128xi32, #tpu.memory_space<vmem>>, %arg5: memref<128xf32, #tpu.memory_space<vmem>>, %arg6: memref<640xf32, #tpu.memory_space<vmem>>, %arg7: memref<10240xf32, #tpu.memory_space<vmem_shared>>) attributes {dimension_semantics = [#tpu.dimension_semantics<core_parallel>, #tpu.dimension_semantics<subcore_parallel>], iteration_bounds = array<i64: 2, 16>, scalar_prefetch = 0 : i64, scratch_operands = 4 : i64, tpu.core_type = #tpu.core_type<sc_vector_subcore>, window_params = [{transform_indices = #map}, {transform_indices = #map}]} {
    %mul3A = arith.constant 16 : i32
    %mul3A_0 = arith.muli %arg0, %mul3A : i32
    %add3A = arith.addi %mul3A_0, %arg1 : i32
    "tpu.region"() ({
      %run_scoped3A = tpu.sem_alloc : memref<!tpu.dma_semaphore, #tpu.memory_space<semaphore_mem>>
      %dma_start3A = arith.constant 0 : i32
      %dma_start3A_51 = arith.constant 0 : i32
      %dma_start3A_52 = tpu.memref_slice %arg2[%add3A, %dma_start3A, %dma_start3A_51] : memref<32x80x128xi32, #tpu.memory_space<hbm>> -> memref<1x80x128xi32, #tpu.memory_space<hbm>>
      %dma_start3A_53 = tpu.memref_squeeze %dma_start3A_52 : memref<1x80x128xi32, #tpu.memory_space<hbm>> -> memref<80x128xi32, #tpu.memory_space<hbm>>
      %dma_start3A_54 = arith.constant 0 : i32
      %dma_start3A_55 = arith.constant 0 : i32
      %dma_start3A_56 = tpu.memref_slice %arg2[%add3A, %dma_start3A_54, %dma_start3A_55] : memref<32x80x128xi32, #tpu.memory_space<hbm>> -> memref<1x80x128xi32, #tpu.memory_space<hbm>>
      %dma_start3A_57 = tpu.memref_squeeze %dma_start3A_56 : memref<1x80x128xi32, #tpu.memory_space<hbm>> -> memref<80x128xi32, #tpu.memory_space<hbm>>
      tpu.enqueue_dma source(%dma_start3A_57 : memref<80x128xi32, #tpu.memory_space<hbm>>) target(%arg4 : memref<80x128xi32, #tpu.memory_space<vmem>>) target_semaphore(%run_scoped3A : memref<!tpu.dma_semaphore, #tpu.memory_space<semaphore_mem>>)
      %dma_wait3A = arith.constant 0 : i32
      %dma_wait3A_58 = arith.constant 0 : i32
      %dma_wait3A_59 = tpu.memref_slice %arg2[%add3A, %dma_wait3A, %dma_wait3A_58] : memref<32x80x128xi32, #tpu.memory_space<hbm>> -> memref<1x80x128xi32, #tpu.memory_space<hbm>>
      %dma_wait3A_60 = tpu.memref_squeeze %dma_wait3A_59 : memref<1x80x128xi32, #tpu.memory_space<hbm>> -> memref<80x128xi32, #tpu.memory_space<hbm>>
      %dma_wait3A_61 = arith.constant 0 : i32
      %dma_wait3A_62 = arith.constant 0 : i32
      %dma_wait3A_63 = tpu.memref_slice %arg2[%add3A, %dma_wait3A_61, %dma_wait3A_62] : memref<32x80x128xi32, #tpu.memory_space<hbm>> -> memref<1x80x128xi32, #tpu.memory_space<hbm>>
      %dma_wait3A_64 = tpu.memref_squeeze %dma_wait3A_63 : memref<1x80x128xi32, #tpu.memory_space<hbm>> -> memref<80x128xi32, #tpu.memory_space<hbm>>
      tpu.wait_dma2 semaphore(%run_scoped3A : memref<!tpu.dma_semaphore, #tpu.memory_space<semaphore_mem>>) src(%dma_wait3A_64 : memref<80x128xi32, #tpu.memory_space<hbm>>) dst(%arg4 : memref<80x128xi32, #tpu.memory_space<vmem>>)
      tpu.yield
    }) : () -> ()
    %broadcast_in_dim3A = arith.constant 1.000000e+00 : f32
    %broadcast_in_dim3A_1 = vector.broadcast %broadcast_in_dim3A : f32 to vector<16xf32>
    %swap3A = arith.constant 0 : index
    %swap3A_2 = tpu.vector_load %arg5[%swap3A] {strides = array<i32>} : memref<128xf32, #tpu.memory_space<vmem>>, vector<16xf32>,
    %swap3A_3 = vector.shape_cast %swap3A_2 : vector<16xf32> to vector<16xf32>
    %swap3A_4 = vector.shape_cast %broadcast_in_dim3A_1 : vector<16xf32> to vector<16xf32>
    tpu.vector_store %arg5[%swap3A], %swap3A_4 {strides = array<i32>} : memref<128xf32, #tpu.memory_space<vmem>>, vector<16xf32>,
    %swap3A_5 = arith.constant 16 : index
    %swap3A_6 = tpu.vector_load %arg5[%swap3A_5] {strides = array<i32>} : memref<128xf32, #tpu.memory_space<vmem>>, vector<16xf32>,
    %swap3A_7 = vector.shape_cast %swap3A_6 : vector<16xf32> to vector<16xf32>
    %swap3A_8 = vector.shape_cast %broadcast_in_dim3A_1 : vector<16xf32> to vector<16xf32>
    tpu.vector_store %arg5[%swap3A_5], %swap3A_8 {strides = array<i32>} : memref<128xf32, #tpu.memory_space<vmem>>, vector<16xf32>,
    %swap3A_9 = arith.constant 32 : index
    %swap3A_10 = tpu.vector_load %arg5[%swap3A_9] {strides = array<i32>} : memref<128xf32, #tpu.memory_space<vmem>>, vector<16xf32>,
    %swap3A_11 = vector.shape_cast %swap3A_10 : vector<16xf32> to vector<16xf32>
    %swap3A_12 = vector.shape_cast %broadcast_in_dim3A_1 : vector<16xf32> to vector<16xf32>
    tpu.vector_store %arg5[%swap3A_9], %swap3A_12 {strides = array<i32>} : memref<128xf32, #tpu.memory_space<vmem>>, vector<16xf32>,
    %swap3A_13 = arith.constant 48 : index
    %swap3A_14 = tpu.vector_load %arg5[%swap3A_13] {strides = array<i32>} : memref<128xf32, #tpu.memory_space<vmem>>, vector<16xf32>,
    %swap3A_15 = vector.shape_cast %swap3A_14 : vector<16xf32> to vector<16xf32>
    %swap3A_16 = vector.shape_cast %broadcast_in_dim3A_1 : vector<16xf32> to vector<16xf32>
    tpu.vector_store %arg5[%swap3A_13], %swap3A_16 {strides = array<i32>} : memref<128xf32, #tpu.memory_space<vmem>>, vector<16xf32>,
    %swap3A_17 = arith.constant 64 : index
    %swap3A_18 = tpu.vector_load %arg5[%swap3A_17] {strides = array<i32>} : memref<128xf32, #tpu.memory_space<vmem>>, vector<16xf32>,
    %swap3A_19 = vector.shape_cast %swap3A_18 : vector<16xf32> to vector<16xf32>
    %swap3A_20 = vector.shape_cast %broadcast_in_dim3A_1 : vector<16xf32> to vector<16xf32>
    tpu.vector_store %arg5[%swap3A_17], %swap3A_20 {strides = array<i32>} : memref<128xf32, #tpu.memory_space<vmem>>, vector<16xf32>,
    %swap3A_21 = arith.constant 80 : index
    %swap3A_22 = tpu.vector_load %arg5[%swap3A_21] {strides = array<i32>} : memref<128xf32, #tpu.memory_space<vmem>>, vector<16xf32>,
    %swap3A_23 = vector.shape_cast %swap3A_22 : vector<16xf32> to vector<16xf32>
    %swap3A_24 = vector.shape_cast %broadcast_in_dim3A_1 : vector<16xf32> to vector<16xf32>
    tpu.vector_store %arg5[%swap3A_21], %swap3A_24 {strides = array<i32>} : memref<128xf32, #tpu.memory_space<vmem>>, vector<16xf32>,
    %swap3A_25 = arith.constant 96 : index
    %swap3A_26 = tpu.vector_load %arg5[%swap3A_25] {strides = array<i32>} : memref<128xf32, #tpu.memory_space<vmem>>, vector<16xf32>,
    %swap3A_27 = vector.shape_cast %swap3A_26 : vector<16xf32> to vector<16xf32>
    %swap3A_28 = vector.shape_cast %broadcast_in_dim3A_1 : vector<16xf32> to vector<16xf32>
    tpu.vector_store %arg5[%swap3A_25], %swap3A_28 {strides = array<i32>} : memref<128xf32, #tpu.memory_space<vmem>>, vector<16xf32>,
    %swap3A_29 = arith.constant 112 : index
    %swap3A_30 = tpu.vector_load %arg5[%swap3A_29] {strides = array<i32>} : memref<128xf32, #tpu.memory_space<vmem>>, vector<16xf32>,
    %swap3A_31 = vector.shape_cast %swap3A_30 : vector<16xf32> to vector<16xf32>
    %swap3A_32 = vector.shape_cast %broadcast_in_dim3A_1 : vector<16xf32> to vector<16xf32>
    tpu.vector_store %arg5[%swap3A_29], %swap3A_32 {strides = array<i32>} : memref<128xf32, #tpu.memory_space<vmem>>, vector<16xf32>,
    %broadcast_in_dim3A_33 = arith.constant 0.000000e+00 : f32
    %broadcast_in_dim3A_34 = vector.broadcast %broadcast_in_dim3A_33 : f32 to vector<16xf32>
    %scan3A = arith.constant 0 : i32
    %scan3A_35 = arith.constant 0 : i32
    %scan3A_36 = arith.constant 40 : i32
    %scan3A_37 = arith.addi %scan3A_35, %scan3A_36 : i32
    %scan3A_38 = arith.constant 1 : i32
    scf.for %scan3A_51 = %scan3A_35 to %scan3A_37 step %scan3A_38  : i32 {
      %mul3A_52 = arith.constant 16 : i32
      %mul3A_53 = arith.muli %scan3A_51, %mul3A_52 : i32
      %swap3A_54 = arith.index_cast %mul3A_53 : i32 to index
      %swap3A_55 = tpu.vector_load %arg6[%swap3A_54] {strides = array<i32>} : memref<640xf32, #tpu.memory_space<vmem>>, vector<16xf32>,
      %swap3A_56 = vector.shape_cast %swap3A_55 : vector<16xf32> to vector<16xf32>
      %swap3A_57 = vector.shape_cast %broadcast_in_dim3A_34 : vector<16xf32> to vector<16xf32>
      tpu.vector_store %arg6[%swap3A_54], %swap3A_57 {strides = array<i32>} : memref<640xf32, #tpu.memory_space<vmem>>, vector<16xf32>,
    }
    %scan3A_39 = arith.constant 40 : i32
    %mul3A_40 = arith.constant 640 : i32
    %mul3A_41 = arith.muli %arg1, %mul3A_40 : i32
    "tpu.region"() ({
      %run_scoped3A = tpu.sem_alloc : memref<!tpu.dma_semaphore, #tpu.memory_space<semaphore_mem>>
      %dma_start3A = tpu.memref_slice %arg7[%mul3A_41] : memref<10240xf32, #tpu.memory_space<vmem_shared>> -> memref<640xf32, #tpu.memory_space<vmem_shared>>
      %dma_start3A_51 = tpu.memref_slice %arg7[%mul3A_41] : memref<10240xf32, #tpu.memory_space<vmem_shared>> -> memref<640xf32, #tpu.memory_space<vmem_shared>>
      tpu.enqueue_dma source(%arg6 : memref<640xf32, #tpu.memory_space<vmem>>) target(%dma_start3A_51 : memref<640xf32, #tpu.memory_space<vmem_shared>>) target_semaphore(%run_scoped3A : memref<!tpu.dma_semaphore, #tpu.memory_space<semaphore_mem>>)
      %dma_wait3A = tpu.memref_slice %arg7[%mul3A_41] : memref<10240xf32, #tpu.memory_space<vmem_shared>> -> memref<640xf32, #tpu.memory_space<vmem_shared>>
      %dma_wait3A_52 = tpu.memref_slice %arg7[%mul3A_41] : memref<10240xf32, #tpu.memory_space<vmem_shared>> -> memref<640xf32, #tpu.memory_space<vmem_shared>>
      tpu.wait_dma2 semaphore(%run_scoped3A : memref<!tpu.dma_semaphore, #tpu.memory_space<semaphore_mem>>) src(%arg6 : memref<640xf32, #tpu.memory_space<vmem>>) dst(%dma_wait3A_52 : memref<640xf32, #tpu.memory_space<vmem_shared>>)
      tpu.yield
    }) : () -> ()
    %barrier3A = arith.constant 0 : index
    tpu.barrier barrier_id(%barrier3A)
    %scan3A_42 = arith.constant 0 : i32
    %scan3A_43 = arith.constant 0 : i32
    %scan3A_44 = arith.constant 80 : i32
    %scan3A_45 = arith.addi %scan3A_43, %scan3A_44 : i32
    %scan3A_46 = arith.constant 1 : i32
    scf.for %scan3A_51 = %scan3A_43 to %scan3A_45 step %scan3A_46  : i32 {
      "tpu.region"() ({
        %run_scoped3A = tpu.sem_alloc : memref<!tpu.dma_semaphore, #tpu.memory_space<semaphore_mem>>
        %dma_start3A = arith.constant 0 : i32
        %dma_start3A_52 = tpu.memref_slice %arg4[%scan3A_51, %dma_start3A] : memref<80x128xi32, #tpu.memory_space<vmem>> -> memref<1x128xi32, #tpu.memory_space<vmem>>
        %dma_start3A_53 = tpu.memref_squeeze %dma_start3A_52 : memref<1x128xi32, #tpu.memory_space<vmem>> -> memref<128xi32, #tpu.memory_space<vmem>>
        %dma_start3A_54 = arith.constant 0 : i32
        %dma_start3A_55 = tpu.memref_slice %arg7[%dma_start3A_54] : memref<10240xf32, #tpu.memory_space<vmem_shared>> -> memref<10240xf32, #tpu.memory_space<vmem_shared>>
        tpu.enqueue_indirect_dma source(%arg5 : memref<128xf32, #tpu.memory_space<vmem>>) target(%dma_start3A_55 : memref<10240xf32, #tpu.memory_space<vmem_shared>>) offsets(%dma_start3A_53 : memref<128xi32, #tpu.memory_space<vmem>>) semaphore(%run_scoped3A : memref<!tpu.dma_semaphore, #tpu.memory_space<semaphore_mem>>) {add = true}
        %dma_wait3A = arith.constant 0 : i32
        %dma_wait3A_56 = tpu.memref_slice %arg4[%scan3A_51, %dma_wait3A] : memref<80x128xi32, #tpu.memory_space<vmem>> -> memref<1x128xi32, #tpu.memory_space<vmem>>
        %dma_wait3A_57 = tpu.memref_squeeze %dma_wait3A_56 : memref<1x128xi32, #tpu.memory_space<vmem>> -> memref<128xi32, #tpu.memory_space<vmem>>
        %dma_wait3A_58 = arith.constant 0 : i32
        %dma_wait3A_59 = tpu.memref_slice %arg7[%dma_wait3A_58] : memref<10240xf32, #tpu.memory_space<vmem_shared>> -> memref<10240xf32, #tpu.memory_space<vmem_shared>>
        tpu.wait_indirect_dma semaphore(%run_scoped3A : memref<!tpu.dma_semaphore, #tpu.memory_space<semaphore_mem>>) src(%arg5 : memref<128xf32, #tpu.memory_space<vmem>>) dst(%dma_wait3A_59 : memref<10240xf32, #tpu.memory_space<vmem_shared>>)
        tpu.yield
      }) : () -> ()
    }
    %scan3A_47 = arith.constant 80 : i32
    %barrier3A_48 = arith.constant 0 : index
    tpu.barrier barrier_id(%barrier3A_48)
    %mul3A_49 = arith.constant 640 : i32
    %mul3A_50 = arith.muli %arg1, %mul3A_49 : i32
    "tpu.region"() ({
      %run_scoped3A = tpu.sem_alloc : memref<!tpu.dma_semaphore, #tpu.memory_space<semaphore_mem>>
      %dma_start3A = arith.constant 0 : i32
      %dma_start3A_51 = tpu.memref_slice %arg3[%arg0, %arg1, %dma_start3A] : memref<2x16x640xf32, #tpu.memory_space<hbm>> -> memref<1x1x640xf32, #tpu.memory_space<hbm>>
      %dma_start3A_52 = tpu.memref_squeeze %dma_start3A_51 : memref<1x1x640xf32, #tpu.memory_space<hbm>> -> memref<640xf32, #tpu.memory_space<hbm>>
      %dma_start3A_53 = tpu.memref_slice %arg7[%mul3A_50] : memref<10240xf32, #tpu.memory_space<vmem_shared>> -> memref<640xf32, #tpu.memory_space<vmem_shared>>
      tpu.enqueue_dma source(%dma_start3A_53 : memref<640xf32, #tpu.memory_space<vmem_shared>>) target(%dma_start3A_52 : memref<640xf32, #tpu.memory_space<hbm>>) target_semaphore(%run_scoped3A : memref<!tpu.dma_semaphore, #tpu.memory_space<semaphore_mem>>)
      %dma_wait3A = arith.constant 0 : i32
      %dma_wait3A_54 = tpu.memref_slice %arg3[%arg0, %arg1, %dma_wait3A] : memref<2x16x640xf32, #tpu.memory_space<hbm>> -> memref<1x1x640xf32, #tpu.memory_space<hbm>>
      %dma_wait3A_55 = tpu.memref_squeeze %dma_wait3A_54 : memref<1x1x640xf32, #tpu.memory_space<hbm>> -> memref<640xf32, #tpu.memory_space<hbm>>
      %dma_wait3A_56 = tpu.memref_slice %arg7[%mul3A_50] : memref<10240xf32, #tpu.memory_space<vmem_shared>> -> memref<640xf32, #tpu.memory_space<vmem_shared>>
      tpu.wait_dma2 semaphore(%run_scoped3A : memref<!tpu.dma_semaphore, #tpu.memory_space<semaphore_mem>>) src(%dma_wait3A_56 : memref<640xf32, #tpu.memory_space<vmem_shared>>) dst(%dma_wait3A_55 : memref<640xf32, #tpu.memory_space<hbm>>)
      tpu.yield
    }) : () -> ()
    return
  }
}

#map = affine_map<(d0, d1) -> (0, 0, 0)>
#map1 = affine_map<(d0, d1) -> (0, 0)>
#map2 = affine_map<(d0, d1) -> (0, 0, 0, 0)>
module attributes {stable_mosaic.version = 14 : i64} {
  func.func @gcn_edge_sc(%arg0: i32, %arg1: i32, %arg2: memref<32x80x128xi32, #tpu.memory_space<hbm>>, %arg3: memref<32x80x128xi32, #tpu.memory_space<hbm>>, %arg4: memref<10240x128xf32, #tpu.memory_space<hbm>>, %arg5: memref<2x16x640x128xf32, #tpu.memory_space<hbm>>, %arg6: memref<40x128xi32, #tpu.memory_space<vmem>>, %arg7: memref<80x128xi32, #tpu.memory_space<vmem>>, %arg8: memref<128x128xf32, #tpu.memory_space<vmem>>, %arg9: memref<128x128xf32, #tpu.memory_space<vmem>>, %arg10: memref<10240x128xf32, #tpu.memory_space<vmem_shared>>, %arg11: memref<!tpu.dma_semaphore, #tpu.memory_space<semaphore_mem>>, %arg12: memref<!tpu.dma_semaphore, #tpu.memory_space<semaphore_mem>>) attributes {dimension_semantics = [#tpu.dimension_semantics<core_parallel>, #tpu.dimension_semantics<subcore_parallel>], iteration_bounds = array<i64: 2, 16>, scalar_prefetch = 0 : i64, scratch_operands = 7 : i64, tpu.core_type = #tpu.core_type<sc_vector_subcore>, window_params = [{transform_indices = #map}, {transform_indices = #map}, {transform_indices = #map1}, {transform_indices = #map2}]} {
    %mul3A = arith.constant 16 : i32
    %mul3A_0 = arith.muli %arg0, %mul3A : i32
    %add3A = arith.addi %mul3A_0, %arg1 : i32
    "tpu.region"() ({
      %run_scoped3A_99 = tpu.sem_alloc : memref<!tpu.dma_semaphore, #tpu.memory_space<semaphore_mem>>
      %dma_start3A_100 = arith.constant 0 : i32
      %dma_start3A_101 = arith.constant 0 : i32
      %dma_start3A_102 = tpu.memref_slice %arg3[%add3A, %dma_start3A_100, %dma_start3A_101] : memref<32x80x128xi32, #tpu.memory_space<hbm>> -> memref<1x80x128xi32, #tpu.memory_space<hbm>>
      %dma_start3A_103 = tpu.memref_squeeze %dma_start3A_102 : memref<1x80x128xi32, #tpu.memory_space<hbm>> -> memref<80x128xi32, #tpu.memory_space<hbm>>
      %dma_start3A_104 = arith.constant 0 : i32
      %dma_start3A_105 = arith.constant 0 : i32
      %dma_start3A_106 = tpu.memref_slice %arg3[%add3A, %dma_start3A_104, %dma_start3A_105] : memref<32x80x128xi32, #tpu.memory_space<hbm>> -> memref<1x80x128xi32, #tpu.memory_space<hbm>>
      %dma_start3A_107 = tpu.memref_squeeze %dma_start3A_106 : memref<1x80x128xi32, #tpu.memory_space<hbm>> -> memref<80x128xi32, #tpu.memory_space<hbm>>
      tpu.enqueue_dma source(%dma_start3A_107 : memref<80x128xi32, #tpu.memory_space<hbm>>) target(%arg7 : memref<80x128xi32, #tpu.memory_space<vmem>>) target_semaphore(%run_scoped3A_99 : memref<!tpu.dma_semaphore, #tpu.memory_space<semaphore_mem>>)
      %dma_wait3A_108 = arith.constant 0 : i32
      %dma_wait3A_109 = arith.constant 0 : i32
      %dma_wait3A_110 = tpu.memref_slice %arg3[%add3A, %dma_wait3A_108, %dma_wait3A_109] : memref<32x80x128xi32, #tpu.memory_space<hbm>> -> memref<1x80x128xi32, #tpu.memory_space<hbm>>
      %dma_wait3A_111 = tpu.memref_squeeze %dma_wait3A_110 : memref<1x80x128xi32, #tpu.memory_space<hbm>> -> memref<80x128xi32, #tpu.memory_space<hbm>>
      %dma_wait3A_112 = arith.constant 0 : i32
      %dma_wait3A_113 = arith.constant 0 : i32
      %dma_wait3A_114 = tpu.memref_slice %arg3[%add3A, %dma_wait3A_112, %dma_wait3A_113] : memref<32x80x128xi32, #tpu.memory_space<hbm>> -> memref<1x80x128xi32, #tpu.memory_space<hbm>>
      %dma_wait3A_115 = tpu.memref_squeeze %dma_wait3A_114 : memref<1x80x128xi32, #tpu.memory_space<hbm>> -> memref<80x128xi32, #tpu.memory_space<hbm>>
      tpu.wait_dma2 semaphore(%run_scoped3A_99 : memref<!tpu.dma_semaphore, #tpu.memory_space<semaphore_mem>>) src(%dma_wait3A_115 : memref<80x128xi32, #tpu.memory_space<hbm>>) dst(%arg7 : memref<80x128xi32, #tpu.memory_space<vmem>>)
      tpu.yield
    }) : () -> ()
    "tpu.region"() ({
      %run_scoped3A_99 = tpu.sem_alloc : memref<!tpu.dma_semaphore, #tpu.memory_space<semaphore_mem>>
      %dma_start3A_100 = arith.constant 0 : i32
      %dma_start3A_101 = arith.constant 0 : i32
      %dma_start3A_102 = tpu.memref_slice %arg2[%add3A, %dma_start3A_100, %dma_start3A_101] : memref<32x80x128xi32, #tpu.memory_space<hbm>> -> memref<1x80x128xi32, #tpu.memory_space<hbm>>
      %dma_start3A_103 = tpu.memref_squeeze %dma_start3A_102 : memref<1x80x128xi32, #tpu.memory_space<hbm>> -> memref<80x128xi32, #tpu.memory_space<hbm>>
      %dma_start3A_104 = arith.constant 0 : i32
      %dma_start3A_105 = arith.constant 0 : i32
      %dma_start3A_106 = tpu.memref_slice %dma_start3A_103[%dma_start3A_104, %dma_start3A_105] : memref<80x128xi32, #tpu.memory_space<hbm>> -> memref<40x128xi32, #tpu.memory_space<hbm>>
      %dma_start3A_107 = arith.constant 0 : i32
      %dma_start3A_108 = arith.constant 0 : i32
      %dma_start3A_109 = tpu.memref_slice %arg2[%add3A, %dma_start3A_107, %dma_start3A_108] : memref<32x80x128xi32, #tpu.memory_space<hbm>> -> memref<1x80x128xi32, #tpu.memory_space<hbm>>
      %dma_start3A_110 = tpu.memref_squeeze %dma_start3A_109 : memref<1x80x128xi32, #tpu.memory_space<hbm>> -> memref<80x128xi32, #tpu.memory_space<hbm>>
      %dma_start3A_111 = arith.constant 0 : i32
      %dma_start3A_112 = arith.constant 0 : i32
      %dma_start3A_113 = tpu.memref_slice %dma_start3A_110[%dma_start3A_111, %dma_start3A_112] : memref<80x128xi32, #tpu.memory_space<hbm>> -> memref<40x128xi32, #tpu.memory_space<hbm>>
      tpu.enqueue_dma source(%dma_start3A_113 : memref<40x128xi32, #tpu.memory_space<hbm>>) target(%arg6 : memref<40x128xi32, #tpu.memory_space<vmem>>) target_semaphore(%run_scoped3A_99 : memref<!tpu.dma_semaphore, #tpu.memory_space<semaphore_mem>>)
      %dma_wait3A_114 = arith.constant 0 : i32
      %dma_wait3A_115 = arith.constant 0 : i32
      %dma_wait3A_116 = tpu.memref_slice %arg2[%add3A, %dma_wait3A_114, %dma_wait3A_115] : memref<32x80x128xi32, #tpu.memory_space<hbm>> -> memref<1x80x128xi32, #tpu.memory_space<hbm>>
      %dma_wait3A_117 = tpu.memref_squeeze %dma_wait3A_116 : memref<1x80x128xi32, #tpu.memory_space<hbm>> -> memref<80x128xi32, #tpu.memory_space<hbm>>
      %dma_wait3A_118 = arith.constant 0 : i32
      %dma_wait3A_119 = arith.constant 0 : i32
      %dma_wait3A_120 = tpu.memref_slice %dma_wait3A_117[%dma_wait3A_118, %dma_wait3A_119] : memref<80x128xi32, #tpu.memory_space<hbm>> -> memref<40x128xi32, #tpu.memory_space<hbm>>
      %dma_wait3A_121 = arith.constant 0 : i32
      %dma_wait3A_122 = arith.constant 0 : i32
      %dma_wait3A_123 = tpu.memref_slice %arg2[%add3A, %dma_wait3A_121, %dma_wait3A_122] : memref<32x80x128xi32, #tpu.memory_space<hbm>> -> memref<1x80x128xi32, #tpu.memory_space<hbm>>
      %dma_wait3A_124 = tpu.memref_squeeze %dma_wait3A_123 : memref<1x80x128xi32, #tpu.memory_space<hbm>> -> memref<80x128xi32, #tpu.memory_space<hbm>>
      %dma_wait3A_125 = arith.constant 0 : i32
      %dma_wait3A_126 = arith.constant 0 : i32
      %dma_wait3A_127 = tpu.memref_slice %dma_wait3A_124[%dma_wait3A_125, %dma_wait3A_126] : memref<80x128xi32, #tpu.memory_space<hbm>> -> memref<40x128xi32, #tpu.memory_space<hbm>>
      tpu.wait_dma2 semaphore(%run_scoped3A_99 : memref<!tpu.dma_semaphore, #tpu.memory_space<semaphore_mem>>) src(%dma_wait3A_127 : memref<40x128xi32, #tpu.memory_space<hbm>>) dst(%arg6 : memref<40x128xi32, #tpu.memory_space<vmem>>)
      tpu.yield
    }) : () -> ()
    %broadcast_in_dim3A = arith.constant 0.000000e+00 : f32
    %broadcast_in_dim3A_1 = vector.broadcast %broadcast_in_dim3A : f32 to vector<16xf32>
    %scan3A = arith.constant 0 : i32
    %scan3A_2 = arith.constant 0 : i32
    %scan3A_3 = arith.constant 1024 : i32
    %scan3A_4 = arith.addi %scan3A_2, %scan3A_3 : i32
    %scan3A_5 = arith.constant 1 : i32
    scf.for %scan3A_99 = %scan3A_2 to %scan3A_4 step %scan3A_5  : i32 {
      %jit3A = arith.constant 8 : i32
      %div3A = arith.divsi %scan3A_99, %jit3A : i32
      %sign3A = arith.constant 0 : i32
      %sign3A_100 = arith.cmpi sgt, %scan3A_99, %sign3A : i32
      %sign3A_101 = arith.extui %sign3A_100 : i1 to i32
      %sign3A_102 = arith.constant 0 : i32
      %sign3A_103 = arith.cmpi slt, %scan3A_99, %sign3A_102 : i32
      %sign3A_104 = arith.extui %sign3A_103 : i1 to i32
      %sign3A_105 = arith.subi %sign3A_101, %sign3A_104 : i32
      %sign3A_106 = arith.constant 0 : i32
      %sign3A_107 = arith.cmpi sgt, %jit3A, %sign3A_106 : i32
      %sign3A_108 = arith.extui %sign3A_107 : i1 to i32
      %sign3A_109 = arith.constant 0 : i32
      %sign3A_110 = arith.cmpi slt, %jit3A, %sign3A_109 : i32
      %sign3A_111 = arith.extui %sign3A_110 : i1 to i32
      %sign3A_112 = arith.subi %sign3A_108, %sign3A_111 : i32
      %ne3A = arith.cmpi ne, %sign3A_105, %sign3A_112 : i32
      %rem3A = arith.remsi %scan3A_99, %jit3A : i32
      %ne3A_113 = arith.constant 0 : i32
      %ne3A_114 = arith.cmpi ne, %rem3A, %ne3A_113 : i32
      %and3A = arith.andi %ne3A, %ne3A_114 : i1
      %sub3A = arith.constant 1 : i32
      %sub3A_115 = arith.subi %div3A, %sub3A : i32
      %select_n3A = arith.select %and3A, %sub3A_115, %div3A : i32
      %jit3A_116 = arith.constant 8 : i32
      %eq3A = arith.constant 0 : i32
      %eq3A_117 = arith.cmpi eq, %jit3A_116, %eq3A : i32
      %jit3A_118 = arith.constant 1 : i32
      %select_n3A_119 = arith.select %eq3A_117, %jit3A_118, %jit3A_116 : i32
      %rem3A_120 = arith.remsi %scan3A_99, %select_n3A_119 : i32
      %ne3A_121 = arith.constant 0 : i32
      %ne3A_122 = arith.cmpi ne, %rem3A_120, %ne3A_121 : i32
      %lt3A = arith.constant 0 : i32
      %lt3A_123 = arith.cmpi slt, %rem3A_120, %lt3A : i32
      %lt3A_124 = arith.constant 0 : i32
      %lt3A_125 = arith.cmpi slt, %select_n3A_119, %lt3A_124 : i32
      %ne3A_126 = arith.xori %lt3A_123, %lt3A_125 : i1
      %and3A_127 = arith.andi %ne3A_126, %ne3A_122 : i1
      %add3A_128 = arith.addi %rem3A_120, %select_n3A_119 : i32
      %select_n3A_129 = arith.select %and3A_127, %add3A_128, %rem3A_120 : i32
      %mul3A_130 = arith.constant 16 : i32
      %mul3A_131 = arith.muli %select_n3A_129, %mul3A_130 : i32
      %swap3A = arith.index_cast %select_n3A : i32 to index
      %swap3A_132 = arith.index_cast %mul3A_131 : i32 to index
      %swap3A_133 = tpu.vector_load %arg8[%swap3A, %swap3A_132] {strides = array<i32>} : memref<128x128xf32, #tpu.memory_space<vmem>>, vector<1x16xf32>,
      %swap3A_134 = vector.shape_cast %swap3A_133 : vector<1x16xf32> to vector<16xf32>
      %swap3A_135 = vector.shape_cast %broadcast_in_dim3A_1 : vector<16xf32> to vector<1x16xf32>
      tpu.vector_store %arg8[%swap3A, %swap3A_132], %swap3A_135 {strides = array<i32>} : memref<128x128xf32, #tpu.memory_space<vmem>>, vector<1x16xf32>,
    }
    %scan3A_6 = arith.constant 1024 : i32
    %mul3A_7 = arith.constant 640 : i32
    %mul3A_8 = arith.muli %arg1, %mul3A_7 : i32
    %add3A_9 = arith.constant 0 : i32
    %add3A_10 = arith.addi %mul3A_8, %add3A_9 : i32
    "tpu.region"() ({
      %run_scoped3A_99 = tpu.sem_alloc : memref<!tpu.dma_semaphore, #tpu.memory_space<semaphore_mem>>
      %dma_start3A_100 = arith.constant 0 : i32
      %dma_start3A_101 = tpu.memref_slice %arg10[%add3A_10, %dma_start3A_100] : memref<10240x128xf32, #tpu.memory_space<vmem_shared>> -> memref<128x128xf32, #tpu.memory_space<vmem_shared>>
      %dma_start3A_102 = arith.constant 0 : i32
      %dma_start3A_103 = tpu.memref_slice %arg10[%add3A_10, %dma_start3A_102] : memref<10240x128xf32, #tpu.memory_space<vmem_shared>> -> memref<128x128xf32, #tpu.memory_space<vmem_shared>>
      tpu.enqueue_dma source(%arg8 : memref<128x128xf32, #tpu.memory_space<vmem>>) target(%dma_start3A_103 : memref<128x128xf32, #tpu.memory_space<vmem_shared>>) target_semaphore(%run_scoped3A_99 : memref<!tpu.dma_semaphore, #tpu.memory_space<semaphore_mem>>)
      %dma_wait3A_104 = arith.constant 0 : i32
      %dma_wait3A_105 = tpu.memref_slice %arg10[%add3A_10, %dma_wait3A_104] : memref<10240x128xf32, #tpu.memory_space<vmem_shared>> -> memref<128x128xf32, #tpu.memory_space<vmem_shared>>
      %dma_wait3A_106 = arith.constant 0 : i32
      %dma_wait3A_107 = tpu.memref_slice %arg10[%add3A_10, %dma_wait3A_106] : memref<10240x128xf32, #tpu.memory_space<vmem_shared>> -> memref<128x128xf32, #tpu.memory_space<vmem_shared>>
      tpu.wait_dma2 semaphore(%run_scoped3A_99 : memref<!tpu.dma_semaphore, #tpu.memory_space<semaphore_mem>>) src(%arg8 : memref<128x128xf32, #tpu.memory_space<vmem>>) dst(%dma_wait3A_107 : memref<128x128xf32, #tpu.memory_space<vmem_shared>>)
      tpu.yield
    }) : () -> ()
    %add3A_11 = arith.constant 128 : i32
    %add3A_12 = arith.addi %mul3A_8, %add3A_11 : i32
    "tpu.region"() ({
      %run_scoped3A_99 = tpu.sem_alloc : memref<!tpu.dma_semaphore, #tpu.memory_space<semaphore_mem>>
      %dma_start3A_100 = arith.constant 0 : i32
      %dma_start3A_101 = tpu.memref_slice %arg10[%add3A_12, %dma_start3A_100] : memref<10240x128xf32, #tpu.memory_space<vmem_shared>> -> memref<128x128xf32, #tpu.memory_space<vmem_shared>>
      %dma_start3A_102 = arith.constant 0 : i32
      %dma_start3A_103 = tpu.memref_slice %arg10[%add3A_12, %dma_start3A_102] : memref<10240x128xf32, #tpu.memory_space<vmem_shared>> -> memref<128x128xf32, #tpu.memory_space<vmem_shared>>
      tpu.enqueue_dma source(%arg8 : memref<128x128xf32, #tpu.memory_space<vmem>>) target(%dma_start3A_103 : memref<128x128xf32, #tpu.memory_space<vmem_shared>>) target_semaphore(%run_scoped3A_99 : memref<!tpu.dma_semaphore, #tpu.memory_space<semaphore_mem>>)
      %dma_wait3A_104 = arith.constant 0 : i32
      %dma_wait3A_105 = tpu.memref_slice %arg10[%add3A_12, %dma_wait3A_104] : memref<10240x128xf32, #tpu.memory_space<vmem_shared>> -> memref<128x128xf32, #tpu.memory_space<vmem_shared>>
      %dma_wait3A_106 = arith.constant 0 : i32
      %dma_wait3A_107 = tpu.memref_slice %arg10[%add3A_12, %dma_wait3A_106] : memref<10240x128xf32, #tpu.memory_space<vmem_shared>> -> memref<128x128xf32, #tpu.memory_space<vmem_shared>>
      tpu.wait_dma2 semaphore(%run_scoped3A_99 : memref<!tpu.dma_semaphore, #tpu.memory_space<semaphore_mem>>) src(%arg8 : memref<128x128xf32, #tpu.memory_space<vmem>>) dst(%dma_wait3A_107 : memref<128x128xf32, #tpu.memory_space<vmem_shared>>)
      tpu.yield
    }) : () -> ()
    %add3A_13 = arith.constant 256 : i32
    %add3A_14 = arith.addi %mul3A_8, %add3A_13 : i32
    "tpu.region"() ({
      %run_scoped3A_99 = tpu.sem_alloc : memref<!tpu.dma_semaphore, #tpu.memory_space<semaphore_mem>>
      %dma_start3A_100 = arith.constant 0 : i32
      %dma_start3A_101 = tpu.memref_slice %arg10[%add3A_14, %dma_start3A_100] : memref<10240x128xf32, #tpu.memory_space<vmem_shared>> -> memref<128x128xf32, #tpu.memory_space<vmem_shared>>
      %dma_start3A_102 = arith.constant 0 : i32
      %dma_start3A_103 = tpu.memref_slice %arg10[%add3A_14, %dma_start3A_102] : memref<10240x128xf32, #tpu.memory_space<vmem_shared>> -> memref<128x128xf32, #tpu.memory_space<vmem_shared>>
      tpu.enqueue_dma source(%arg8 : memref<128x128xf32, #tpu.memory_space<vmem>>) target(%dma_start3A_103 : memref<128x128xf32, #tpu.memory_space<vmem_shared>>) target_semaphore(%run_scoped3A_99 : memref<!tpu.dma_semaphore, #tpu.memory_space<semaphore_mem>>)
      %dma_wait3A_104 = arith.constant 0 : i32
      %dma_wait3A_105 = tpu.memref_slice %arg10[%add3A_14, %dma_wait3A_104] : memref<10240x128xf32, #tpu.memory_space<vmem_shared>> -> memref<128x128xf32, #tpu.memory_space<vmem_shared>>
      %dma_wait3A_106 = arith.constant 0 : i32
      %dma_wait3A_107 = tpu.memref_slice %arg10[%add3A_14, %dma_wait3A_106] : memref<10240x128xf32, #tpu.memory_space<vmem_shared>> -> memref<128x128xf32, #tpu.memory_space<vmem_shared>>
      tpu.wait_dma2 semaphore(%run_scoped3A_99 : memref<!tpu.dma_semaphore, #tpu.memory_space<semaphore_mem>>) src(%arg8 : memref<128x128xf32, #tpu.memory_space<vmem>>) dst(%dma_wait3A_107 : memref<128x128xf32, #tpu.memory_space<vmem_shared>>)
      tpu.yield
    }) : () -> ()
    %add3A_15 = arith.constant 384 : i32
    %add3A_16 = arith.addi %mul3A_8, %add3A_15 : i32
    "tpu.region"() ({
      %run_scoped3A_99 = tpu.sem_alloc : memref<!tpu.dma_semaphore, #tpu.memory_space<semaphore_mem>>
      %dma_start3A_100 = arith.constant 0 : i32
      %dma_start3A_101 = tpu.memref_slice %arg10[%add3A_16, %dma_start3A_100] : memref<10240x128xf32, #tpu.memory_space<vmem_shared>> -> memref<128x128xf32, #tpu.memory_space<vmem_shared>>
      %dma_start3A_102 = arith.constant 0 : i32
      %dma_start3A_103 = tpu.memref_slice %arg10[%add3A_16, %dma_start3A_102] : memref<10240x128xf32, #tpu.memory_space<vmem_shared>> -> memref<128x128xf32, #tpu.memory_space<vmem_shared>>
      tpu.enqueue_dma source(%arg8 : memref<128x128xf32, #tpu.memory_space<vmem>>) target(%dma_start3A_103 : memref<128x128xf32, #tpu.memory_space<vmem_shared>>) target_semaphore(%run_scoped3A_99 : memref<!tpu.dma_semaphore, #tpu.memory_space<semaphore_mem>>)
      %dma_wait3A_104 = arith.constant 0 : i32
      %dma_wait3A_105 = tpu.memref_slice %arg10[%add3A_16, %dma_wait3A_104] : memref<10240x128xf32, #tpu.memory_space<vmem_shared>> -> memref<128x128xf32, #tpu.memory_space<vmem_shared>>
      %dma_wait3A_106 = arith.constant 0 : i32
      %dma_wait3A_107 = tpu.memref_slice %arg10[%add3A_16, %dma_wait3A_106] : memref<10240x128xf32, #tpu.memory_space<vmem_shared>> -> memref<128x128xf32, #tpu.memory_space<vmem_shared>>
      tpu.wait_dma2 semaphore(%run_scoped3A_99 : memref<!tpu.dma_semaphore, #tpu.memory_space<semaphore_mem>>) src(%arg8 : memref<128x128xf32, #tpu.memory_space<vmem>>) dst(%dma_wait3A_107 : memref<128x128xf32, #tpu.memory_space<vmem_shared>>)
      tpu.yield
    }) : () -> ()
    %add3A_17 = arith.constant 512 : i32
    %add3A_18 = arith.addi %mul3A_8, %add3A_17 : i32
    "tpu.region"() ({
      %run_scoped3A_99 = tpu.sem_alloc : memref<!tpu.dma_semaphore, #tpu.memory_space<semaphore_mem>>
      %dma_start3A_100 = arith.constant 0 : i32
      %dma_start3A_101 = tpu.memref_slice %arg10[%add3A_18, %dma_start3A_100] : memref<10240x128xf32, #tpu.memory_space<vmem_shared>> -> memref<128x128xf32, #tpu.memory_space<vmem_shared>>
      %dma_start3A_102 = arith.constant 0 : i32
      %dma_start3A_103 = tpu.memref_slice %arg10[%add3A_18, %dma_start3A_102] : memref<10240x128xf32, #tpu.memory_space<vmem_shared>> -> memref<128x128xf32, #tpu.memory_space<vmem_shared>>
      tpu.enqueue_dma source(%arg8 : memref<128x128xf32, #tpu.memory_space<vmem>>) target(%dma_start3A_103 : memref<128x128xf32, #tpu.memory_space<vmem_shared>>) target_semaphore(%run_scoped3A_99 : memref<!tpu.dma_semaphore, #tpu.memory_space<semaphore_mem>>)
      %dma_wait3A_104 = arith.constant 0 : i32
      %dma_wait3A_105 = tpu.memref_slice %arg10[%add3A_18, %dma_wait3A_104] : memref<10240x128xf32, #tpu.memory_space<vmem_shared>> -> memref<128x128xf32, #tpu.memory_space<vmem_shared>>
      %dma_wait3A_106 = arith.constant 0 : i32
      %dma_wait3A_107 = tpu.memref_slice %arg10[%add3A_18, %dma_wait3A_106] : memref<10240x128xf32, #tpu.memory_space<vmem_shared>> -> memref<128x128xf32, #tpu.memory_space<vmem_shared>>
      tpu.wait_dma2 semaphore(%run_scoped3A_99 : memref<!tpu.dma_semaphore, #tpu.memory_space<semaphore_mem>>) src(%arg8 : memref<128x128xf32, #tpu.memory_space<vmem>>) dst(%dma_wait3A_107 : memref<128x128xf32, #tpu.memory_space<vmem_shared>>)
      tpu.yield
    }) : () -> ()
    %barrier3A = arith.constant 0 : index
    tpu.barrier barrier_id(%barrier3A)
    %dma_start3A = arith.constant 0 : i32
    %dma_start3A_19 = arith.constant 0 : i32
    %dma_start3A_20 = tpu.memref_slice %arg6[%dma_start3A, %dma_start3A_19] : memref<40x128xi32, #tpu.memory_space<vmem>> -> memref<1x128xi32, #tpu.memory_space<vmem>>
    %dma_start3A_21 = tpu.memref_squeeze %dma_start3A_20 : memref<1x128xi32, #tpu.memory_space<vmem>> -> memref<128xi32, #tpu.memory_space<vmem>>
    %dma_start3A_22 = arith.constant 0 : i32
    %dma_start3A_23 = arith.constant 0 : i32
    %dma_start3A_24 = tpu.memref_slice %arg4[%dma_start3A_22, %dma_start3A_23] : memref<10240x128xf32, #tpu.memory_space<hbm>> -> memref<10240x128xf32, #tpu.memory_space<hbm>>
    tpu.enqueue_indirect_dma source(%dma_start3A_24 : memref<10240x128xf32, #tpu.memory_space<hbm>>) target(%arg8 : memref<128x128xf32, #tpu.memory_space<vmem>>) offsets(%dma_start3A_21 : memref<128xi32, #tpu.memory_space<vmem>>) semaphore(%arg11 : memref<!tpu.dma_semaphore, #tpu.memory_space<semaphore_mem>>)
    %dma_wait3A = arith.constant 0 : i32
    %dma_wait3A_25 = arith.constant 0 : i32
    %dma_wait3A_26 = tpu.memref_slice %arg6[%dma_wait3A, %dma_wait3A_25] : memref<40x128xi32, #tpu.memory_space<vmem>> -> memref<1x128xi32, #tpu.memory_space<vmem>>
    %dma_wait3A_27 = tpu.memref_squeeze %dma_wait3A_26 : memref<1x128xi32, #tpu.memory_space<vmem>> -> memref<128xi32, #tpu.memory_space<vmem>>
    %dma_wait3A_28 = arith.constant 0 : i32
    %dma_wait3A_29 = arith.constant 0 : i32
    %dma_wait3A_30 = tpu.memref_slice %arg4[%dma_wait3A_28, %dma_wait3A_29] : memref<10240x128xf32, #tpu.memory_space<hbm>> -> memref<10240x128xf32, #tpu.memory_space<hbm>>
    tpu.wait_indirect_dma semaphore(%arg11 : memref<!tpu.dma_semaphore, #tpu.memory_space<semaphore_mem>>) src(%dma_wait3A_30 : memref<10240x128xf32, #tpu.memory_space<hbm>>) dst(%arg8 : memref<128x128xf32, #tpu.memory_space<vmem>>)
    %scan3A_31 = arith.constant 0 : i32
    %scan3A_32 = arith.constant 0 : i32
    %scan3A_33 = arith.constant 19 : i32
    %scan3A_34 = arith.addi %scan3A_32, %scan3A_33 : i32
    %scan3A_35 = arith.constant 1 : i32
    scf.for %scan3A_99 = %scan3A_32 to %scan3A_34 step %scan3A_35  : i32 {
      %mul3A_100 = arith.constant 2 : i32
      %mul3A_101 = arith.muli %scan3A_99, %mul3A_100 : i32
      %add3A_102 = arith.constant 1 : i32
      %add3A_103 = arith.addi %mul3A_101, %add3A_102 : i32
      %dma_start3A_104 = arith.constant 0 : i32
      %dma_start3A_105 = tpu.memref_slice %arg6[%add3A_103, %dma_start3A_104] : memref<40x128xi32, #tpu.memory_space<vmem>> -> memref<1x128xi32, #tpu.memory_space<vmem>>
      %dma_start3A_106 = tpu.memref_squeeze %dma_start3A_105 : memref<1x128xi32, #tpu.memory_space<vmem>> -> memref<128xi32, #tpu.memory_space<vmem>>
      %dma_start3A_107 = arith.constant 0 : i32
      %dma_start3A_108 = arith.constant 0 : i32
      %dma_start3A_109 = tpu.memref_slice %arg4[%dma_start3A_107, %dma_start3A_108] : memref<10240x128xf32, #tpu.memory_space<hbm>> -> memref<10240x128xf32, #tpu.memory_space<hbm>>
      tpu.enqueue_indirect_dma source(%dma_start3A_109 : memref<10240x128xf32, #tpu.memory_space<hbm>>) target(%arg9 : memref<128x128xf32, #tpu.memory_space<vmem>>) offsets(%dma_start3A_106 : memref<128xi32, #tpu.memory_space<vmem>>) semaphore(%arg12 : memref<!tpu.dma_semaphore, #tpu.memory_space<semaphore_mem>>)
      %add3A_110 = arith.constant 0 : i32
      %add3A_111 = arith.addi %add3A_110, %mul3A_101 : i32
      "tpu.region"() ({
        %run_scoped3A_136 = tpu.sem_alloc : memref<!tpu.dma_semaphore, #tpu.memory_space<semaphore_mem>>
        %dma_start3A_137 = arith.constant 0 : i32
        %dma_start3A_138 = tpu.memref_slice %arg7[%add3A_111, %dma_start3A_137] : memref<80x128xi32, #tpu.memory_space<vmem>> -> memref<1x128xi32, #tpu.memory_space<vmem>>
        %dma_start3A_139 = tpu.memref_squeeze %dma_start3A_138 : memref<1x128xi32, #tpu.memory_space<vmem>> -> memref<128xi32, #tpu.memory_space<vmem>>
        %dma_start3A_140 = arith.constant 0 : i32
        %dma_start3A_141 = arith.constant 0 : i32
        %dma_start3A_142 = tpu.memref_slice %arg10[%dma_start3A_140, %dma_start3A_141] : memref<10240x128xf32, #tpu.memory_space<vmem_shared>> -> memref<10240x128xf32, #tpu.memory_space<vmem_shared>>
        tpu.enqueue_indirect_dma source(%arg8 : memref<128x128xf32, #tpu.memory_space<vmem>>) target(%dma_start3A_142 : memref<10240x128xf32, #tpu.memory_space<vmem_shared>>) offsets(%dma_start3A_139 : memref<128xi32, #tpu.memory_space<vmem>>) semaphore(%run_scoped3A_136 : memref<!tpu.dma_semaphore, #tpu.memory_space<semaphore_mem>>) {add = true}
        %dma_wait3A_143 = arith.constant 0 : i32
        %dma_wait3A_144 = tpu.memref_slice %arg7[%add3A_111, %dma_wait3A_143] : memref<80x128xi32, #tpu.memory_space<vmem>> -> memref<1x128xi32, #tpu.memory_space<vmem>>
        %dma_wait3A_145 = tpu.memref_squeeze %dma_wait3A_144 : memref<1x128xi32, #tpu.memory_space<vmem>> -> memref<128xi32, #tpu.memory_space<vmem>>
        %dma_wait3A_146 = arith.constant 0 : i32
        %dma_wait3A_147 = arith.constant 0 : i32
        %dma_wait3A_148 = tpu.memref_slice %arg10[%dma_wait3A_146, %dma_wait3A_147] : memref<10240x128xf32, #tpu.memory_space<vmem_shared>> -> memref<10240x128xf32, #tpu.memory_space<vmem_shared>>
        tpu.wait_indirect_dma semaphore(%run_scoped3A_136 : memref<!tpu.dma_semaphore, #tpu.memory_space<semaphore_mem>>) src(%arg8 : memref<128x128xf32, #tpu.memory_space<vmem>>) dst(%dma_wait3A_148 : memref<10240x128xf32, #tpu.memory_space<vmem_shared>>)
        tpu.yield
      }) : () -> ()
      %dma_wait3A_112 = arith.constant 0 : i32
      %dma_wait3A_113 = tpu.memref_slice %arg6[%add3A_103, %dma_wait3A_112] : memref<40x128xi32, #tpu.memory_space<vmem>> -> memref<1x128xi32, #tpu.memory_space<vmem>>
      %dma_wait3A_114 = tpu.memref_squeeze %dma_wait3A_113 : memref<1x128xi32, #tpu.memory_space<vmem>> -> memref<128xi32, #tpu.memory_space<vmem>>
      %dma_wait3A_115 = arith.constant 0 : i32
      %dma_wait3A_116 = arith.constant 0 : i32
      %dma_wait3A_117 = tpu.memref_slice %arg4[%dma_wait3A_115, %dma_wait3A_116] : memref<10240x128xf32, #tpu.memory_space<hbm>> -> memref<10240x128xf32, #tpu.memory_space<hbm>>
      tpu.wait_indirect_dma semaphore(%arg12 : memref<!tpu.dma_semaphore, #tpu.memory_space<semaphore_mem>>) src(%dma_wait3A_117 : memref<10240x128xf32, #tpu.memory_space<hbm>>) dst(%arg9 : memref<128x128xf32, #tpu.memory_space<vmem>>)
      %add3A_118 = arith.constant 2 : i32
      %add3A_119 = arith.addi %mul3A_101, %add3A_118 : i32
      %dma_start3A_120 = arith.constant 0 : i32
      %dma_start3A_121 = tpu.memref_slice %arg6[%add3A_119, %dma_start3A_120] : memref<40x128xi32, #tpu.memory_space<vmem>> -> memref<1x128xi32, #tpu.memory_space<vmem>>
      %dma_start3A_122 = tpu.memref_squeeze %dma_start3A_121 : memref<1x128xi32, #tpu.memory_space<vmem>> -> memref<128xi32, #tpu.memory_space<vmem>>
      %dma_start3A_123 = arith.constant 0 : i32
      %dma_start3A_124 = arith.constant 0 : i32
      %dma_start3A_125 = tpu.memref_slice %arg4[%dma_start3A_123, %dma_start3A_124] : memref<10240x128xf32, #tpu.memory_space<hbm>> -> memref<10240x128xf32, #tpu.memory_space<hbm>>
      tpu.enqueue_indirect_dma source(%dma_start3A_125 : memref<10240x128xf32, #tpu.memory_space<hbm>>) target(%arg8 : memref<128x128xf32, #tpu.memory_space<vmem>>) offsets(%dma_start3A_122 : memref<128xi32, #tpu.memory_space<vmem>>) semaphore(%arg11 : memref<!tpu.dma_semaphore, #tpu.memory_space<semaphore_mem>>)
      %add3A_126 = arith.constant 0 : i32
      %add3A_127 = arith.addi %add3A_126, %mul3A_101 : i32
      %add3A_128 = arith.constant 1 : i32
      %add3A_129 = arith.addi %add3A_127, %add3A_128 : i32
      "tpu.region"() ({
        %run_scoped3A_136 = tpu.sem_alloc : memref<!tpu.dma_semaphore, #tpu.memory_space<semaphore_mem>>
        %dma_start3A_137 = arith.constant 0 : i32
        %dma_start3A_138 = tpu.memref_slice %arg7[%add3A_129, %dma_start3A_137] : memref<80x128xi32, #tpu.memory_space<vmem>> -> memref<1x128xi32, #tpu.memory_space<vmem>>
        %dma_start3A_139 = tpu.memref_squeeze %dma_start3A_138 : memref<1x128xi32, #tpu.memory_space<vmem>> -> memref<128xi32, #tpu.memory_space<vmem>>
        %dma_start3A_140 = arith.constant 0 : i32
        %dma_start3A_141 = arith.constant 0 : i32
        %dma_start3A_142 = tpu.memref_slice %arg10[%dma_start3A_140, %dma_start3A_141] : memref<10240x128xf32, #tpu.memory_space<vmem_shared>> -> memref<10240x128xf32, #tpu.memory_space<vmem_shared>>
        tpu.enqueue_indirect_dma source(%arg9 : memref<128x128xf32, #tpu.memory_space<vmem>>) target(%dma_start3A_142 : memref<10240x128xf32, #tpu.memory_space<vmem_shared>>) offsets(%dma_start3A_139 : memref<128xi32, #tpu.memory_space<vmem>>) semaphore(%run_scoped3A_136 : memref<!tpu.dma_semaphore, #tpu.memory_space<semaphore_mem>>) {add = true}
        %dma_wait3A_143 = arith.constant 0 : i32
        %dma_wait3A_144 = tpu.memref_slice %arg7[%add3A_129, %dma_wait3A_143] : memref<80x128xi32, #tpu.memory_space<vmem>> -> memref<1x128xi32, #tpu.memory_space<vmem>>
        %dma_wait3A_145 = tpu.memref_squeeze %dma_wait3A_144 : memref<1x128xi32, #tpu.memory_space<vmem>> -> memref<128xi32, #tpu.memory_space<vmem>>
        %dma_wait3A_146 = arith.constant 0 : i32
        %dma_wait3A_147 = arith.constant 0 : i32
        %dma_wait3A_148 = tpu.memref_slice %arg10[%dma_wait3A_146, %dma_wait3A_147] : memref<10240x128xf32, #tpu.memory_space<vmem_shared>> -> memref<10240x128xf32, #tpu.memory_space<vmem_shared>>
        tpu.wait_indirect_dma semaphore(%run_scoped3A_136 : memref<!tpu.dma_semaphore, #tpu.memory_space<semaphore_mem>>) src(%arg9 : memref<128x128xf32, #tpu.memory_space<vmem>>) dst(%dma_wait3A_148 : memref<10240x128xf32, #tpu.memory_space<vmem_shared>>)
        tpu.yield
      }) : () -> ()
      %dma_wait3A_130 = arith.constant 0 : i32
      %dma_wait3A_131 = tpu.memref_slice %arg6[%add3A_119, %dma_wait3A_130] : memref<40x128xi32, #tpu.memory_space<vmem>> -> memref<1x128xi32, #tpu.memory_space<vmem>>
      %dma_wait3A_132 = tpu.memref_squeeze %dma_wait3A_131 : memref<1x128xi32, #tpu.memory_space<vmem>> -> memref<128xi32, #tpu.memory_space<vmem>>
      %dma_wait3A_133 = arith.constant 0 : i32
      %dma_wait3A_134 = arith.constant 0 : i32
      %dma_wait3A_135 = tpu.memref_slice %arg4[%dma_wait3A_133, %dma_wait3A_134] : memref<10240x128xf32, #tpu.memory_space<hbm>> -> memref<10240x128xf32, #tpu.memory_space<hbm>>
      tpu.wait_indirect_dma semaphore(%arg11 : memref<!tpu.dma_semaphore, #tpu.memory_space<semaphore_mem>>) src(%dma_wait3A_135 : memref<10240x128xf32, #tpu.memory_space<hbm>>) dst(%arg8 : memref<128x128xf32, #tpu.memory_space<vmem>>)
    }
    %scan3A_36 = arith.constant 19 : i32
    %dma_start3A_37 = arith.constant 39 : i32
    %dma_start3A_38 = arith.constant 0 : i32
    %dma_start3A_39 = tpu.memref_slice %arg6[%dma_start3A_37, %dma_start3A_38] : memref<40x128xi32, #tpu.memory_space<vmem>> -> memref<1x128xi32, #tpu.memory_space<vmem>>
    %dma_start3A_40 = tpu.memref_squeeze %dma_start3A_39 : memref<1x128xi32, #tpu.memory_space<vmem>> -> memref<128xi32, #tpu.memory_space<vmem>>
    %dma_start3A_41 = arith.constant 0 : i32
    %dma_start3A_42 = arith.constant 0 : i32
    %dma_start3A_43 = tpu.memref_slice %arg4[%dma_start3A_41, %dma_start3A_42] : memref<10240x128xf32, #tpu.memory_space<hbm>> -> memref<10240x128xf32, #tpu.memory_space<hbm>>
    tpu.enqueue_indirect_dma source(%dma_start3A_43 : memref<10240x128xf32, #tpu.memory_space<hbm>>) target(%arg9 : memref<128x128xf32, #tpu.memory_space<vmem>>) offsets(%dma_start3A_40 : memref<128xi32, #tpu.memory_space<vmem>>) semaphore(%arg12 : memref<!tpu.dma_semaphore, #tpu.memory_space<semaphore_mem>>)
    %run_scoped3A = arith.constant 38 : i32
    "tpu.region"() ({
      %run_scoped3A_99 = tpu.sem_alloc : memref<!tpu.dma_semaphore, #tpu.memory_space<semaphore_mem>>
      %dma_start3A_100 = arith.constant 0 : i32
      %dma_start3A_101 = tpu.memref_slice %arg7[%run_scoped3A, %dma_start3A_100] : memref<80x128xi32, #tpu.memory_space<vmem>> -> memref<1x128xi32, #tpu.memory_space<vmem>>
      %dma_start3A_102 = tpu.memref_squeeze %dma_start3A_101 : memref<1x128xi32, #tpu.memory_space<vmem>> -> memref<128xi32, #tpu.memory_space<vmem>>
      %dma_start3A_103 = arith.constant 0 : i32
      %dma_start3A_104 = arith.constant 0 : i32
      %dma_start3A_105 = tpu.memref_slice %arg10[%dma_start3A_103, %dma_start3A_104] : memref<10240x128xf32, #tpu.memory_space<vmem_shared>> -> memref<10240x128xf32, #tpu.memory_space<vmem_shared>>
      tpu.enqueue_indirect_dma source(%arg8 : memref<128x128xf32, #tpu.memory_space<vmem>>) target(%dma_start3A_105 : memref<10240x128xf32, #tpu.memory_space<vmem_shared>>) offsets(%dma_start3A_102 : memref<128xi32, #tpu.memory_space<vmem>>) semaphore(%run_scoped3A_99 : memref<!tpu.dma_semaphore, #tpu.memory_space<semaphore_mem>>) {add = true}
      %dma_wait3A_106 = arith.constant 0 : i32
      %dma_wait3A_107 = tpu.memref_slice %arg7[%run_scoped3A, %dma_wait3A_106] : memref<80x128xi32, #tpu.memory_space<vmem>> -> memref<1x128xi32, #tpu.memory_space<vmem>>
      %dma_wait3A_108 = tpu.memref_squeeze %dma_wait3A_107 : memref<1x128xi32, #tpu.memory_space<vmem>> -> memref<128xi32, #tpu.memory_space<vmem>>
      %dma_wait3A_109 = arith.constant 0 : i32
      %dma_wait3A_110 = arith.constant 0 : i32
      %dma_wait3A_111 = tpu.memref_slice %arg10[%dma_wait3A_109, %dma_wait3A_110] : memref<10240x128xf32, #tpu.memory_space<vmem_shared>> -> memref<10240x128xf32, #tpu.memory_space<vmem_shared>>
      tpu.wait_indirect_dma semaphore(%run_scoped3A_99 : memref<!tpu.dma_semaphore, #tpu.memory_space<semaphore_mem>>) src(%arg8 : memref<128x128xf32, #tpu.memory_space<vmem>>) dst(%dma_wait3A_111 : memref<10240x128xf32, #tpu.memory_space<vmem_shared>>)
      tpu.yield
    }) : () -> ()
    %dma_wait3A_44 = arith.constant 39 : i32
    %dma_wait3A_45 = arith.constant 0 : i32
    %dma_wait3A_46 = tpu.memref_slice %arg6[%dma_wait3A_44, %dma_wait3A_45] : memref<40x128xi32, #tpu.memory_space<vmem>> -> memref<1x128xi32, #tpu.memory_space<vmem>>
    %dma_wait3A_47 = tpu.memref_squeeze %dma_wait3A_46 : memref<1x128xi32, #tpu.memory_space<vmem>> -> memref<128xi32, #tpu.memory_space<vmem>>
    %dma_wait3A_48 = arith.constant 0 : i32
    %dma_wait3A_49 = arith.constant 0 : i32
    %dma_wait3A_50 = tpu.memref_slice %arg4[%dma_wait3A_48, %dma_wait3A_49] : memref<10240x128xf32, #tpu.memory_space<hbm>> -> memref<10240x128xf32, #tpu.memory_space<hbm>>
    tpu.wait_indirect_dma semaphore(%arg12 : memref<!tpu.dma_semaphore, #tpu.memory_space<semaphore_mem>>) src(%dma_wait3A_50 : memref<10240x128xf32, #tpu.memory_space<hbm>>) dst(%arg9 : memref<128x128xf32, #tpu.memory_space<vmem>>)
    %run_scoped3A_51 = arith.constant 39 : i32
    "tpu.region"() ({
      %run_scoped3A_99 = tpu.sem_alloc : memref<!tpu.dma_semaphore, #tpu.memory_space<semaphore_mem>>
      %dma_start3A_100 = arith.constant 0 : i32
      %dma_start3A_101 = tpu.memref_slice %arg7[%run_scoped3A_51, %dma_start3A_100] : memref<80x128xi32, #tpu.memory_space<vmem>> -> memref<1x128xi32, #tpu.memory_space<vmem>>
      %dma_start3A_102 = tpu.memref_squeeze %dma_start3A_101 : memref<1x128xi32, #tpu.memory_space<vmem>> -> memref<128xi32, #tpu.memory_space<vmem>>
      %dma_start3A_103 = arith.constant 0 : i32
      %dma_start3A_104 = arith.constant 0 : i32
      %dma_start3A_105 = tpu.memref_slice %arg10[%dma_start3A_103, %dma_start3A_104] : memref<10240x128xf32, #tpu.memory_space<vmem_shared>> -> memref<10240x128xf32, #tpu.memory_space<vmem_shared>>
      tpu.enqueue_indirect_dma source(%arg9 : memref<128x128xf32, #tpu.memory_space<vmem>>) target(%dma_start3A_105 : memref<10240x128xf32, #tpu.memory_space<vmem_shared>>) offsets(%dma_start3A_102 : memref<128xi32, #tpu.memory_space<vmem>>) semaphore(%run_scoped3A_99 : memref<!tpu.dma_semaphore, #tpu.memory_space<semaphore_mem>>) {add = true}
      %dma_wait3A_106 = arith.constant 0 : i32
      %dma_wait3A_107 = tpu.memref_slice %arg7[%run_scoped3A_51, %dma_wait3A_106] : memref<80x128xi32, #tpu.memory_space<vmem>> -> memref<1x128xi32, #tpu.memory_space<vmem>>
      %dma_wait3A_108 = tpu.memref_squeeze %dma_wait3A_107 : memref<1x128xi32, #tpu.memory_space<vmem>> -> memref<128xi32, #tpu.memory_space<vmem>>
      %dma_wait3A_109 = arith.constant 0 : i32
      %dma_wait3A_110 = arith.constant 0 : i32
      %dma_wait3A_111 = tpu.memref_slice %arg10[%dma_wait3A_109, %dma_wait3A_110] : memref<10240x128xf32, #tpu.memory_space<vmem_shared>> -> memref<10240x128xf32, #tpu.memory_space<vmem_shared>>
      tpu.wait_indirect_dma semaphore(%run_scoped3A_99 : memref<!tpu.dma_semaphore, #tpu.memory_space<semaphore_mem>>) src(%arg9 : memref<128x128xf32, #tpu.memory_space<vmem>>) dst(%dma_wait3A_111 : memref<10240x128xf32, #tpu.memory_space<vmem_shared>>)
      tpu.yield
    }) : () -> ()
    "tpu.region"() ({
      %run_scoped3A_99 = tpu.sem_alloc : memref<!tpu.dma_semaphore, #tpu.memory_space<semaphore_mem>>
      %dma_start3A_100 = arith.constant 0 : i32
      %dma_start3A_101 = arith.constant 0 : i32
      %dma_start3A_102 = tpu.memref_slice %arg2[%add3A, %dma_start3A_100, %dma_start3A_101] : memref<32x80x128xi32, #tpu.memory_space<hbm>> -> memref<1x80x128xi32, #tpu.memory_space<hbm>>
      %dma_start3A_103 = tpu.memref_squeeze %dma_start3A_102 : memref<1x80x128xi32, #tpu.memory_space<hbm>> -> memref<80x128xi32, #tpu.memory_space<hbm>>
      %dma_start3A_104 = arith.constant 40 : i32
      %dma_start3A_105 = arith.constant 0 : i32
      %dma_start3A_106 = tpu.memref_slice %dma_start3A_103[%dma_start3A_104, %dma_start3A_105] : memref<80x128xi32, #tpu.memory_space<hbm>> -> memref<40x128xi32, #tpu.memory_space<hbm>>
      %dma_start3A_107 = arith.constant 0 : i32
      %dma_start3A_108 = arith.constant 0 : i32
      %dma_start3A_109 = tpu.memref_slice %arg2[%add3A, %dma_start3A_107, %dma_start3A_108] : memref<32x80x128xi32, #tpu.memory_space<hbm>> -> memref<1x80x128xi32, #tpu.memory_space<hbm>>
      %dma_start3A_110 = tpu.memref_squeeze %dma_start3A_109 : memref<1x80x128xi32, #tpu.memory_space<hbm>> -> memref<80x128xi32, #tpu.memory_space<hbm>>
      %dma_start3A_111 = arith.constant 40 : i32
      %dma_start3A_112 = arith.constant 0 : i32
      %dma_start3A_113 = tpu.memref_slice %dma_start3A_110[%dma_start3A_111, %dma_start3A_112] : memref<80x128xi32, #tpu.memory_space<hbm>> -> memref<40x128xi32, #tpu.memory_space<hbm>>
      tpu.enqueue_dma source(%dma_start3A_113 : memref<40x128xi32, #tpu.memory_space<hbm>>) target(%arg6 : memref<40x128xi32, #tpu.memory_space<vmem>>) target_semaphore(%run_scoped3A_99 : memref<!tpu.dma_semaphore, #tpu.memory_space<semaphore_mem>>)
      %dma_wait3A_114 = arith.constant 0 : i32
      %dma_wait3A_115 = arith.constant 0 : i32
      %dma_wait3A_116 = tpu.memref_slice %arg2[%add3A, %dma_wait3A_114, %dma_wait3A_115] : memref<32x80x128xi32, #tpu.memory_space<hbm>> -> memref<1x80x128xi32, #tpu.memory_space<hbm>>
      %dma_wait3A_117 = tpu.memref_squeeze %dma_wait3A_116 : memref<1x80x128xi32, #tpu.memory_space<hbm>> -> memref<80x128xi32, #tpu.memory_space<hbm>>
      %dma_wait3A_118 = arith.constant 40 : i32
      %dma_wait3A_119 = arith.constant 0 : i32
      %dma_wait3A_120 = tpu.memref_slice %dma_wait3A_117[%dma_wait3A_118, %dma_wait3A_119] : memref<80x128xi32, #tpu.memory_space<hbm>> -> memref<40x128xi32, #tpu.memory_space<hbm>>
      %dma_wait3A_121 = arith.constant 0 : i32
      %dma_wait3A_122 = arith.constant 0 : i32
      %dma_wait3A_123 = tpu.memref_slice %arg2[%add3A, %dma_wait3A_121, %dma_wait3A_122] : memref<32x80x128xi32, #tpu.memory_space<hbm>> -> memref<1x80x128xi32, #tpu.memory_space<hbm>>
      %dma_wait3A_124 = tpu.memref_squeeze %dma_wait3A_123 : memref<1x80x128xi32, #tpu.memory_space<hbm>> -> memref<80x128xi32, #tpu.memory_space<hbm>>
      %dma_wait3A_125 = arith.constant 40 : i32
      %dma_wait3A_126 = arith.constant 0 : i32
      %dma_wait3A_127 = tpu.memref_slice %dma_wait3A_124[%dma_wait3A_125, %dma_wait3A_126] : memref<80x128xi32, #tpu.memory_space<hbm>> -> memref<40x128xi32, #tpu.memory_space<hbm>>
      tpu.wait_dma2 semaphore(%run_scoped3A_99 : memref<!tpu.dma_semaphore, #tpu.memory_space<semaphore_mem>>) src(%dma_wait3A_127 : memref<40x128xi32, #tpu.memory_space<hbm>>) dst(%arg6 : memref<40x128xi32, #tpu.memory_space<vmem>>)
      tpu.yield
    }) : () -> ()
    %dma_start3A_52 = arith.constant 0 : i32
    %dma_start3A_53 = arith.constant 0 : i32
    %dma_start3A_54 = tpu.memref_slice %arg6[%dma_start3A_52, %dma_start3A_53] : memref<40x128xi32, #tpu.memory_space<vmem>> -> memref<1x128xi32, #tpu.memory_space<vmem>>
    %dma_start3A_55 = tpu.memref_squeeze %dma_start3A_54 : memref<1x128xi32, #tpu.memory_space<vmem>> -> memref<128xi32, #tpu.memory_space<vmem>>
    %dma_start3A_56 = arith.constant 0 : i32
    %dma_start3A_57 = arith.constant 0 : i32
    %dma_start3A_58 = tpu.memref_slice %arg4[%dma_start3A_56, %dma_start3A_57] : memref<10240x128xf32, #tpu.memory_space<hbm>> -> memref<10240x128xf32, #tpu.memory_space<hbm>>
    tpu.enqueue_indirect_dma source(%dma_start3A_58 : memref<10240x128xf32, #tpu.memory_space<hbm>>) target(%arg8 : memref<128x128xf32, #tpu.memory_space<vmem>>) offsets(%dma_start3A_55 : memref<128xi32, #tpu.memory_space<vmem>>) semaphore(%arg11 : memref<!tpu.dma_semaphore, #tpu.memory_space<semaphore_mem>>)
    %dma_wait3A_59 = arith.constant 0 : i32
    %dma_wait3A_60 = arith.constant 0 : i32
    %dma_wait3A_61 = tpu.memref_slice %arg6[%dma_wait3A_59, %dma_wait3A_60] : memref<40x128xi32, #tpu.memory_space<vmem>> -> memref<1x128xi32, #tpu.memory_space<vmem>>
    %dma_wait3A_62 = tpu.memref_squeeze %dma_wait3A_61 : memref<1x128xi32, #tpu.memory_space<vmem>> -> memref<128xi32, #tpu.memory_space<vmem>>
    %dma_wait3A_63 = arith.constant 0 : i32
    %dma_wait3A_64 = arith.constant 0 : i32
    %dma_wait3A_65 = tpu.memref_slice %arg4[%dma_wait3A_63, %dma_wait3A_64] : memref<10240x128xf32, #tpu.memory_space<hbm>> -> memref<10240x128xf32, #tpu.memory_space<hbm>>
    tpu.wait_indirect_dma semaphore(%arg11 : memref<!tpu.dma_semaphore, #tpu.memory_space<semaphore_mem>>) src(%dma_wait3A_65 : memref<10240x128xf32, #tpu.memory_space<hbm>>) dst(%arg8 : memref<128x128xf32, #tpu.memory_space<vmem>>)
    %scan3A_66 = arith.constant 0 : i32
    %scan3A_67 = arith.constant 0 : i32
    %scan3A_68 = arith.constant 19 : i32
    %scan3A_69 = arith.addi %scan3A_67, %scan3A_68 : i32
    %scan3A_70 = arith.constant 1 : i32
    scf.for %scan3A_99 = %scan3A_67 to %scan3A_69 step %scan3A_70  : i32 {
      %mul3A_100 = arith.constant 2 : i32
      %mul3A_101 = arith.muli %scan3A_99, %mul3A_100 : i32
      %add3A_102 = arith.constant 1 : i32
      %add3A_103 = arith.addi %mul3A_101, %add3A_102 : i32
      %dma_start3A_104 = arith.constant 0 : i32
      %dma_start3A_105 = tpu.memref_slice %arg6[%add3A_103, %dma_start3A_104] : memref<40x128xi32, #tpu.memory_space<vmem>> -> memref<1x128xi32, #tpu.memory_space<vmem>>
      %dma_start3A_106 = tpu.memref_squeeze %dma_start3A_105 : memref<1x128xi32, #tpu.memory_space<vmem>> -> memref<128xi32, #tpu.memory_space<vmem>>
      %dma_start3A_107 = arith.constant 0 : i32
      %dma_start3A_108 = arith.constant 0 : i32
      %dma_start3A_109 = tpu.memref_slice %arg4[%dma_start3A_107, %dma_start3A_108] : memref<10240x128xf32, #tpu.memory_space<hbm>> -> memref<10240x128xf32, #tpu.memory_space<hbm>>
      tpu.enqueue_indirect_dma source(%dma_start3A_109 : memref<10240x128xf32, #tpu.memory_space<hbm>>) target(%arg9 : memref<128x128xf32, #tpu.memory_space<vmem>>) offsets(%dma_start3A_106 : memref<128xi32, #tpu.memory_space<vmem>>) semaphore(%arg12 : memref<!tpu.dma_semaphore, #tpu.memory_space<semaphore_mem>>)
      %add3A_110 = arith.constant 40 : i32
      %add3A_111 = arith.addi %add3A_110, %mul3A_101 : i32
      "tpu.region"() ({
        %run_scoped3A_136 = tpu.sem_alloc : memref<!tpu.dma_semaphore, #tpu.memory_space<semaphore_mem>>
        %dma_start3A_137 = arith.constant 0 : i32
        %dma_start3A_138 = tpu.memref_slice %arg7[%add3A_111, %dma_start3A_137] : memref<80x128xi32, #tpu.memory_space<vmem>> -> memref<1x128xi32, #tpu.memory_space<vmem>>
        %dma_start3A_139 = tpu.memref_squeeze %dma_start3A_138 : memref<1x128xi32, #tpu.memory_space<vmem>> -> memref<128xi32, #tpu.memory_space<vmem>>
        %dma_start3A_140 = arith.constant 0 : i32
        %dma_start3A_141 = arith.constant 0 : i32
        %dma_start3A_142 = tpu.memref_slice %arg10[%dma_start3A_140, %dma_start3A_141] : memref<10240x128xf32, #tpu.memory_space<vmem_shared>> -> memref<10240x128xf32, #tpu.memory_space<vmem_shared>>
        tpu.enqueue_indirect_dma source(%arg8 : memref<128x128xf32, #tpu.memory_space<vmem>>) target(%dma_start3A_142 : memref<10240x128xf32, #tpu.memory_space<vmem_shared>>) offsets(%dma_start3A_139 : memref<128xi32, #tpu.memory_space<vmem>>) semaphore(%run_scoped3A_136 : memref<!tpu.dma_semaphore, #tpu.memory_space<semaphore_mem>>) {add = true}
        %dma_wait3A_143 = arith.constant 0 : i32
        %dma_wait3A_144 = tpu.memref_slice %arg7[%add3A_111, %dma_wait3A_143] : memref<80x128xi32, #tpu.memory_space<vmem>> -> memref<1x128xi32, #tpu.memory_space<vmem>>
        %dma_wait3A_145 = tpu.memref_squeeze %dma_wait3A_144 : memref<1x128xi32, #tpu.memory_space<vmem>> -> memref<128xi32, #tpu.memory_space<vmem>>
        %dma_wait3A_146 = arith.constant 0 : i32
        %dma_wait3A_147 = arith.constant 0 : i32
        %dma_wait3A_148 = tpu.memref_slice %arg10[%dma_wait3A_146, %dma_wait3A_147] : memref<10240x128xf32, #tpu.memory_space<vmem_shared>> -> memref<10240x128xf32, #tpu.memory_space<vmem_shared>>
        tpu.wait_indirect_dma semaphore(%run_scoped3A_136 : memref<!tpu.dma_semaphore, #tpu.memory_space<semaphore_mem>>) src(%arg8 : memref<128x128xf32, #tpu.memory_space<vmem>>) dst(%dma_wait3A_148 : memref<10240x128xf32, #tpu.memory_space<vmem_shared>>)
        tpu.yield
      }) : () -> ()
      %dma_wait3A_112 = arith.constant 0 : i32
      %dma_wait3A_113 = tpu.memref_slice %arg6[%add3A_103, %dma_wait3A_112] : memref<40x128xi32, #tpu.memory_space<vmem>> -> memref<1x128xi32, #tpu.memory_space<vmem>>
      %dma_wait3A_114 = tpu.memref_squeeze %dma_wait3A_113 : memref<1x128xi32, #tpu.memory_space<vmem>> -> memref<128xi32, #tpu.memory_space<vmem>>
      %dma_wait3A_115 = arith.constant 0 : i32
      %dma_wait3A_116 = arith.constant 0 : i32
      %dma_wait3A_117 = tpu.memref_slice %arg4[%dma_wait3A_115, %dma_wait3A_116] : memref<10240x128xf32, #tpu.memory_space<hbm>> -> memref<10240x128xf32, #tpu.memory_space<hbm>>
      tpu.wait_indirect_dma semaphore(%arg12 : memref<!tpu.dma_semaphore, #tpu.memory_space<semaphore_mem>>) src(%dma_wait3A_117 : memref<10240x128xf32, #tpu.memory_space<hbm>>) dst(%arg9 : memref<128x128xf32, #tpu.memory_space<vmem>>)
      %add3A_118 = arith.constant 2 : i32
      %add3A_119 = arith.addi %mul3A_101, %add3A_118 : i32
      %dma_start3A_120 = arith.constant 0 : i32
      %dma_start3A_121 = tpu.memref_slice %arg6[%add3A_119, %dma_start3A_120] : memref<40x128xi32, #tpu.memory_space<vmem>> -> memref<1x128xi32, #tpu.memory_space<vmem>>
      %dma_start3A_122 = tpu.memref_squeeze %dma_start3A_121 : memref<1x128xi32, #tpu.memory_space<vmem>> -> memref<128xi32, #tpu.memory_space<vmem>>
      %dma_start3A_123 = arith.constant 0 : i32
      %dma_start3A_124 = arith.constant 0 : i32
      %dma_start3A_125 = tpu.memref_slice %arg4[%dma_start3A_123, %dma_start3A_124] : memref<10240x128xf32, #tpu.memory_space<hbm>> -> memref<10240x128xf32, #tpu.memory_space<hbm>>
      tpu.enqueue_indirect_dma source(%dma_start3A_125 : memref<10240x128xf32, #tpu.memory_space<hbm>>) target(%arg8 : memref<128x128xf32, #tpu.memory_space<vmem>>) offsets(%dma_start3A_122 : memref<128xi32, #tpu.memory_space<vmem>>) semaphore(%arg11 : memref<!tpu.dma_semaphore, #tpu.memory_space<semaphore_mem>>)
      %add3A_126 = arith.constant 40 : i32
      %add3A_127 = arith.addi %add3A_126, %mul3A_101 : i32
      %add3A_128 = arith.constant 1 : i32
      %add3A_129 = arith.addi %add3A_127, %add3A_128 : i32
      "tpu.region"() ({
        %run_scoped3A_136 = tpu.sem_alloc : memref<!tpu.dma_semaphore, #tpu.memory_space<semaphore_mem>>
        %dma_start3A_137 = arith.constant 0 : i32
        %dma_start3A_138 = tpu.memref_slice %arg7[%add3A_129, %dma_start3A_137] : memref<80x128xi32, #tpu.memory_space<vmem>> -> memref<1x128xi32, #tpu.memory_space<vmem>>
        %dma_start3A_139 = tpu.memref_squeeze %dma_start3A_138 : memref<1x128xi32, #tpu.memory_space<vmem>> -> memref<128xi32, #tpu.memory_space<vmem>>
        %dma_start3A_140 = arith.constant 0 : i32
        %dma_start3A_141 = arith.constant 0 : i32
        %dma_start3A_142 = tpu.memref_slice %arg10[%dma_start3A_140, %dma_start3A_141] : memref<10240x128xf32, #tpu.memory_space<vmem_shared>> -> memref<10240x128xf32, #tpu.memory_space<vmem_shared>>
        tpu.enqueue_indirect_dma source(%arg9 : memref<128x128xf32, #tpu.memory_space<vmem>>) target(%dma_start3A_142 : memref<10240x128xf32, #tpu.memory_space<vmem_shared>>) offsets(%dma_start3A_139 : memref<128xi32, #tpu.memory_space<vmem>>) semaphore(%run_scoped3A_136 : memref<!tpu.dma_semaphore, #tpu.memory_space<semaphore_mem>>) {add = true}
        %dma_wait3A_143 = arith.constant 0 : i32
        %dma_wait3A_144 = tpu.memref_slice %arg7[%add3A_129, %dma_wait3A_143] : memref<80x128xi32, #tpu.memory_space<vmem>> -> memref<1x128xi32, #tpu.memory_space<vmem>>
        %dma_wait3A_145 = tpu.memref_squeeze %dma_wait3A_144 : memref<1x128xi32, #tpu.memory_space<vmem>> -> memref<128xi32, #tpu.memory_space<vmem>>
        %dma_wait3A_146 = arith.constant 0 : i32
        %dma_wait3A_147 = arith.constant 0 : i32
        %dma_wait3A_148 = tpu.memref_slice %arg10[%dma_wait3A_146, %dma_wait3A_147] : memref<10240x128xf32, #tpu.memory_space<vmem_shared>> -> memref<10240x128xf32, #tpu.memory_space<vmem_shared>>
        tpu.wait_indirect_dma semaphore(%run_scoped3A_136 : memref<!tpu.dma_semaphore, #tpu.memory_space<semaphore_mem>>) src(%arg9 : memref<128x128xf32, #tpu.memory_space<vmem>>) dst(%dma_wait3A_148 : memref<10240x128xf32, #tpu.memory_space<vmem_shared>>)
        tpu.yield
      }) : () -> ()
      %dma_wait3A_130 = arith.constant 0 : i32
      %dma_wait3A_131 = tpu.memref_slice %arg6[%add3A_119, %dma_wait3A_130] : memref<40x128xi32, #tpu.memory_space<vmem>> -> memref<1x128xi32, #tpu.memory_space<vmem>>
      %dma_wait3A_132 = tpu.memref_squeeze %dma_wait3A_131 : memref<1x128xi32, #tpu.memory_space<vmem>> -> memref<128xi32, #tpu.memory_space<vmem>>
      %dma_wait3A_133 = arith.constant 0 : i32
      %dma_wait3A_134 = arith.constant 0 : i32
      %dma_wait3A_135 = tpu.memref_slice %arg4[%dma_wait3A_133, %dma_wait3A_134] : memref<10240x128xf32, #tpu.memory_space<hbm>> -> memref<10240x128xf32, #tpu.memory_space<hbm>>
      tpu.wait_indirect_dma semaphore(%arg11 : memref<!tpu.dma_semaphore, #tpu.memory_space<semaphore_mem>>) src(%dma_wait3A_135 : memref<10240x128xf32, #tpu.memory_space<hbm>>) dst(%arg8 : memref<128x128xf32, #tpu.memory_space<vmem>>)
    }
    %scan3A_71 = arith.constant 19 : i32
    %dma_start3A_72 = arith.constant 39 : i32
    %dma_start3A_73 = arith.constant 0 : i32
    %dma_start3A_74 = tpu.memref_slice %arg6[%dma_start3A_72, %dma_start3A_73] : memref<40x128xi32, #tpu.memory_space<vmem>> -> memref<1x128xi32, #tpu.memory_space<vmem>>
    %dma_start3A_75 = tpu.memref_squeeze %dma_start3A_74 : memref<1x128xi32, #tpu.memory_space<vmem>> -> memref<128xi32, #tpu.memory_space<vmem>>
    %dma_start3A_76 = arith.constant 0 : i32
    %dma_start3A_77 = arith.constant 0 : i32
    %dma_start3A_78 = tpu.memref_slice %arg4[%dma_start3A_76, %dma_start3A_77] : memref<10240x128xf32, #tpu.memory_space<hbm>> -> memref<10240x128xf32, #tpu.memory_space<hbm>>
    tpu.enqueue_indirect_dma source(%dma_start3A_78 : memref<10240x128xf32, #tpu.memory_space<hbm>>) target(%arg9 : memref<128x128xf32, #tpu.memory_space<vmem>>) offsets(%dma_start3A_75 : memref<128xi32, #tpu.memory_space<vmem>>) semaphore(%arg12 : memref<!tpu.dma_semaphore, #tpu.memory_space<semaphore_mem>>)
    %run_scoped3A_79 = arith.constant 78 : i32
    "tpu.region"() ({
      %run_scoped3A_99 = tpu.sem_alloc : memref<!tpu.dma_semaphore, #tpu.memory_space<semaphore_mem>>
      %dma_start3A_100 = arith.constant 0 : i32
      %dma_start3A_101 = tpu.memref_slice %arg7[%run_scoped3A_79, %dma_start3A_100] : memref<80x128xi32, #tpu.memory_space<vmem>> -> memref<1x128xi32, #tpu.memory_space<vmem>>
      %dma_start3A_102 = tpu.memref_squeeze %dma_start3A_101 : memref<1x128xi32, #tpu.memory_space<vmem>> -> memref<128xi32, #tpu.memory_space<vmem>>
      %dma_start3A_103 = arith.constant 0 : i32
      %dma_start3A_104 = arith.constant 0 : i32
      %dma_start3A_105 = tpu.memref_slice %arg10[%dma_start3A_103, %dma_start3A_104] : memref<10240x128xf32, #tpu.memory_space<vmem_shared>> -> memref<10240x128xf32, #tpu.memory_space<vmem_shared>>
      tpu.enqueue_indirect_dma source(%arg8 : memref<128x128xf32, #tpu.memory_space<vmem>>) target(%dma_start3A_105 : memref<10240x128xf32, #tpu.memory_space<vmem_shared>>) offsets(%dma_start3A_102 : memref<128xi32, #tpu.memory_space<vmem>>) semaphore(%run_scoped3A_99 : memref<!tpu.dma_semaphore, #tpu.memory_space<semaphore_mem>>) {add = true}
      %dma_wait3A_106 = arith.constant 0 : i32
      %dma_wait3A_107 = tpu.memref_slice %arg7[%run_scoped3A_79, %dma_wait3A_106] : memref<80x128xi32, #tpu.memory_space<vmem>> -> memref<1x128xi32, #tpu.memory_space<vmem>>
      %dma_wait3A_108 = tpu.memref_squeeze %dma_wait3A_107 : memref<1x128xi32, #tpu.memory_space<vmem>> -> memref<128xi32, #tpu.memory_space<vmem>>
      %dma_wait3A_109 = arith.constant 0 : i32
      %dma_wait3A_110 = arith.constant 0 : i32
      %dma_wait3A_111 = tpu.memref_slice %arg10[%dma_wait3A_109, %dma_wait3A_110] : memref<10240x128xf32, #tpu.memory_space<vmem_shared>> -> memref<10240x128xf32, #tpu.memory_space<vmem_shared>>
      tpu.wait_indirect_dma semaphore(%run_scoped3A_99 : memref<!tpu.dma_semaphore, #tpu.memory_space<semaphore_mem>>) src(%arg8 : memref<128x128xf32, #tpu.memory_space<vmem>>) dst(%dma_wait3A_111 : memref<10240x128xf32, #tpu.memory_space<vmem_shared>>)
      tpu.yield
    }) : () -> ()
    %dma_wait3A_80 = arith.constant 39 : i32
    %dma_wait3A_81 = arith.constant 0 : i32
    %dma_wait3A_82 = tpu.memref_slice %arg6[%dma_wait3A_80, %dma_wait3A_81] : memref<40x128xi32, #tpu.memory_space<vmem>> -> memref<1x128xi32, #tpu.memory_space<vmem>>
    %dma_wait3A_83 = tpu.memref_squeeze %dma_wait3A_82 : memref<1x128xi32, #tpu.memory_space<vmem>> -> memref<128xi32, #tpu.memory_space<vmem>>
    %dma_wait3A_84 = arith.constant 0 : i32
    %dma_wait3A_85 = arith.constant 0 : i32
    %dma_wait3A_86 = tpu.memref_slice %arg4[%dma_wait3A_84, %dma_wait3A_85] : memref<10240x128xf32, #tpu.memory_space<hbm>> -> memref<10240x128xf32, #tpu.memory_space<hbm>>
    tpu.wait_indirect_dma semaphore(%arg12 : memref<!tpu.dma_semaphore, #tpu.memory_space<semaphore_mem>>) src(%dma_wait3A_86 : memref<10240x128xf32, #tpu.memory_space<hbm>>) dst(%arg9 : memref<128x128xf32, #tpu.memory_space<vmem>>)
    %run_scoped3A_87 = arith.constant 79 : i32
    "tpu.region"() ({
      %run_scoped3A_99 = tpu.sem_alloc : memref<!tpu.dma_semaphore, #tpu.memory_space<semaphore_mem>>
      %dma_start3A_100 = arith.constant 0 : i32
      %dma_start3A_101 = tpu.memref_slice %arg7[%run_scoped3A_87, %dma_start3A_100] : memref<80x128xi32, #tpu.memory_space<vmem>> -> memref<1x128xi32, #tpu.memory_space<vmem>>
      %dma_start3A_102 = tpu.memref_squeeze %dma_start3A_101 : memref<1x128xi32, #tpu.memory_space<vmem>> -> memref<128xi32, #tpu.memory_space<vmem>>
      %dma_start3A_103 = arith.constant 0 : i32
      %dma_start3A_104 = arith.constant 0 : i32
      %dma_start3A_105 = tpu.memref_slice %arg10[%dma_start3A_103, %dma_start3A_104] : memref<10240x128xf32, #tpu.memory_space<vmem_shared>> -> memref<10240x128xf32, #tpu.memory_space<vmem_shared>>
      tpu.enqueue_indirect_dma source(%arg9 : memref<128x128xf32, #tpu.memory_space<vmem>>) target(%dma_start3A_105 : memref<10240x128xf32, #tpu.memory_space<vmem_shared>>) offsets(%dma_start3A_102 : memref<128xi32, #tpu.memory_space<vmem>>) semaphore(%run_scoped3A_99 : memref<!tpu.dma_semaphore, #tpu.memory_space<semaphore_mem>>) {add = true}
      %dma_wait3A_106 = arith.constant 0 : i32
      %dma_wait3A_107 = tpu.memref_slice %arg7[%run_scoped3A_87, %dma_wait3A_106] : memref<80x128xi32, #tpu.memory_space<vmem>> -> memref<1x128xi32, #tpu.memory_space<vmem>>
      %dma_wait3A_108 = tpu.memref_squeeze %dma_wait3A_107 : memref<1x128xi32, #tpu.memory_space<vmem>> -> memref<128xi32, #tpu.memory_space<vmem>>
      %dma_wait3A_109 = arith.constant 0 : i32
      %dma_wait3A_110 = arith.constant 0 : i32
      %dma_wait3A_111 = tpu.memref_slice %arg10[%dma_wait3A_109, %dma_wait3A_110] : memref<10240x128xf32, #tpu.memory_space<vmem_shared>> -> memref<10240x128xf32, #tpu.memory_space<vmem_shared>>
      tpu.wait_indirect_dma semaphore(%run_scoped3A_99 : memref<!tpu.dma_semaphore, #tpu.memory_space<semaphore_mem>>) src(%arg9 : memref<128x128xf32, #tpu.memory_space<vmem>>) dst(%dma_wait3A_111 : memref<10240x128xf32, #tpu.memory_space<vmem_shared>>)
      tpu.yield
    }) : () -> ()
    %barrier3A_88 = arith.constant 0 : index
    tpu.barrier barrier_id(%barrier3A_88)
    %add3A_89 = arith.constant 0 : i32
    %add3A_90 = arith.addi %mul3A_8, %add3A_89 : i32
    "tpu.region"() ({
      %run_scoped3A_99 = tpu.sem_alloc : memref<!tpu.dma_semaphore, #tpu.memory_space<semaphore_mem>>
      %dma_start3A_100 = arith.constant 0 : i32
      %dma_start3A_101 = arith.constant 0 : i32
      %dma_start3A_102 = tpu.memref_slice %arg5[%arg0, %arg1, %dma_start3A_100, %dma_start3A_101] : memref<2x16x640x128xf32, #tpu.memory_space<hbm>> -> memref<1x1x640x128xf32, #tpu.memory_space<hbm>>
      %dma_start3A_103 = tpu.memref_squeeze %dma_start3A_102 : memref<1x1x640x128xf32, #tpu.memory_space<hbm>> -> memref<640x128xf32, #tpu.memory_space<hbm>>
      %dma_start3A_104 = arith.constant 0 : i32
      %dma_start3A_105 = arith.constant 0 : i32
      %dma_start3A_106 = tpu.memref_slice %dma_start3A_103[%dma_start3A_104, %dma_start3A_105] : memref<640x128xf32, #tpu.memory_space<hbm>> -> memref<128x128xf32, #tpu.memory_space<hbm>>
      %dma_start3A_107 = arith.constant 0 : i32
      %dma_start3A_108 = tpu.memref_slice %arg10[%add3A_90, %dma_start3A_107] : memref<10240x128xf32, #tpu.memory_space<vmem_shared>> -> memref<128x128xf32, #tpu.memory_space<vmem_shared>>
      tpu.enqueue_dma source(%dma_start3A_108 : memref<128x128xf32, #tpu.memory_space<vmem_shared>>) target(%dma_start3A_106 : memref<128x128xf32, #tpu.memory_space<hbm>>) target_semaphore(%run_scoped3A_99 : memref<!tpu.dma_semaphore, #tpu.memory_space<semaphore_mem>>)
      %dma_wait3A_109 = arith.constant 0 : i32
      %dma_wait3A_110 = arith.constant 0 : i32
      %dma_wait3A_111 = tpu.memref_slice %arg5[%arg0, %arg1, %dma_wait3A_109, %dma_wait3A_110] : memref<2x16x640x128xf32, #tpu.memory_space<hbm>> -> memref<1x1x640x128xf32, #tpu.memory_space<hbm>>
      %dma_wait3A_112 = tpu.memref_squeeze %dma_wait3A_111 : memref<1x1x640x128xf32, #tpu.memory_space<hbm>> -> memref<640x128xf32, #tpu.memory_space<hbm>>
      %dma_wait3A_113 = arith.constant 0 : i32
      %dma_wait3A_114 = arith.constant 0 : i32
      %dma_wait3A_115 = tpu.memref_slice %dma_wait3A_112[%dma_wait3A_113, %dma_wait3A_114] : memref<640x128xf32, #tpu.memory_space<hbm>> -> memref<128x128xf32, #tpu.memory_space<hbm>>
      %dma_wait3A_116 = arith.constant 0 : i32
      %dma_wait3A_117 = tpu.memref_slice %arg10[%add3A_90, %dma_wait3A_116] : memref<10240x128xf32, #tpu.memory_space<vmem_shared>> -> memref<128x128xf32, #tpu.memory_space<vmem_shared>>
      tpu.wait_dma2 semaphore(%run_scoped3A_99 : memref<!tpu.dma_semaphore, #tpu.memory_space<semaphore_mem>>) src(%dma_wait3A_117 : memref<128x128xf32, #tpu.memory_space<vmem_shared>>) dst(%dma_wait3A_115 : memref<128x128xf32, #tpu.memory_space<hbm>>)
      tpu.yield
    }) : () -> ()
    %add3A_91 = arith.constant 128 : i32
    %add3A_92 = arith.addi %mul3A_8, %add3A_91 : i32
    "tpu.region"() ({
      %run_scoped3A_99 = tpu.sem_alloc : memref<!tpu.dma_semaphore, #tpu.memory_space<semaphore_mem>>
      %dma_start3A_100 = arith.constant 0 : i32
      %dma_start3A_101 = arith.constant 0 : i32
      %dma_start3A_102 = tpu.memref_slice %arg5[%arg0, %arg1, %dma_start3A_100, %dma_start3A_101] : memref<2x16x640x128xf32, #tpu.memory_space<hbm>> -> memref<1x1x640x128xf32, #tpu.memory_space<hbm>>
      %dma_start3A_103 = tpu.memref_squeeze %dma_start3A_102 : memref<1x1x640x128xf32, #tpu.memory_space<hbm>> -> memref<640x128xf32, #tpu.memory_space<hbm>>
      %dma_start3A_104 = arith.constant 128 : i32
      %dma_start3A_105 = arith.constant 0 : i32
      %dma_start3A_106 = tpu.memref_slice %dma_start3A_103[%dma_start3A_104, %dma_start3A_105] : memref<640x128xf32, #tpu.memory_space<hbm>> -> memref<128x128xf32, #tpu.memory_space<hbm>>
      %dma_start3A_107 = arith.constant 0 : i32
      %dma_start3A_108 = tpu.memref_slice %arg10[%add3A_92, %dma_start3A_107] : memref<10240x128xf32, #tpu.memory_space<vmem_shared>> -> memref<128x128xf32, #tpu.memory_space<vmem_shared>>
      tpu.enqueue_dma source(%dma_start3A_108 : memref<128x128xf32, #tpu.memory_space<vmem_shared>>) target(%dma_start3A_106 : memref<128x128xf32, #tpu.memory_space<hbm>>) target_semaphore(%run_scoped3A_99 : memref<!tpu.dma_semaphore, #tpu.memory_space<semaphore_mem>>)
      %dma_wait3A_109 = arith.constant 0 : i32
      %dma_wait3A_110 = arith.constant 0 : i32
      %dma_wait3A_111 = tpu.memref_slice %arg5[%arg0, %arg1, %dma_wait3A_109, %dma_wait3A_110] : memref<2x16x640x128xf32, #tpu.memory_space<hbm>> -> memref<1x1x640x128xf32, #tpu.memory_space<hbm>>
      %dma_wait3A_112 = tpu.memref_squeeze %dma_wait3A_111 : memref<1x1x640x128xf32, #tpu.memory_space<hbm>> -> memref<640x128xf32, #tpu.memory_space<hbm>>
      %dma_wait3A_113 = arith.constant 128 : i32
      %dma_wait3A_114 = arith.constant 0 : i32
      %dma_wait3A_115 = tpu.memref_slice %dma_wait3A_112[%dma_wait3A_113, %dma_wait3A_114] : memref<640x128xf32, #tpu.memory_space<hbm>> -> memref<128x128xf32, #tpu.memory_space<hbm>>
      %dma_wait3A_116 = arith.constant 0 : i32
      %dma_wait3A_117 = tpu.memref_slice %arg10[%add3A_92, %dma_wait3A_116] : memref<10240x128xf32, #tpu.memory_space<vmem_shared>> -> memref<128x128xf32, #tpu.memory_space<vmem_shared>>
      tpu.wait_dma2 semaphore(%run_scoped3A_99 : memref<!tpu.dma_semaphore, #tpu.memory_space<semaphore_mem>>) src(%dma_wait3A_117 : memref<128x128xf32, #tpu.memory_space<vmem_shared>>) dst(%dma_wait3A_115 : memref<128x128xf32, #tpu.memory_space<hbm>>)
      tpu.yield
    }) : () -> ()
    %add3A_93 = arith.constant 256 : i32
    %add3A_94 = arith.addi %mul3A_8, %add3A_93 : i32
    "tpu.region"() ({
      %run_scoped3A_99 = tpu.sem_alloc : memref<!tpu.dma_semaphore, #tpu.memory_space<semaphore_mem>>
      %dma_start3A_100 = arith.constant 0 : i32
      %dma_start3A_101 = arith.constant 0 : i32
      %dma_start3A_102 = tpu.memref_slice %arg5[%arg0, %arg1, %dma_start3A_100, %dma_start3A_101] : memref<2x16x640x128xf32, #tpu.memory_space<hbm>> -> memref<1x1x640x128xf32, #tpu.memory_space<hbm>>
      %dma_start3A_103 = tpu.memref_squeeze %dma_start3A_102 : memref<1x1x640x128xf32, #tpu.memory_space<hbm>> -> memref<640x128xf32, #tpu.memory_space<hbm>>
      %dma_start3A_104 = arith.constant 256 : i32
      %dma_start3A_105 = arith.constant 0 : i32
      %dma_start3A_106 = tpu.memref_slice %dma_start3A_103[%dma_start3A_104, %dma_start3A_105] : memref<640x128xf32, #tpu.memory_space<hbm>> -> memref<128x128xf32, #tpu.memory_space<hbm>>
      %dma_start3A_107 = arith.constant 0 : i32
      %dma_start3A_108 = tpu.memref_slice %arg10[%add3A_94, %dma_start3A_107] : memref<10240x128xf32, #tpu.memory_space<vmem_shared>> -> memref<128x128xf32, #tpu.memory_space<vmem_shared>>
      tpu.enqueue_dma source(%dma_start3A_108 : memref<128x128xf32, #tpu.memory_space<vmem_shared>>) target(%dma_start3A_106 : memref<128x128xf32, #tpu.memory_space<hbm>>) target_semaphore(%run_scoped3A_99 : memref<!tpu.dma_semaphore, #tpu.memory_space<semaphore_mem>>)
      %dma_wait3A_109 = arith.constant 0 : i32
      %dma_wait3A_110 = arith.constant 0 : i32
      %dma_wait3A_111 = tpu.memref_slice %arg5[%arg0, %arg1, %dma_wait3A_109, %dma_wait3A_110] : memref<2x16x640x128xf32, #tpu.memory_space<hbm>> -> memref<1x1x640x128xf32, #tpu.memory_space<hbm>>
      %dma_wait3A_112 = tpu.memref_squeeze %dma_wait3A_111 : memref<1x1x640x128xf32, #tpu.memory_space<hbm>> -> memref<640x128xf32, #tpu.memory_space<hbm>>
      %dma_wait3A_113 = arith.constant 256 : i32
      %dma_wait3A_114 = arith.constant 0 : i32
      %dma_wait3A_115 = tpu.memref_slice %dma_wait3A_112[%dma_wait3A_113, %dma_wait3A_114] : memref<640x128xf32, #tpu.memory_space<hbm>> -> memref<128x128xf32, #tpu.memory_space<hbm>>
      %dma_wait3A_116 = arith.constant 0 : i32
      %dma_wait3A_117 = tpu.memref_slice %arg10[%add3A_94, %dma_wait3A_116] : memref<10240x128xf32, #tpu.memory_space<vmem_shared>> -> memref<128x128xf32, #tpu.memory_space<vmem_shared>>
      tpu.wait_dma2 semaphore(%run_scoped3A_99 : memref<!tpu.dma_semaphore, #tpu.memory_space<semaphore_mem>>) src(%dma_wait3A_117 : memref<128x128xf32, #tpu.memory_space<vmem_shared>>) dst(%dma_wait3A_115 : memref<128x128xf32, #tpu.memory_space<hbm>>)
      tpu.yield
    }) : () -> ()
    %add3A_95 = arith.constant 384 : i32
    %add3A_96 = arith.addi %mul3A_8, %add3A_95 : i32
    "tpu.region"() ({
      %run_scoped3A_99 = tpu.sem_alloc : memref<!tpu.dma_semaphore, #tpu.memory_space<semaphore_mem>>
      %dma_start3A_100 = arith.constant 0 : i32
      %dma_start3A_101 = arith.constant 0 : i32
      %dma_start3A_102 = tpu.memref_slice %arg5[%arg0, %arg1, %dma_start3A_100, %dma_start3A_101] : memref<2x16x640x128xf32, #tpu.memory_space<hbm>> -> memref<1x1x640x128xf32, #tpu.memory_space<hbm>>
      %dma_start3A_103 = tpu.memref_squeeze %dma_start3A_102 : memref<1x1x640x128xf32, #tpu.memory_space<hbm>> -> memref<640x128xf32, #tpu.memory_space<hbm>>
      %dma_start3A_104 = arith.constant 384 : i32
      %dma_start3A_105 = arith.constant 0 : i32
      %dma_start3A_106 = tpu.memref_slice %dma_start3A_103[%dma_start3A_104, %dma_start3A_105] : memref<640x128xf32, #tpu.memory_space<hbm>> -> memref<128x128xf32, #tpu.memory_space<hbm>>
      %dma_start3A_107 = arith.constant 0 : i32
      %dma_start3A_108 = tpu.memref_slice %arg10[%add3A_96, %dma_start3A_107] : memref<10240x128xf32, #tpu.memory_space<vmem_shared>> -> memref<128x128xf32, #tpu.memory_space<vmem_shared>>
      tpu.enqueue_dma source(%dma_start3A_108 : memref<128x128xf32, #tpu.memory_space<vmem_shared>>) target(%dma_start3A_106 : memref<128x128xf32, #tpu.memory_space<hbm>>) target_semaphore(%run_scoped3A_99 : memref<!tpu.dma_semaphore, #tpu.memory_space<semaphore_mem>>)
      %dma_wait3A_109 = arith.constant 0 : i32
      %dma_wait3A_110 = arith.constant 0 : i32
      %dma_wait3A_111 = tpu.memref_slice %arg5[%arg0, %arg1, %dma_wait3A_109, %dma_wait3A_110] : memref<2x16x640x128xf32, #tpu.memory_space<hbm>> -> memref<1x1x640x128xf32, #tpu.memory_space<hbm>>
      %dma_wait3A_112 = tpu.memref_squeeze %dma_wait3A_111 : memref<1x1x640x128xf32, #tpu.memory_space<hbm>> -> memref<640x128xf32, #tpu.memory_space<hbm>>
      %dma_wait3A_113 = arith.constant 384 : i32
      %dma_wait3A_114 = arith.constant 0 : i32
      %dma_wait3A_115 = tpu.memref_slice %dma_wait3A_112[%dma_wait3A_113, %dma_wait3A_114] : memref<640x128xf32, #tpu.memory_space<hbm>> -> memref<128x128xf32, #tpu.memory_space<hbm>>
      %dma_wait3A_116 = arith.constant 0 : i32
      %dma_wait3A_117 = tpu.memref_slice %arg10[%add3A_96, %dma_wait3A_116] : memref<10240x128xf32, #tpu.memory_space<vmem_shared>> -> memref<128x128xf32, #tpu.memory_space<vmem_shared>>
      tpu.wait_dma2 semaphore(%run_scoped3A_99 : memref<!tpu.dma_semaphore, #tpu.memory_space<semaphore_mem>>) src(%dma_wait3A_117 : memref<128x128xf32, #tpu.memory_space<vmem_shared>>) dst(%dma_wait3A_115 : memref<128x128xf32, #tpu.memory_space<hbm>>)
      tpu.yield
    }) : () -> ()
    %add3A_97 = arith.constant 512 : i32
    %add3A_98 = arith.addi %mul3A_8, %add3A_97 : i32
    "tpu.region"() ({
      %run_scoped3A_99 = tpu.sem_alloc : memref<!tpu.dma_semaphore, #tpu.memory_space<semaphore_mem>>
      %dma_start3A_100 = arith.constant 0 : i32
      %dma_start3A_101 = arith.constant 0 : i32
      %dma_start3A_102 = tpu.memref_slice %arg5[%arg0, %arg1, %dma_start3A_100, %dma_start3A_101] : memref<2x16x640x128xf32, #tpu.memory_space<hbm>> -> memref<1x1x640x128xf32, #tpu.memory_space<hbm>>
      %dma_start3A_103 = tpu.memref_squeeze %dma_start3A_102 : memref<1x1x640x128xf32, #tpu.memory_space<hbm>> -> memref<640x128xf32, #tpu.memory_space<hbm>>
      %dma_start3A_104 = arith.constant 512 : i32
      %dma_start3A_105 = arith.constant 0 : i32
      %dma_start3A_106 = tpu.memref_slice %dma_start3A_103[%dma_start3A_104, %dma_start3A_105] : memref<640x128xf32, #tpu.memory_space<hbm>> -> memref<128x128xf32, #tpu.memory_space<hbm>>
      %dma_start3A_107 = arith.constant 0 : i32
      %dma_start3A_108 = tpu.memref_slice %arg10[%add3A_98, %dma_start3A_107] : memref<10240x128xf32, #tpu.memory_space<vmem_shared>> -> memref<128x128xf32, #tpu.memory_space<vmem_shared>>
      tpu.enqueue_dma source(%dma_start3A_108 : memref<128x128xf32, #tpu.memory_space<vmem_shared>>) target(%dma_start3A_106 : memref<128x128xf32, #tpu.memory_space<hbm>>) target_semaphore(%run_scoped3A_99 : memref<!tpu.dma_semaphore, #tpu.memory_space<semaphore_mem>>)
      %dma_wait3A_109 = arith.constant 0 : i32
      %dma_wait3A_110 = arith.constant 0 : i32
      %dma_wait3A_111 = tpu.memref_slice %arg5[%arg0, %arg1, %dma_wait3A_109, %dma_wait3A_110] : memref<2x16x640x128xf32, #tpu.memory_space<hbm>> -> memref<1x1x640x128xf32, #tpu.memory_space<hbm>>
      %dma_wait3A_112 = tpu.memref_squeeze %dma_wait3A_111 : memref<1x1x640x128xf32, #tpu.memory_space<hbm>> -> memref<640x128xf32, #tpu.memory_space<hbm>>
      %dma_wait3A_113 = arith.constant 512 : i32
      %dma_wait3A_114 = arith.constant 0 : i32
      %dma_wait3A_115 = tpu.memref_slice %dma_wait3A_112[%dma_wait3A_113, %dma_wait3A_114] : memref<640x128xf32, #tpu.memory_space<hbm>> -> memref<128x128xf32, #tpu.memory_space<hbm>>
      %dma_wait3A_116 = arith.constant 0 : i32
      %dma_wait3A_117 = tpu.memref_slice %arg10[%add3A_98, %dma_wait3A_116] : memref<10240x128xf32, #tpu.memory_space<vmem_shared>> -> memref<128x128xf32, #tpu.memory_space<vmem_shared>>
      tpu.wait_dma2 semaphore(%run_scoped3A_99 : memref<!tpu.dma_semaphore, #tpu.memory_space<semaphore_mem>>) src(%dma_wait3A_117 : memref<128x128xf32, #tpu.memory_space<vmem_shared>>) dst(%dma_wait3A_115 : memref<128x128xf32, #tpu.memory_space<hbm>>)
      tpu.yield
    }) : () -> ()
    return
  }
}

#map = affine_map<(d0, d1) -> (0, 0, 0)>
#map1 = affine_map<(d0, d1) -> (0)>
module attributes {stable_mosaic.version = 14 : i64} {
  func.func @gcn_edge2_sc(%arg0: i32, %arg1: i32, %arg2: memref<32x80x128xi32, #tpu.memory_space<hbm>>, %arg3: memref<32x80x128xi32, #tpu.memory_space<hbm>>, %arg4: memref<10240xf32, #tpu.memory_space<hbm>>, %arg5: memref<2x16x640xf32, #tpu.memory_space<hbm>>, %arg6: memref<80x128xi32, #tpu.memory_space<vmem>>, %arg7: memref<80x128xi32, #tpu.memory_space<vmem>>, %arg8: memref<8x128xf32, #tpu.memory_space<vmem>>, %arg9: memref<640xf32, #tpu.memory_space<vmem>>, %arg10: memref<10240xf32, #tpu.memory_space<vmem_shared>>, %arg11: memref<!tpu.dma_semaphore, #tpu.memory_space<semaphore_mem>>, %arg12: memref<!tpu.dma_semaphore, #tpu.memory_space<semaphore_mem>>, %arg13: memref<!tpu.dma_semaphore, #tpu.memory_space<semaphore_mem>>, %arg14: memref<!tpu.dma_semaphore, #tpu.memory_space<semaphore_mem>>, %arg15: memref<!tpu.dma_semaphore, #tpu.memory_space<semaphore_mem>>, %arg16: memref<!tpu.dma_semaphore, #tpu.memory_space<semaphore_mem>>, %arg17: memref<!tpu.dma_semaphore, #tpu.memory_space<semaphore_mem>>, %arg18: memref<!tpu.dma_semaphore, #tpu.memory_space<semaphore_mem>>, %arg19: memref<!tpu.dma_semaphore, #tpu.memory_space<semaphore_mem>>, %arg20: memref<!tpu.dma_semaphore, #tpu.memory_space<semaphore_mem>>, %arg21: memref<!tpu.dma_semaphore, #tpu.memory_space<semaphore_mem>>, %arg22: memref<!tpu.dma_semaphore, #tpu.memory_space<semaphore_mem>>, %arg23: memref<!tpu.dma_semaphore, #tpu.memory_space<semaphore_mem>>, %arg24: memref<!tpu.dma_semaphore, #tpu.memory_space<semaphore_mem>>, %arg25: memref<!tpu.dma_semaphore, #tpu.memory_space<semaphore_mem>>, %arg26: memref<!tpu.dma_semaphore, #tpu.memory_space<semaphore_mem>>) attributes {dimension_semantics = [#tpu.dimension_semantics<core_parallel>, #tpu.dimension_semantics<subcore_parallel>], iteration_bounds = array<i64: 2, 16>, scalar_prefetch = 0 : i64, scratch_operands = 21 : i64, tpu.core_type = #tpu.core_type<sc_vector_subcore>, window_params = [{transform_indices = #map}, {transform_indices = #map}, {transform_indices = #map1}, {transform_indices = #map}]} {
    %mul3A = arith.constant 16 : i32
    %mul3A_0 = arith.muli %arg0, %mul3A : i32
    %add3A = arith.addi %mul3A_0, %arg1 : i32
    "tpu.region"() ({
      %run_scoped3A = tpu.sem_alloc : memref<!tpu.dma_semaphore, #tpu.memory_space<semaphore_mem>>
      %dma_start3A_336 = arith.constant 0 : i32
      %dma_start3A_337 = arith.constant 0 : i32
      %dma_start3A_338 = tpu.memref_slice %arg2[%add3A, %dma_start3A_336, %dma_start3A_337] : memref<32x80x128xi32, #tpu.memory_space<hbm>> -> memref<1x80x128xi32, #tpu.memory_space<hbm>>
      %dma_start3A_339 = tpu.memref_squeeze %dma_start3A_338 : memref<1x80x128xi32, #tpu.memory_space<hbm>> -> memref<80x128xi32, #tpu.memory_space<hbm>>
      %dma_start3A_340 = arith.constant 0 : i32
      %dma_start3A_341 = arith.constant 0 : i32
      %dma_start3A_342 = tpu.memref_slice %arg2[%add3A, %dma_start3A_340, %dma_start3A_341] : memref<32x80x128xi32, #tpu.memory_space<hbm>> -> memref<1x80x128xi32, #tpu.memory_space<hbm>>
      %dma_start3A_343 = tpu.memref_squeeze %dma_start3A_342 : memref<1x80x128xi32, #tpu.memory_space<hbm>> -> memref<80x128xi32, #tpu.memory_space<hbm>>
      tpu.enqueue_dma source(%dma_start3A_343 : memref<80x128xi32, #tpu.memory_space<hbm>>) target(%arg6 : memref<80x128xi32, #tpu.memory_space<vmem>>) target_semaphore(%run_scoped3A : memref<!tpu.dma_semaphore, #tpu.memory_space<semaphore_mem>>)
      %dma_wait3A_344 = arith.constant 0 : i32
      %dma_wait3A_345 = arith.constant 0 : i32
      %dma_wait3A_346 = tpu.memref_slice %arg2[%add3A, %dma_wait3A_344, %dma_wait3A_345] : memref<32x80x128xi32, #tpu.memory_space<hbm>> -> memref<1x80x128xi32, #tpu.memory_space<hbm>>
      %dma_wait3A_347 = tpu.memref_squeeze %dma_wait3A_346 : memref<1x80x128xi32, #tpu.memory_space<hbm>> -> memref<80x128xi32, #tpu.memory_space<hbm>>
      %dma_wait3A_348 = arith.constant 0 : i32
      %dma_wait3A_349 = arith.constant 0 : i32
      %dma_wait3A_350 = tpu.memref_slice %arg2[%add3A, %dma_wait3A_348, %dma_wait3A_349] : memref<32x80x128xi32, #tpu.memory_space<hbm>> -> memref<1x80x128xi32, #tpu.memory_space<hbm>>
      %dma_wait3A_351 = tpu.memref_squeeze %dma_wait3A_350 : memref<1x80x128xi32, #tpu.memory_space<hbm>> -> memref<80x128xi32, #tpu.memory_space<hbm>>
      tpu.wait_dma2 semaphore(%run_scoped3A : memref<!tpu.dma_semaphore, #tpu.memory_space<semaphore_mem>>) src(%dma_wait3A_351 : memref<80x128xi32, #tpu.memory_space<hbm>>) dst(%arg6 : memref<80x128xi32, #tpu.memory_space<vmem>>)
      tpu.yield
    }) : () -> ()
    "tpu.region"() ({
      %run_scoped3A = tpu.sem_alloc : memref<!tpu.dma_semaphore, #tpu.memory_space<semaphore_mem>>
      %dma_start3A_336 = arith.constant 0 : i32
      %dma_start3A_337 = arith.constant 0 : i32
      %dma_start3A_338 = tpu.memref_slice %arg3[%add3A, %dma_start3A_336, %dma_start3A_337] : memref<32x80x128xi32, #tpu.memory_space<hbm>> -> memref<1x80x128xi32, #tpu.memory_space<hbm>>
      %dma_start3A_339 = tpu.memref_squeeze %dma_start3A_338 : memref<1x80x128xi32, #tpu.memory_space<hbm>> -> memref<80x128xi32, #tpu.memory_space<hbm>>
      %dma_start3A_340 = arith.constant 0 : i32
      %dma_start3A_341 = arith.constant 0 : i32
      %dma_start3A_342 = tpu.memref_slice %arg3[%add3A, %dma_start3A_340, %dma_start3A_341] : memref<32x80x128xi32, #tpu.memory_space<hbm>> -> memref<1x80x128xi32, #tpu.memory_space<hbm>>
      %dma_start3A_343 = tpu.memref_squeeze %dma_start3A_342 : memref<1x80x128xi32, #tpu.memory_space<hbm>> -> memref<80x128xi32, #tpu.memory_space<hbm>>
      tpu.enqueue_dma source(%dma_start3A_343 : memref<80x128xi32, #tpu.memory_space<hbm>>) target(%arg7 : memref<80x128xi32, #tpu.memory_space<vmem>>) target_semaphore(%run_scoped3A : memref<!tpu.dma_semaphore, #tpu.memory_space<semaphore_mem>>)
      %dma_wait3A_344 = arith.constant 0 : i32
      %dma_wait3A_345 = arith.constant 0 : i32
      %dma_wait3A_346 = tpu.memref_slice %arg3[%add3A, %dma_wait3A_344, %dma_wait3A_345] : memref<32x80x128xi32, #tpu.memory_space<hbm>> -> memref<1x80x128xi32, #tpu.memory_space<hbm>>
      %dma_wait3A_347 = tpu.memref_squeeze %dma_wait3A_346 : memref<1x80x128xi32, #tpu.memory_space<hbm>> -> memref<80x128xi32, #tpu.memory_space<hbm>>
      %dma_wait3A_348 = arith.constant 0 : i32
      %dma_wait3A_349 = arith.constant 0 : i32
      %dma_wait3A_350 = tpu.memref_slice %arg3[%add3A, %dma_wait3A_348, %dma_wait3A_349] : memref<32x80x128xi32, #tpu.memory_space<hbm>> -> memref<1x80x128xi32, #tpu.memory_space<hbm>>
      %dma_wait3A_351 = tpu.memref_squeeze %dma_wait3A_350 : memref<1x80x128xi32, #tpu.memory_space<hbm>> -> memref<80x128xi32, #tpu.memory_space<hbm>>
      tpu.wait_dma2 semaphore(%run_scoped3A : memref<!tpu.dma_semaphore, #tpu.memory_space<semaphore_mem>>) src(%dma_wait3A_351 : memref<80x128xi32, #tpu.memory_space<hbm>>) dst(%arg7 : memref<80x128xi32, #tpu.memory_space<vmem>>)
      tpu.yield
    }) : () -> ()
    %broadcast_in_dim3A = arith.constant 0.000000e+00 : f32
    %broadcast_in_dim3A_1 = vector.broadcast %broadcast_in_dim3A : f32 to vector<16xf32>
    %scan3A = arith.constant 0 : i32
    %scan3A_2 = arith.constant 0 : i32
    %scan3A_3 = arith.constant 40 : i32
    %scan3A_4 = arith.addi %scan3A_2, %scan3A_3 : i32
    %scan3A_5 = arith.constant 1 : i32
    scf.for %scan3A_336 = %scan3A_2 to %scan3A_4 step %scan3A_5  : i32 {
      %mul3A_337 = arith.constant 16 : i32
      %mul3A_338 = arith.muli %scan3A_336, %mul3A_337 : i32
      %swap3A = arith.index_cast %mul3A_338 : i32 to index
      %swap3A_339 = tpu.vector_load %arg9[%swap3A] {strides = array<i32>} : memref<640xf32, #tpu.memory_space<vmem>>, vector<16xf32>,
      %swap3A_340 = vector.shape_cast %swap3A_339 : vector<16xf32> to vector<16xf32>
      %swap3A_341 = vector.shape_cast %broadcast_in_dim3A_1 : vector<16xf32> to vector<16xf32>
      tpu.vector_store %arg9[%swap3A], %swap3A_341 {strides = array<i32>} : memref<640xf32, #tpu.memory_space<vmem>>, vector<16xf32>,
    }
    %scan3A_6 = arith.constant 40 : i32
    %mul3A_7 = arith.constant 640 : i32
    %mul3A_8 = arith.muli %arg1, %mul3A_7 : i32
    "tpu.region"() ({
      %run_scoped3A = tpu.sem_alloc : memref<!tpu.dma_semaphore, #tpu.memory_space<semaphore_mem>>
      %dma_start3A_336 = tpu.memref_slice %arg10[%mul3A_8] : memref<10240xf32, #tpu.memory_space<vmem_shared>> -> memref<640xf32, #tpu.memory_space<vmem_shared>>
      %dma_start3A_337 = tpu.memref_slice %arg10[%mul3A_8] : memref<10240xf32, #tpu.memory_space<vmem_shared>> -> memref<640xf32, #tpu.memory_space<vmem_shared>>
      tpu.enqueue_dma source(%arg9 : memref<640xf32, #tpu.memory_space<vmem>>) target(%dma_start3A_337 : memref<640xf32, #tpu.memory_space<vmem_shared>>) target_semaphore(%run_scoped3A : memref<!tpu.dma_semaphore, #tpu.memory_space<semaphore_mem>>)
      %dma_wait3A_338 = tpu.memref_slice %arg10[%mul3A_8] : memref<10240xf32, #tpu.memory_space<vmem_shared>> -> memref<640xf32, #tpu.memory_space<vmem_shared>>
      %dma_wait3A_339 = tpu.memref_slice %arg10[%mul3A_8] : memref<10240xf32, #tpu.memory_space<vmem_shared>> -> memref<640xf32, #tpu.memory_space<vmem_shared>>
      tpu.wait_dma2 semaphore(%run_scoped3A : memref<!tpu.dma_semaphore, #tpu.memory_space<semaphore_mem>>) src(%arg9 : memref<640xf32, #tpu.memory_space<vmem>>) dst(%dma_wait3A_339 : memref<640xf32, #tpu.memory_space<vmem_shared>>)
      tpu.yield
    }) : () -> ()
    %barrier3A = arith.constant 0 : index
    tpu.barrier barrier_id(%barrier3A)
    %dma_start3A = arith.constant 0 : i32
    %dma_start3A_9 = arith.constant 0 : i32
    %dma_start3A_10 = arith.constant 0 : i32
    %dma_start3A_11 = tpu.memref_slice %arg8[%dma_start3A_9, %dma_start3A_10] : memref<8x128xf32, #tpu.memory_space<vmem>> -> memref<1x128xf32, #tpu.memory_space<vmem>>
    %dma_start3A_12 = tpu.memref_squeeze %dma_start3A_11 : memref<1x128xf32, #tpu.memory_space<vmem>> -> memref<128xf32, #tpu.memory_space<vmem>>
    %dma_start3A_13 = arith.constant 0 : i32
    %dma_start3A_14 = tpu.memref_slice %arg6[%dma_start3A, %dma_start3A_13] : memref<80x128xi32, #tpu.memory_space<vmem>> -> memref<1x128xi32, #tpu.memory_space<vmem>>
    %dma_start3A_15 = tpu.memref_squeeze %dma_start3A_14 : memref<1x128xi32, #tpu.memory_space<vmem>> -> memref<128xi32, #tpu.memory_space<vmem>>
    %dma_start3A_16 = arith.constant 0 : i32
    %dma_start3A_17 = tpu.memref_slice %arg4[%dma_start3A_16] : memref<10240xf32, #tpu.memory_space<hbm>> -> memref<10240xf32, #tpu.memory_space<hbm>>
    tpu.enqueue_indirect_dma source(%dma_start3A_17 : memref<10240xf32, #tpu.memory_space<hbm>>) target(%dma_start3A_12 : memref<128xf32, #tpu.memory_space<vmem>>) offsets(%dma_start3A_15 : memref<128xi32, #tpu.memory_space<vmem>>) semaphore(%arg11 : memref<!tpu.dma_semaphore, #tpu.memory_space<semaphore_mem>>)
    %dma_start3A_18 = arith.constant 1 : i32
    %dma_start3A_19 = arith.constant 1 : i32
    %dma_start3A_20 = arith.constant 0 : i32
    %dma_start3A_21 = tpu.memref_slice %arg8[%dma_start3A_19, %dma_start3A_20] : memref<8x128xf32, #tpu.memory_space<vmem>> -> memref<1x128xf32, #tpu.memory_space<vmem>>
    %dma_start3A_22 = tpu.memref_squeeze %dma_start3A_21 : memref<1x128xf32, #tpu.memory_space<vmem>> -> memref<128xf32, #tpu.memory_space<vmem>>
    %dma_start3A_23 = arith.constant 0 : i32
    %dma_start3A_24 = tpu.memref_slice %arg6[%dma_start3A_18, %dma_start3A_23] : memref<80x128xi32, #tpu.memory_space<vmem>> -> memref<1x128xi32, #tpu.memory_space<vmem>>
    %dma_start3A_25 = tpu.memref_squeeze %dma_start3A_24 : memref<1x128xi32, #tpu.memory_space<vmem>> -> memref<128xi32, #tpu.memory_space<vmem>>
    %dma_start3A_26 = arith.constant 0 : i32
    %dma_start3A_27 = tpu.memref_slice %arg4[%dma_start3A_26] : memref<10240xf32, #tpu.memory_space<hbm>> -> memref<10240xf32, #tpu.memory_space<hbm>>
    tpu.enqueue_indirect_dma source(%dma_start3A_27 : memref<10240xf32, #tpu.memory_space<hbm>>) target(%dma_start3A_22 : memref<128xf32, #tpu.memory_space<vmem>>) offsets(%dma_start3A_25 : memref<128xi32, #tpu.memory_space<vmem>>) semaphore(%arg12 : memref<!tpu.dma_semaphore, #tpu.memory_space<semaphore_mem>>)
    %dma_start3A_28 = arith.constant 2 : i32
    %dma_start3A_29 = arith.constant 2 : i32
    %dma_start3A_30 = arith.constant 0 : i32
    %dma_start3A_31 = tpu.memref_slice %arg8[%dma_start3A_29, %dma_start3A_30] : memref<8x128xf32, #tpu.memory_space<vmem>> -> memref<1x128xf32, #tpu.memory_space<vmem>>
    %dma_start3A_32 = tpu.memref_squeeze %dma_start3A_31 : memref<1x128xf32, #tpu.memory_space<vmem>> -> memref<128xf32, #tpu.memory_space<vmem>>
    %dma_start3A_33 = arith.constant 0 : i32
    %dma_start3A_34 = tpu.memref_slice %arg6[%dma_start3A_28, %dma_start3A_33] : memref<80x128xi32, #tpu.memory_space<vmem>> -> memref<1x128xi32, #tpu.memory_space<vmem>>
    %dma_start3A_35 = tpu.memref_squeeze %dma_start3A_34 : memref<1x128xi32, #tpu.memory_space<vmem>> -> memref<128xi32, #tpu.memory_space<vmem>>
    %dma_start3A_36 = arith.constant 0 : i32
    %dma_start3A_37 = tpu.memref_slice %arg4[%dma_start3A_36] : memref<10240xf32, #tpu.memory_space<hbm>> -> memref<10240xf32, #tpu.memory_space<hbm>>
    tpu.enqueue_indirect_dma source(%dma_start3A_37 : memref<10240xf32, #tpu.memory_space<hbm>>) target(%dma_start3A_32 : memref<128xf32, #tpu.memory_space<vmem>>) offsets(%dma_start3A_35 : memref<128xi32, #tpu.memory_space<vmem>>) semaphore(%arg13 : memref<!tpu.dma_semaphore, #tpu.memory_space<semaphore_mem>>)
    %dma_start3A_38 = arith.constant 3 : i32
    %dma_start3A_39 = arith.constant 3 : i32
    %dma_start3A_40 = arith.constant 0 : i32
    %dma_start3A_41 = tpu.memref_slice %arg8[%dma_start3A_39, %dma_start3A_40] : memref<8x128xf32, #tpu.memory_space<vmem>> -> memref<1x128xf32, #tpu.memory_space<vmem>>
    %dma_start3A_42 = tpu.memref_squeeze %dma_start3A_41 : memref<1x128xf32, #tpu.memory_space<vmem>> -> memref<128xf32, #tpu.memory_space<vmem>>
    %dma_start3A_43 = arith.constant 0 : i32
    %dma_start3A_44 = tpu.memref_slice %arg6[%dma_start3A_38, %dma_start3A_43] : memref<80x128xi32, #tpu.memory_space<vmem>> -> memref<1x128xi32, #tpu.memory_space<vmem>>
    %dma_start3A_45 = tpu.memref_squeeze %dma_start3A_44 : memref<1x128xi32, #tpu.memory_space<vmem>> -> memref<128xi32, #tpu.memory_space<vmem>>
    %dma_start3A_46 = arith.constant 0 : i32
    %dma_start3A_47 = tpu.memref_slice %arg4[%dma_start3A_46] : memref<10240xf32, #tpu.memory_space<hbm>> -> memref<10240xf32, #tpu.memory_space<hbm>>
    tpu.enqueue_indirect_dma source(%dma_start3A_47 : memref<10240xf32, #tpu.memory_space<hbm>>) target(%dma_start3A_42 : memref<128xf32, #tpu.memory_space<vmem>>) offsets(%dma_start3A_45 : memref<128xi32, #tpu.memory_space<vmem>>) semaphore(%arg14 : memref<!tpu.dma_semaphore, #tpu.memory_space<semaphore_mem>>)
    %dma_start3A_48 = arith.constant 4 : i32
    %dma_start3A_49 = arith.constant 4 : i32
    %dma_start3A_50 = arith.constant 0 : i32
    %dma_start3A_51 = tpu.memref_slice %arg8[%dma_start3A_49, %dma_start3A_50] : memref<8x128xf32, #tpu.memory_space<vmem>> -> memref<1x128xf32, #tpu.memory_space<vmem>>
    %dma_start3A_52 = tpu.memref_squeeze %dma_start3A_51 : memref<1x128xf32, #tpu.memory_space<vmem>> -> memref<128xf32, #tpu.memory_space<vmem>>
    %dma_start3A_53 = arith.constant 0 : i32
    %dma_start3A_54 = tpu.memref_slice %arg6[%dma_start3A_48, %dma_start3A_53] : memref<80x128xi32, #tpu.memory_space<vmem>> -> memref<1x128xi32, #tpu.memory_space<vmem>>
    %dma_start3A_55 = tpu.memref_squeeze %dma_start3A_54 : memref<1x128xi32, #tpu.memory_space<vmem>> -> memref<128xi32, #tpu.memory_space<vmem>>
    %dma_start3A_56 = arith.constant 0 : i32
    %dma_start3A_57 = tpu.memref_slice %arg4[%dma_start3A_56] : memref<10240xf32, #tpu.memory_space<hbm>> -> memref<10240xf32, #tpu.memory_space<hbm>>
    tpu.enqueue_indirect_dma source(%dma_start3A_57 : memref<10240xf32, #tpu.memory_space<hbm>>) target(%dma_start3A_52 : memref<128xf32, #tpu.memory_space<vmem>>) offsets(%dma_start3A_55 : memref<128xi32, #tpu.memory_space<vmem>>) semaphore(%arg15 : memref<!tpu.dma_semaphore, #tpu.memory_space<semaphore_mem>>)
    %dma_start3A_58 = arith.constant 5 : i32
    %dma_start3A_59 = arith.constant 5 : i32
    %dma_start3A_60 = arith.constant 0 : i32
    %dma_start3A_61 = tpu.memref_slice %arg8[%dma_start3A_59, %dma_start3A_60] : memref<8x128xf32, #tpu.memory_space<vmem>> -> memref<1x128xf32, #tpu.memory_space<vmem>>
    %dma_start3A_62 = tpu.memref_squeeze %dma_start3A_61 : memref<1x128xf32, #tpu.memory_space<vmem>> -> memref<128xf32, #tpu.memory_space<vmem>>
    %dma_start3A_63 = arith.constant 0 : i32
    %dma_start3A_64 = tpu.memref_slice %arg6[%dma_start3A_58, %dma_start3A_63] : memref<80x128xi32, #tpu.memory_space<vmem>> -> memref<1x128xi32, #tpu.memory_space<vmem>>
    %dma_start3A_65 = tpu.memref_squeeze %dma_start3A_64 : memref<1x128xi32, #tpu.memory_space<vmem>> -> memref<128xi32, #tpu.memory_space<vmem>>
    %dma_start3A_66 = arith.constant 0 : i32
    %dma_start3A_67 = tpu.memref_slice %arg4[%dma_start3A_66] : memref<10240xf32, #tpu.memory_space<hbm>> -> memref<10240xf32, #tpu.memory_space<hbm>>
    tpu.enqueue_indirect_dma source(%dma_start3A_67 : memref<10240xf32, #tpu.memory_space<hbm>>) target(%dma_start3A_62 : memref<128xf32, #tpu.memory_space<vmem>>) offsets(%dma_start3A_65 : memref<128xi32, #tpu.memory_space<vmem>>) semaphore(%arg16 : memref<!tpu.dma_semaphore, #tpu.memory_space<semaphore_mem>>)
    %dma_start3A_68 = arith.constant 6 : i32
    %dma_start3A_69 = arith.constant 6 : i32
    %dma_start3A_70 = arith.constant 0 : i32
    %dma_start3A_71 = tpu.memref_slice %arg8[%dma_start3A_69, %dma_start3A_70] : memref<8x128xf32, #tpu.memory_space<vmem>> -> memref<1x128xf32, #tpu.memory_space<vmem>>
    %dma_start3A_72 = tpu.memref_squeeze %dma_start3A_71 : memref<1x128xf32, #tpu.memory_space<vmem>> -> memref<128xf32, #tpu.memory_space<vmem>>
    %dma_start3A_73 = arith.constant 0 : i32
    %dma_start3A_74 = tpu.memref_slice %arg6[%dma_start3A_68, %dma_start3A_73] : memref<80x128xi32, #tpu.memory_space<vmem>> -> memref<1x128xi32, #tpu.memory_space<vmem>>
    %dma_start3A_75 = tpu.memref_squeeze %dma_start3A_74 : memref<1x128xi32, #tpu.memory_space<vmem>> -> memref<128xi32, #tpu.memory_space<vmem>>
    %dma_start3A_76 = arith.constant 0 : i32
    %dma_start3A_77 = tpu.memref_slice %arg4[%dma_start3A_76] : memref<10240xf32, #tpu.memory_space<hbm>> -> memref<10240xf32, #tpu.memory_space<hbm>>
    tpu.enqueue_indirect_dma source(%dma_start3A_77 : memref<10240xf32, #tpu.memory_space<hbm>>) target(%dma_start3A_72 : memref<128xf32, #tpu.memory_space<vmem>>) offsets(%dma_start3A_75 : memref<128xi32, #tpu.memory_space<vmem>>) semaphore(%arg17 : memref<!tpu.dma_semaphore, #tpu.memory_space<semaphore_mem>>)
    %dma_start3A_78 = arith.constant 7 : i32
    %dma_start3A_79 = arith.constant 7 : i32
    %dma_start3A_80 = arith.constant 0 : i32
    %dma_start3A_81 = tpu.memref_slice %arg8[%dma_start3A_79, %dma_start3A_80] : memref<8x128xf32, #tpu.memory_space<vmem>> -> memref<1x128xf32, #tpu.memory_space<vmem>>
    %dma_start3A_82 = tpu.memref_squeeze %dma_start3A_81 : memref<1x128xf32, #tpu.memory_space<vmem>> -> memref<128xf32, #tpu.memory_space<vmem>>
    %dma_start3A_83 = arith.constant 0 : i32
    %dma_start3A_84 = tpu.memref_slice %arg6[%dma_start3A_78, %dma_start3A_83] : memref<80x128xi32, #tpu.memory_space<vmem>> -> memref<1x128xi32, #tpu.memory_space<vmem>>
    %dma_start3A_85 = tpu.memref_squeeze %dma_start3A_84 : memref<1x128xi32, #tpu.memory_space<vmem>> -> memref<128xi32, #tpu.memory_space<vmem>>
    %dma_start3A_86 = arith.constant 0 : i32
    %dma_start3A_87 = tpu.memref_slice %arg4[%dma_start3A_86] : memref<10240xf32, #tpu.memory_space<hbm>> -> memref<10240xf32, #tpu.memory_space<hbm>>
    tpu.enqueue_indirect_dma source(%dma_start3A_87 : memref<10240xf32, #tpu.memory_space<hbm>>) target(%dma_start3A_82 : memref<128xf32, #tpu.memory_space<vmem>>) offsets(%dma_start3A_85 : memref<128xi32, #tpu.memory_space<vmem>>) semaphore(%arg18 : memref<!tpu.dma_semaphore, #tpu.memory_space<semaphore_mem>>)
    %scan3A_88 = arith.constant 0 : i32
    %scan3A_89 = arith.constant 0 : i32
    %scan3A_90 = arith.constant 9 : i32
    %scan3A_91 = arith.addi %scan3A_89, %scan3A_90 : i32
    %scan3A_92 = arith.constant 1 : i32
    scf.for %scan3A_336 = %scan3A_89 to %scan3A_91 step %scan3A_92  : i32 {
      %mul3A_337 = arith.constant 8 : i32
      %mul3A_338 = arith.muli %scan3A_336, %mul3A_337 : i32
      %add3A_339 = arith.constant 0 : i32
      %add3A_340 = arith.addi %mul3A_338, %add3A_339 : i32
      %dma_wait3A_341 = arith.constant 0 : i32
      %dma_wait3A_342 = arith.constant 0 : i32
      %dma_wait3A_343 = tpu.memref_slice %arg8[%dma_wait3A_341, %dma_wait3A_342] : memref<8x128xf32, #tpu.memory_space<vmem>> -> memref<1x128xf32, #tpu.memory_space<vmem>>
      %dma_wait3A_344 = tpu.memref_squeeze %dma_wait3A_343 : memref<1x128xf32, #tpu.memory_space<vmem>> -> memref<128xf32, #tpu.memory_space<vmem>>
      %dma_wait3A_345 = arith.constant 0 : i32
      %dma_wait3A_346 = tpu.memref_slice %arg6[%add3A_340, %dma_wait3A_345] : memref<80x128xi32, #tpu.memory_space<vmem>> -> memref<1x128xi32, #tpu.memory_space<vmem>>
      %dma_wait3A_347 = tpu.memref_squeeze %dma_wait3A_346 : memref<1x128xi32, #tpu.memory_space<vmem>> -> memref<128xi32, #tpu.memory_space<vmem>>
      %dma_wait3A_348 = arith.constant 0 : i32
      %dma_wait3A_349 = tpu.memref_slice %arg4[%dma_wait3A_348] : memref<10240xf32, #tpu.memory_space<hbm>> -> memref<10240xf32, #tpu.memory_space<hbm>>
      tpu.wait_indirect_dma semaphore(%arg11 : memref<!tpu.dma_semaphore, #tpu.memory_space<semaphore_mem>>) src(%dma_wait3A_349 : memref<10240xf32, #tpu.memory_space<hbm>>) dst(%dma_wait3A_344 : memref<128xf32, #tpu.memory_space<vmem>>)
      %dma_start3A_350 = arith.constant 0 : i32
      %dma_start3A_351 = arith.constant 0 : i32
      %dma_start3A_352 = tpu.memref_slice %arg8[%dma_start3A_350, %dma_start3A_351] : memref<8x128xf32, #tpu.memory_space<vmem>> -> memref<1x128xf32, #tpu.memory_space<vmem>>
      %dma_start3A_353 = tpu.memref_squeeze %dma_start3A_352 : memref<1x128xf32, #tpu.memory_space<vmem>> -> memref<128xf32, #tpu.memory_space<vmem>>
      %dma_start3A_354 = arith.constant 0 : i32
      %dma_start3A_355 = tpu.memref_slice %arg7[%add3A_340, %dma_start3A_354] : memref<80x128xi32, #tpu.memory_space<vmem>> -> memref<1x128xi32, #tpu.memory_space<vmem>>
      %dma_start3A_356 = tpu.memref_squeeze %dma_start3A_355 : memref<1x128xi32, #tpu.memory_space<vmem>> -> memref<128xi32, #tpu.memory_space<vmem>>
      %dma_start3A_357 = arith.constant 0 : i32
      %dma_start3A_358 = tpu.memref_slice %arg10[%dma_start3A_357] : memref<10240xf32, #tpu.memory_space<vmem_shared>> -> memref<10240xf32, #tpu.memory_space<vmem_shared>>
      tpu.enqueue_indirect_dma source(%dma_start3A_353 : memref<128xf32, #tpu.memory_space<vmem>>) target(%dma_start3A_358 : memref<10240xf32, #tpu.memory_space<vmem_shared>>) offsets(%dma_start3A_356 : memref<128xi32, #tpu.memory_space<vmem>>) semaphore(%arg19 : memref<!tpu.dma_semaphore, #tpu.memory_space<semaphore_mem>>) {add = true}
      %mul3A_359 = arith.constant 8 : i32
      %mul3A_360 = arith.muli %scan3A_336, %mul3A_359 : i32
      %add3A_361 = arith.constant 1 : i32
      %add3A_362 = arith.addi %mul3A_360, %add3A_361 : i32
      %dma_wait3A_363 = arith.constant 1 : i32
      %dma_wait3A_364 = arith.constant 0 : i32
      %dma_wait3A_365 = tpu.memref_slice %arg8[%dma_wait3A_363, %dma_wait3A_364] : memref<8x128xf32, #tpu.memory_space<vmem>> -> memref<1x128xf32, #tpu.memory_space<vmem>>
      %dma_wait3A_366 = tpu.memref_squeeze %dma_wait3A_365 : memref<1x128xf32, #tpu.memory_space<vmem>> -> memref<128xf32, #tpu.memory_space<vmem>>
      %dma_wait3A_367 = arith.constant 0 : i32
      %dma_wait3A_368 = tpu.memref_slice %arg6[%add3A_362, %dma_wait3A_367] : memref<80x128xi32, #tpu.memory_space<vmem>> -> memref<1x128xi32, #tpu.memory_space<vmem>>
      %dma_wait3A_369 = tpu.memref_squeeze %dma_wait3A_368 : memref<1x128xi32, #tpu.memory_space<vmem>> -> memref<128xi32, #tpu.memory_space<vmem>>
      %dma_wait3A_370 = arith.constant 0 : i32
      %dma_wait3A_371 = tpu.memref_slice %arg4[%dma_wait3A_370] : memref<10240xf32, #tpu.memory_space<hbm>> -> memref<10240xf32, #tpu.memory_space<hbm>>
      tpu.wait_indirect_dma semaphore(%arg12 : memref<!tpu.dma_semaphore, #tpu.memory_space<semaphore_mem>>) src(%dma_wait3A_371 : memref<10240xf32, #tpu.memory_space<hbm>>) dst(%dma_wait3A_366 : memref<128xf32, #tpu.memory_space<vmem>>)
      %dma_start3A_372 = arith.constant 1 : i32
      %dma_start3A_373 = arith.constant 0 : i32
      %dma_start3A_374 = tpu.memref_slice %arg8[%dma_start3A_372, %dma_start3A_373] : memref<8x128xf32, #tpu.memory_space<vmem>> -> memref<1x128xf32, #tpu.memory_space<vmem>>
      %dma_start3A_375 = tpu.memref_squeeze %dma_start3A_374 : memref<1x128xf32, #tpu.memory_space<vmem>> -> memref<128xf32, #tpu.memory_space<vmem>>
      %dma_start3A_376 = arith.constant 0 : i32
      %dma_start3A_377 = tpu.memref_slice %arg7[%add3A_362, %dma_start3A_376] : memref<80x128xi32, #tpu.memory_space<vmem>> -> memref<1x128xi32, #tpu.memory_space<vmem>>
      %dma_start3A_378 = tpu.memref_squeeze %dma_start3A_377 : memref<1x128xi32, #tpu.memory_space<vmem>> -> memref<128xi32, #tpu.memory_space<vmem>>
      %dma_start3A_379 = arith.constant 0 : i32
      %dma_start3A_380 = tpu.memref_slice %arg10[%dma_start3A_379] : memref<10240xf32, #tpu.memory_space<vmem_shared>> -> memref<10240xf32, #tpu.memory_space<vmem_shared>>
      tpu.enqueue_indirect_dma source(%dma_start3A_375 : memref<128xf32, #tpu.memory_space<vmem>>) target(%dma_start3A_380 : memref<10240xf32, #tpu.memory_space<vmem_shared>>) offsets(%dma_start3A_378 : memref<128xi32, #tpu.memory_space<vmem>>) semaphore(%arg20 : memref<!tpu.dma_semaphore, #tpu.memory_space<semaphore_mem>>) {add = true}
      %mul3A_381 = arith.constant 8 : i32
      %mul3A_382 = arith.muli %scan3A_336, %mul3A_381 : i32
      %add3A_383 = arith.constant 2 : i32
      %add3A_384 = arith.addi %mul3A_382, %add3A_383 : i32
      %dma_wait3A_385 = arith.constant 2 : i32
      %dma_wait3A_386 = arith.constant 0 : i32
      %dma_wait3A_387 = tpu.memref_slice %arg8[%dma_wait3A_385, %dma_wait3A_386] : memref<8x128xf32, #tpu.memory_space<vmem>> -> memref<1x128xf32, #tpu.memory_space<vmem>>
      %dma_wait3A_388 = tpu.memref_squeeze %dma_wait3A_387 : memref<1x128xf32, #tpu.memory_space<vmem>> -> memref<128xf32, #tpu.memory_space<vmem>>
      %dma_wait3A_389 = arith.constant 0 : i32
      %dma_wait3A_390 = tpu.memref_slice %arg6[%add3A_384, %dma_wait3A_389] : memref<80x128xi32, #tpu.memory_space<vmem>> -> memref<1x128xi32, #tpu.memory_space<vmem>>
      %dma_wait3A_391 = tpu.memref_squeeze %dma_wait3A_390 : memref<1x128xi32, #tpu.memory_space<vmem>> -> memref<128xi32, #tpu.memory_space<vmem>>
      %dma_wait3A_392 = arith.constant 0 : i32
      %dma_wait3A_393 = tpu.memref_slice %arg4[%dma_wait3A_392] : memref<10240xf32, #tpu.memory_space<hbm>> -> memref<10240xf32, #tpu.memory_space<hbm>>
      tpu.wait_indirect_dma semaphore(%arg13 : memref<!tpu.dma_semaphore, #tpu.memory_space<semaphore_mem>>) src(%dma_wait3A_393 : memref<10240xf32, #tpu.memory_space<hbm>>) dst(%dma_wait3A_388 : memref<128xf32, #tpu.memory_space<vmem>>)
      %dma_start3A_394 = arith.constant 2 : i32
      %dma_start3A_395 = arith.constant 0 : i32
      %dma_start3A_396 = tpu.memref_slice %arg8[%dma_start3A_394, %dma_start3A_395] : memref<8x128xf32, #tpu.memory_space<vmem>> -> memref<1x128xf32, #tpu.memory_space<vmem>>
      %dma_start3A_397 = tpu.memref_squeeze %dma_start3A_396 : memref<1x128xf32, #tpu.memory_space<vmem>> -> memref<128xf32, #tpu.memory_space<vmem>>
      %dma_start3A_398 = arith.constant 0 : i32
      %dma_start3A_399 = tpu.memref_slice %arg7[%add3A_384, %dma_start3A_398] : memref<80x128xi32, #tpu.memory_space<vmem>> -> memref<1x128xi32, #tpu.memory_space<vmem>>
      %dma_start3A_400 = tpu.memref_squeeze %dma_start3A_399 : memref<1x128xi32, #tpu.memory_space<vmem>> -> memref<128xi32, #tpu.memory_space<vmem>>
      %dma_start3A_401 = arith.constant 0 : i32
      %dma_start3A_402 = tpu.memref_slice %arg10[%dma_start3A_401] : memref<10240xf32, #tpu.memory_space<vmem_shared>> -> memref<10240xf32, #tpu.memory_space<vmem_shared>>
      tpu.enqueue_indirect_dma source(%dma_start3A_397 : memref<128xf32, #tpu.memory_space<vmem>>) target(%dma_start3A_402 : memref<10240xf32, #tpu.memory_space<vmem_shared>>) offsets(%dma_start3A_400 : memref<128xi32, #tpu.memory_space<vmem>>) semaphore(%arg21 : memref<!tpu.dma_semaphore, #tpu.memory_space<semaphore_mem>>) {add = true}
      %mul3A_403 = arith.constant 8 : i32
      %mul3A_404 = arith.muli %scan3A_336, %mul3A_403 : i32
      %add3A_405 = arith.constant 3 : i32
      %add3A_406 = arith.addi %mul3A_404, %add3A_405 : i32
      %dma_wait3A_407 = arith.constant 3 : i32
      %dma_wait3A_408 = arith.constant 0 : i32
      %dma_wait3A_409 = tpu.memref_slice %arg8[%dma_wait3A_407, %dma_wait3A_408] : memref<8x128xf32, #tpu.memory_space<vmem>> -> memref<1x128xf32, #tpu.memory_space<vmem>>
      %dma_wait3A_410 = tpu.memref_squeeze %dma_wait3A_409 : memref<1x128xf32, #tpu.memory_space<vmem>> -> memref<128xf32, #tpu.memory_space<vmem>>
      %dma_wait3A_411 = arith.constant 0 : i32
      %dma_wait3A_412 = tpu.memref_slice %arg6[%add3A_406, %dma_wait3A_411] : memref<80x128xi32, #tpu.memory_space<vmem>> -> memref<1x128xi32, #tpu.memory_space<vmem>>
      %dma_wait3A_413 = tpu.memref_squeeze %dma_wait3A_412 : memref<1x128xi32, #tpu.memory_space<vmem>> -> memref<128xi32, #tpu.memory_space<vmem>>
      %dma_wait3A_414 = arith.constant 0 : i32
      %dma_wait3A_415 = tpu.memref_slice %arg4[%dma_wait3A_414] : memref<10240xf32, #tpu.memory_space<hbm>> -> memref<10240xf32, #tpu.memory_space<hbm>>
      tpu.wait_indirect_dma semaphore(%arg14 : memref<!tpu.dma_semaphore, #tpu.memory_space<semaphore_mem>>) src(%dma_wait3A_415 : memref<10240xf32, #tpu.memory_space<hbm>>) dst(%dma_wait3A_410 : memref<128xf32, #tpu.memory_space<vmem>>)
      %dma_start3A_416 = arith.constant 3 : i32
      %dma_start3A_417 = arith.constant 0 : i32
      %dma_start3A_418 = tpu.memref_slice %arg8[%dma_start3A_416, %dma_start3A_417] : memref<8x128xf32, #tpu.memory_space<vmem>> -> memref<1x128xf32, #tpu.memory_space<vmem>>
      %dma_start3A_419 = tpu.memref_squeeze %dma_start3A_418 : memref<1x128xf32, #tpu.memory_space<vmem>> -> memref<128xf32, #tpu.memory_space<vmem>>
      %dma_start3A_420 = arith.constant 0 : i32
      %dma_start3A_421 = tpu.memref_slice %arg7[%add3A_406, %dma_start3A_420] : memref<80x128xi32, #tpu.memory_space<vmem>> -> memref<1x128xi32, #tpu.memory_space<vmem>>
      %dma_start3A_422 = tpu.memref_squeeze %dma_start3A_421 : memref<1x128xi32, #tpu.memory_space<vmem>> -> memref<128xi32, #tpu.memory_space<vmem>>
      %dma_start3A_423 = arith.constant 0 : i32
      %dma_start3A_424 = tpu.memref_slice %arg10[%dma_start3A_423] : memref<10240xf32, #tpu.memory_space<vmem_shared>> -> memref<10240xf32, #tpu.memory_space<vmem_shared>>
      tpu.enqueue_indirect_dma source(%dma_start3A_419 : memref<128xf32, #tpu.memory_space<vmem>>) target(%dma_start3A_424 : memref<10240xf32, #tpu.memory_space<vmem_shared>>) offsets(%dma_start3A_422 : memref<128xi32, #tpu.memory_space<vmem>>) semaphore(%arg22 : memref<!tpu.dma_semaphore, #tpu.memory_space<semaphore_mem>>) {add = true}
      %mul3A_425 = arith.constant 8 : i32
      %mul3A_426 = arith.muli %scan3A_336, %mul3A_425 : i32
      %add3A_427 = arith.constant 4 : i32
      %add3A_428 = arith.addi %mul3A_426, %add3A_427 : i32
      %dma_wait3A_429 = arith.constant 4 : i32
      %dma_wait3A_430 = arith.constant 0 : i32
      %dma_wait3A_431 = tpu.memref_slice %arg8[%dma_wait3A_429, %dma_wait3A_430] : memref<8x128xf32, #tpu.memory_space<vmem>> -> memref<1x128xf32, #tpu.memory_space<vmem>>
      %dma_wait3A_432 = tpu.memref_squeeze %dma_wait3A_431 : memref<1x128xf32, #tpu.memory_space<vmem>> -> memref<128xf32, #tpu.memory_space<vmem>>
      %dma_wait3A_433 = arith.constant 0 : i32
      %dma_wait3A_434 = tpu.memref_slice %arg6[%add3A_428, %dma_wait3A_433] : memref<80x128xi32, #tpu.memory_space<vmem>> -> memref<1x128xi32, #tpu.memory_space<vmem>>
      %dma_wait3A_435 = tpu.memref_squeeze %dma_wait3A_434 : memref<1x128xi32, #tpu.memory_space<vmem>> -> memref<128xi32, #tpu.memory_space<vmem>>
      %dma_wait3A_436 = arith.constant 0 : i32
      %dma_wait3A_437 = tpu.memref_slice %arg4[%dma_wait3A_436] : memref<10240xf32, #tpu.memory_space<hbm>> -> memref<10240xf32, #tpu.memory_space<hbm>>
      tpu.wait_indirect_dma semaphore(%arg15 : memref<!tpu.dma_semaphore, #tpu.memory_space<semaphore_mem>>) src(%dma_wait3A_437 : memref<10240xf32, #tpu.memory_space<hbm>>) dst(%dma_wait3A_432 : memref<128xf32, #tpu.memory_space<vmem>>)
      %dma_start3A_438 = arith.constant 4 : i32
      %dma_start3A_439 = arith.constant 0 : i32
      %dma_start3A_440 = tpu.memref_slice %arg8[%dma_start3A_438, %dma_start3A_439] : memref<8x128xf32, #tpu.memory_space<vmem>> -> memref<1x128xf32, #tpu.memory_space<vmem>>
      %dma_start3A_441 = tpu.memref_squeeze %dma_start3A_440 : memref<1x128xf32, #tpu.memory_space<vmem>> -> memref<128xf32, #tpu.memory_space<vmem>>
      %dma_start3A_442 = arith.constant 0 : i32
      %dma_start3A_443 = tpu.memref_slice %arg7[%add3A_428, %dma_start3A_442] : memref<80x128xi32, #tpu.memory_space<vmem>> -> memref<1x128xi32, #tpu.memory_space<vmem>>
      %dma_start3A_444 = tpu.memref_squeeze %dma_start3A_443 : memref<1x128xi32, #tpu.memory_space<vmem>> -> memref<128xi32, #tpu.memory_space<vmem>>
      %dma_start3A_445 = arith.constant 0 : i32
      %dma_start3A_446 = tpu.memref_slice %arg10[%dma_start3A_445] : memref<10240xf32, #tpu.memory_space<vmem_shared>> -> memref<10240xf32, #tpu.memory_space<vmem_shared>>
      tpu.enqueue_indirect_dma source(%dma_start3A_441 : memref<128xf32, #tpu.memory_space<vmem>>) target(%dma_start3A_446 : memref<10240xf32, #tpu.memory_space<vmem_shared>>) offsets(%dma_start3A_444 : memref<128xi32, #tpu.memory_space<vmem>>) semaphore(%arg23 : memref<!tpu.dma_semaphore, #tpu.memory_space<semaphore_mem>>) {add = true}
      %mul3A_447 = arith.constant 8 : i32
      %mul3A_448 = arith.muli %scan3A_336, %mul3A_447 : i32
      %add3A_449 = arith.constant 5 : i32
      %add3A_450 = arith.addi %mul3A_448, %add3A_449 : i32
      %dma_wait3A_451 = arith.constant 5 : i32
      %dma_wait3A_452 = arith.constant 0 : i32
      %dma_wait3A_453 = tpu.memref_slice %arg8[%dma_wait3A_451, %dma_wait3A_452] : memref<8x128xf32, #tpu.memory_space<vmem>> -> memref<1x128xf32, #tpu.memory_space<vmem>>
      %dma_wait3A_454 = tpu.memref_squeeze %dma_wait3A_453 : memref<1x128xf32, #tpu.memory_space<vmem>> -> memref<128xf32, #tpu.memory_space<vmem>>
      %dma_wait3A_455 = arith.constant 0 : i32
      %dma_wait3A_456 = tpu.memref_slice %arg6[%add3A_450, %dma_wait3A_455] : memref<80x128xi32, #tpu.memory_space<vmem>> -> memref<1x128xi32, #tpu.memory_space<vmem>>
      %dma_wait3A_457 = tpu.memref_squeeze %dma_wait3A_456 : memref<1x128xi32, #tpu.memory_space<vmem>> -> memref<128xi32, #tpu.memory_space<vmem>>
      %dma_wait3A_458 = arith.constant 0 : i32
      %dma_wait3A_459 = tpu.memref_slice %arg4[%dma_wait3A_458] : memref<10240xf32, #tpu.memory_space<hbm>> -> memref<10240xf32, #tpu.memory_space<hbm>>
      tpu.wait_indirect_dma semaphore(%arg16 : memref<!tpu.dma_semaphore, #tpu.memory_space<semaphore_mem>>) src(%dma_wait3A_459 : memref<10240xf32, #tpu.memory_space<hbm>>) dst(%dma_wait3A_454 : memref<128xf32, #tpu.memory_space<vmem>>)
      %dma_start3A_460 = arith.constant 5 : i32
      %dma_start3A_461 = arith.constant 0 : i32
      %dma_start3A_462 = tpu.memref_slice %arg8[%dma_start3A_460, %dma_start3A_461] : memref<8x128xf32, #tpu.memory_space<vmem>> -> memref<1x128xf32, #tpu.memory_space<vmem>>
      %dma_start3A_463 = tpu.memref_squeeze %dma_start3A_462 : memref<1x128xf32, #tpu.memory_space<vmem>> -> memref<128xf32, #tpu.memory_space<vmem>>
      %dma_start3A_464 = arith.constant 0 : i32
      %dma_start3A_465 = tpu.memref_slice %arg7[%add3A_450, %dma_start3A_464] : memref<80x128xi32, #tpu.memory_space<vmem>> -> memref<1x128xi32, #tpu.memory_space<vmem>>
      %dma_start3A_466 = tpu.memref_squeeze %dma_start3A_465 : memref<1x128xi32, #tpu.memory_space<vmem>> -> memref<128xi32, #tpu.memory_space<vmem>>
      %dma_start3A_467 = arith.constant 0 : i32
      %dma_start3A_468 = tpu.memref_slice %arg10[%dma_start3A_467] : memref<10240xf32, #tpu.memory_space<vmem_shared>> -> memref<10240xf32, #tpu.memory_space<vmem_shared>>
      tpu.enqueue_indirect_dma source(%dma_start3A_463 : memref<128xf32, #tpu.memory_space<vmem>>) target(%dma_start3A_468 : memref<10240xf32, #tpu.memory_space<vmem_shared>>) offsets(%dma_start3A_466 : memref<128xi32, #tpu.memory_space<vmem>>) semaphore(%arg24 : memref<!tpu.dma_semaphore, #tpu.memory_space<semaphore_mem>>) {add = true}
      %mul3A_469 = arith.constant 8 : i32
      %mul3A_470 = arith.muli %scan3A_336, %mul3A_469 : i32
      %add3A_471 = arith.constant 6 : i32
      %add3A_472 = arith.addi %mul3A_470, %add3A_471 : i32
      %dma_wait3A_473 = arith.constant 6 : i32
      %dma_wait3A_474 = arith.constant 0 : i32
      %dma_wait3A_475 = tpu.memref_slice %arg8[%dma_wait3A_473, %dma_wait3A_474] : memref<8x128xf32, #tpu.memory_space<vmem>> -> memref<1x128xf32, #tpu.memory_space<vmem>>
      %dma_wait3A_476 = tpu.memref_squeeze %dma_wait3A_475 : memref<1x128xf32, #tpu.memory_space<vmem>> -> memref<128xf32, #tpu.memory_space<vmem>>
      %dma_wait3A_477 = arith.constant 0 : i32
      %dma_wait3A_478 = tpu.memref_slice %arg6[%add3A_472, %dma_wait3A_477] : memref<80x128xi32, #tpu.memory_space<vmem>> -> memref<1x128xi32, #tpu.memory_space<vmem>>
      %dma_wait3A_479 = tpu.memref_squeeze %dma_wait3A_478 : memref<1x128xi32, #tpu.memory_space<vmem>> -> memref<128xi32, #tpu.memory_space<vmem>>
      %dma_wait3A_480 = arith.constant 0 : i32
      %dma_wait3A_481 = tpu.memref_slice %arg4[%dma_wait3A_480] : memref<10240xf32, #tpu.memory_space<hbm>> -> memref<10240xf32, #tpu.memory_space<hbm>>
      tpu.wait_indirect_dma semaphore(%arg17 : memref<!tpu.dma_semaphore, #tpu.memory_space<semaphore_mem>>) src(%dma_wait3A_481 : memref<10240xf32, #tpu.memory_space<hbm>>) dst(%dma_wait3A_476 : memref<128xf32, #tpu.memory_space<vmem>>)
      %dma_start3A_482 = arith.constant 6 : i32
      %dma_start3A_483 = arith.constant 0 : i32
      %dma_start3A_484 = tpu.memref_slice %arg8[%dma_start3A_482, %dma_start3A_483] : memref<8x128xf32, #tpu.memory_space<vmem>> -> memref<1x128xf32, #tpu.memory_space<vmem>>
      %dma_start3A_485 = tpu.memref_squeeze %dma_start3A_484 : memref<1x128xf32, #tpu.memory_space<vmem>> -> memref<128xf32, #tpu.memory_space<vmem>>
      %dma_start3A_486 = arith.constant 0 : i32
      %dma_start3A_487 = tpu.memref_slice %arg7[%add3A_472, %dma_start3A_486] : memref<80x128xi32, #tpu.memory_space<vmem>> -> memref<1x128xi32, #tpu.memory_space<vmem>>
      %dma_start3A_488 = tpu.memref_squeeze %dma_start3A_487 : memref<1x128xi32, #tpu.memory_space<vmem>> -> memref<128xi32, #tpu.memory_space<vmem>>
      %dma_start3A_489 = arith.constant 0 : i32
      %dma_start3A_490 = tpu.memref_slice %arg10[%dma_start3A_489] : memref<10240xf32, #tpu.memory_space<vmem_shared>> -> memref<10240xf32, #tpu.memory_space<vmem_shared>>
      tpu.enqueue_indirect_dma source(%dma_start3A_485 : memref<128xf32, #tpu.memory_space<vmem>>) target(%dma_start3A_490 : memref<10240xf32, #tpu.memory_space<vmem_shared>>) offsets(%dma_start3A_488 : memref<128xi32, #tpu.memory_space<vmem>>) semaphore(%arg25 : memref<!tpu.dma_semaphore, #tpu.memory_space<semaphore_mem>>) {add = true}
      %mul3A_491 = arith.constant 8 : i32
      %mul3A_492 = arith.muli %scan3A_336, %mul3A_491 : i32
      %add3A_493 = arith.constant 7 : i32
      %add3A_494 = arith.addi %mul3A_492, %add3A_493 : i32
      %dma_wait3A_495 = arith.constant 7 : i32
      %dma_wait3A_496 = arith.constant 0 : i32
      %dma_wait3A_497 = tpu.memref_slice %arg8[%dma_wait3A_495, %dma_wait3A_496] : memref<8x128xf32, #tpu.memory_space<vmem>> -> memref<1x128xf32, #tpu.memory_space<vmem>>
      %dma_wait3A_498 = tpu.memref_squeeze %dma_wait3A_497 : memref<1x128xf32, #tpu.memory_space<vmem>> -> memref<128xf32, #tpu.memory_space<vmem>>
      %dma_wait3A_499 = arith.constant 0 : i32
      %dma_wait3A_500 = tpu.memref_slice %arg6[%add3A_494, %dma_wait3A_499] : memref<80x128xi32, #tpu.memory_space<vmem>> -> memref<1x128xi32, #tpu.memory_space<vmem>>
      %dma_wait3A_501 = tpu.memref_squeeze %dma_wait3A_500 : memref<1x128xi32, #tpu.memory_space<vmem>> -> memref<128xi32, #tpu.memory_space<vmem>>
      %dma_wait3A_502 = arith.constant 0 : i32
      %dma_wait3A_503 = tpu.memref_slice %arg4[%dma_wait3A_502] : memref<10240xf32, #tpu.memory_space<hbm>> -> memref<10240xf32, #tpu.memory_space<hbm>>
      tpu.wait_indirect_dma semaphore(%arg18 : memref<!tpu.dma_semaphore, #tpu.memory_space<semaphore_mem>>) src(%dma_wait3A_503 : memref<10240xf32, #tpu.memory_space<hbm>>) dst(%dma_wait3A_498 : memref<128xf32, #tpu.memory_space<vmem>>)
      %dma_start3A_504 = arith.constant 7 : i32
      %dma_start3A_505 = arith.constant 0 : i32
      %dma_start3A_506 = tpu.memref_slice %arg8[%dma_start3A_504, %dma_start3A_505] : memref<8x128xf32, #tpu.memory_space<vmem>> -> memref<1x128xf32, #tpu.memory_space<vmem>>
      %dma_start3A_507 = tpu.memref_squeeze %dma_start3A_506 : memref<1x128xf32, #tpu.memory_space<vmem>> -> memref<128xf32, #tpu.memory_space<vmem>>
      %dma_start3A_508 = arith.constant 0 : i32
      %dma_start3A_509 = tpu.memref_slice %arg7[%add3A_494, %dma_start3A_508] : memref<80x128xi32, #tpu.memory_space<vmem>> -> memref<1x128xi32, #tpu.memory_space<vmem>>
      %dma_start3A_510 = tpu.memref_squeeze %dma_start3A_509 : memref<1x128xi32, #tpu.memory_space<vmem>> -> memref<128xi32, #tpu.memory_space<vmem>>
      %dma_start3A_511 = arith.constant 0 : i32
      %dma_start3A_512 = tpu.memref_slice %arg10[%dma_start3A_511] : memref<10240xf32, #tpu.memory_space<vmem_shared>> -> memref<10240xf32, #tpu.memory_space<vmem_shared>>
      tpu.enqueue_indirect_dma source(%dma_start3A_507 : memref<128xf32, #tpu.memory_space<vmem>>) target(%dma_start3A_512 : memref<10240xf32, #tpu.memory_space<vmem_shared>>) offsets(%dma_start3A_510 : memref<128xi32, #tpu.memory_space<vmem>>) semaphore(%arg26 : memref<!tpu.dma_semaphore, #tpu.memory_space<semaphore_mem>>) {add = true}
      %mul3A_513 = arith.constant 8 : i32
      %mul3A_514 = arith.muli %scan3A_336, %mul3A_513 : i32
      %add3A_515 = arith.constant 0 : i32
      %add3A_516 = arith.addi %mul3A_514, %add3A_515 : i32
      %dma_wait3A_517 = arith.constant 0 : i32
      %dma_wait3A_518 = arith.constant 0 : i32
      %dma_wait3A_519 = tpu.memref_slice %arg8[%dma_wait3A_517, %dma_wait3A_518] : memref<8x128xf32, #tpu.memory_space<vmem>> -> memref<1x128xf32, #tpu.memory_space<vmem>>
      %dma_wait3A_520 = tpu.memref_squeeze %dma_wait3A_519 : memref<1x128xf32, #tpu.memory_space<vmem>> -> memref<128xf32, #tpu.memory_space<vmem>>
      %dma_wait3A_521 = arith.constant 0 : i32
      %dma_wait3A_522 = tpu.memref_slice %arg7[%add3A_516, %dma_wait3A_521] : memref<80x128xi32, #tpu.memory_space<vmem>> -> memref<1x128xi32, #tpu.memory_space<vmem>>
      %dma_wait3A_523 = tpu.memref_squeeze %dma_wait3A_522 : memref<1x128xi32, #tpu.memory_space<vmem>> -> memref<128xi32, #tpu.memory_space<vmem>>
      %dma_wait3A_524 = arith.constant 0 : i32
      %dma_wait3A_525 = tpu.memref_slice %arg10[%dma_wait3A_524] : memref<10240xf32, #tpu.memory_space<vmem_shared>> -> memref<10240xf32, #tpu.memory_space<vmem_shared>>
      tpu.wait_indirect_dma semaphore(%arg19 : memref<!tpu.dma_semaphore, #tpu.memory_space<semaphore_mem>>) src(%dma_wait3A_520 : memref<128xf32, #tpu.memory_space<vmem>>) dst(%dma_wait3A_525 : memref<10240xf32, #tpu.memory_space<vmem_shared>>)
      %add3A_526 = arith.constant 8 : i32
      %add3A_527 = arith.addi %add3A_516, %add3A_526 : i32
      %dma_start3A_528 = arith.constant 0 : i32
      %dma_start3A_529 = arith.constant 0 : i32
      %dma_start3A_530 = tpu.memref_slice %arg8[%dma_start3A_528, %dma_start3A_529] : memref<8x128xf32, #tpu.memory_space<vmem>> -> memref<1x128xf32, #tpu.memory_space<vmem>>
      %dma_start3A_531 = tpu.memref_squeeze %dma_start3A_530 : memref<1x128xf32, #tpu.memory_space<vmem>> -> memref<128xf32, #tpu.memory_space<vmem>>
      %dma_start3A_532 = arith.constant 0 : i32
      %dma_start3A_533 = tpu.memref_slice %arg6[%add3A_527, %dma_start3A_532] : memref<80x128xi32, #tpu.memory_space<vmem>> -> memref<1x128xi32, #tpu.memory_space<vmem>>
      %dma_start3A_534 = tpu.memref_squeeze %dma_start3A_533 : memref<1x128xi32, #tpu.memory_space<vmem>> -> memref<128xi32, #tpu.memory_space<vmem>>
      %dma_start3A_535 = arith.constant 0 : i32
      %dma_start3A_536 = tpu.memref_slice %arg4[%dma_start3A_535] : memref<10240xf32, #tpu.memory_space<hbm>> -> memref<10240xf32, #tpu.memory_space<hbm>>
      tpu.enqueue_indirect_dma source(%dma_start3A_536 : memref<10240xf32, #tpu.memory_space<hbm>>) target(%dma_start3A_531 : memref<128xf32, #tpu.memory_space<vmem>>) offsets(%dma_start3A_534 : memref<128xi32, #tpu.memory_space<vmem>>) semaphore(%arg11 : memref<!tpu.dma_semaphore, #tpu.memory_space<semaphore_mem>>)
      %mul3A_537 = arith.constant 8 : i32
      %mul3A_538 = arith.muli %scan3A_336, %mul3A_537 : i32
      %add3A_539 = arith.constant 1 : i32
      %add3A_540 = arith.addi %mul3A_538, %add3A_539 : i32
      %dma_wait3A_541 = arith.constant 1 : i32
      %dma_wait3A_542 = arith.constant 0 : i32
      %dma_wait3A_543 = tpu.memref_slice %arg8[%dma_wait3A_541, %dma_wait3A_542] : memref<8x128xf32, #tpu.memory_space<vmem>> -> memref<1x128xf32, #tpu.memory_space<vmem>>
      %dma_wait3A_544 = tpu.memref_squeeze %dma_wait3A_543 : memref<1x128xf32, #tpu.memory_space<vmem>> -> memref<128xf32, #tpu.memory_space<vmem>>
      %dma_wait3A_545 = arith.constant 0 : i32
      %dma_wait3A_546 = tpu.memref_slice %arg7[%add3A_540, %dma_wait3A_545] : memref<80x128xi32, #tpu.memory_space<vmem>> -> memref<1x128xi32, #tpu.memory_space<vmem>>
      %dma_wait3A_547 = tpu.memref_squeeze %dma_wait3A_546 : memref<1x128xi32, #tpu.memory_space<vmem>> -> memref<128xi32, #tpu.memory_space<vmem>>
      %dma_wait3A_548 = arith.constant 0 : i32
      %dma_wait3A_549 = tpu.memref_slice %arg10[%dma_wait3A_548] : memref<10240xf32, #tpu.memory_space<vmem_shared>> -> memref<10240xf32, #tpu.memory_space<vmem_shared>>
      tpu.wait_indirect_dma semaphore(%arg20 : memref<!tpu.dma_semaphore, #tpu.memory_space<semaphore_mem>>) src(%dma_wait3A_544 : memref<128xf32, #tpu.memory_space<vmem>>) dst(%dma_wait3A_549 : memref<10240xf32, #tpu.memory_space<vmem_shared>>)
      %add3A_550 = arith.constant 8 : i32
      %add3A_551 = arith.addi %add3A_540, %add3A_550 : i32
      %dma_start3A_552 = arith.constant 1 : i32
      %dma_start3A_553 = arith.constant 0 : i32
      %dma_start3A_554 = tpu.memref_slice %arg8[%dma_start3A_552, %dma_start3A_553] : memref<8x128xf32, #tpu.memory_space<vmem>> -> memref<1x128xf32, #tpu.memory_space<vmem>>
      %dma_start3A_555 = tpu.memref_squeeze %dma_start3A_554 : memref<1x128xf32, #tpu.memory_space<vmem>> -> memref<128xf32, #tpu.memory_space<vmem>>
      %dma_start3A_556 = arith.constant 0 : i32
      %dma_start3A_557 = tpu.memref_slice %arg6[%add3A_551, %dma_start3A_556] : memref<80x128xi32, #tpu.memory_space<vmem>> -> memref<1x128xi32, #tpu.memory_space<vmem>>
      %dma_start3A_558 = tpu.memref_squeeze %dma_start3A_557 : memref<1x128xi32, #tpu.memory_space<vmem>> -> memref<128xi32, #tpu.memory_space<vmem>>
      %dma_start3A_559 = arith.constant 0 : i32
      %dma_start3A_560 = tpu.memref_slice %arg4[%dma_start3A_559] : memref<10240xf32, #tpu.memory_space<hbm>> -> memref<10240xf32, #tpu.memory_space<hbm>>
      tpu.enqueue_indirect_dma source(%dma_start3A_560 : memref<10240xf32, #tpu.memory_space<hbm>>) target(%dma_start3A_555 : memref<128xf32, #tpu.memory_space<vmem>>) offsets(%dma_start3A_558 : memref<128xi32, #tpu.memory_space<vmem>>) semaphore(%arg12 : memref<!tpu.dma_semaphore, #tpu.memory_space<semaphore_mem>>)
      %mul3A_561 = arith.constant 8 : i32
      %mul3A_562 = arith.muli %scan3A_336, %mul3A_561 : i32
      %add3A_563 = arith.constant 2 : i32
      %add3A_564 = arith.addi %mul3A_562, %add3A_563 : i32
      %dma_wait3A_565 = arith.constant 2 : i32
      %dma_wait3A_566 = arith.constant 0 : i32
      %dma_wait3A_567 = tpu.memref_slice %arg8[%dma_wait3A_565, %dma_wait3A_566] : memref<8x128xf32, #tpu.memory_space<vmem>> -> memref<1x128xf32, #tpu.memory_space<vmem>>
      %dma_wait3A_568 = tpu.memref_squeeze %dma_wait3A_567 : memref<1x128xf32, #tpu.memory_space<vmem>> -> memref<128xf32, #tpu.memory_space<vmem>>
      %dma_wait3A_569 = arith.constant 0 : i32
      %dma_wait3A_570 = tpu.memref_slice %arg7[%add3A_564, %dma_wait3A_569] : memref<80x128xi32, #tpu.memory_space<vmem>> -> memref<1x128xi32, #tpu.memory_space<vmem>>
      %dma_wait3A_571 = tpu.memref_squeeze %dma_wait3A_570 : memref<1x128xi32, #tpu.memory_space<vmem>> -> memref<128xi32, #tpu.memory_space<vmem>>
      %dma_wait3A_572 = arith.constant 0 : i32
      %dma_wait3A_573 = tpu.memref_slice %arg10[%dma_wait3A_572] : memref<10240xf32, #tpu.memory_space<vmem_shared>> -> memref<10240xf32, #tpu.memory_space<vmem_shared>>
      tpu.wait_indirect_dma semaphore(%arg21 : memref<!tpu.dma_semaphore, #tpu.memory_space<semaphore_mem>>) src(%dma_wait3A_568 : memref<128xf32, #tpu.memory_space<vmem>>) dst(%dma_wait3A_573 : memref<10240xf32, #tpu.memory_space<vmem_shared>>)
      %add3A_574 = arith.constant 8 : i32
      %add3A_575 = arith.addi %add3A_564, %add3A_574 : i32
      %dma_start3A_576 = arith.constant 2 : i32
      %dma_start3A_577 = arith.constant 0 : i32
      %dma_start3A_578 = tpu.memref_slice %arg8[%dma_start3A_576, %dma_start3A_577] : memref<8x128xf32, #tpu.memory_space<vmem>> -> memref<1x128xf32, #tpu.memory_space<vmem>>
      %dma_start3A_579 = tpu.memref_squeeze %dma_start3A_578 : memref<1x128xf32, #tpu.memory_space<vmem>> -> memref<128xf32, #tpu.memory_space<vmem>>
      %dma_start3A_580 = arith.constant 0 : i32
      %dma_start3A_581 = tpu.memref_slice %arg6[%add3A_575, %dma_start3A_580] : memref<80x128xi32, #tpu.memory_space<vmem>> -> memref<1x128xi32, #tpu.memory_space<vmem>>
      %dma_start3A_582 = tpu.memref_squeeze %dma_start3A_581 : memref<1x128xi32, #tpu.memory_space<vmem>> -> memref<128xi32, #tpu.memory_space<vmem>>
      %dma_start3A_583 = arith.constant 0 : i32
      %dma_start3A_584 = tpu.memref_slice %arg4[%dma_start3A_583] : memref<10240xf32, #tpu.memory_space<hbm>> -> memref<10240xf32, #tpu.memory_space<hbm>>
      tpu.enqueue_indirect_dma source(%dma_start3A_584 : memref<10240xf32, #tpu.memory_space<hbm>>) target(%dma_start3A_579 : memref<128xf32, #tpu.memory_space<vmem>>) offsets(%dma_start3A_582 : memref<128xi32, #tpu.memory_space<vmem>>) semaphore(%arg13 : memref<!tpu.dma_semaphore, #tpu.memory_space<semaphore_mem>>)
      %mul3A_585 = arith.constant 8 : i32
      %mul3A_586 = arith.muli %scan3A_336, %mul3A_585 : i32
      %add3A_587 = arith.constant 3 : i32
      %add3A_588 = arith.addi %mul3A_586, %add3A_587 : i32
      %dma_wait3A_589 = arith.constant 3 : i32
      %dma_wait3A_590 = arith.constant 0 : i32
      %dma_wait3A_591 = tpu.memref_slice %arg8[%dma_wait3A_589, %dma_wait3A_590] : memref<8x128xf32, #tpu.memory_space<vmem>> -> memref<1x128xf32, #tpu.memory_space<vmem>>
      %dma_wait3A_592 = tpu.memref_squeeze %dma_wait3A_591 : memref<1x128xf32, #tpu.memory_space<vmem>> -> memref<128xf32, #tpu.memory_space<vmem>>
      %dma_wait3A_593 = arith.constant 0 : i32
      %dma_wait3A_594 = tpu.memref_slice %arg7[%add3A_588, %dma_wait3A_593] : memref<80x128xi32, #tpu.memory_space<vmem>> -> memref<1x128xi32, #tpu.memory_space<vmem>>
      %dma_wait3A_595 = tpu.memref_squeeze %dma_wait3A_594 : memref<1x128xi32, #tpu.memory_space<vmem>> -> memref<128xi32, #tpu.memory_space<vmem>>
      %dma_wait3A_596 = arith.constant 0 : i32
      %dma_wait3A_597 = tpu.memref_slice %arg10[%dma_wait3A_596] : memref<10240xf32, #tpu.memory_space<vmem_shared>> -> memref<10240xf32, #tpu.memory_space<vmem_shared>>
      tpu.wait_indirect_dma semaphore(%arg22 : memref<!tpu.dma_semaphore, #tpu.memory_space<semaphore_mem>>) src(%dma_wait3A_592 : memref<128xf32, #tpu.memory_space<vmem>>) dst(%dma_wait3A_597 : memref<10240xf32, #tpu.memory_space<vmem_shared>>)
      %add3A_598 = arith.constant 8 : i32
      %add3A_599 = arith.addi %add3A_588, %add3A_598 : i32
      %dma_start3A_600 = arith.constant 3 : i32
      %dma_start3A_601 = arith.constant 0 : i32
      %dma_start3A_602 = tpu.memref_slice %arg8[%dma_start3A_600, %dma_start3A_601] : memref<8x128xf32, #tpu.memory_space<vmem>> -> memref<1x128xf32, #tpu.memory_space<vmem>>
      %dma_start3A_603 = tpu.memref_squeeze %dma_start3A_602 : memref<1x128xf32, #tpu.memory_space<vmem>> -> memref<128xf32, #tpu.memory_space<vmem>>
      %dma_start3A_604 = arith.constant 0 : i32
      %dma_start3A_605 = tpu.memref_slice %arg6[%add3A_599, %dma_start3A_604] : memref<80x128xi32, #tpu.memory_space<vmem>> -> memref<1x128xi32, #tpu.memory_space<vmem>>
      %dma_start3A_606 = tpu.memref_squeeze %dma_start3A_605 : memref<1x128xi32, #tpu.memory_space<vmem>> -> memref<128xi32, #tpu.memory_space<vmem>>
      %dma_start3A_607 = arith.constant 0 : i32
      %dma_start3A_608 = tpu.memref_slice %arg4[%dma_start3A_607] : memref<10240xf32, #tpu.memory_space<hbm>> -> memref<10240xf32, #tpu.memory_space<hbm>>
      tpu.enqueue_indirect_dma source(%dma_start3A_608 : memref<10240xf32, #tpu.memory_space<hbm>>) target(%dma_start3A_603 : memref<128xf32, #tpu.memory_space<vmem>>) offsets(%dma_start3A_606 : memref<128xi32, #tpu.memory_space<vmem>>) semaphore(%arg14 : memref<!tpu.dma_semaphore, #tpu.memory_space<semaphore_mem>>)
      %mul3A_609 = arith.constant 8 : i32
      %mul3A_610 = arith.muli %scan3A_336, %mul3A_609 : i32
      %add3A_611 = arith.constant 4 : i32
      %add3A_612 = arith.addi %mul3A_610, %add3A_611 : i32
      %dma_wait3A_613 = arith.constant 4 : i32
      %dma_wait3A_614 = arith.constant 0 : i32
      %dma_wait3A_615 = tpu.memref_slice %arg8[%dma_wait3A_613, %dma_wait3A_614] : memref<8x128xf32, #tpu.memory_space<vmem>> -> memref<1x128xf32, #tpu.memory_space<vmem>>
      %dma_wait3A_616 = tpu.memref_squeeze %dma_wait3A_615 : memref<1x128xf32, #tpu.memory_space<vmem>> -> memref<128xf32, #tpu.memory_space<vmem>>
      %dma_wait3A_617 = arith.constant 0 : i32
      %dma_wait3A_618 = tpu.memref_slice %arg7[%add3A_612, %dma_wait3A_617] : memref<80x128xi32, #tpu.memory_space<vmem>> -> memref<1x128xi32, #tpu.memory_space<vmem>>
      %dma_wait3A_619 = tpu.memref_squeeze %dma_wait3A_618 : memref<1x128xi32, #tpu.memory_space<vmem>> -> memref<128xi32, #tpu.memory_space<vmem>>
      %dma_wait3A_620 = arith.constant 0 : i32
      %dma_wait3A_621 = tpu.memref_slice %arg10[%dma_wait3A_620] : memref<10240xf32, #tpu.memory_space<vmem_shared>> -> memref<10240xf32, #tpu.memory_space<vmem_shared>>
      tpu.wait_indirect_dma semaphore(%arg23 : memref<!tpu.dma_semaphore, #tpu.memory_space<semaphore_mem>>) src(%dma_wait3A_616 : memref<128xf32, #tpu.memory_space<vmem>>) dst(%dma_wait3A_621 : memref<10240xf32, #tpu.memory_space<vmem_shared>>)
      %add3A_622 = arith.constant 8 : i32
      %add3A_623 = arith.addi %add3A_612, %add3A_622 : i32
      %dma_start3A_624 = arith.constant 4 : i32
      %dma_start3A_625 = arith.constant 0 : i32
      %dma_start3A_626 = tpu.memref_slice %arg8[%dma_start3A_624, %dma_start3A_625] : memref<8x128xf32, #tpu.memory_space<vmem>> -> memref<1x128xf32, #tpu.memory_space<vmem>>
      %dma_start3A_627 = tpu.memref_squeeze %dma_start3A_626 : memref<1x128xf32, #tpu.memory_space<vmem>> -> memref<128xf32, #tpu.memory_space<vmem>>
      %dma_start3A_628 = arith.constant 0 : i32
      %dma_start3A_629 = tpu.memref_slice %arg6[%add3A_623, %dma_start3A_628] : memref<80x128xi32, #tpu.memory_space<vmem>> -> memref<1x128xi32, #tpu.memory_space<vmem>>
      %dma_start3A_630 = tpu.memref_squeeze %dma_start3A_629 : memref<1x128xi32, #tpu.memory_space<vmem>> -> memref<128xi32, #tpu.memory_space<vmem>>
      %dma_start3A_631 = arith.constant 0 : i32
      %dma_start3A_632 = tpu.memref_slice %arg4[%dma_start3A_631] : memref<10240xf32, #tpu.memory_space<hbm>> -> memref<10240xf32, #tpu.memory_space<hbm>>
      tpu.enqueue_indirect_dma source(%dma_start3A_632 : memref<10240xf32, #tpu.memory_space<hbm>>) target(%dma_start3A_627 : memref<128xf32, #tpu.memory_space<vmem>>) offsets(%dma_start3A_630 : memref<128xi32, #tpu.memory_space<vmem>>) semaphore(%arg15 : memref<!tpu.dma_semaphore, #tpu.memory_space<semaphore_mem>>)
      %mul3A_633 = arith.constant 8 : i32
      %mul3A_634 = arith.muli %scan3A_336, %mul3A_633 : i32
      %add3A_635 = arith.constant 5 : i32
      %add3A_636 = arith.addi %mul3A_634, %add3A_635 : i32
      %dma_wait3A_637 = arith.constant 5 : i32
      %dma_wait3A_638 = arith.constant 0 : i32
      %dma_wait3A_639 = tpu.memref_slice %arg8[%dma_wait3A_637, %dma_wait3A_638] : memref<8x128xf32, #tpu.memory_space<vmem>> -> memref<1x128xf32, #tpu.memory_space<vmem>>
      %dma_wait3A_640 = tpu.memref_squeeze %dma_wait3A_639 : memref<1x128xf32, #tpu.memory_space<vmem>> -> memref<128xf32, #tpu.memory_space<vmem>>
      %dma_wait3A_641 = arith.constant 0 : i32
      %dma_wait3A_642 = tpu.memref_slice %arg7[%add3A_636, %dma_wait3A_641] : memref<80x128xi32, #tpu.memory_space<vmem>> -> memref<1x128xi32, #tpu.memory_space<vmem>>
      %dma_wait3A_643 = tpu.memref_squeeze %dma_wait3A_642 : memref<1x128xi32, #tpu.memory_space<vmem>> -> memref<128xi32, #tpu.memory_space<vmem>>
      %dma_wait3A_644 = arith.constant 0 : i32
      %dma_wait3A_645 = tpu.memref_slice %arg10[%dma_wait3A_644] : memref<10240xf32, #tpu.memory_space<vmem_shared>> -> memref<10240xf32, #tpu.memory_space<vmem_shared>>
      tpu.wait_indirect_dma semaphore(%arg24 : memref<!tpu.dma_semaphore, #tpu.memory_space<semaphore_mem>>) src(%dma_wait3A_640 : memref<128xf32, #tpu.memory_space<vmem>>) dst(%dma_wait3A_645 : memref<10240xf32, #tpu.memory_space<vmem_shared>>)
      %add3A_646 = arith.constant 8 : i32
      %add3A_647 = arith.addi %add3A_636, %add3A_646 : i32
      %dma_start3A_648 = arith.constant 5 : i32
      %dma_start3A_649 = arith.constant 0 : i32
      %dma_start3A_650 = tpu.memref_slice %arg8[%dma_start3A_648, %dma_start3A_649] : memref<8x128xf32, #tpu.memory_space<vmem>> -> memref<1x128xf32, #tpu.memory_space<vmem>>
      %dma_start3A_651 = tpu.memref_squeeze %dma_start3A_650 : memref<1x128xf32, #tpu.memory_space<vmem>> -> memref<128xf32, #tpu.memory_space<vmem>>
      %dma_start3A_652 = arith.constant 0 : i32
      %dma_start3A_653 = tpu.memref_slice %arg6[%add3A_647, %dma_start3A_652] : memref<80x128xi32, #tpu.memory_space<vmem>> -> memref<1x128xi32, #tpu.memory_space<vmem>>
      %dma_start3A_654 = tpu.memref_squeeze %dma_start3A_653 : memref<1x128xi32, #tpu.memory_space<vmem>> -> memref<128xi32, #tpu.memory_space<vmem>>
      %dma_start3A_655 = arith.constant 0 : i32
      %dma_start3A_656 = tpu.memref_slice %arg4[%dma_start3A_655] : memref<10240xf32, #tpu.memory_space<hbm>> -> memref<10240xf32, #tpu.memory_space<hbm>>
      tpu.enqueue_indirect_dma source(%dma_start3A_656 : memref<10240xf32, #tpu.memory_space<hbm>>) target(%dma_start3A_651 : memref<128xf32, #tpu.memory_space<vmem>>) offsets(%dma_start3A_654 : memref<128xi32, #tpu.memory_space<vmem>>) semaphore(%arg16 : memref<!tpu.dma_semaphore, #tpu.memory_space<semaphore_mem>>)
      %mul3A_657 = arith.constant 8 : i32
      %mul3A_658 = arith.muli %scan3A_336, %mul3A_657 : i32
      %add3A_659 = arith.constant 6 : i32
      %add3A_660 = arith.addi %mul3A_658, %add3A_659 : i32
      %dma_wait3A_661 = arith.constant 6 : i32
      %dma_wait3A_662 = arith.constant 0 : i32
      %dma_wait3A_663 = tpu.memref_slice %arg8[%dma_wait3A_661, %dma_wait3A_662] : memref<8x128xf32, #tpu.memory_space<vmem>> -> memref<1x128xf32, #tpu.memory_space<vmem>>
      %dma_wait3A_664 = tpu.memref_squeeze %dma_wait3A_663 : memref<1x128xf32, #tpu.memory_space<vmem>> -> memref<128xf32, #tpu.memory_space<vmem>>
      %dma_wait3A_665 = arith.constant 0 : i32
      %dma_wait3A_666 = tpu.memref_slice %arg7[%add3A_660, %dma_wait3A_665] : memref<80x128xi32, #tpu.memory_space<vmem>> -> memref<1x128xi32, #tpu.memory_space<vmem>>
      %dma_wait3A_667 = tpu.memref_squeeze %dma_wait3A_666 : memref<1x128xi32, #tpu.memory_space<vmem>> -> memref<128xi32, #tpu.memory_space<vmem>>
      %dma_wait3A_668 = arith.constant 0 : i32
      %dma_wait3A_669 = tpu.memref_slice %arg10[%dma_wait3A_668] : memref<10240xf32, #tpu.memory_space<vmem_shared>> -> memref<10240xf32, #tpu.memory_space<vmem_shared>>
      tpu.wait_indirect_dma semaphore(%arg25 : memref<!tpu.dma_semaphore, #tpu.memory_space<semaphore_mem>>) src(%dma_wait3A_664 : memref<128xf32, #tpu.memory_space<vmem>>) dst(%dma_wait3A_669 : memref<10240xf32, #tpu.memory_space<vmem_shared>>)
      %add3A_670 = arith.constant 8 : i32
      %add3A_671 = arith.addi %add3A_660, %add3A_670 : i32
      %dma_start3A_672 = arith.constant 6 : i32
      %dma_start3A_673 = arith.constant 0 : i32
      %dma_start3A_674 = tpu.memref_slice %arg8[%dma_start3A_672, %dma_start3A_673] : memref<8x128xf32, #tpu.memory_space<vmem>> -> memref<1x128xf32, #tpu.memory_space<vmem>>
      %dma_start3A_675 = tpu.memref_squeeze %dma_start3A_674 : memref<1x128xf32, #tpu.memory_space<vmem>> -> memref<128xf32, #tpu.memory_space<vmem>>
      %dma_start3A_676 = arith.constant 0 : i32
      %dma_start3A_677 = tpu.memref_slice %arg6[%add3A_671, %dma_start3A_676] : memref<80x128xi32, #tpu.memory_space<vmem>> -> memref<1x128xi32, #tpu.memory_space<vmem>>
      %dma_start3A_678 = tpu.memref_squeeze %dma_start3A_677 : memref<1x128xi32, #tpu.memory_space<vmem>> -> memref<128xi32, #tpu.memory_space<vmem>>
      %dma_start3A_679 = arith.constant 0 : i32
      %dma_start3A_680 = tpu.memref_slice %arg4[%dma_start3A_679] : memref<10240xf32, #tpu.memory_space<hbm>> -> memref<10240xf32, #tpu.memory_space<hbm>>
      tpu.enqueue_indirect_dma source(%dma_start3A_680 : memref<10240xf32, #tpu.memory_space<hbm>>) target(%dma_start3A_675 : memref<128xf32, #tpu.memory_space<vmem>>) offsets(%dma_start3A_678 : memref<128xi32, #tpu.memory_space<vmem>>) semaphore(%arg17 : memref<!tpu.dma_semaphore, #tpu.memory_space<semaphore_mem>>)
      %mul3A_681 = arith.constant 8 : i32
      %mul3A_682 = arith.muli %scan3A_336, %mul3A_681 : i32
      %add3A_683 = arith.constant 7 : i32
      %add3A_684 = arith.addi %mul3A_682, %add3A_683 : i32
      %dma_wait3A_685 = arith.constant 7 : i32
      %dma_wait3A_686 = arith.constant 0 : i32
      %dma_wait3A_687 = tpu.memref_slice %arg8[%dma_wait3A_685, %dma_wait3A_686] : memref<8x128xf32, #tpu.memory_space<vmem>> -> memref<1x128xf32, #tpu.memory_space<vmem>>
      %dma_wait3A_688 = tpu.memref_squeeze %dma_wait3A_687 : memref<1x128xf32, #tpu.memory_space<vmem>> -> memref<128xf32, #tpu.memory_space<vmem>>
      %dma_wait3A_689 = arith.constant 0 : i32
      %dma_wait3A_690 = tpu.memref_slice %arg7[%add3A_684, %dma_wait3A_689] : memref<80x128xi32, #tpu.memory_space<vmem>> -> memref<1x128xi32, #tpu.memory_space<vmem>>
      %dma_wait3A_691 = tpu.memref_squeeze %dma_wait3A_690 : memref<1x128xi32, #tpu.memory_space<vmem>> -> memref<128xi32, #tpu.memory_space<vmem>>
      %dma_wait3A_692 = arith.constant 0 : i32
      %dma_wait3A_693 = tpu.memref_slice %arg10[%dma_wait3A_692] : memref<10240xf32, #tpu.memory_space<vmem_shared>> -> memref<10240xf32, #tpu.memory_space<vmem_shared>>
      tpu.wait_indirect_dma semaphore(%arg26 : memref<!tpu.dma_semaphore, #tpu.memory_space<semaphore_mem>>) src(%dma_wait3A_688 : memref<128xf32, #tpu.memory_space<vmem>>) dst(%dma_wait3A_693 : memref<10240xf32, #tpu.memory_space<vmem_shared>>)
      %add3A_694 = arith.constant 8 : i32
      %add3A_695 = arith.addi %add3A_684, %add3A_694 : i32
      %dma_start3A_696 = arith.constant 7 : i32
      %dma_start3A_697 = arith.constant 0 : i32
      %dma_start3A_698 = tpu.memref_slice %arg8[%dma_start3A_696, %dma_start3A_697] : memref<8x128xf32, #tpu.memory_space<vmem>> -> memref<1x128xf32, #tpu.memory_space<vmem>>
      %dma_start3A_699 = tpu.memref_squeeze %dma_start3A_698 : memref<1x128xf32, #tpu.memory_space<vmem>> -> memref<128xf32, #tpu.memory_space<vmem>>
      %dma_start3A_700 = arith.constant 0 : i32
      %dma_start3A_701 = tpu.memref_slice %arg6[%add3A_695, %dma_start3A_700] : memref<80x128xi32, #tpu.memory_space<vmem>> -> memref<1x128xi32, #tpu.memory_space<vmem>>
      %dma_start3A_702 = tpu.memref_squeeze %dma_start3A_701 : memref<1x128xi32, #tpu.memory_space<vmem>> -> memref<128xi32, #tpu.memory_space<vmem>>
      %dma_start3A_703 = arith.constant 0 : i32
      %dma_start3A_704 = tpu.memref_slice %arg4[%dma_start3A_703] : memref<10240xf32, #tpu.memory_space<hbm>> -> memref<10240xf32, #tpu.memory_space<hbm>>
      tpu.enqueue_indirect_dma source(%dma_start3A_704 : memref<10240xf32, #tpu.memory_space<hbm>>) target(%dma_start3A_699 : memref<128xf32, #tpu.memory_space<vmem>>) offsets(%dma_start3A_702 : memref<128xi32, #tpu.memory_space<vmem>>) semaphore(%arg18 : memref<!tpu.dma_semaphore, #tpu.memory_space<semaphore_mem>>)
    }
    %scan3A_93 = arith.constant 9 : i32
    %dma_wait3A = arith.constant 72 : i32
    %dma_wait3A_94 = arith.constant 0 : i32
    %dma_wait3A_95 = arith.constant 0 : i32
    %dma_wait3A_96 = tpu.memref_slice %arg8[%dma_wait3A_94, %dma_wait3A_95] : memref<8x128xf32, #tpu.memory_space<vmem>> -> memref<1x128xf32, #tpu.memory_space<vmem>>
    %dma_wait3A_97 = tpu.memref_squeeze %dma_wait3A_96 : memref<1x128xf32, #tpu.memory_space<vmem>> -> memref<128xf32, #tpu.memory_space<vmem>>
    %dma_wait3A_98 = arith.constant 0 : i32
    %dma_wait3A_99 = tpu.memref_slice %arg6[%dma_wait3A, %dma_wait3A_98] : memref<80x128xi32, #tpu.memory_space<vmem>> -> memref<1x128xi32, #tpu.memory_space<vmem>>
    %dma_wait3A_100 = tpu.memref_squeeze %dma_wait3A_99 : memref<1x128xi32, #tpu.memory_space<vmem>> -> memref<128xi32, #tpu.memory_space<vmem>>
    %dma_wait3A_101 = arith.constant 0 : i32
    %dma_wait3A_102 = tpu.memref_slice %arg4[%dma_wait3A_101] : memref<10240xf32, #tpu.memory_space<hbm>> -> memref<10240xf32, #tpu.memory_space<hbm>>
    tpu.wait_indirect_dma semaphore(%arg11 : memref<!tpu.dma_semaphore, #tpu.memory_space<semaphore_mem>>) src(%dma_wait3A_102 : memref<10240xf32, #tpu.memory_space<hbm>>) dst(%dma_wait3A_97 : memref<128xf32, #tpu.memory_space<vmem>>)
    %dma_start3A_103 = arith.constant 0 : i32
    %dma_start3A_104 = arith.constant 72 : i32
    %dma_start3A_105 = arith.constant 0 : i32
    %dma_start3A_106 = tpu.memref_slice %arg8[%dma_start3A_103, %dma_start3A_105] : memref<8x128xf32, #tpu.memory_space<vmem>> -> memref<1x128xf32, #tpu.memory_space<vmem>>
    %dma_start3A_107 = tpu.memref_squeeze %dma_start3A_106 : memref<1x128xf32, #tpu.memory_space<vmem>> -> memref<128xf32, #tpu.memory_space<vmem>>
    %dma_start3A_108 = arith.constant 0 : i32
    %dma_start3A_109 = tpu.memref_slice %arg7[%dma_start3A_104, %dma_start3A_108] : memref<80x128xi32, #tpu.memory_space<vmem>> -> memref<1x128xi32, #tpu.memory_space<vmem>>
    %dma_start3A_110 = tpu.memref_squeeze %dma_start3A_109 : memref<1x128xi32, #tpu.memory_space<vmem>> -> memref<128xi32, #tpu.memory_space<vmem>>
    %dma_start3A_111 = arith.constant 0 : i32
    %dma_start3A_112 = tpu.memref_slice %arg10[%dma_start3A_111] : memref<10240xf32, #tpu.memory_space<vmem_shared>> -> memref<10240xf32, #tpu.memory_space<vmem_shared>>
    tpu.enqueue_indirect_dma source(%dma_start3A_107 : memref<128xf32, #tpu.memory_space<vmem>>) target(%dma_start3A_112 : memref<10240xf32, #tpu.memory_space<vmem_shared>>) offsets(%dma_start3A_110 : memref<128xi32, #tpu.memory_space<vmem>>) semaphore(%arg19 : memref<!tpu.dma_semaphore, #tpu.memory_space<semaphore_mem>>) {add = true}
    %dma_wait3A_113 = arith.constant 73 : i32
    %dma_wait3A_114 = arith.constant 1 : i32
    %dma_wait3A_115 = arith.constant 0 : i32
    %dma_wait3A_116 = tpu.memref_slice %arg8[%dma_wait3A_114, %dma_wait3A_115] : memref<8x128xf32, #tpu.memory_space<vmem>> -> memref<1x128xf32, #tpu.memory_space<vmem>>
    %dma_wait3A_117 = tpu.memref_squeeze %dma_wait3A_116 : memref<1x128xf32, #tpu.memory_space<vmem>> -> memref<128xf32, #tpu.memory_space<vmem>>
    %dma_wait3A_118 = arith.constant 0 : i32
    %dma_wait3A_119 = tpu.memref_slice %arg6[%dma_wait3A_113, %dma_wait3A_118] : memref<80x128xi32, #tpu.memory_space<vmem>> -> memref<1x128xi32, #tpu.memory_space<vmem>>
    %dma_wait3A_120 = tpu.memref_squeeze %dma_wait3A_119 : memref<1x128xi32, #tpu.memory_space<vmem>> -> memref<128xi32, #tpu.memory_space<vmem>>
    %dma_wait3A_121 = arith.constant 0 : i32
    %dma_wait3A_122 = tpu.memref_slice %arg4[%dma_wait3A_121] : memref<10240xf32, #tpu.memory_space<hbm>> -> memref<10240xf32, #tpu.memory_space<hbm>>
    tpu.wait_indirect_dma semaphore(%arg12 : memref<!tpu.dma_semaphore, #tpu.memory_space<semaphore_mem>>) src(%dma_wait3A_122 : memref<10240xf32, #tpu.memory_space<hbm>>) dst(%dma_wait3A_117 : memref<128xf32, #tpu.memory_space<vmem>>)
    %dma_start3A_123 = arith.constant 1 : i32
    %dma_start3A_124 = arith.constant 73 : i32
    %dma_start3A_125 = arith.constant 0 : i32
    %dma_start3A_126 = tpu.memref_slice %arg8[%dma_start3A_123, %dma_start3A_125] : memref<8x128xf32, #tpu.memory_space<vmem>> -> memref<1x128xf32, #tpu.memory_space<vmem>>
    %dma_start3A_127 = tpu.memref_squeeze %dma_start3A_126 : memref<1x128xf32, #tpu.memory_space<vmem>> -> memref<128xf32, #tpu.memory_space<vmem>>
    %dma_start3A_128 = arith.constant 0 : i32
    %dma_start3A_129 = tpu.memref_slice %arg7[%dma_start3A_124, %dma_start3A_128] : memref<80x128xi32, #tpu.memory_space<vmem>> -> memref<1x128xi32, #tpu.memory_space<vmem>>
    %dma_start3A_130 = tpu.memref_squeeze %dma_start3A_129 : memref<1x128xi32, #tpu.memory_space<vmem>> -> memref<128xi32, #tpu.memory_space<vmem>>
    %dma_start3A_131 = arith.constant 0 : i32
    %dma_start3A_132 = tpu.memref_slice %arg10[%dma_start3A_131] : memref<10240xf32, #tpu.memory_space<vmem_shared>> -> memref<10240xf32, #tpu.memory_space<vmem_shared>>
    tpu.enqueue_indirect_dma source(%dma_start3A_127 : memref<128xf32, #tpu.memory_space<vmem>>) target(%dma_start3A_132 : memref<10240xf32, #tpu.memory_space<vmem_shared>>) offsets(%dma_start3A_130 : memref<128xi32, #tpu.memory_space<vmem>>) semaphore(%arg20 : memref<!tpu.dma_semaphore, #tpu.memory_space<semaphore_mem>>) {add = true}
    %dma_wait3A_133 = arith.constant 74 : i32
    %dma_wait3A_134 = arith.constant 2 : i32
    %dma_wait3A_135 = arith.constant 0 : i32
    %dma_wait3A_136 = tpu.memref_slice %arg8[%dma_wait3A_134, %dma_wait3A_135] : memref<8x128xf32, #tpu.memory_space<vmem>> -> memref<1x128xf32, #tpu.memory_space<vmem>>
    %dma_wait3A_137 = tpu.memref_squeeze %dma_wait3A_136 : memref<1x128xf32, #tpu.memory_space<vmem>> -> memref<128xf32, #tpu.memory_space<vmem>>
    %dma_wait3A_138 = arith.constant 0 : i32
    %dma_wait3A_139 = tpu.memref_slice %arg6[%dma_wait3A_133, %dma_wait3A_138] : memref<80x128xi32, #tpu.memory_space<vmem>> -> memref<1x128xi32, #tpu.memory_space<vmem>>
    %dma_wait3A_140 = tpu.memref_squeeze %dma_wait3A_139 : memref<1x128xi32, #tpu.memory_space<vmem>> -> memref<128xi32, #tpu.memory_space<vmem>>
    %dma_wait3A_141 = arith.constant 0 : i32
    %dma_wait3A_142 = tpu.memref_slice %arg4[%dma_wait3A_141] : memref<10240xf32, #tpu.memory_space<hbm>> -> memref<10240xf32, #tpu.memory_space<hbm>>
    tpu.wait_indirect_dma semaphore(%arg13 : memref<!tpu.dma_semaphore, #tpu.memory_space<semaphore_mem>>) src(%dma_wait3A_142 : memref<10240xf32, #tpu.memory_space<hbm>>) dst(%dma_wait3A_137 : memref<128xf32, #tpu.memory_space<vmem>>)
    %dma_start3A_143 = arith.constant 2 : i32
    %dma_start3A_144 = arith.constant 74 : i32
    %dma_start3A_145 = arith.constant 0 : i32
    %dma_start3A_146 = tpu.memref_slice %arg8[%dma_start3A_143, %dma_start3A_145] : memref<8x128xf32, #tpu.memory_space<vmem>> -> memref<1x128xf32, #tpu.memory_space<vmem>>
    %dma_start3A_147 = tpu.memref_squeeze %dma_start3A_146 : memref<1x128xf32, #tpu.memory_space<vmem>> -> memref<128xf32, #tpu.memory_space<vmem>>
    %dma_start3A_148 = arith.constant 0 : i32
    %dma_start3A_149 = tpu.memref_slice %arg7[%dma_start3A_144, %dma_start3A_148] : memref<80x128xi32, #tpu.memory_space<vmem>> -> memref<1x128xi32, #tpu.memory_space<vmem>>
    %dma_start3A_150 = tpu.memref_squeeze %dma_start3A_149 : memref<1x128xi32, #tpu.memory_space<vmem>> -> memref<128xi32, #tpu.memory_space<vmem>>
    %dma_start3A_151 = arith.constant 0 : i32
    %dma_start3A_152 = tpu.memref_slice %arg10[%dma_start3A_151] : memref<10240xf32, #tpu.memory_space<vmem_shared>> -> memref<10240xf32, #tpu.memory_space<vmem_shared>>
    tpu.enqueue_indirect_dma source(%dma_start3A_147 : memref<128xf32, #tpu.memory_space<vmem>>) target(%dma_start3A_152 : memref<10240xf32, #tpu.memory_space<vmem_shared>>) offsets(%dma_start3A_150 : memref<128xi32, #tpu.memory_space<vmem>>) semaphore(%arg21 : memref<!tpu.dma_semaphore, #tpu.memory_space<semaphore_mem>>) {add = true}
    %dma_wait3A_153 = arith.constant 75 : i32
    %dma_wait3A_154 = arith.constant 3 : i32
    %dma_wait3A_155 = arith.constant 0 : i32
    %dma_wait3A_156 = tpu.memref_slice %arg8[%dma_wait3A_154, %dma_wait3A_155] : memref<8x128xf32, #tpu.memory_space<vmem>> -> memref<1x128xf32, #tpu.memory_space<vmem>>
    %dma_wait3A_157 = tpu.memref_squeeze %dma_wait3A_156 : memref<1x128xf32, #tpu.memory_space<vmem>> -> memref<128xf32, #tpu.memory_space<vmem>>
    %dma_wait3A_158 = arith.constant 0 : i32
    %dma_wait3A_159 = tpu.memref_slice %arg6[%dma_wait3A_153, %dma_wait3A_158] : memref<80x128xi32, #tpu.memory_space<vmem>> -> memref<1x128xi32, #tpu.memory_space<vmem>>
    %dma_wait3A_160 = tpu.memref_squeeze %dma_wait3A_159 : memref<1x128xi32, #tpu.memory_space<vmem>> -> memref<128xi32, #tpu.memory_space<vmem>>
    %dma_wait3A_161 = arith.constant 0 : i32
    %dma_wait3A_162 = tpu.memref_slice %arg4[%dma_wait3A_161] : memref<10240xf32, #tpu.memory_space<hbm>> -> memref<10240xf32, #tpu.memory_space<hbm>>
    tpu.wait_indirect_dma semaphore(%arg14 : memref<!tpu.dma_semaphore, #tpu.memory_space<semaphore_mem>>) src(%dma_wait3A_162 : memref<10240xf32, #tpu.memory_space<hbm>>) dst(%dma_wait3A_157 : memref<128xf32, #tpu.memory_space<vmem>>)
    %dma_start3A_163 = arith.constant 3 : i32
    %dma_start3A_164 = arith.constant 75 : i32
    %dma_start3A_165 = arith.constant 0 : i32
    %dma_start3A_166 = tpu.memref_slice %arg8[%dma_start3A_163, %dma_start3A_165] : memref<8x128xf32, #tpu.memory_space<vmem>> -> memref<1x128xf32, #tpu.memory_space<vmem>>
    %dma_start3A_167 = tpu.memref_squeeze %dma_start3A_166 : memref<1x128xf32, #tpu.memory_space<vmem>> -> memref<128xf32, #tpu.memory_space<vmem>>
    %dma_start3A_168 = arith.constant 0 : i32
    %dma_start3A_169 = tpu.memref_slice %arg7[%dma_start3A_164, %dma_start3A_168] : memref<80x128xi32, #tpu.memory_space<vmem>> -> memref<1x128xi32, #tpu.memory_space<vmem>>
    %dma_start3A_170 = tpu.memref_squeeze %dma_start3A_169 : memref<1x128xi32, #tpu.memory_space<vmem>> -> memref<128xi32, #tpu.memory_space<vmem>>
    %dma_start3A_171 = arith.constant 0 : i32
    %dma_start3A_172 = tpu.memref_slice %arg10[%dma_start3A_171] : memref<10240xf32, #tpu.memory_space<vmem_shared>> -> memref<10240xf32, #tpu.memory_space<vmem_shared>>
    tpu.enqueue_indirect_dma source(%dma_start3A_167 : memref<128xf32, #tpu.memory_space<vmem>>) target(%dma_start3A_172 : memref<10240xf32, #tpu.memory_space<vmem_shared>>) offsets(%dma_start3A_170 : memref<128xi32, #tpu.memory_space<vmem>>) semaphore(%arg22 : memref<!tpu.dma_semaphore, #tpu.memory_space<semaphore_mem>>) {add = true}
    %dma_wait3A_173 = arith.constant 76 : i32
    %dma_wait3A_174 = arith.constant 4 : i32
    %dma_wait3A_175 = arith.constant 0 : i32
    %dma_wait3A_176 = tpu.memref_slice %arg8[%dma_wait3A_174, %dma_wait3A_175] : memref<8x128xf32, #tpu.memory_space<vmem>> -> memref<1x128xf32, #tpu.memory_space<vmem>>
    %dma_wait3A_177 = tpu.memref_squeeze %dma_wait3A_176 : memref<1x128xf32, #tpu.memory_space<vmem>> -> memref<128xf32, #tpu.memory_space<vmem>>
    %dma_wait3A_178 = arith.constant 0 : i32
    %dma_wait3A_179 = tpu.memref_slice %arg6[%dma_wait3A_173, %dma_wait3A_178] : memref<80x128xi32, #tpu.memory_space<vmem>> -> memref<1x128xi32, #tpu.memory_space<vmem>>
    %dma_wait3A_180 = tpu.memref_squeeze %dma_wait3A_179 : memref<1x128xi32, #tpu.memory_space<vmem>> -> memref<128xi32, #tpu.memory_space<vmem>>
    %dma_wait3A_181 = arith.constant 0 : i32
    %dma_wait3A_182 = tpu.memref_slice %arg4[%dma_wait3A_181] : memref<10240xf32, #tpu.memory_space<hbm>> -> memref<10240xf32, #tpu.memory_space<hbm>>
    tpu.wait_indirect_dma semaphore(%arg15 : memref<!tpu.dma_semaphore, #tpu.memory_space<semaphore_mem>>) src(%dma_wait3A_182 : memref<10240xf32, #tpu.memory_space<hbm>>) dst(%dma_wait3A_177 : memref<128xf32, #tpu.memory_space<vmem>>)
    %dma_start3A_183 = arith.constant 4 : i32
    %dma_start3A_184 = arith.constant 76 : i32
    %dma_start3A_185 = arith.constant 0 : i32
    %dma_start3A_186 = tpu.memref_slice %arg8[%dma_start3A_183, %dma_start3A_185] : memref<8x128xf32, #tpu.memory_space<vmem>> -> memref<1x128xf32, #tpu.memory_space<vmem>>
    %dma_start3A_187 = tpu.memref_squeeze %dma_start3A_186 : memref<1x128xf32, #tpu.memory_space<vmem>> -> memref<128xf32, #tpu.memory_space<vmem>>
    %dma_start3A_188 = arith.constant 0 : i32
    %dma_start3A_189 = tpu.memref_slice %arg7[%dma_start3A_184, %dma_start3A_188] : memref<80x128xi32, #tpu.memory_space<vmem>> -> memref<1x128xi32, #tpu.memory_space<vmem>>
    %dma_start3A_190 = tpu.memref_squeeze %dma_start3A_189 : memref<1x128xi32, #tpu.memory_space<vmem>> -> memref<128xi32, #tpu.memory_space<vmem>>
    %dma_start3A_191 = arith.constant 0 : i32
    %dma_start3A_192 = tpu.memref_slice %arg10[%dma_start3A_191] : memref<10240xf32, #tpu.memory_space<vmem_shared>> -> memref<10240xf32, #tpu.memory_space<vmem_shared>>
    tpu.enqueue_indirect_dma source(%dma_start3A_187 : memref<128xf32, #tpu.memory_space<vmem>>) target(%dma_start3A_192 : memref<10240xf32, #tpu.memory_space<vmem_shared>>) offsets(%dma_start3A_190 : memref<128xi32, #tpu.memory_space<vmem>>) semaphore(%arg23 : memref<!tpu.dma_semaphore, #tpu.memory_space<semaphore_mem>>) {add = true}
    %dma_wait3A_193 = arith.constant 77 : i32
    %dma_wait3A_194 = arith.constant 5 : i32
    %dma_wait3A_195 = arith.constant 0 : i32
    %dma_wait3A_196 = tpu.memref_slice %arg8[%dma_wait3A_194, %dma_wait3A_195] : memref<8x128xf32, #tpu.memory_space<vmem>> -> memref<1x128xf32, #tpu.memory_space<vmem>>
    %dma_wait3A_197 = tpu.memref_squeeze %dma_wait3A_196 : memref<1x128xf32, #tpu.memory_space<vmem>> -> memref<128xf32, #tpu.memory_space<vmem>>
    %dma_wait3A_198 = arith.constant 0 : i32
    %dma_wait3A_199 = tpu.memref_slice %arg6[%dma_wait3A_193, %dma_wait3A_198] : memref<80x128xi32, #tpu.memory_space<vmem>> -> memref<1x128xi32, #tpu.memory_space<vmem>>
    %dma_wait3A_200 = tpu.memref_squeeze %dma_wait3A_199 : memref<1x128xi32, #tpu.memory_space<vmem>> -> memref<128xi32, #tpu.memory_space<vmem>>
    %dma_wait3A_201 = arith.constant 0 : i32
    %dma_wait3A_202 = tpu.memref_slice %arg4[%dma_wait3A_201] : memref<10240xf32, #tpu.memory_space<hbm>> -> memref<10240xf32, #tpu.memory_space<hbm>>
    tpu.wait_indirect_dma semaphore(%arg16 : memref<!tpu.dma_semaphore, #tpu.memory_space<semaphore_mem>>) src(%dma_wait3A_202 : memref<10240xf32, #tpu.memory_space<hbm>>) dst(%dma_wait3A_197 : memref<128xf32, #tpu.memory_space<vmem>>)
    %dma_start3A_203 = arith.constant 5 : i32
    %dma_start3A_204 = arith.constant 77 : i32
    %dma_start3A_205 = arith.constant 0 : i32
    %dma_start3A_206 = tpu.memref_slice %arg8[%dma_start3A_203, %dma_start3A_205] : memref<8x128xf32, #tpu.memory_space<vmem>> -> memref<1x128xf32, #tpu.memory_space<vmem>>
    %dma_start3A_207 = tpu.memref_squeeze %dma_start3A_206 : memref<1x128xf32, #tpu.memory_space<vmem>> -> memref<128xf32, #tpu.memory_space<vmem>>
    %dma_start3A_208 = arith.constant 0 : i32
    %dma_start3A_209 = tpu.memref_slice %arg7[%dma_start3A_204, %dma_start3A_208] : memref<80x128xi32, #tpu.memory_space<vmem>> -> memref<1x128xi32, #tpu.memory_space<vmem>>
    %dma_start3A_210 = tpu.memref_squeeze %dma_start3A_209 : memref<1x128xi32, #tpu.memory_space<vmem>> -> memref<128xi32, #tpu.memory_space<vmem>>
    %dma_start3A_211 = arith.constant 0 : i32
    %dma_start3A_212 = tpu.memref_slice %arg10[%dma_start3A_211] : memref<10240xf32, #tpu.memory_space<vmem_shared>> -> memref<10240xf32, #tpu.memory_space<vmem_shared>>
    tpu.enqueue_indirect_dma source(%dma_start3A_207 : memref<128xf32, #tpu.memory_space<vmem>>) target(%dma_start3A_212 : memref<10240xf32, #tpu.memory_space<vmem_shared>>) offsets(%dma_start3A_210 : memref<128xi32, #tpu.memory_space<vmem>>) semaphore(%arg24 : memref<!tpu.dma_semaphore, #tpu.memory_space<semaphore_mem>>) {add = true}
    %dma_wait3A_213 = arith.constant 78 : i32
    %dma_wait3A_214 = arith.constant 6 : i32
    %dma_wait3A_215 = arith.constant 0 : i32
    %dma_wait3A_216 = tpu.memref_slice %arg8[%dma_wait3A_214, %dma_wait3A_215] : memref<8x128xf32, #tpu.memory_space<vmem>> -> memref<1x128xf32, #tpu.memory_space<vmem>>
    %dma_wait3A_217 = tpu.memref_squeeze %dma_wait3A_216 : memref<1x128xf32, #tpu.memory_space<vmem>> -> memref<128xf32, #tpu.memory_space<vmem>>
    %dma_wait3A_218 = arith.constant 0 : i32
    %dma_wait3A_219 = tpu.memref_slice %arg6[%dma_wait3A_213, %dma_wait3A_218] : memref<80x128xi32, #tpu.memory_space<vmem>> -> memref<1x128xi32, #tpu.memory_space<vmem>>
    %dma_wait3A_220 = tpu.memref_squeeze %dma_wait3A_219 : memref<1x128xi32, #tpu.memory_space<vmem>> -> memref<128xi32, #tpu.memory_space<vmem>>
    %dma_wait3A_221 = arith.constant 0 : i32
    %dma_wait3A_222 = tpu.memref_slice %arg4[%dma_wait3A_221] : memref<10240xf32, #tpu.memory_space<hbm>> -> memref<10240xf32, #tpu.memory_space<hbm>>
    tpu.wait_indirect_dma semaphore(%arg17 : memref<!tpu.dma_semaphore, #tpu.memory_space<semaphore_mem>>) src(%dma_wait3A_222 : memref<10240xf32, #tpu.memory_space<hbm>>) dst(%dma_wait3A_217 : memref<128xf32, #tpu.memory_space<vmem>>)
    %dma_start3A_223 = arith.constant 6 : i32
    %dma_start3A_224 = arith.constant 78 : i32
    %dma_start3A_225 = arith.constant 0 : i32
    %dma_start3A_226 = tpu.memref_slice %arg8[%dma_start3A_223, %dma_start3A_225] : memref<8x128xf32, #tpu.memory_space<vmem>> -> memref<1x128xf32, #tpu.memory_space<vmem>>
    %dma_start3A_227 = tpu.memref_squeeze %dma_start3A_226 : memref<1x128xf32, #tpu.memory_space<vmem>> -> memref<128xf32, #tpu.memory_space<vmem>>
    %dma_start3A_228 = arith.constant 0 : i32
    %dma_start3A_229 = tpu.memref_slice %arg7[%dma_start3A_224, %dma_start3A_228] : memref<80x128xi32, #tpu.memory_space<vmem>> -> memref<1x128xi32, #tpu.memory_space<vmem>>
    %dma_start3A_230 = tpu.memref_squeeze %dma_start3A_229 : memref<1x128xi32, #tpu.memory_space<vmem>> -> memref<128xi32, #tpu.memory_space<vmem>>
    %dma_start3A_231 = arith.constant 0 : i32
    %dma_start3A_232 = tpu.memref_slice %arg10[%dma_start3A_231] : memref<10240xf32, #tpu.memory_space<vmem_shared>> -> memref<10240xf32, #tpu.memory_space<vmem_shared>>
    tpu.enqueue_indirect_dma source(%dma_start3A_227 : memref<128xf32, #tpu.memory_space<vmem>>) target(%dma_start3A_232 : memref<10240xf32, #tpu.memory_space<vmem_shared>>) offsets(%dma_start3A_230 : memref<128xi32, #tpu.memory_space<vmem>>) semaphore(%arg25 : memref<!tpu.dma_semaphore, #tpu.memory_space<semaphore_mem>>) {add = true}
    %dma_wait3A_233 = arith.constant 79 : i32
    %dma_wait3A_234 = arith.constant 7 : i32
    %dma_wait3A_235 = arith.constant 0 : i32
    %dma_wait3A_236 = tpu.memref_slice %arg8[%dma_wait3A_234, %dma_wait3A_235] : memref<8x128xf32, #tpu.memory_space<vmem>> -> memref<1x128xf32, #tpu.memory_space<vmem>>
    %dma_wait3A_237 = tpu.memref_squeeze %dma_wait3A_236 : memref<1x128xf32, #tpu.memory_space<vmem>> -> memref<128xf32, #tpu.memory_space<vmem>>
    %dma_wait3A_238 = arith.constant 0 : i32
    %dma_wait3A_239 = tpu.memref_slice %arg6[%dma_wait3A_233, %dma_wait3A_238] : memref<80x128xi32, #tpu.memory_space<vmem>> -> memref<1x128xi32, #tpu.memory_space<vmem>>
    %dma_wait3A_240 = tpu.memref_squeeze %dma_wait3A_239 : memref<1x128xi32, #tpu.memory_space<vmem>> -> memref<128xi32, #tpu.memory_space<vmem>>
    %dma_wait3A_241 = arith.constant 0 : i32
    %dma_wait3A_242 = tpu.memref_slice %arg4[%dma_wait3A_241] : memref<10240xf32, #tpu.memory_space<hbm>> -> memref<10240xf32, #tpu.memory_space<hbm>>
    tpu.wait_indirect_dma semaphore(%arg18 : memref<!tpu.dma_semaphore, #tpu.memory_space<semaphore_mem>>) src(%dma_wait3A_242 : memref<10240xf32, #tpu.memory_space<hbm>>) dst(%dma_wait3A_237 : memref<128xf32, #tpu.memory_space<vmem>>)
    %dma_start3A_243 = arith.constant 7 : i32
    %dma_start3A_244 = arith.constant 79 : i32
    %dma_start3A_245 = arith.constant 0 : i32
    %dma_start3A_246 = tpu.memref_slice %arg8[%dma_start3A_243, %dma_start3A_245] : memref<8x128xf32, #tpu.memory_space<vmem>> -> memref<1x128xf32, #tpu.memory_space<vmem>>
    %dma_start3A_247 = tpu.memref_squeeze %dma_start3A_246 : memref<1x128xf32, #tpu.memory_space<vmem>> -> memref<128xf32, #tpu.memory_space<vmem>>
    %dma_start3A_248 = arith.constant 0 : i32
    %dma_start3A_249 = tpu.memref_slice %arg7[%dma_start3A_244, %dma_start3A_248] : memref<80x128xi32, #tpu.memory_space<vmem>> -> memref<1x128xi32, #tpu.memory_space<vmem>>
    %dma_start3A_250 = tpu.memref_squeeze %dma_start3A_249 : memref<1x128xi32, #tpu.memory_space<vmem>> -> memref<128xi32, #tpu.memory_space<vmem>>
    %dma_start3A_251 = arith.constant 0 : i32
    %dma_start3A_252 = tpu.memref_slice %arg10[%dma_start3A_251] : memref<10240xf32, #tpu.memory_space<vmem_shared>> -> memref<10240xf32, #tpu.memory_space<vmem_shared>>
    tpu.enqueue_indirect_dma source(%dma_start3A_247 : memref<128xf32, #tpu.memory_space<vmem>>) target(%dma_start3A_252 : memref<10240xf32, #tpu.memory_space<vmem_shared>>) offsets(%dma_start3A_250 : memref<128xi32, #tpu.memory_space<vmem>>) semaphore(%arg26 : memref<!tpu.dma_semaphore, #tpu.memory_space<semaphore_mem>>) {add = true}
    %dma_wait3A_253 = arith.constant 0 : i32
    %dma_wait3A_254 = arith.constant 72 : i32
    %dma_wait3A_255 = arith.constant 0 : i32
    %dma_wait3A_256 = tpu.memref_slice %arg8[%dma_wait3A_253, %dma_wait3A_255] : memref<8x128xf32, #tpu.memory_space<vmem>> -> memref<1x128xf32, #tpu.memory_space<vmem>>
    %dma_wait3A_257 = tpu.memref_squeeze %dma_wait3A_256 : memref<1x128xf32, #tpu.memory_space<vmem>> -> memref<128xf32, #tpu.memory_space<vmem>>
    %dma_wait3A_258 = arith.constant 0 : i32
    %dma_wait3A_259 = tpu.memref_slice %arg7[%dma_wait3A_254, %dma_wait3A_258] : memref<80x128xi32, #tpu.memory_space<vmem>> -> memref<1x128xi32, #tpu.memory_space<vmem>>
    %dma_wait3A_260 = tpu.memref_squeeze %dma_wait3A_259 : memref<1x128xi32, #tpu.memory_space<vmem>> -> memref<128xi32, #tpu.memory_space<vmem>>
    %dma_wait3A_261 = arith.constant 0 : i32
    %dma_wait3A_262 = tpu.memref_slice %arg10[%dma_wait3A_261] : memref<10240xf32, #tpu.memory_space<vmem_shared>> -> memref<10240xf32, #tpu.memory_space<vmem_shared>>
    tpu.wait_indirect_dma semaphore(%arg19 : memref<!tpu.dma_semaphore, #tpu.memory_space<semaphore_mem>>) src(%dma_wait3A_257 : memref<128xf32, #tpu.memory_space<vmem>>) dst(%dma_wait3A_262 : memref<10240xf32, #tpu.memory_space<vmem_shared>>)
    %dma_wait3A_263 = arith.constant 1 : i32
    %dma_wait3A_264 = arith.constant 73 : i32
    %dma_wait3A_265 = arith.constant 0 : i32
    %dma_wait3A_266 = tpu.memref_slice %arg8[%dma_wait3A_263, %dma_wait3A_265] : memref<8x128xf32, #tpu.memory_space<vmem>> -> memref<1x128xf32, #tpu.memory_space<vmem>>
    %dma_wait3A_267 = tpu.memref_squeeze %dma_wait3A_266 : memref<1x128xf32, #tpu.memory_space<vmem>> -> memref<128xf32, #tpu.memory_space<vmem>>
    %dma_wait3A_268 = arith.constant 0 : i32
    %dma_wait3A_269 = tpu.memref_slice %arg7[%dma_wait3A_264, %dma_wait3A_268] : memref<80x128xi32, #tpu.memory_space<vmem>> -> memref<1x128xi32, #tpu.memory_space<vmem>>
    %dma_wait3A_270 = tpu.memref_squeeze %dma_wait3A_269 : memref<1x128xi32, #tpu.memory_space<vmem>> -> memref<128xi32, #tpu.memory_space<vmem>>
    %dma_wait3A_271 = arith.constant 0 : i32
    %dma_wait3A_272 = tpu.memref_slice %arg10[%dma_wait3A_271] : memref<10240xf32, #tpu.memory_space<vmem_shared>> -> memref<10240xf32, #tpu.memory_space<vmem_shared>>
    tpu.wait_indirect_dma semaphore(%arg20 : memref<!tpu.dma_semaphore, #tpu.memory_space<semaphore_mem>>) src(%dma_wait3A_267 : memref<128xf32, #tpu.memory_space<vmem>>) dst(%dma_wait3A_272 : memref<10240xf32, #tpu.memory_space<vmem_shared>>)
    %dma_wait3A_273 = arith.constant 2 : i32
    %dma_wait3A_274 = arith.constant 74 : i32
    %dma_wait3A_275 = arith.constant 0 : i32
    %dma_wait3A_276 = tpu.memref_slice %arg8[%dma_wait3A_273, %dma_wait3A_275] : memref<8x128xf32, #tpu.memory_space<vmem>> -> memref<1x128xf32, #tpu.memory_space<vmem>>
    %dma_wait3A_277 = tpu.memref_squeeze %dma_wait3A_276 : memref<1x128xf32, #tpu.memory_space<vmem>> -> memref<128xf32, #tpu.memory_space<vmem>>
    %dma_wait3A_278 = arith.constant 0 : i32
    %dma_wait3A_279 = tpu.memref_slice %arg7[%dma_wait3A_274, %dma_wait3A_278] : memref<80x128xi32, #tpu.memory_space<vmem>> -> memref<1x128xi32, #tpu.memory_space<vmem>>
    %dma_wait3A_280 = tpu.memref_squeeze %dma_wait3A_279 : memref<1x128xi32, #tpu.memory_space<vmem>> -> memref<128xi32, #tpu.memory_space<vmem>>
    %dma_wait3A_281 = arith.constant 0 : i32
    %dma_wait3A_282 = tpu.memref_slice %arg10[%dma_wait3A_281] : memref<10240xf32, #tpu.memory_space<vmem_shared>> -> memref<10240xf32, #tpu.memory_space<vmem_shared>>
    tpu.wait_indirect_dma semaphore(%arg21 : memref<!tpu.dma_semaphore, #tpu.memory_space<semaphore_mem>>) src(%dma_wait3A_277 : memref<128xf32, #tpu.memory_space<vmem>>) dst(%dma_wait3A_282 : memref<10240xf32, #tpu.memory_space<vmem_shared>>)
    %dma_wait3A_283 = arith.constant 3 : i32
    %dma_wait3A_284 = arith.constant 75 : i32
    %dma_wait3A_285 = arith.constant 0 : i32
    %dma_wait3A_286 = tpu.memref_slice %arg8[%dma_wait3A_283, %dma_wait3A_285] : memref<8x128xf32, #tpu.memory_space<vmem>> -> memref<1x128xf32, #tpu.memory_space<vmem>>
    %dma_wait3A_287 = tpu.memref_squeeze %dma_wait3A_286 : memref<1x128xf32, #tpu.memory_space<vmem>> -> memref<128xf32, #tpu.memory_space<vmem>>
    %dma_wait3A_288 = arith.constant 0 : i32
    %dma_wait3A_289 = tpu.memref_slice %arg7[%dma_wait3A_284, %dma_wait3A_288] : memref<80x128xi32, #tpu.memory_space<vmem>> -> memref<1x128xi32, #tpu.memory_space<vmem>>
    %dma_wait3A_290 = tpu.memref_squeeze %dma_wait3A_289 : memref<1x128xi32, #tpu.memory_space<vmem>> -> memref<128xi32, #tpu.memory_space<vmem>>
    %dma_wait3A_291 = arith.constant 0 : i32
    %dma_wait3A_292 = tpu.memref_slice %arg10[%dma_wait3A_291] : memref<10240xf32, #tpu.memory_space<vmem_shared>> -> memref<10240xf32, #tpu.memory_space<vmem_shared>>
    tpu.wait_indirect_dma semaphore(%arg22 : memref<!tpu.dma_semaphore, #tpu.memory_space<semaphore_mem>>) src(%dma_wait3A_287 : memref<128xf32, #tpu.memory_space<vmem>>) dst(%dma_wait3A_292 : memref<10240xf32, #tpu.memory_space<vmem_shared>>)
    %dma_wait3A_293 = arith.constant 4 : i32
    %dma_wait3A_294 = arith.constant 76 : i32
    %dma_wait3A_295 = arith.constant 0 : i32
    %dma_wait3A_296 = tpu.memref_slice %arg8[%dma_wait3A_293, %dma_wait3A_295] : memref<8x128xf32, #tpu.memory_space<vmem>> -> memref<1x128xf32, #tpu.memory_space<vmem>>
    %dma_wait3A_297 = tpu.memref_squeeze %dma_wait3A_296 : memref<1x128xf32, #tpu.memory_space<vmem>> -> memref<128xf32, #tpu.memory_space<vmem>>
    %dma_wait3A_298 = arith.constant 0 : i32
    %dma_wait3A_299 = tpu.memref_slice %arg7[%dma_wait3A_294, %dma_wait3A_298] : memref<80x128xi32, #tpu.memory_space<vmem>> -> memref<1x128xi32, #tpu.memory_space<vmem>>
    %dma_wait3A_300 = tpu.memref_squeeze %dma_wait3A_299 : memref<1x128xi32, #tpu.memory_space<vmem>> -> memref<128xi32, #tpu.memory_space<vmem>>
    %dma_wait3A_301 = arith.constant 0 : i32
    %dma_wait3A_302 = tpu.memref_slice %arg10[%dma_wait3A_301] : memref<10240xf32, #tpu.memory_space<vmem_shared>> -> memref<10240xf32, #tpu.memory_space<vmem_shared>>
    tpu.wait_indirect_dma semaphore(%arg23 : memref<!tpu.dma_semaphore, #tpu.memory_space<semaphore_mem>>) src(%dma_wait3A_297 : memref<128xf32, #tpu.memory_space<vmem>>) dst(%dma_wait3A_302 : memref<10240xf32, #tpu.memory_space<vmem_shared>>)
    %dma_wait3A_303 = arith.constant 5 : i32
    %dma_wait3A_304 = arith.constant 77 : i32
    %dma_wait3A_305 = arith.constant 0 : i32
    %dma_wait3A_306 = tpu.memref_slice %arg8[%dma_wait3A_303, %dma_wait3A_305] : memref<8x128xf32, #tpu.memory_space<vmem>> -> memref<1x128xf32, #tpu.memory_space<vmem>>
    %dma_wait3A_307 = tpu.memref_squeeze %dma_wait3A_306 : memref<1x128xf32, #tpu.memory_space<vmem>> -> memref<128xf32, #tpu.memory_space<vmem>>
    %dma_wait3A_308 = arith.constant 0 : i32
    %dma_wait3A_309 = tpu.memref_slice %arg7[%dma_wait3A_304, %dma_wait3A_308] : memref<80x128xi32, #tpu.memory_space<vmem>> -> memref<1x128xi32, #tpu.memory_space<vmem>>
    %dma_wait3A_310 = tpu.memref_squeeze %dma_wait3A_309 : memref<1x128xi32, #tpu.memory_space<vmem>> -> memref<128xi32, #tpu.memory_space<vmem>>
    %dma_wait3A_311 = arith.constant 0 : i32
    %dma_wait3A_312 = tpu.memref_slice %arg10[%dma_wait3A_311] : memref<10240xf32, #tpu.memory_space<vmem_shared>> -> memref<10240xf32, #tpu.memory_space<vmem_shared>>
    tpu.wait_indirect_dma semaphore(%arg24 : memref<!tpu.dma_semaphore, #tpu.memory_space<semaphore_mem>>) src(%dma_wait3A_307 : memref<128xf32, #tpu.memory_space<vmem>>) dst(%dma_wait3A_312 : memref<10240xf32, #tpu.memory_space<vmem_shared>>)
    %dma_wait3A_313 = arith.constant 6 : i32
    %dma_wait3A_314 = arith.constant 78 : i32
    %dma_wait3A_315 = arith.constant 0 : i32
    %dma_wait3A_316 = tpu.memref_slice %arg8[%dma_wait3A_313, %dma_wait3A_315] : memref<8x128xf32, #tpu.memory_space<vmem>> -> memref<1x128xf32, #tpu.memory_space<vmem>>
    %dma_wait3A_317 = tpu.memref_squeeze %dma_wait3A_316 : memref<1x128xf32, #tpu.memory_space<vmem>> -> memref<128xf32, #tpu.memory_space<vmem>>
    %dma_wait3A_318 = arith.constant 0 : i32
    %dma_wait3A_319 = tpu.memref_slice %arg7[%dma_wait3A_314, %dma_wait3A_318] : memref<80x128xi32, #tpu.memory_space<vmem>> -> memref<1x128xi32, #tpu.memory_space<vmem>>
    %dma_wait3A_320 = tpu.memref_squeeze %dma_wait3A_319 : memref<1x128xi32, #tpu.memory_space<vmem>> -> memref<128xi32, #tpu.memory_space<vmem>>
    %dma_wait3A_321 = arith.constant 0 : i32
    %dma_wait3A_322 = tpu.memref_slice %arg10[%dma_wait3A_321] : memref<10240xf32, #tpu.memory_space<vmem_shared>> -> memref<10240xf32, #tpu.memory_space<vmem_shared>>
    tpu.wait_indirect_dma semaphore(%arg25 : memref<!tpu.dma_semaphore, #tpu.memory_space<semaphore_mem>>) src(%dma_wait3A_317 : memref<128xf32, #tpu.memory_space<vmem>>) dst(%dma_wait3A_322 : memref<10240xf32, #tpu.memory_space<vmem_shared>>)
    %dma_wait3A_323 = arith.constant 7 : i32
    %dma_wait3A_324 = arith.constant 79 : i32
    %dma_wait3A_325 = arith.constant 0 : i32
    %dma_wait3A_326 = tpu.memref_slice %arg8[%dma_wait3A_323, %dma_wait3A_325] : memref<8x128xf32, #tpu.memory_space<vmem>> -> memref<1x128xf32, #tpu.memory_space<vmem>>
    %dma_wait3A_327 = tpu.memref_squeeze %dma_wait3A_326 : memref<1x128xf32, #tpu.memory_space<vmem>> -> memref<128xf32, #tpu.memory_space<vmem>>
    %dma_wait3A_328 = arith.constant 0 : i32
    %dma_wait3A_329 = tpu.memref_slice %arg7[%dma_wait3A_324, %dma_wait3A_328] : memref<80x128xi32, #tpu.memory_space<vmem>> -> memref<1x128xi32, #tpu.memory_space<vmem>>
    %dma_wait3A_330 = tpu.memref_squeeze %dma_wait3A_329 : memref<1x128xi32, #tpu.memory_space<vmem>> -> memref<128xi32, #tpu.memory_space<vmem>>
    %dma_wait3A_331 = arith.constant 0 : i32
    %dma_wait3A_332 = tpu.memref_slice %arg10[%dma_wait3A_331] : memref<10240xf32, #tpu.memory_space<vmem_shared>> -> memref<10240xf32, #tpu.memory_space<vmem_shared>>
    tpu.wait_indirect_dma semaphore(%arg26 : memref<!tpu.dma_semaphore, #tpu.memory_space<semaphore_mem>>) src(%dma_wait3A_327 : memref<128xf32, #tpu.memory_space<vmem>>) dst(%dma_wait3A_332 : memref<10240xf32, #tpu.memory_space<vmem_shared>>)
    %barrier3A_333 = arith.constant 0 : index
    tpu.barrier barrier_id(%barrier3A_333)
    %mul3A_334 = arith.constant 640 : i32
    %mul3A_335 = arith.muli %arg1, %mul3A_334 : i32
    "tpu.region"() ({
      %run_scoped3A = tpu.sem_alloc : memref<!tpu.dma_semaphore, #tpu.memory_space<semaphore_mem>>
      %dma_start3A_336 = arith.constant 0 : i32
      %dma_start3A_337 = tpu.memref_slice %arg5[%arg0, %arg1, %dma_start3A_336] : memref<2x16x640xf32, #tpu.memory_space<hbm>> -> memref<1x1x640xf32, #tpu.memory_space<hbm>>
      %dma_start3A_338 = tpu.memref_squeeze %dma_start3A_337 : memref<1x1x640xf32, #tpu.memory_space<hbm>> -> memref<640xf32, #tpu.memory_space<hbm>>
      %dma_start3A_339 = tpu.memref_slice %arg10[%mul3A_335] : memref<10240xf32, #tpu.memory_space<vmem_shared>> -> memref<640xf32, #tpu.memory_space<vmem_shared>>
      tpu.enqueue_dma source(%dma_start3A_339 : memref<640xf32, #tpu.memory_space<vmem_shared>>) target(%dma_start3A_338 : memref<640xf32, #tpu.memory_space<hbm>>) target_semaphore(%run_scoped3A : memref<!tpu.dma_semaphore, #tpu.memory_space<semaphore_mem>>)
      %dma_wait3A_340 = arith.constant 0 : i32
      %dma_wait3A_341 = tpu.memref_slice %arg5[%arg0, %arg1, %dma_wait3A_340] : memref<2x16x640xf32, #tpu.memory_space<hbm>> -> memref<1x1x640xf32, #tpu.memory_space<hbm>>
      %dma_wait3A_342 = tpu.memref_squeeze %dma_wait3A_341 : memref<1x1x640xf32, #tpu.memory_space<hbm>> -> memref<640xf32, #tpu.memory_space<hbm>>
      %dma_wait3A_343 = tpu.memref_slice %arg10[%mul3A_335] : memref<10240xf32, #tpu.memory_space<vmem_shared>> -> memref<640xf32, #tpu.memory_space<vmem_shared>>
      tpu.wait_dma2 semaphore(%run_scoped3A : memref<!tpu.dma_semaphore, #tpu.memory_space<semaphore_mem>>) src(%dma_wait3A_343 : memref<640xf32, #tpu.memory_space<vmem_shared>>) dst(%dma_wait3A_342 : memref<640xf32, #tpu.memory_space<hbm>>)
      tpu.yield
    }) : () -> ()
    return
  }
}

module attributes {stable_mosaic.version = 14 : i64} {
  func.func @gcn_mm1_tc(%arg0: i32, %arg1: memref<512x128xf32, #tpu.memory_space<vmem>>, %arg2: memref<128x128xf32, #tpu.memory_space<vmem>>, %arg3: memref<512x128xf32, #tpu.memory_space<vmem>>) attributes {dimension_semantics = [#tpu.dimension_semantics<arbitrary>], iteration_bounds = array<i64: 20>, scalar_prefetch = 0 : i64, scratch_operands = 0 : i64, tpu.core_type = #tpu.core_type<tc>, window_params = [{transform_indices = @transform_0, window_bounds = array<i64: 512, 128>}, {pipeline_mode = #tpu.pipeline_mode<synchronous>, transform_indices = @transform_1, window_bounds = array<i64: 128, 128>}, {transform_indices = @transform_2, window_bounds = array<i64: 512, 128>}]} {
    %get3A = arith.constant 0 : index
    %get3A_0 = arith.constant 0 : index
    %get3A_1 = vector.load %arg1[%get3A, %get3A_0] : memref<512x128xf32, #tpu.memory_space<vmem>>, vector<512x128xf32>
    %get3A_2 = arith.constant 0 : index
    %get3A_3 = arith.constant 0 : index
    %get3A_4 = vector.load %arg2[%get3A_2, %get3A_3] : memref<128x128xf32, #tpu.memory_space<vmem>>, vector<128x128xf32>
    %dot_general3A = arith.constant dense<0.000000e+00> : vector<512x128xf32>
    %dot_general3A_5 = tpu.matmul %get3A_1, %get3A_4, %dot_general3A {dimension_numbers = #tpu.dot_dimension_numbers<[1], [0], [0], [1], [0, 0, 1, 1], [], []>, transpose_lhs_hint = false} : vector<512x128xf32>, vector<128x128xf32>, vector<512x128xf32> -> vector<512x128xf32>
    %swap3A = arith.constant 0 : index
    %swap3A_6 = arith.constant 0 : index
    %swap3A_7 = vector.load %arg3[%swap3A, %swap3A_6] : memref<512x128xf32, #tpu.memory_space<vmem>>, vector<512x128xf32>
    tpu.vector_store %arg3[%swap3A, %swap3A_6], %dot_general3A_5 {strides = array<i32>} : memref<512x128xf32, #tpu.memory_space<vmem>>, vector<512x128xf32>,
    return
  }
  func.func @transform_0(%arg0: i32) -> (i32, i32) {
    %c0_i32 = arith.constant 0 : i32
    %c0_i32_0 = arith.constant 0 : i32
    return %arg0, %c0_i32 : i32, i32
  }
  func.func @transform_1(%arg0: i32) -> (i32, i32) {
    %c0_i32 = arith.constant 0 : i32
    %c0_i32_0 = arith.constant 0 : i32
    %c0_i32_1 = arith.constant 0 : i32
    return %c0_i32, %c0_i32_0 : i32, i32
  }
  func.func @transform_2(%arg0: i32) -> (i32, i32) {
    %c0_i32 = arith.constant 0 : i32
    %c0_i32_0 = arith.constant 0 : i32
    return %arg0, %c0_i32 : i32, i32
  }
}

module attributes {stable_mosaic.version = 14 : i64} {
  func.func @gcn_scale_tc(%arg0: i32, %arg1: memref<1024x128xf32, #tpu.memory_space<vmem>>, %arg2: memref<2x8x128xf32, #tpu.memory_space<vmem>>, %arg3: memref<1024x128xf32, #tpu.memory_space<vmem>>, %arg4: memref<8x128xf32, #tpu.memory_space<vmem>>) attributes {dimension_semantics = [#tpu.dimension_semantics<arbitrary>], iteration_bounds = array<i64: 10>, scalar_prefetch = 0 : i64, scratch_operands = 0 : i64, tpu.core_type = #tpu.core_type<tc>, window_params = [{transform_indices = @transform_0, window_bounds = array<i64: 1024, 128>}, {transform_indices = @transform_1, window_bounds = array<i64: 2, 8, 128>}, {transform_indices = @transform_2, window_bounds = array<i64: 1024, 128>}, {transform_indices = @transform_3, window_bounds = array<i64: 8, 128>}]} {
    %get3A = arith.constant 0 : index
    %get3A_0 = arith.constant 0 : index
    %get3A_1 = arith.constant 0 : index
    %get3A_2 = vector.load %arg2[%get3A, %get3A_0, %get3A_1] : memref<2x8x128xf32, #tpu.memory_space<vmem>>, vector<1x8x128xf32>
    %get3A_3 = vector.shape_cast %get3A_2 : vector<1x8x128xf32> to vector<8x128xf32>
    %get3A_4 = arith.constant 1 : index
    %get3A_5 = arith.constant 0 : index
    %get3A_6 = arith.constant 0 : index
    %get3A_7 = vector.load %arg2[%get3A_4, %get3A_5, %get3A_6] : memref<2x8x128xf32, #tpu.memory_space<vmem>>, vector<1x8x128xf32>
    %get3A_8 = vector.shape_cast %get3A_7 : vector<1x8x128xf32> to vector<8x128xf32>
    %add3A = arith.addf %get3A_3, %get3A_8 : vector<8x128xf32>
    %add3A_9 = arith.constant 1.000000e+00 : f32
    %add3A_10 = vector.broadcast %add3A_9 : f32 to vector<8x128xf32>
    %add3A_11 = arith.addf %add3A, %add3A_10 : vector<8x128xf32>
    %rsqrt3A = math.rsqrt %add3A_11 : vector<8x128xf32>
    %swap3A = arith.constant 0 : index
    %swap3A_12 = arith.constant 0 : index
    %swap3A_13 = vector.load %arg4[%swap3A, %swap3A_12] : memref<8x128xf32, #tpu.memory_space<vmem>>, vector<8x128xf32>
    tpu.vector_store %arg4[%swap3A, %swap3A_12], %rsqrt3A {strides = array<i32>} : memref<8x128xf32, #tpu.memory_space<vmem>>, vector<8x128xf32>,
    %slice3A = vector.extract_strided_slice %rsqrt3A {offsets = [0, 0], sizes = [1, 128], strides = [1, 1]} : vector<8x128xf32> to vector<1x128xf32>
    %get3A_14 = arith.constant 0 : index
    %get3A_15 = arith.constant 0 : index
    %get3A_16 = vector.load %arg1[%get3A_14, %get3A_15] : memref<1024x128xf32, #tpu.memory_space<vmem>>, vector<128x128xf32>
    %iota3A = tpu.iota {dimensions = array<i32: 0>} : vector<128x128xi32>
    %iota3A_17 = tpu.iota {dimensions = array<i32: 1>} : vector<128x128xi32>
    %eq3A = arith.cmpi eq, %iota3A, %iota3A_17 : vector<128x128xi32>
    %broadcast_in_dim3A = vector.shape_cast %slice3A : vector<1x128xf32> to vector<1x128xf32>
    %broadcast_in_dim3A_18 = vector.broadcast %broadcast_in_dim3A : vector<1x128xf32> to vector<128x128xf32>
    %jit3A = arith.constant 0.000000e+00 : f32
    %broadcast_in_dim3A_19 = vector.broadcast %jit3A : f32 to vector<128x128xf32>
    %select_n3A = arith.select %eq3A, %broadcast_in_dim3A_18, %broadcast_in_dim3A_19 : vector<128x128xi1>, vector<128x128xf32>
    %dot_general3A = arith.constant dense<0.000000e+00> : vector<128x128xf32>
    %dot_general3A_20 = tpu.matmul %select_n3A, %get3A_16, %dot_general3A {dimension_numbers = #tpu.dot_dimension_numbers<[1], [0], [0], [1], [0, 0, 1, 1], [], []>, transpose_lhs_hint = false} : vector<128x128xf32>, vector<128x128xf32>, vector<128x128xf32> -> vector<128x128xf32>
    %swap3A_21 = arith.constant 0 : index
    %swap3A_22 = arith.constant 0 : index
    %swap3A_23 = vector.load %arg3[%swap3A_21, %swap3A_22] : memref<1024x128xf32, #tpu.memory_space<vmem>>, vector<128x128xf32>
    tpu.vector_store %arg3[%swap3A_21, %swap3A_22], %dot_general3A_20 {strides = array<i32>} : memref<1024x128xf32, #tpu.memory_space<vmem>>, vector<128x128xf32>,
    %slice3A_24 = vector.extract_strided_slice %rsqrt3A {offsets = [1, 0], sizes = [1, 128], strides = [1, 1]} : vector<8x128xf32> to vector<1x128xf32>
    %get3A_25 = arith.constant 128 : index
    %get3A_26 = arith.constant 0 : index
    %get3A_27 = vector.load %arg1[%get3A_25, %get3A_26] : memref<1024x128xf32, #tpu.memory_space<vmem>>, vector<128x128xf32>
    %iota3A_28 = tpu.iota {dimensions = array<i32: 0>} : vector<128x128xi32>
    %iota3A_29 = tpu.iota {dimensions = array<i32: 1>} : vector<128x128xi32>
    %eq3A_30 = arith.cmpi eq, %iota3A_28, %iota3A_29 : vector<128x128xi32>
    %broadcast_in_dim3A_31 = vector.shape_cast %slice3A_24 : vector<1x128xf32> to vector<1x128xf32>
    %broadcast_in_dim3A_32 = vector.broadcast %broadcast_in_dim3A_31 : vector<1x128xf32> to vector<128x128xf32>
    %jit3A_33 = arith.constant 0.000000e+00 : f32
    %broadcast_in_dim3A_34 = vector.broadcast %jit3A_33 : f32 to vector<128x128xf32>
    %select_n3A_35 = arith.select %eq3A_30, %broadcast_in_dim3A_32, %broadcast_in_dim3A_34 : vector<128x128xi1>, vector<128x128xf32>
    %dot_general3A_36 = arith.constant dense<0.000000e+00> : vector<128x128xf32>
    %dot_general3A_37 = tpu.matmul %select_n3A_35, %get3A_27, %dot_general3A_36 {dimension_numbers = #tpu.dot_dimension_numbers<[1], [0], [0], [1], [0, 0, 1, 1], [], []>, transpose_lhs_hint = false} : vector<128x128xf32>, vector<128x128xf32>, vector<128x128xf32> -> vector<128x128xf32>
    %swap3A_38 = arith.constant 128 : index
    %swap3A_39 = arith.constant 0 : index
    %swap3A_40 = vector.load %arg3[%swap3A_38, %swap3A_39] : memref<1024x128xf32, #tpu.memory_space<vmem>>, vector<128x128xf32>
    tpu.vector_store %arg3[%swap3A_38, %swap3A_39], %dot_general3A_37 {strides = array<i32>} : memref<1024x128xf32, #tpu.memory_space<vmem>>, vector<128x128xf32>,
    %slice3A_41 = vector.extract_strided_slice %rsqrt3A {offsets = [2, 0], sizes = [1, 128], strides = [1, 1]} : vector<8x128xf32> to vector<1x128xf32>
    %get3A_42 = arith.constant 256 : index
    %get3A_43 = arith.constant 0 : index
    %get3A_44 = vector.load %arg1[%get3A_42, %get3A_43] : memref<1024x128xf32, #tpu.memory_space<vmem>>, vector<128x128xf32>
    %iota3A_45 = tpu.iota {dimensions = array<i32: 0>} : vector<128x128xi32>
    %iota3A_46 = tpu.iota {dimensions = array<i32: 1>} : vector<128x128xi32>
    %eq3A_47 = arith.cmpi eq, %iota3A_45, %iota3A_46 : vector<128x128xi32>
    %broadcast_in_dim3A_48 = vector.shape_cast %slice3A_41 : vector<1x128xf32> to vector<1x128xf32>
    %broadcast_in_dim3A_49 = vector.broadcast %broadcast_in_dim3A_48 : vector<1x128xf32> to vector<128x128xf32>
    %jit3A_50 = arith.constant 0.000000e+00 : f32
    %broadcast_in_dim3A_51 = vector.broadcast %jit3A_50 : f32 to vector<128x128xf32>
    %select_n3A_52 = arith.select %eq3A_47, %broadcast_in_dim3A_49, %broadcast_in_dim3A_51 : vector<128x128xi1>, vector<128x128xf32>
    %dot_general3A_53 = arith.constant dense<0.000000e+00> : vector<128x128xf32>
    %dot_general3A_54 = tpu.matmul %select_n3A_52, %get3A_44, %dot_general3A_53 {dimension_numbers = #tpu.dot_dimension_numbers<[1], [0], [0], [1], [0, 0, 1, 1], [], []>, transpose_lhs_hint = false} : vector<128x128xf32>, vector<128x128xf32>, vector<128x128xf32> -> vector<128x128xf32>
    %swap3A_55 = arith.constant 256 : index
    %swap3A_56 = arith.constant 0 : index
    %swap3A_57 = vector.load %arg3[%swap3A_55, %swap3A_56] : memref<1024x128xf32, #tpu.memory_space<vmem>>, vector<128x128xf32>
    tpu.vector_store %arg3[%swap3A_55, %swap3A_56], %dot_general3A_54 {strides = array<i32>} : memref<1024x128xf32, #tpu.memory_space<vmem>>, vector<128x128xf32>,
    %slice3A_58 = vector.extract_strided_slice %rsqrt3A {offsets = [3, 0], sizes = [1, 128], strides = [1, 1]} : vector<8x128xf32> to vector<1x128xf32>
    %get3A_59 = arith.constant 384 : index
    %get3A_60 = arith.constant 0 : index
    %get3A_61 = vector.load %arg1[%get3A_59, %get3A_60] : memref<1024x128xf32, #tpu.memory_space<vmem>>, vector<128x128xf32>
    %iota3A_62 = tpu.iota {dimensions = array<i32: 0>} : vector<128x128xi32>
    %iota3A_63 = tpu.iota {dimensions = array<i32: 1>} : vector<128x128xi32>
    %eq3A_64 = arith.cmpi eq, %iota3A_62, %iota3A_63 : vector<128x128xi32>
    %broadcast_in_dim3A_65 = vector.shape_cast %slice3A_58 : vector<1x128xf32> to vector<1x128xf32>
    %broadcast_in_dim3A_66 = vector.broadcast %broadcast_in_dim3A_65 : vector<1x128xf32> to vector<128x128xf32>
    %jit3A_67 = arith.constant 0.000000e+00 : f32
    %broadcast_in_dim3A_68 = vector.broadcast %jit3A_67 : f32 to vector<128x128xf32>
    %select_n3A_69 = arith.select %eq3A_64, %broadcast_in_dim3A_66, %broadcast_in_dim3A_68 : vector<128x128xi1>, vector<128x128xf32>
    %dot_general3A_70 = arith.constant dense<0.000000e+00> : vector<128x128xf32>
    %dot_general3A_71 = tpu.matmul %select_n3A_69, %get3A_61, %dot_general3A_70 {dimension_numbers = #tpu.dot_dimension_numbers<[1], [0], [0], [1], [0, 0, 1, 1], [], []>, transpose_lhs_hint = false} : vector<128x128xf32>, vector<128x128xf32>, vector<128x128xf32> -> vector<128x128xf32>
    %swap3A_72 = arith.constant 384 : index
    %swap3A_73 = arith.constant 0 : index
    %swap3A_74 = vector.load %arg3[%swap3A_72, %swap3A_73] : memref<1024x128xf32, #tpu.memory_space<vmem>>, vector<128x128xf32>
    tpu.vector_store %arg3[%swap3A_72, %swap3A_73], %dot_general3A_71 {strides = array<i32>} : memref<1024x128xf32, #tpu.memory_space<vmem>>, vector<128x128xf32>,
    %slice3A_75 = vector.extract_strided_slice %rsqrt3A {offsets = [4, 0], sizes = [1, 128], strides = [1, 1]} : vector<8x128xf32> to vector<1x128xf32>
    %get3A_76 = arith.constant 512 : index
    %get3A_77 = arith.constant 0 : index
    %get3A_78 = vector.load %arg1[%get3A_76, %get3A_77] : memref<1024x128xf32, #tpu.memory_space<vmem>>, vector<128x128xf32>
    %iota3A_79 = tpu.iota {dimensions = array<i32: 0>} : vector<128x128xi32>
    %iota3A_80 = tpu.iota {dimensions = array<i32: 1>} : vector<128x128xi32>
    %eq3A_81 = arith.cmpi eq, %iota3A_79, %iota3A_80 : vector<128x128xi32>
    %broadcast_in_dim3A_82 = vector.shape_cast %slice3A_75 : vector<1x128xf32> to vector<1x128xf32>
    %broadcast_in_dim3A_83 = vector.broadcast %broadcast_in_dim3A_82 : vector<1x128xf32> to vector<128x128xf32>
    %jit3A_84 = arith.constant 0.000000e+00 : f32
    %broadcast_in_dim3A_85 = vector.broadcast %jit3A_84 : f32 to vector<128x128xf32>
    %select_n3A_86 = arith.select %eq3A_81, %broadcast_in_dim3A_83, %broadcast_in_dim3A_85 : vector<128x128xi1>, vector<128x128xf32>
    %dot_general3A_87 = arith.constant dense<0.000000e+00> : vector<128x128xf32>
    %dot_general3A_88 = tpu.matmul %select_n3A_86, %get3A_78, %dot_general3A_87 {dimension_numbers = #tpu.dot_dimension_numbers<[1], [0], [0], [1], [0, 0, 1, 1], [], []>, transpose_lhs_hint = false} : vector<128x128xf32>, vector<128x128xf32>, vector<128x128xf32> -> vector<128x128xf32>
    %swap3A_89 = arith.constant 512 : index
    %swap3A_90 = arith.constant 0 : index
    %swap3A_91 = vector.load %arg3[%swap3A_89, %swap3A_90] : memref<1024x128xf32, #tpu.memory_space<vmem>>, vector<128x128xf32>
    tpu.vector_store %arg3[%swap3A_89, %swap3A_90], %dot_general3A_88 {strides = array<i32>} : memref<1024x128xf32, #tpu.memory_space<vmem>>, vector<128x128xf32>,
    %slice3A_92 = vector.extract_strided_slice %rsqrt3A {offsets = [5, 0], sizes = [1, 128], strides = [1, 1]} : vector<8x128xf32> to vector<1x128xf32>
    %get3A_93 = arith.constant 640 : index
    %get3A_94 = arith.constant 0 : index
    %get3A_95 = vector.load %arg1[%get3A_93, %get3A_94] : memref<1024x128xf32, #tpu.memory_space<vmem>>, vector<128x128xf32>
    %iota3A_96 = tpu.iota {dimensions = array<i32: 0>} : vector<128x128xi32>
    %iota3A_97 = tpu.iota {dimensions = array<i32: 1>} : vector<128x128xi32>
    %eq3A_98 = arith.cmpi eq, %iota3A_96, %iota3A_97 : vector<128x128xi32>
    %broadcast_in_dim3A_99 = vector.shape_cast %slice3A_92 : vector<1x128xf32> to vector<1x128xf32>
    %broadcast_in_dim3A_100 = vector.broadcast %broadcast_in_dim3A_99 : vector<1x128xf32> to vector<128x128xf32>
    %jit3A_101 = arith.constant 0.000000e+00 : f32
    %broadcast_in_dim3A_102 = vector.broadcast %jit3A_101 : f32 to vector<128x128xf32>
    %select_n3A_103 = arith.select %eq3A_98, %broadcast_in_dim3A_100, %broadcast_in_dim3A_102 : vector<128x128xi1>, vector<128x128xf32>
    %dot_general3A_104 = arith.constant dense<0.000000e+00> : vector<128x128xf32>
    %dot_general3A_105 = tpu.matmul %select_n3A_103, %get3A_95, %dot_general3A_104 {dimension_numbers = #tpu.dot_dimension_numbers<[1], [0], [0], [1], [0, 0, 1, 1], [], []>, transpose_lhs_hint = false} : vector<128x128xf32>, vector<128x128xf32>, vector<128x128xf32> -> vector<128x128xf32>
    %swap3A_106 = arith.constant 640 : index
    %swap3A_107 = arith.constant 0 : index
    %swap3A_108 = vector.load %arg3[%swap3A_106, %swap3A_107] : memref<1024x128xf32, #tpu.memory_space<vmem>>, vector<128x128xf32>
    tpu.vector_store %arg3[%swap3A_106, %swap3A_107], %dot_general3A_105 {strides = array<i32>} : memref<1024x128xf32, #tpu.memory_space<vmem>>, vector<128x128xf32>,
    %slice3A_109 = vector.extract_strided_slice %rsqrt3A {offsets = [6, 0], sizes = [1, 128], strides = [1, 1]} : vector<8x128xf32> to vector<1x128xf32>
    %get3A_110 = arith.constant 768 : index
    %get3A_111 = arith.constant 0 : index
    %get3A_112 = vector.load %arg1[%get3A_110, %get3A_111] : memref<1024x128xf32, #tpu.memory_space<vmem>>, vector<128x128xf32>
    %iota3A_113 = tpu.iota {dimensions = array<i32: 0>} : vector<128x128xi32>
    %iota3A_114 = tpu.iota {dimensions = array<i32: 1>} : vector<128x128xi32>
    %eq3A_115 = arith.cmpi eq, %iota3A_113, %iota3A_114 : vector<128x128xi32>
    %broadcast_in_dim3A_116 = vector.shape_cast %slice3A_109 : vector<1x128xf32> to vector<1x128xf32>
    %broadcast_in_dim3A_117 = vector.broadcast %broadcast_in_dim3A_116 : vector<1x128xf32> to vector<128x128xf32>
    %jit3A_118 = arith.constant 0.000000e+00 : f32
    %broadcast_in_dim3A_119 = vector.broadcast %jit3A_118 : f32 to vector<128x128xf32>
    %select_n3A_120 = arith.select %eq3A_115, %broadcast_in_dim3A_117, %broadcast_in_dim3A_119 : vector<128x128xi1>, vector<128x128xf32>
    %dot_general3A_121 = arith.constant dense<0.000000e+00> : vector<128x128xf32>
    %dot_general3A_122 = tpu.matmul %select_n3A_120, %get3A_112, %dot_general3A_121 {dimension_numbers = #tpu.dot_dimension_numbers<[1], [0], [0], [1], [0, 0, 1, 1], [], []>, transpose_lhs_hint = false} : vector<128x128xf32>, vector<128x128xf32>, vector<128x128xf32> -> vector<128x128xf32>
    %swap3A_123 = arith.constant 768 : index
    %swap3A_124 = arith.constant 0 : index
    %swap3A_125 = vector.load %arg3[%swap3A_123, %swap3A_124] : memref<1024x128xf32, #tpu.memory_space<vmem>>, vector<128x128xf32>
    tpu.vector_store %arg3[%swap3A_123, %swap3A_124], %dot_general3A_122 {strides = array<i32>} : memref<1024x128xf32, #tpu.memory_space<vmem>>, vector<128x128xf32>,
    %slice3A_126 = vector.extract_strided_slice %rsqrt3A {offsets = [7, 0], sizes = [1, 128], strides = [1, 1]} : vector<8x128xf32> to vector<1x128xf32>
    %get3A_127 = arith.constant 896 : index
    %get3A_128 = arith.constant 0 : index
    %get3A_129 = vector.load %arg1[%get3A_127, %get3A_128] : memref<1024x128xf32, #tpu.memory_space<vmem>>, vector<128x128xf32>
    %iota3A_130 = tpu.iota {dimensions = array<i32: 0>} : vector<128x128xi32>
    %iota3A_131 = tpu.iota {dimensions = array<i32: 1>} : vector<128x128xi32>
    %eq3A_132 = arith.cmpi eq, %iota3A_130, %iota3A_131 : vector<128x128xi32>
    %broadcast_in_dim3A_133 = vector.shape_cast %slice3A_126 : vector<1x128xf32> to vector<1x128xf32>
    %broadcast_in_dim3A_134 = vector.broadcast %broadcast_in_dim3A_133 : vector<1x128xf32> to vector<128x128xf32>
    %jit3A_135 = arith.constant 0.000000e+00 : f32
    %broadcast_in_dim3A_136 = vector.broadcast %jit3A_135 : f32 to vector<128x128xf32>
    %select_n3A_137 = arith.select %eq3A_132, %broadcast_in_dim3A_134, %broadcast_in_dim3A_136 : vector<128x128xi1>, vector<128x128xf32>
    %dot_general3A_138 = arith.constant dense<0.000000e+00> : vector<128x128xf32>
    %dot_general3A_139 = tpu.matmul %select_n3A_137, %get3A_129, %dot_general3A_138 {dimension_numbers = #tpu.dot_dimension_numbers<[1], [0], [0], [1], [0, 0, 1, 1], [], []>, transpose_lhs_hint = false} : vector<128x128xf32>, vector<128x128xf32>, vector<128x128xf32> -> vector<128x128xf32>
    %swap3A_140 = arith.constant 896 : index
    %swap3A_141 = arith.constant 0 : index
    %swap3A_142 = vector.load %arg3[%swap3A_140, %swap3A_141] : memref<1024x128xf32, #tpu.memory_space<vmem>>, vector<128x128xf32>
    tpu.vector_store %arg3[%swap3A_140, %swap3A_141], %dot_general3A_139 {strides = array<i32>} : memref<1024x128xf32, #tpu.memory_space<vmem>>, vector<128x128xf32>,
    return
  }
  func.func @transform_0(%arg0: i32) -> (i32, i32) {
    %c0_i32 = arith.constant 0 : i32
    %c0_i32_0 = arith.constant 0 : i32
    return %arg0, %c0_i32 : i32, i32
  }
  func.func @transform_1(%arg0: i32) -> (i32, i32, i32) {
    %c0_i32 = arith.constant 0 : i32
    %c0_i32_0 = arith.constant 0 : i32
    %c0_i32_1 = arith.constant 0 : i32
    return %c0_i32, %arg0, %c0_i32_0 : i32, i32, i32
  }
  func.func @transform_2(%arg0: i32) -> (i32, i32) {
    %c0_i32 = arith.constant 0 : i32
    %c0_i32_0 = arith.constant 0 : i32
    return %arg0, %c0_i32 : i32, i32
  }
  func.func @transform_3(%arg0: i32) -> (i32, i32) {
    %c0_i32 = arith.constant 0 : i32
    %c0_i32_0 = arith.constant 0 : i32
    return %arg0, %c0_i32 : i32, i32
  }
}

module attributes {stable_mosaic.version = 14 : i64} {
  func.func @gcn_final_tc(%arg0: memref<2x80x128xf32, #tpu.memory_space<vmem>>, %arg1: memref<80x128xf32, #tpu.memory_space<vmem>>, %arg2: memref<80x128xf32, #tpu.memory_space<vmem>>, %arg3: memref<1x1xf32, #tpu.memory_space<vmem>>, %arg4: memref<80x128xf32, #tpu.memory_space<vmem>>) attributes {dimension_semantics = [], scalar_prefetch = 0 : i64, scratch_operands = 0 : i64, tpu.core_type = #tpu.core_type<tc>} {
    %get3A = arith.constant 0 : index
    %get3A_0 = arith.constant 0 : index
    %get3A_1 = arith.constant 0 : index
    %get3A_2 = vector.load %arg0[%get3A, %get3A_0, %get3A_1] : memref<2x80x128xf32, #tpu.memory_space<vmem>>, vector<1x80x128xf32>
    %get3A_3 = vector.shape_cast %get3A_2 : vector<1x80x128xf32> to vector<80x128xf32>
    %get3A_4 = arith.constant 1 : index
    %get3A_5 = arith.constant 0 : index
    %get3A_6 = arith.constant 0 : index
    %get3A_7 = vector.load %arg0[%get3A_4, %get3A_5, %get3A_6] : memref<2x80x128xf32, #tpu.memory_space<vmem>>, vector<1x80x128xf32>
    %get3A_8 = vector.shape_cast %get3A_7 : vector<1x80x128xf32> to vector<80x128xf32>
    %add3A = arith.addf %get3A_3, %get3A_8 : vector<80x128xf32>
    %get3A_9 = arith.constant 0 : index
    %get3A_10 = arith.constant 0 : index
    %get3A_11 = vector.load %arg1[%get3A_9, %get3A_10] : memref<80x128xf32, #tpu.memory_space<vmem>>, vector<80x128xf32>
    %add3A_12 = arith.addf %add3A, %get3A_11 : vector<80x128xf32>
    %get3A_13 = arith.constant 0 : index
    %get3A_14 = arith.constant 0 : index
    %get3A_15 = vector.load %arg2[%get3A_13, %get3A_14] : memref<80x128xf32, #tpu.memory_space<vmem>>, vector<80x128xf32>
    %mul3A = arith.mulf %add3A_12, %get3A_15 : vector<80x128xf32>
    %get3A_16 = arith.constant 0 : index
    %get3A_17 = arith.constant 0 : index
    %get3A_18 = vector.load %arg3[%get3A_16, %get3A_17] : memref<1x1xf32, #tpu.memory_space<vmem>>, vector<1x1xf32>
    %get3A_19 = vector.extract %get3A_18[0, 0] : f32 from vector<1x1xf32>
    %add3A_20 = vector.broadcast %get3A_19 : f32 to vector<80x128xf32>
    %add3A_21 = arith.addf %mul3A, %add3A_20 : vector<80x128xf32>
    %swap3A = arith.constant 0 : index
    %swap3A_22 = arith.constant 0 : index
    %swap3A_23 = vector.load %arg4[%swap3A, %swap3A_22] : memref<80x128xf32, #tpu.memory_space<vmem>>, vector<80x128xf32>
    tpu.vector_store %arg4[%swap3A, %swap3A_22], %add3A_21 {strides = array<i32>} : memref<80x128xf32, #tpu.memory_space<vmem>>, vector<80x128xf32>,
    return
  }
}

module attributes {stable_mosaic.version = 14 : i64} {
  func.func @gcn_dense2_tc(%arg0: i32, %arg1: memref<2x1024x128xf32, #tpu.memory_space<vmem>>, %arg2: memref<1024x128xf32, #tpu.memory_space<vmem>>, %arg3: memref<8x128xf32, #tpu.memory_space<vmem>>, %arg4: memref<1x128xf32, #tpu.memory_space<vmem>>, %arg5: memref<1x128xf32, #tpu.memory_space<vmem>>, %arg6: memref<8x128xf32, #tpu.memory_space<vmem>>) attributes {dimension_semantics = [#tpu.dimension_semantics<arbitrary>], iteration_bounds = array<i64: 10>, scalar_prefetch = 0 : i64, scratch_operands = 0 : i64, tpu.core_type = #tpu.core_type<tc>, window_params = [{transform_indices = @transform_0, window_bounds = array<i64: 2, 1024, 128>}, {transform_indices = @transform_1, window_bounds = array<i64: 1024, 128>}, {transform_indices = @transform_2, window_bounds = array<i64: 8, 128>}, {pipeline_mode = #tpu.pipeline_mode<synchronous>, transform_indices = @transform_3, window_bounds = array<i64: 1, 128>}, {pipeline_mode = #tpu.pipeline_mode<synchronous>, transform_indices = @transform_4, window_bounds = array<i64: 1, 128>}, {transform_indices = @transform_5, window_bounds = array<i64: 8, 128>}]} {
    %get3A = arith.constant 0 : index
    %get3A_0 = arith.constant 0 : index
    %get3A_1 = vector.load %arg3[%get3A, %get3A_0] : memref<8x128xf32, #tpu.memory_space<vmem>>, vector<8x128xf32>
    %get3A_2 = arith.constant 0 : index
    %get3A_3 = arith.constant 0 : index
    %get3A_4 = arith.constant 0 : index
    %get3A_5 = vector.load %arg1[%get3A_2, %get3A_3, %get3A_4] : memref<2x1024x128xf32, #tpu.memory_space<vmem>>, vector<1x128x128xf32>
    %get3A_6 = vector.shape_cast %get3A_5 : vector<1x128x128xf32> to vector<128x128xf32>
    %get3A_7 = arith.constant 1 : index
    %get3A_8 = arith.constant 0 : index
    %get3A_9 = arith.constant 0 : index
    %get3A_10 = vector.load %arg1[%get3A_7, %get3A_8, %get3A_9] : memref<2x1024x128xf32, #tpu.memory_space<vmem>>, vector<1x128x128xf32>
    %get3A_11 = vector.shape_cast %get3A_10 : vector<1x128x128xf32> to vector<128x128xf32>
    %add3A = arith.addf %get3A_6, %get3A_11 : vector<128x128xf32>
    %get3A_12 = arith.constant 0 : index
    %get3A_13 = arith.constant 0 : index
    %get3A_14 = vector.load %arg2[%get3A_12, %get3A_13] : memref<1024x128xf32, #tpu.memory_space<vmem>>, vector<128x128xf32>
    %add3A_15 = arith.addf %add3A, %get3A_14 : vector<128x128xf32>
    %slice3A = vector.extract_strided_slice %get3A_1 {offsets = [0, 0], sizes = [1, 128], strides = [1, 1]} : vector<8x128xf32> to vector<1x128xf32>
    %iota3A = tpu.iota {dimensions = array<i32: 0>} : vector<128x128xi32>
    %iota3A_16 = tpu.iota {dimensions = array<i32: 1>} : vector<128x128xi32>
    %eq3A = arith.cmpi eq, %iota3A, %iota3A_16 : vector<128x128xi32>
    %broadcast_in_dim3A = vector.shape_cast %slice3A : vector<1x128xf32> to vector<1x128xf32>
    %broadcast_in_dim3A_17 = vector.broadcast %broadcast_in_dim3A : vector<1x128xf32> to vector<128x128xf32>
    %jit3A = arith.constant 0.000000e+00 : f32
    %broadcast_in_dim3A_18 = vector.broadcast %jit3A : f32 to vector<128x128xf32>
    %select_n3A = arith.select %eq3A, %broadcast_in_dim3A_17, %broadcast_in_dim3A_18 : vector<128x128xi1>, vector<128x128xf32>
    %dot_general3A = arith.constant dense<0.000000e+00> : vector<128x128xf32>
    %dot_general3A_19 = tpu.matmul %select_n3A, %add3A_15, %dot_general3A {dimension_numbers = #tpu.dot_dimension_numbers<[1], [0], [0], [1], [0, 0, 1, 1], [], []>, transpose_lhs_hint = false} : vector<128x128xf32>, vector<128x128xf32>, vector<128x128xf32> -> vector<128x128xf32>
    %get3A_20 = arith.constant 0 : index
    %get3A_21 = arith.constant 0 : index
    %get3A_22 = vector.load %arg4[%get3A_20, %get3A_21] : memref<1x128xf32, #tpu.memory_space<vmem>>, vector<1x128xf32>
    %add3A_23 = vector.broadcast %get3A_22 : vector<1x128xf32> to vector<128x128xf32>
    %add3A_24 = arith.addf %dot_general3A_19, %add3A_23 : vector<128x128xf32>
    %max3A = arith.constant 0.000000e+00 : f32
    %max3A_25 = vector.broadcast %max3A : f32 to vector<128x128xf32>
    %max3A_26 = arith.maximumf %add3A_24, %max3A_25 : vector<128x128xf32>
    %get3A_27 = arith.constant 0 : index
    %get3A_28 = arith.constant 0 : index
    %get3A_29 = vector.load %arg5[%get3A_27, %get3A_28] : memref<1x128xf32, #tpu.memory_space<vmem>>, vector<1x128xf32>
    %dot_general3A_30 = arith.constant dense<0.000000e+00> : vector<1x128xf32>
    %dot_general3A_31 = tpu.matmul %get3A_29, %max3A_26, %dot_general3A_30 {dimension_numbers = #tpu.dot_dimension_numbers<[1], [1], [0], [0], [0, 0, 1, 0], [], []>, transpose_lhs_hint = false} : vector<1x128xf32>, vector<128x128xf32>, vector<1x128xf32> -> vector<1x128xf32>
    %mul3A = arith.mulf %dot_general3A_31, %slice3A : vector<1x128xf32>
    %swap3A = arith.constant 0 : index
    %swap3A_32 = arith.constant 0 : index
    %swap3A_33 = vector.load %arg6[%swap3A, %swap3A_32] : memref<8x128xf32, #tpu.memory_space<vmem>>, vector<1x128xf32>
    tpu.vector_store %arg6[%swap3A, %swap3A_32], %mul3A {strides = array<i32>} : memref<8x128xf32, #tpu.memory_space<vmem>>, vector<1x128xf32>,
    %get3A_34 = arith.constant 0 : index
    %get3A_35 = arith.constant 128 : index
    %get3A_36 = arith.constant 0 : index
    %get3A_37 = vector.load %arg1[%get3A_34, %get3A_35, %get3A_36] : memref<2x1024x128xf32, #tpu.memory_space<vmem>>, vector<1x128x128xf32>
    %get3A_38 = vector.shape_cast %get3A_37 : vector<1x128x128xf32> to vector<128x128xf32>
    %get3A_39 = arith.constant 1 : index
    %get3A_40 = arith.constant 128 : index
    %get3A_41 = arith.constant 0 : index
    %get3A_42 = vector.load %arg1[%get3A_39, %get3A_40, %get3A_41] : memref<2x1024x128xf32, #tpu.memory_space<vmem>>, vector<1x128x128xf32>
    %get3A_43 = vector.shape_cast %get3A_42 : vector<1x128x128xf32> to vector<128x128xf32>
    %add3A_44 = arith.addf %get3A_38, %get3A_43 : vector<128x128xf32>
    %get3A_45 = arith.constant 128 : index
    %get3A_46 = arith.constant 0 : index
    %get3A_47 = vector.load %arg2[%get3A_45, %get3A_46] : memref<1024x128xf32, #tpu.memory_space<vmem>>, vector<128x128xf32>
    %add3A_48 = arith.addf %add3A_44, %get3A_47 : vector<128x128xf32>
    %slice3A_49 = vector.extract_strided_slice %get3A_1 {offsets = [1, 0], sizes = [1, 128], strides = [1, 1]} : vector<8x128xf32> to vector<1x128xf32>
    %iota3A_50 = tpu.iota {dimensions = array<i32: 0>} : vector<128x128xi32>
    %iota3A_51 = tpu.iota {dimensions = array<i32: 1>} : vector<128x128xi32>
    %eq3A_52 = arith.cmpi eq, %iota3A_50, %iota3A_51 : vector<128x128xi32>
    %broadcast_in_dim3A_53 = vector.shape_cast %slice3A_49 : vector<1x128xf32> to vector<1x128xf32>
    %broadcast_in_dim3A_54 = vector.broadcast %broadcast_in_dim3A_53 : vector<1x128xf32> to vector<128x128xf32>
    %jit3A_55 = arith.constant 0.000000e+00 : f32
    %broadcast_in_dim3A_56 = vector.broadcast %jit3A_55 : f32 to vector<128x128xf32>
    %select_n3A_57 = arith.select %eq3A_52, %broadcast_in_dim3A_54, %broadcast_in_dim3A_56 : vector<128x128xi1>, vector<128x128xf32>
    %dot_general3A_58 = arith.constant dense<0.000000e+00> : vector<128x128xf32>
    %dot_general3A_59 = tpu.matmul %select_n3A_57, %add3A_48, %dot_general3A_58 {dimension_numbers = #tpu.dot_dimension_numbers<[1], [0], [0], [1], [0, 0, 1, 1], [], []>, transpose_lhs_hint = false} : vector<128x128xf32>, vector<128x128xf32>, vector<128x128xf32> -> vector<128x128xf32>
    %get3A_60 = arith.constant 0 : index
    %get3A_61 = arith.constant 0 : index
    %get3A_62 = vector.load %arg4[%get3A_60, %get3A_61] : memref<1x128xf32, #tpu.memory_space<vmem>>, vector<1x128xf32>
    %add3A_63 = vector.broadcast %get3A_62 : vector<1x128xf32> to vector<128x128xf32>
    %add3A_64 = arith.addf %dot_general3A_59, %add3A_63 : vector<128x128xf32>
    %max3A_65 = arith.constant 0.000000e+00 : f32
    %max3A_66 = vector.broadcast %max3A_65 : f32 to vector<128x128xf32>
    %max3A_67 = arith.maximumf %add3A_64, %max3A_66 : vector<128x128xf32>
    %get3A_68 = arith.constant 0 : index
    %get3A_69 = arith.constant 0 : index
    %get3A_70 = vector.load %arg5[%get3A_68, %get3A_69] : memref<1x128xf32, #tpu.memory_space<vmem>>, vector<1x128xf32>
    %dot_general3A_71 = arith.constant dense<0.000000e+00> : vector<1x128xf32>
    %dot_general3A_72 = tpu.matmul %get3A_70, %max3A_67, %dot_general3A_71 {dimension_numbers = #tpu.dot_dimension_numbers<[1], [1], [0], [0], [0, 0, 1, 0], [], []>, transpose_lhs_hint = false} : vector<1x128xf32>, vector<128x128xf32>, vector<1x128xf32> -> vector<1x128xf32>
    %mul3A_73 = arith.mulf %dot_general3A_72, %slice3A_49 : vector<1x128xf32>
    %swap3A_74 = arith.constant 1 : index
    %swap3A_75 = arith.constant 0 : index
    %swap3A_76 = vector.load %arg6[%swap3A_74, %swap3A_75] : memref<8x128xf32, #tpu.memory_space<vmem>>, vector<1x128xf32>
    tpu.vector_store %arg6[%swap3A_74, %swap3A_75], %mul3A_73 {strides = array<i32>} : memref<8x128xf32, #tpu.memory_space<vmem>>, vector<1x128xf32>,
    %get3A_77 = arith.constant 0 : index
    %get3A_78 = arith.constant 256 : index
    %get3A_79 = arith.constant 0 : index
    %get3A_80 = vector.load %arg1[%get3A_77, %get3A_78, %get3A_79] : memref<2x1024x128xf32, #tpu.memory_space<vmem>>, vector<1x128x128xf32>
    %get3A_81 = vector.shape_cast %get3A_80 : vector<1x128x128xf32> to vector<128x128xf32>
    %get3A_82 = arith.constant 1 : index
    %get3A_83 = arith.constant 256 : index
    %get3A_84 = arith.constant 0 : index
    %get3A_85 = vector.load %arg1[%get3A_82, %get3A_83, %get3A_84] : memref<2x1024x128xf32, #tpu.memory_space<vmem>>, vector<1x128x128xf32>
    %get3A_86 = vector.shape_cast %get3A_85 : vector<1x128x128xf32> to vector<128x128xf32>
    %add3A_87 = arith.addf %get3A_81, %get3A_86 : vector<128x128xf32>
    %get3A_88 = arith.constant 256 : index
    %get3A_89 = arith.constant 0 : index
    %get3A_90 = vector.load %arg2[%get3A_88, %get3A_89] : memref<1024x128xf32, #tpu.memory_space<vmem>>, vector<128x128xf32>
    %add3A_91 = arith.addf %add3A_87, %get3A_90 : vector<128x128xf32>
    %slice3A_92 = vector.extract_strided_slice %get3A_1 {offsets = [2, 0], sizes = [1, 128], strides = [1, 1]} : vector<8x128xf32> to vector<1x128xf32>
    %iota3A_93 = tpu.iota {dimensions = array<i32: 0>} : vector<128x128xi32>
    %iota3A_94 = tpu.iota {dimensions = array<i32: 1>} : vector<128x128xi32>
    %eq3A_95 = arith.cmpi eq, %iota3A_93, %iota3A_94 : vector<128x128xi32>
    %broadcast_in_dim3A_96 = vector.shape_cast %slice3A_92 : vector<1x128xf32> to vector<1x128xf32>
    %broadcast_in_dim3A_97 = vector.broadcast %broadcast_in_dim3A_96 : vector<1x128xf32> to vector<128x128xf32>
    %jit3A_98 = arith.constant 0.000000e+00 : f32
    %broadcast_in_dim3A_99 = vector.broadcast %jit3A_98 : f32 to vector<128x128xf32>
    %select_n3A_100 = arith.select %eq3A_95, %broadcast_in_dim3A_97, %broadcast_in_dim3A_99 : vector<128x128xi1>, vector<128x128xf32>
    %dot_general3A_101 = arith.constant dense<0.000000e+00> : vector<128x128xf32>
    %dot_general3A_102 = tpu.matmul %select_n3A_100, %add3A_91, %dot_general3A_101 {dimension_numbers = #tpu.dot_dimension_numbers<[1], [0], [0], [1], [0, 0, 1, 1], [], []>, transpose_lhs_hint = false} : vector<128x128xf32>, vector<128x128xf32>, vector<128x128xf32> -> vector<128x128xf32>
    %get3A_103 = arith.constant 0 : index
    %get3A_104 = arith.constant 0 : index
    %get3A_105 = vector.load %arg4[%get3A_103, %get3A_104] : memref<1x128xf32, #tpu.memory_space<vmem>>, vector<1x128xf32>
    %add3A_106 = vector.broadcast %get3A_105 : vector<1x128xf32> to vector<128x128xf32>
    %add3A_107 = arith.addf %dot_general3A_102, %add3A_106 : vector<128x128xf32>
    %max3A_108 = arith.constant 0.000000e+00 : f32
    %max3A_109 = vector.broadcast %max3A_108 : f32 to vector<128x128xf32>
    %max3A_110 = arith.maximumf %add3A_107, %max3A_109 : vector<128x128xf32>
    %get3A_111 = arith.constant 0 : index
    %get3A_112 = arith.constant 0 : index
    %get3A_113 = vector.load %arg5[%get3A_111, %get3A_112] : memref<1x128xf32, #tpu.memory_space<vmem>>, vector<1x128xf32>
    %dot_general3A_114 = arith.constant dense<0.000000e+00> : vector<1x128xf32>
    %dot_general3A_115 = tpu.matmul %get3A_113, %max3A_110, %dot_general3A_114 {dimension_numbers = #tpu.dot_dimension_numbers<[1], [1], [0], [0], [0, 0, 1, 0], [], []>, transpose_lhs_hint = false} : vector<1x128xf32>, vector<128x128xf32>, vector<1x128xf32> -> vector<1x128xf32>
    %mul3A_116 = arith.mulf %dot_general3A_115, %slice3A_92 : vector<1x128xf32>
    %swap3A_117 = arith.constant 2 : index
    %swap3A_118 = arith.constant 0 : index
    %swap3A_119 = vector.load %arg6[%swap3A_117, %swap3A_118] : memref<8x128xf32, #tpu.memory_space<vmem>>, vector<1x128xf32>
    tpu.vector_store %arg6[%swap3A_117, %swap3A_118], %mul3A_116 {strides = array<i32>} : memref<8x128xf32, #tpu.memory_space<vmem>>, vector<1x128xf32>,
    %get3A_120 = arith.constant 0 : index
    %get3A_121 = arith.constant 384 : index
    %get3A_122 = arith.constant 0 : index
    %get3A_123 = vector.load %arg1[%get3A_120, %get3A_121, %get3A_122] : memref<2x1024x128xf32, #tpu.memory_space<vmem>>, vector<1x128x128xf32>
    %get3A_124 = vector.shape_cast %get3A_123 : vector<1x128x128xf32> to vector<128x128xf32>
    %get3A_125 = arith.constant 1 : index
    %get3A_126 = arith.constant 384 : index
    %get3A_127 = arith.constant 0 : index
    %get3A_128 = vector.load %arg1[%get3A_125, %get3A_126, %get3A_127] : memref<2x1024x128xf32, #tpu.memory_space<vmem>>, vector<1x128x128xf32>
    %get3A_129 = vector.shape_cast %get3A_128 : vector<1x128x128xf32> to vector<128x128xf32>
    %add3A_130 = arith.addf %get3A_124, %get3A_129 : vector<128x128xf32>
    %get3A_131 = arith.constant 384 : index
    %get3A_132 = arith.constant 0 : index
    %get3A_133 = vector.load %arg2[%get3A_131, %get3A_132] : memref<1024x128xf32, #tpu.memory_space<vmem>>, vector<128x128xf32>
    %add3A_134 = arith.addf %add3A_130, %get3A_133 : vector<128x128xf32>
    %slice3A_135 = vector.extract_strided_slice %get3A_1 {offsets = [3, 0], sizes = [1, 128], strides = [1, 1]} : vector<8x128xf32> to vector<1x128xf32>
    %iota3A_136 = tpu.iota {dimensions = array<i32: 0>} : vector<128x128xi32>
    %iota3A_137 = tpu.iota {dimensions = array<i32: 1>} : vector<128x128xi32>
    %eq3A_138 = arith.cmpi eq, %iota3A_136, %iota3A_137 : vector<128x128xi32>
    %broadcast_in_dim3A_139 = vector.shape_cast %slice3A_135 : vector<1x128xf32> to vector<1x128xf32>
    %broadcast_in_dim3A_140 = vector.broadcast %broadcast_in_dim3A_139 : vector<1x128xf32> to vector<128x128xf32>
    %jit3A_141 = arith.constant 0.000000e+00 : f32
    %broadcast_in_dim3A_142 = vector.broadcast %jit3A_141 : f32 to vector<128x128xf32>
    %select_n3A_143 = arith.select %eq3A_138, %broadcast_in_dim3A_140, %broadcast_in_dim3A_142 : vector<128x128xi1>, vector<128x128xf32>
    %dot_general3A_144 = arith.constant dense<0.000000e+00> : vector<128x128xf32>
    %dot_general3A_145 = tpu.matmul %select_n3A_143, %add3A_134, %dot_general3A_144 {dimension_numbers = #tpu.dot_dimension_numbers<[1], [0], [0], [1], [0, 0, 1, 1], [], []>, transpose_lhs_hint = false} : vector<128x128xf32>, vector<128x128xf32>, vector<128x128xf32> -> vector<128x128xf32>
    %get3A_146 = arith.constant 0 : index
    %get3A_147 = arith.constant 0 : index
    %get3A_148 = vector.load %arg4[%get3A_146, %get3A_147] : memref<1x128xf32, #tpu.memory_space<vmem>>, vector<1x128xf32>
    %add3A_149 = vector.broadcast %get3A_148 : vector<1x128xf32> to vector<128x128xf32>
    %add3A_150 = arith.addf %dot_general3A_145, %add3A_149 : vector<128x128xf32>
    %max3A_151 = arith.constant 0.000000e+00 : f32
    %max3A_152 = vector.broadcast %max3A_151 : f32 to vector<128x128xf32>
    %max3A_153 = arith.maximumf %add3A_150, %max3A_152 : vector<128x128xf32>
    %get3A_154 = arith.constant 0 : index
    %get3A_155 = arith.constant 0 : index
    %get3A_156 = vector.load %arg5[%get3A_154, %get3A_155] : memref<1x128xf32, #tpu.memory_space<vmem>>, vector<1x128xf32>
    %dot_general3A_157 = arith.constant dense<0.000000e+00> : vector<1x128xf32>
    %dot_general3A_158 = tpu.matmul %get3A_156, %max3A_153, %dot_general3A_157 {dimension_numbers = #tpu.dot_dimension_numbers<[1], [1], [0], [0], [0, 0, 1, 0], [], []>, transpose_lhs_hint = false} : vector<1x128xf32>, vector<128x128xf32>, vector<1x128xf32> -> vector<1x128xf32>
    %mul3A_159 = arith.mulf %dot_general3A_158, %slice3A_135 : vector<1x128xf32>
    %swap3A_160 = arith.constant 3 : index
    %swap3A_161 = arith.constant 0 : index
    %swap3A_162 = vector.load %arg6[%swap3A_160, %swap3A_161] : memref<8x128xf32, #tpu.memory_space<vmem>>, vector<1x128xf32>
    tpu.vector_store %arg6[%swap3A_160, %swap3A_161], %mul3A_159 {strides = array<i32>} : memref<8x128xf32, #tpu.memory_space<vmem>>, vector<1x128xf32>,
    %get3A_163 = arith.constant 0 : index
    %get3A_164 = arith.constant 512 : index
    %get3A_165 = arith.constant 0 : index
    %get3A_166 = vector.load %arg1[%get3A_163, %get3A_164, %get3A_165] : memref<2x1024x128xf32, #tpu.memory_space<vmem>>, vector<1x128x128xf32>
    %get3A_167 = vector.shape_cast %get3A_166 : vector<1x128x128xf32> to vector<128x128xf32>
    %get3A_168 = arith.constant 1 : index
    %get3A_169 = arith.constant 512 : index
    %get3A_170 = arith.constant 0 : index
    %get3A_171 = vector.load %arg1[%get3A_168, %get3A_169, %get3A_170] : memref<2x1024x128xf32, #tpu.memory_space<vmem>>, vector<1x128x128xf32>
    %get3A_172 = vector.shape_cast %get3A_171 : vector<1x128x128xf32> to vector<128x128xf32>
    %add3A_173 = arith.addf %get3A_167, %get3A_172 : vector<128x128xf32>
    %get3A_174 = arith.constant 512 : index
    %get3A_175 = arith.constant 0 : index
    %get3A_176 = vector.load %arg2[%get3A_174, %get3A_175] : memref<1024x128xf32, #tpu.memory_space<vmem>>, vector<128x128xf32>
    %add3A_177 = arith.addf %add3A_173, %get3A_176 : vector<128x128xf32>
    %slice3A_178 = vector.extract_strided_slice %get3A_1 {offsets = [4, 0], sizes = [1, 128], strides = [1, 1]} : vector<8x128xf32> to vector<1x128xf32>
    %iota3A_179 = tpu.iota {dimensions = array<i32: 0>} : vector<128x128xi32>
    %iota3A_180 = tpu.iota {dimensions = array<i32: 1>} : vector<128x128xi32>
    %eq3A_181 = arith.cmpi eq, %iota3A_179, %iota3A_180 : vector<128x128xi32>
    %broadcast_in_dim3A_182 = vector.shape_cast %slice3A_178 : vector<1x128xf32> to vector<1x128xf32>
    %broadcast_in_dim3A_183 = vector.broadcast %broadcast_in_dim3A_182 : vector<1x128xf32> to vector<128x128xf32>
    %jit3A_184 = arith.constant 0.000000e+00 : f32
    %broadcast_in_dim3A_185 = vector.broadcast %jit3A_184 : f32 to vector<128x128xf32>
    %select_n3A_186 = arith.select %eq3A_181, %broadcast_in_dim3A_183, %broadcast_in_dim3A_185 : vector<128x128xi1>, vector<128x128xf32>
    %dot_general3A_187 = arith.constant dense<0.000000e+00> : vector<128x128xf32>
    %dot_general3A_188 = tpu.matmul %select_n3A_186, %add3A_177, %dot_general3A_187 {dimension_numbers = #tpu.dot_dimension_numbers<[1], [0], [0], [1], [0, 0, 1, 1], [], []>, transpose_lhs_hint = false} : vector<128x128xf32>, vector<128x128xf32>, vector<128x128xf32> -> vector<128x128xf32>
    %get3A_189 = arith.constant 0 : index
    %get3A_190 = arith.constant 0 : index
    %get3A_191 = vector.load %arg4[%get3A_189, %get3A_190] : memref<1x128xf32, #tpu.memory_space<vmem>>, vector<1x128xf32>
    %add3A_192 = vector.broadcast %get3A_191 : vector<1x128xf32> to vector<128x128xf32>
    %add3A_193 = arith.addf %dot_general3A_188, %add3A_192 : vector<128x128xf32>
    %max3A_194 = arith.constant 0.000000e+00 : f32
    %max3A_195 = vector.broadcast %max3A_194 : f32 to vector<128x128xf32>
    %max3A_196 = arith.maximumf %add3A_193, %max3A_195 : vector<128x128xf32>
    %get3A_197 = arith.constant 0 : index
    %get3A_198 = arith.constant 0 : index
    %get3A_199 = vector.load %arg5[%get3A_197, %get3A_198] : memref<1x128xf32, #tpu.memory_space<vmem>>, vector<1x128xf32>
    %dot_general3A_200 = arith.constant dense<0.000000e+00> : vector<1x128xf32>
    %dot_general3A_201 = tpu.matmul %get3A_199, %max3A_196, %dot_general3A_200 {dimension_numbers = #tpu.dot_dimension_numbers<[1], [1], [0], [0], [0, 0, 1, 0], [], []>, transpose_lhs_hint = false} : vector<1x128xf32>, vector<128x128xf32>, vector<1x128xf32> -> vector<1x128xf32>
    %mul3A_202 = arith.mulf %dot_general3A_201, %slice3A_178 : vector<1x128xf32>
    %swap3A_203 = arith.constant 4 : index
    %swap3A_204 = arith.constant 0 : index
    %swap3A_205 = vector.load %arg6[%swap3A_203, %swap3A_204] : memref<8x128xf32, #tpu.memory_space<vmem>>, vector<1x128xf32>
    tpu.vector_store %arg6[%swap3A_203, %swap3A_204], %mul3A_202 {strides = array<i32>} : memref<8x128xf32, #tpu.memory_space<vmem>>, vector<1x128xf32>,
    %get3A_206 = arith.constant 0 : index
    %get3A_207 = arith.constant 640 : index
    %get3A_208 = arith.constant 0 : index
    %get3A_209 = vector.load %arg1[%get3A_206, %get3A_207, %get3A_208] : memref<2x1024x128xf32, #tpu.memory_space<vmem>>, vector<1x128x128xf32>
    %get3A_210 = vector.shape_cast %get3A_209 : vector<1x128x128xf32> to vector<128x128xf32>
    %get3A_211 = arith.constant 1 : index
    %get3A_212 = arith.constant 640 : index
    %get3A_213 = arith.constant 0 : index
    %get3A_214 = vector.load %arg1[%get3A_211, %get3A_212, %get3A_213] : memref<2x1024x128xf32, #tpu.memory_space<vmem>>, vector<1x128x128xf32>
    %get3A_215 = vector.shape_cast %get3A_214 : vector<1x128x128xf32> to vector<128x128xf32>
    %add3A_216 = arith.addf %get3A_210, %get3A_215 : vector<128x128xf32>
    %get3A_217 = arith.constant 640 : index
    %get3A_218 = arith.constant 0 : index
    %get3A_219 = vector.load %arg2[%get3A_217, %get3A_218] : memref<1024x128xf32, #tpu.memory_space<vmem>>, vector<128x128xf32>
    %add3A_220 = arith.addf %add3A_216, %get3A_219 : vector<128x128xf32>
    %slice3A_221 = vector.extract_strided_slice %get3A_1 {offsets = [5, 0], sizes = [1, 128], strides = [1, 1]} : vector<8x128xf32> to vector<1x128xf32>
    %iota3A_222 = tpu.iota {dimensions = array<i32: 0>} : vector<128x128xi32>
    %iota3A_223 = tpu.iota {dimensions = array<i32: 1>} : vector<128x128xi32>
    %eq3A_224 = arith.cmpi eq, %iota3A_222, %iota3A_223 : vector<128x128xi32>
    %broadcast_in_dim3A_225 = vector.shape_cast %slice3A_221 : vector<1x128xf32> to vector<1x128xf32>
    %broadcast_in_dim3A_226 = vector.broadcast %broadcast_in_dim3A_225 : vector<1x128xf32> to vector<128x128xf32>
    %jit3A_227 = arith.constant 0.000000e+00 : f32
    %broadcast_in_dim3A_228 = vector.broadcast %jit3A_227 : f32 to vector<128x128xf32>
    %select_n3A_229 = arith.select %eq3A_224, %broadcast_in_dim3A_226, %broadcast_in_dim3A_228 : vector<128x128xi1>, vector<128x128xf32>
    %dot_general3A_230 = arith.constant dense<0.000000e+00> : vector<128x128xf32>
    %dot_general3A_231 = tpu.matmul %select_n3A_229, %add3A_220, %dot_general3A_230 {dimension_numbers = #tpu.dot_dimension_numbers<[1], [0], [0], [1], [0, 0, 1, 1], [], []>, transpose_lhs_hint = false} : vector<128x128xf32>, vector<128x128xf32>, vector<128x128xf32> -> vector<128x128xf32>
    %get3A_232 = arith.constant 0 : index
    %get3A_233 = arith.constant 0 : index
    %get3A_234 = vector.load %arg4[%get3A_232, %get3A_233] : memref<1x128xf32, #tpu.memory_space<vmem>>, vector<1x128xf32>
    %add3A_235 = vector.broadcast %get3A_234 : vector<1x128xf32> to vector<128x128xf32>
    %add3A_236 = arith.addf %dot_general3A_231, %add3A_235 : vector<128x128xf32>
    %max3A_237 = arith.constant 0.000000e+00 : f32
    %max3A_238 = vector.broadcast %max3A_237 : f32 to vector<128x128xf32>
    %max3A_239 = arith.maximumf %add3A_236, %max3A_238 : vector<128x128xf32>
    %get3A_240 = arith.constant 0 : index
    %get3A_241 = arith.constant 0 : index
    %get3A_242 = vector.load %arg5[%get3A_240, %get3A_241] : memref<1x128xf32, #tpu.memory_space<vmem>>, vector<1x128xf32>
    %dot_general3A_243 = arith.constant dense<0.000000e+00> : vector<1x128xf32>
    %dot_general3A_244 = tpu.matmul %get3A_242, %max3A_239, %dot_general3A_243 {dimension_numbers = #tpu.dot_dimension_numbers<[1], [1], [0], [0], [0, 0, 1, 0], [], []>, transpose_lhs_hint = false} : vector<1x128xf32>, vector<128x128xf32>, vector<1x128xf32> -> vector<1x128xf32>
    %mul3A_245 = arith.mulf %dot_general3A_244, %slice3A_221 : vector<1x128xf32>
    %swap3A_246 = arith.constant 5 : index
    %swap3A_247 = arith.constant 0 : index
    %swap3A_248 = vector.load %arg6[%swap3A_246, %swap3A_247] : memref<8x128xf32, #tpu.memory_space<vmem>>, vector<1x128xf32>
    tpu.vector_store %arg6[%swap3A_246, %swap3A_247], %mul3A_245 {strides = array<i32>} : memref<8x128xf32, #tpu.memory_space<vmem>>, vector<1x128xf32>,
    %get3A_249 = arith.constant 0 : index
    %get3A_250 = arith.constant 768 : index
    %get3A_251 = arith.constant 0 : index
    %get3A_252 = vector.load %arg1[%get3A_249, %get3A_250, %get3A_251] : memref<2x1024x128xf32, #tpu.memory_space<vmem>>, vector<1x128x128xf32>
    %get3A_253 = vector.shape_cast %get3A_252 : vector<1x128x128xf32> to vector<128x128xf32>
    %get3A_254 = arith.constant 1 : index
    %get3A_255 = arith.constant 768 : index
    %get3A_256 = arith.constant 0 : index
    %get3A_257 = vector.load %arg1[%get3A_254, %get3A_255, %get3A_256] : memref<2x1024x128xf32, #tpu.memory_space<vmem>>, vector<1x128x128xf32>
    %get3A_258 = vector.shape_cast %get3A_257 : vector<1x128x128xf32> to vector<128x128xf32>
    %add3A_259 = arith.addf %get3A_253, %get3A_258 : vector<128x128xf32>
    %get3A_260 = arith.constant 768 : index
    %get3A_261 = arith.constant 0 : index
    %get3A_262 = vector.load %arg2[%get3A_260, %get3A_261] : memref<1024x128xf32, #tpu.memory_space<vmem>>, vector<128x128xf32>
    %add3A_263 = arith.addf %add3A_259, %get3A_262 : vector<128x128xf32>
    %slice3A_264 = vector.extract_strided_slice %get3A_1 {offsets = [6, 0], sizes = [1, 128], strides = [1, 1]} : vector<8x128xf32> to vector<1x128xf32>
    %iota3A_265 = tpu.iota {dimensions = array<i32: 0>} : vector<128x128xi32>
    %iota3A_266 = tpu.iota {dimensions = array<i32: 1>} : vector<128x128xi32>
    %eq3A_267 = arith.cmpi eq, %iota3A_265, %iota3A_266 : vector<128x128xi32>
    %broadcast_in_dim3A_268 = vector.shape_cast %slice3A_264 : vector<1x128xf32> to vector<1x128xf32>
    %broadcast_in_dim3A_269 = vector.broadcast %broadcast_in_dim3A_268 : vector<1x128xf32> to vector<128x128xf32>
    %jit3A_270 = arith.constant 0.000000e+00 : f32
    %broadcast_in_dim3A_271 = vector.broadcast %jit3A_270 : f32 to vector<128x128xf32>
    %select_n3A_272 = arith.select %eq3A_267, %broadcast_in_dim3A_269, %broadcast_in_dim3A_271 : vector<128x128xi1>, vector<128x128xf32>
    %dot_general3A_273 = arith.constant dense<0.000000e+00> : vector<128x128xf32>
    %dot_general3A_274 = tpu.matmul %select_n3A_272, %add3A_263, %dot_general3A_273 {dimension_numbers = #tpu.dot_dimension_numbers<[1], [0], [0], [1], [0, 0, 1, 1], [], []>, transpose_lhs_hint = false} : vector<128x128xf32>, vector<128x128xf32>, vector<128x128xf32> -> vector<128x128xf32>
    %get3A_275 = arith.constant 0 : index
    %get3A_276 = arith.constant 0 : index
    %get3A_277 = vector.load %arg4[%get3A_275, %get3A_276] : memref<1x128xf32, #tpu.memory_space<vmem>>, vector<1x128xf32>
    %add3A_278 = vector.broadcast %get3A_277 : vector<1x128xf32> to vector<128x128xf32>
    %add3A_279 = arith.addf %dot_general3A_274, %add3A_278 : vector<128x128xf32>
    %max3A_280 = arith.constant 0.000000e+00 : f32
    %max3A_281 = vector.broadcast %max3A_280 : f32 to vector<128x128xf32>
    %max3A_282 = arith.maximumf %add3A_279, %max3A_281 : vector<128x128xf32>
    %get3A_283 = arith.constant 0 : index
    %get3A_284 = arith.constant 0 : index
    %get3A_285 = vector.load %arg5[%get3A_283, %get3A_284] : memref<1x128xf32, #tpu.memory_space<vmem>>, vector<1x128xf32>
    %dot_general3A_286 = arith.constant dense<0.000000e+00> : vector<1x128xf32>
    %dot_general3A_287 = tpu.matmul %get3A_285, %max3A_282, %dot_general3A_286 {dimension_numbers = #tpu.dot_dimension_numbers<[1], [1], [0], [0], [0, 0, 1, 0], [], []>, transpose_lhs_hint = false} : vector<1x128xf32>, vector<128x128xf32>, vector<1x128xf32> -> vector<1x128xf32>
    %mul3A_288 = arith.mulf %dot_general3A_287, %slice3A_264 : vector<1x128xf32>
    %swap3A_289 = arith.constant 6 : index
    %swap3A_290 = arith.constant 0 : index
    %swap3A_291 = vector.load %arg6[%swap3A_289, %swap3A_290] : memref<8x128xf32, #tpu.memory_space<vmem>>, vector<1x128xf32>
    tpu.vector_store %arg6[%swap3A_289, %swap3A_290], %mul3A_288 {strides = array<i32>} : memref<8x128xf32, #tpu.memory_space<vmem>>, vector<1x128xf32>,
    %get3A_292 = arith.constant 0 : index
    %get3A_293 = arith.constant 896 : index
    %get3A_294 = arith.constant 0 : index
    %get3A_295 = vector.load %arg1[%get3A_292, %get3A_293, %get3A_294] : memref<2x1024x128xf32, #tpu.memory_space<vmem>>, vector<1x128x128xf32>
    %get3A_296 = vector.shape_cast %get3A_295 : vector<1x128x128xf32> to vector<128x128xf32>
    %get3A_297 = arith.constant 1 : index
    %get3A_298 = arith.constant 896 : index
    %get3A_299 = arith.constant 0 : index
    %get3A_300 = vector.load %arg1[%get3A_297, %get3A_298, %get3A_299] : memref<2x1024x128xf32, #tpu.memory_space<vmem>>, vector<1x128x128xf32>
    %get3A_301 = vector.shape_cast %get3A_300 : vector<1x128x128xf32> to vector<128x128xf32>
    %add3A_302 = arith.addf %get3A_296, %get3A_301 : vector<128x128xf32>
    %get3A_303 = arith.constant 896 : index
    %get3A_304 = arith.constant 0 : index
    %get3A_305 = vector.load %arg2[%get3A_303, %get3A_304] : memref<1024x128xf32, #tpu.memory_space<vmem>>, vector<128x128xf32>
    %add3A_306 = arith.addf %add3A_302, %get3A_305 : vector<128x128xf32>
    %slice3A_307 = vector.extract_strided_slice %get3A_1 {offsets = [7, 0], sizes = [1, 128], strides = [1, 1]} : vector<8x128xf32> to vector<1x128xf32>
    %iota3A_308 = tpu.iota {dimensions = array<i32: 0>} : vector<128x128xi32>
    %iota3A_309 = tpu.iota {dimensions = array<i32: 1>} : vector<128x128xi32>
    %eq3A_310 = arith.cmpi eq, %iota3A_308, %iota3A_309 : vector<128x128xi32>
    %broadcast_in_dim3A_311 = vector.shape_cast %slice3A_307 : vector<1x128xf32> to vector<1x128xf32>
    %broadcast_in_dim3A_312 = vector.broadcast %broadcast_in_dim3A_311 : vector<1x128xf32> to vector<128x128xf32>
    %jit3A_313 = arith.constant 0.000000e+00 : f32
    %broadcast_in_dim3A_314 = vector.broadcast %jit3A_313 : f32 to vector<128x128xf32>
    %select_n3A_315 = arith.select %eq3A_310, %broadcast_in_dim3A_312, %broadcast_in_dim3A_314 : vector<128x128xi1>, vector<128x128xf32>
    %dot_general3A_316 = arith.constant dense<0.000000e+00> : vector<128x128xf32>
    %dot_general3A_317 = tpu.matmul %select_n3A_315, %add3A_306, %dot_general3A_316 {dimension_numbers = #tpu.dot_dimension_numbers<[1], [0], [0], [1], [0, 0, 1, 1], [], []>, transpose_lhs_hint = false} : vector<128x128xf32>, vector<128x128xf32>, vector<128x128xf32> -> vector<128x128xf32>
    %get3A_318 = arith.constant 0 : index
    %get3A_319 = arith.constant 0 : index
    %get3A_320 = vector.load %arg4[%get3A_318, %get3A_319] : memref<1x128xf32, #tpu.memory_space<vmem>>, vector<1x128xf32>
    %add3A_321 = vector.broadcast %get3A_320 : vector<1x128xf32> to vector<128x128xf32>
    %add3A_322 = arith.addf %dot_general3A_317, %add3A_321 : vector<128x128xf32>
    %max3A_323 = arith.constant 0.000000e+00 : f32
    %max3A_324 = vector.broadcast %max3A_323 : f32 to vector<128x128xf32>
    %max3A_325 = arith.maximumf %add3A_322, %max3A_324 : vector<128x128xf32>
    %get3A_326 = arith.constant 0 : index
    %get3A_327 = arith.constant 0 : index
    %get3A_328 = vector.load %arg5[%get3A_326, %get3A_327] : memref<1x128xf32, #tpu.memory_space<vmem>>, vector<1x128xf32>
    %dot_general3A_329 = arith.constant dense<0.000000e+00> : vector<1x128xf32>
    %dot_general3A_330 = tpu.matmul %get3A_328, %max3A_325, %dot_general3A_329 {dimension_numbers = #tpu.dot_dimension_numbers<[1], [1], [0], [0], [0, 0, 1, 0], [], []>, transpose_lhs_hint = false} : vector<1x128xf32>, vector<128x128xf32>, vector<1x128xf32> -> vector<1x128xf32>
    %mul3A_331 = arith.mulf %dot_general3A_330, %slice3A_307 : vector<1x128xf32>
    %swap3A_332 = arith.constant 7 : index
    %swap3A_333 = arith.constant 0 : index
    %swap3A_334 = vector.load %arg6[%swap3A_332, %swap3A_333] : memref<8x128xf32, #tpu.memory_space<vmem>>, vector<1x128xf32>
    tpu.vector_store %arg6[%swap3A_332, %swap3A_333], %mul3A_331 {strides = array<i32>} : memref<8x128xf32, #tpu.memory_space<vmem>>, vector<1x128xf32>,
    return
  }
  func.func @transform_0(%arg0: i32) -> (i32, i32, i32) {
    %c0_i32 = arith.constant 0 : i32
    %c0_i32_0 = arith.constant 0 : i32
    %c0_i32_1 = arith.constant 0 : i32
    return %c0_i32, %arg0, %c0_i32_0 : i32, i32, i32
  }
  func.func @transform_1(%arg0: i32) -> (i32, i32) {
    %c0_i32 = arith.constant 0 : i32
    %c0_i32_0 = arith.constant 0 : i32
    return %arg0, %c0_i32 : i32, i32
  }
  func.func @transform_2(%arg0: i32) -> (i32, i32) {
    %c0_i32 = arith.constant 0 : i32
    %c0_i32_0 = arith.constant 0 : i32
    return %arg0, %c0_i32 : i32, i32
  }
  func.func @transform_3(%arg0: i32) -> (i32, i32) {
    %c0_i32 = arith.constant 0 : i32
    %c0_i32_0 = arith.constant 0 : i32
    %c0_i32_1 = arith.constant 0 : i32
    return %c0_i32, %c0_i32_0 : i32, i32
  }
  func.func @transform_4(%arg0: i32) -> (i32, i32) {
    %c0_i32 = arith.constant 0 : i32
    %c0_i32_0 = arith.constant 0 : i32
    %c0_i32_1 = arith.constant 0 : i32
    return %c0_i32, %c0_i32_0 : i32, i32
  }
  func.func @transform_5(%arg0: i32) -> (i32, i32) {
    %c0_i32 = arith.constant 0 : i32
    %c0_i32_0 = arith.constant 0 : i32
    return %arg0, %c0_i32 : i32, i32
  }
}

</mosaic_0001>

<sc_bundles>
// kernel: gcn_deg_sc.3.cloned.1.call-start
scs
__scs_entry_jumppad:
0x0: {  	(pc) =	sbr.rel $0x88, $3  }
0x1: {  	(tag) =	ssettag $0x0;
	lr =	simm.s32 $0x1  }
0x2: {  	[smem:$0x3F9B] =	sst lr;
	_ =	strace $0xD0000000  }
0x3: {  	_ = 	snop  }
0x4: {  	_ = 	snop  }
0x5: {  	_ = 	snop  }
0x6: {  	_ = 	snop  }
0x7: {  	_ = 	snop  }
__scs_overlays_trampoline_lowered:
0x8: {  	[smem:$0x3FAA] =	sst s0  }
0x9: {  	[smem:$0x3FAB] =	sst s1  }
0xa: {  	[smem:$0x3FAC] =	sst s2  }
0xb: {  	[smem:$0x3FAD] =	sst s3  }
0xc: {  	[smem:$0x3FAE] =	sst s4  }
0xd: {  	[smem:$0x3FAF] =	sst s5  }
0xe: {  	[smem:$0x3FB0] =	sst s6  }
0xf: {  	[smem:$0x3FB1] =	sst s7  }
0x10: {  	[smem:$0x3FB2] =	sst s8  }
0x11: {  	[smem:$0x3FB3] =	sst s9;
	s0 =	simm.s32 @!p0 $0x0  }
0x12: {  	s1 =	sld [smem:$0x3F99];
	s0 =	simm.s32 @p0 $0x1  }
0x13: {  	[smem:$0x3FB4] =	sst s0;
	s0 =	simm.s32 @!p1 $0x0  }
0x14: {  	s2 =	sld [smem:$0x3F98];
	s0 =	simm.s32 @p1 $0x1  }
0x15: {  	[smem:$0x3FB5] =	sst s0;
	s0 =	simm.s32 @!p2 $0x0  }
0x16: {  	s3 =	sld [smem:$0x3FDB];
	s0 =	simm.s32 @p2 $0x1  }
0x17: {  	s4 =	simm.s32 $0x1BF5;
	[smem:$0x3FB7] =	sst s0  }
0x18: {  	s0 =	sld [smem:$0x3F9A];
	_ =	swait.ge [sflag:s4], $0x0  }
0x19: {  	s7 =	sld [smem:$0x3F9B]  }
0x1a: {  	s8 =	sadd.s32 $0xFFFFE003, lr  }
0x1b: {  	s9 =	sadd.s32 $0xFFFFFEF7, lr;
	s5 =	simm.s32 $0xFFFFFFFF;
	p2 =	slt.u32 s8, $0xFFFFF086  }
0x1c: {  	p1 =	slt.u32 s9, $0xF7A;
	s5 =	simm.s32 @!p2 $0x0  }
0x1d: {  	s5 =	simm.s32 @p1 $0x1;
	p0 =	seq.s32 s7, s2  }
0x1e: {  	s7 =	smul.u32 @!p0 $0xF7A, s2;
	p2 =	seq.s32 @!p0 s5, $0x0  }
0x1f: {  	s9 =	smul.u32 $0xF7A, s1;
	s8 =	simm.s32 @!p0 $0x1BF5;
	p2 =	por !p2, p0  }
0x20: {  	[sflag:s8] =	ssyncset.s32 @!p0 $0xFFFFF086;
	s6 =	sadd.s32 @!p0 s3, s7;
	s7 =	simm.s32 @!p0 $0x108  }
0x21: {  	s3 =	sadd.s32 s3, s9;
	s6 =	sadd.s32 @!p0 $0x88, s6;
	s7 =	simm.s32 @p2 $0x1082  }
0x22: {  	[simem:s7], [sflag:s8] =	dma.local @!p0 [hbm:s6], $0xF7A  }
0x23: {  	s9 =	sor.u32 $0xD0000000, s2;
	s6 =	simm.s32 $0x108;
	_ =	swait.ge @!p0 [sflag:s8], $0x0  }
0x24: {  	s3 =	sadd.s32 $0x88, s3;
	s6 =	simm.s32 @!p1 $0x1082;
	[sflag:s4] =	ssyncset.s32 $0xFFFFF086  }
0x25: {  	[simem:s6], [sflag:s4] =	dma.local [hbm:s3], $0xF7A  }
0x26: {  	[smem:$0x3F9B] =	sst s1;
	(tag) =	ssettag s2;
	_ =	strace s9  }
0x27: {  	s1 =	sld [smem:$0x3FAB]  }
0x28: {  	s2 =	sld [smem:$0x3FAC]  }
0x29: {  	s4 =	sld [smem:$0x3FAE]  }
0x2a: {  	p0 =	seq.s32 s5, $0x0;
	s5 =	sld [smem:$0x3FAF]  }
0x2b: {  	s6 =	sld [smem:$0x3FB0]  }
0x2c: {  	s7 =	sld [smem:$0x3FB1]  }
0x2d: {  	s3 =	simm.s32 $0x108;
	s8 =	sld [smem:$0x3FB2]  }
0x2e: {  	s3 =	simm.s32 @!p0 $0x1082;
	s9 =	sld [smem:$0x3FB3]  }
0x2f: {  	lr =	sadd.s32 s0, s3;
	s0 =	sld [smem:$0x3FAA]  }
0x30: {  	s3 =	sld [smem:$0x3FAD]  }
0x31: {  	[smem:$0x3FB6] =	sst s10  }
0x32: {  	s10 =	sld [smem:$0x3FB4];
	_ =	sdelay $0x3  }
0x33: {  	p0 =	seq.s32 s10, $0x1;
	s10 =	sld [smem:$0x3FB6];
	_ =	sdelay $0x3  }
0x34: {  	[smem:$0x3FB6] =	sst s10  }
0x35: {  	s10 =	sld [smem:$0x3FB5];
	_ =	sdelay $0x3  }
0x36: {  	p1 =	seq.s32 s10, $0x1;
	s10 =	sld [smem:$0x3FB6];
	_ =	sdelay $0x3  }
0x37: {  	[smem:$0x3FB6] =	sst s10  }
0x38: {  	s10 =	sld [smem:$0x3FB7]  }
0x39: {  	_ = 	snop;
	(pc) =	sbr.ind lr, $3  }
0x3a: {  	_ = 	snop  }
0x3b: {  	_ = 	snop  }
0x3c: {  	p2 =	seq.s32 s10, $0x1;
	s10 =	sld [smem:$0x3FB6]  }
0x3d: {  	_ =	shalt  }
0x3e: {  	_ =	shalt  }
0x3f: {  	_ =	shalt  }
0x40: {  	_ =	shalt  }
0x41: {  	_ =	shalt  }
0x42: {  	_ =	shalt  }
0x43: {  	_ =	shalt  }
0x44: {  	_ =	shalt  }
0x45: {  	_ =	shalt  }
0x46: {  	_ =	shalt  }
0x47: {  	_ =	shalt  }
0x48: {  	_ =	shalt  }
0x49: {  	_ =	shalt  }
0x4a: {  	_ =	shalt  }
0x4b: {  	_ =	shalt  }
0x4c: {  	_ =	shalt  }
0x4d: {  	_ =	shalt  }
0x4e: {  	_ =	shalt  }
0x4f: {  	_ =	shalt  }
0x50: {  	_ =	shalt  }
0x51: {  	_ =	shalt  }
0x52: {  	_ =	shalt  }
0x53: {  	_ =	shalt  }
0x54: {  	_ =	shalt  }
0x55: {  	_ =	shalt  }
0x56: {  	_ =	shalt  }
0x57: {  	_ =	shalt  }
0x58: {  	_ =	shalt  }
0x59: {  	_ =	shalt  }
0x5a: {  	_ =	shalt  }
0x5b: {  	_ =	shalt  }
0x5c: {  	_ =	shalt  }
0x5d: {  	_ =	shalt  }
0x5e: {  	_ =	shalt  }
0x5f: {  	_ =	shalt  }
0x60: {  	_ =	shalt  }
0x61: {  	_ =	shalt  }
0x62: {  	_ =	shalt  }
0x63: {  	_ =	shalt  }
0x64: {  	_ =	shalt  }
0x65: {  	_ =	shalt  }
0x66: {  	_ =	shalt  }
0x67: {  	_ =	shalt  }
0x68: {  	_ =	shalt  }
0x69: {  	_ =	shalt  }
0x6a: {  	_ =	shalt  }
0x6b: {  	_ =	shalt  }
0x6c: {  	_ =	shalt  }
0x6d: {  	_ =	shalt  }
0x6e: {  	_ =	shalt  }
0x6f: {  	_ =	shalt  }
0x70: {  	_ =	shalt  }
0x71: {  	_ =	shalt  }
0x72: {  	_ =	shalt  }
0x73: {  	_ =	shalt  }
0x74: {  	_ =	shalt  }
0x75: {  	_ =	shalt  }
0x76: {  	_ =	shalt  }
0x77: {  	_ =	shalt  }
0x78: {  	_ =	shalt  }
0x79: {  	_ =	shalt  }
0x7a: {  	_ =	shalt  }
0x7b: {  	_ =	shalt  }
0x7c: {  	_ =	shalt  }
0x7d: {  	_ =	shalt  }
0x7e: {  	_ =	shalt  }
0x7f: {  	_ =	shalt  }
0x80: {  	_ =	shalt  }
0x81: {  	_ =	shalt  }
0x82: {  	_ =	shalt  }
0x83: {  	_ =	shalt  }
0x84: {  	_ =	shalt  }
0x85: {  	_ =	shalt  }
0x86: {  	_ =	shalt  }
0x87: {  	_ =	shalt  }
.Lfunc_end0:
.L_simem_size_0:
called_computation_lowered:
.L_overlay_start_0:
0x88: {  	s2 =	sld [smem:$0x3FD9]  }
0x89: {  	s3 =	sld [smem:$0x3FFE];
	_ =	sdelay $0x1  }
0x8a: {  	s1 =	srdreg.scid  }
0x8b: {  	s0 =	sand.u32 $0x1, s1  }
0x8c: {  	s16 =	sshll.u32 s0, $0xA;
	s2 =	sadd.s32 s3, s2  }
0x8d: {  	s2 =	sadd.s32 s2, s16  }
0x8e: {  	[smem:$0x3FC2] =	sst s2  }
0x8f: {  	_ = 	snop  }
0x90: {  	(tm) =	ssettm $0x1  }
0x91: {  	s17 =	sld [smem:$0x3FFB];
	_ =	sdelay $0x3  }
0x92: {  	_ =	strace s17  }
0x93: {  	s2 =	sld [smem:$0x3FFC];
	_ =	sdelay $0x3  }
0x94: {  	_ =	strace s2  }
0x95: {  	s2 =	sld [smem:$0x3FFD];
	_ =	sdelay $0x3  }
0x96: {  	_ =	strace s2  }
0x97: {  	_ =	strace $0x8FFFFFFF  }
0x98: {  	s18 =	sld [smem:$0x3FDB];
	_ =	sdelay $0x1  }
0x99: {  	s19 =	simm.s32 $_scs_section_size  }
0x9a: {  	s4 =	simm.s32 $_size__tile_overlayer_lowered;
	s5 =	simm.s32 $_tile_overlayer_lowered  }
0x9b: {  	s22 =	simm.s32 $0x1BFF;
	s21 =	sshll.u32 s5, $0x1;
	s2 =	sadd.s32 s19, s18  }
0x9c: {  	s6 =	simm.s32 $0x0;
	s20 =	sshll.u32 s4, $0x1;
	s4 =	sadd.s32 s21, s2  }
0x9d: {  	[timem:s6], [sflag:s22] =	dma.local [hbm:s4], s20  }
0x9e: {  	_ =	swait.ge [sflag:s22], s20  }
0x9f: {  	s3 =	ssub.s32 $0x0, s20;
	[sflag:s22] =	ssyncset.done $0x0  }
0xa0: {  	[sflag:s22] =	ssyncadd.s32 s3;
	_ =	sdelay $0x1  }
0xa1: {  	s23 =	simm.s32 $0x1B8B  }
0xa2: {  	_ =	swait.ge [sflag:s23], $0x1  }
0xa3: {  	[sflag:s23] =	ssyncset.done $0x0  }
0xa4: {  	s25 =	simm.s32 $0x1B8E;
	s24 =	sld [smem:$0x3FFE];
	[sflag:s23] =	ssyncadd.s32 $0xFFFFFFFF  }
0xa5: {  	s26 =	simm.s32 $execute0_lowered;
	[smem:$0x3FD2] =	sst s25  }
0xa6: {  	s4 =	sshll.u32 s26, $0x1;
	_ =	strace $0x80000046;
	[dreg:$0x1] =	wrdreg $0xFFFFFFFF  }
0xa7: {  	s28 =	simm.s32 $_size_execute0_lowered;
	s2 =	sadd.s32 s2, s4;
	[dreg:$0x0] =	wrdreg $0x0  }
0xa8: {  	s4 =	sshll.u32 s28, $0x1;
	[dreg:$0x2] =	wrdreg s2  }
0xa9: {  	[dreg:$0x3] =	wrdreg s4  }
0xaa: {  	[dreg:$0x4] =	wrdreg $0xC0  }
0xab: {  	_ =	task [dreg:s6], $0x5FFFF  }
0xac: {  	[dreg:$0x1] =	wrdreg $0xFFFFFFFF  }
0xad: {  	[dreg:$0x0] =	wrdreg $0x60  }
0xae: {  	[dreg:$0x2] =	wrdreg s24  }
0xaf: {  	[dreg:$0x3] =	wrdreg $0x2B000  }
0xb0: {  	[dreg:$0x4] =	wrdreg $0x9  }
0xb1: {  	_ =	task.clear_ibuf [dreg:s6], $0x5FFFF;
	_ =	strace $0x90000046  }
0xb2: {  	s29 =	simm.s32 $0x9;
	_ =	strace $0x80000048  }
0xb3: {  	_ =	swait.ge [sflag:s29], $0x1  }
0xb4: {  	[sflag:s29] =	ssyncadd.s32 $0xFFFFFFFF  }
0xb5: {  	_ =	strace $0x90000048  }
0xb6: {  	_ =	sfence  }
0xb7: {  	s30 =	sld [smem:$0x0];
	_ =	sdelay $0x2  }
0xb8: {  	s31 =	sshll.u32 s1, $0xD;
	s1 =	sshrl.u32 s1, $0x2  }
0xb9: {  	s3 =	sand.u32 $0x4000, s31;
	s1 =	sadd.s32 s1, s30  }
0xba: {  	s0 =	sor.u32 s3, s0;
	s1 =	sshll.u32 s1, $0x11  }
0xbb: {  	s0 =	sor.u32 s1, s0  }
0xbc: {  	s0 =	sadd.s32 $0x8F2B, s0  }
0xbd: {  	[sflag:s0] =	ssyncadd.remote.s32 $0x1  }
0xbe: {  	_ =	sfence.sel $0xFFFF  }
0xbf: {  	[dreg:$0x0] =	wrdreg $0xFFFFFFFF;
	(pc) =	sbr.abs _section_cstart, $3  }
0xc0: {  	[dreg:$0x1] =	wrdreg $0xFFFFFFFF  }
0xc1: {  	_ =	task.clear_ibuf [dreg:s6], $0x2FFFF;
	_ =	strace $0x9FFFFFFF  }
0xc2: {  	(tm) =	ssettm $0x7FFFFFFF  }
0xc3: {  	_ =	shalt  }
tec
execute0_lowered:
.L_overlay_start_1:
0x0: {  	(tag) =	ssettag $0x1  }
0x1: {  	s1 =	srdreg.scid;
	s4 =	rddreg [dreg:$0x0]  }
0x2: {  	s0 =	stileid.u32;
	s2 =	rddreg [dreg:$0x1]  }
0x3: {  	s3 =	simm.s32 $0x0;
	s10 =	simm.s32 $0x80;
	s11 =	simm.s32 $0x2800  }
0x4: {  	s14 =	simm.s32 $0x10;
	s15 =	simm.s32 $0x0;
	s5 =	sand.u32 $0x1, s1  }
0x5: {  	s7 =	sshrl.u32 s0, $0x3;
	s1 =	rddreg [dreg:$0x2];
	s28 =	smul.u32 $0xA00, s0  }
0x6: {  	[smem:$0x7FF] =	sst s3;
	s9 =	sshll.u32 s0, $0x7;
	s6 =	smul.u32 $0x2800, s5  }
0x7: {  	s12 =	sshll.u32 s0, $0x6;
	s7 =	smul.u32 $0x1400, s7;
	s8 =	sshll.u32 s5, $0x4  }
0x8: {  	s26 =	sand.u32 $0x380, s9;
	_ =	strace $0x80000047;
	s5 =	ssub.s32 $0x2, s5  }
0x9: {  	s9 =	simm.s32 $0x2880;
	s12 =	sor.u32 $0x1C01, s12;
	s8 =	sor.u32 s0, s8  }
0xa: {  	s29 =	sshrl.u32 s5, $0x1;
	s31 =	sshrl.u32 s28, $0x2;
	s6 =	sadd.s32 s6, s7  }
0xb: {  	s8 =	smul.u32 $0x500, s8;
	s30 =	ssub.s32 s5, s29;
	s6 =	sor.u32 s26, s6  }
0xc: {  	s5 =	sadd.s32 s31, s2;
	s7 =	smax.u32 s30, $0x1;
	s6 =	sshrl.u32 s6, $0x3  }
0xd: {  	s13 =	sshrl.u32 s5, $0x3;
	s8 =	sadd.s32 s8, s4;
	s6 =	sadd.s32 s6, s4  }
0xe: {  	v0 =	vimm.f32 $1.000000000e+00;
	v1 =	vimm.f32 $0.0e+00;
	s4 =	sadd.s32 $0x2600, s8;
	s8 =	simm.s32 $0x1;
	s6 =	sadd.s32 $0x16600, s6  }
.LBB2_1:
0xf: {  	[tilespmem:s3], [sflag:$0x1] =	stream.linear.gather [hbm4b:s4+s3], $0x2800, $0x38;
	[tilespmem:$0x2D80] =	vst v63  }
0x10: {  	_ =	swait.ge [sflag:s8], $0x2800  }
0x11: {  	[sflag:s8] =	ssyncset.done $0x0  }
0x12: {  	[sflag:s8] =	ssyncadd.s32 $0xFFFFD800  }
0x13: {  	[tilespmem:$0x2800] =	vst v0  }
0x14: {  	[tilespmem:$0x2810] =	vst v0  }
0x15: {  	[tilespmem:$0x2820] =	vst v0  }
0x16: {  	[tilespmem:$0x2830] =	vst v0  }
0x17: {  	[tilespmem:$0x2840] =	vst v0  }
0x18: {  	[tilespmem:$0x2850] =	vst v0  }
0x19: {  	[tilespmem:$0x2860] =	vst v0  }
0x1a: {  	[tilespmem:$0x2870] =	vst v0  }
0x1b: {  	[tilespmem:$0x2880] =	vst v1  }
0x1c: {  	[tilespmem:$0x2890] =	vst v1  }
0x1d: {  	[tilespmem:$0x28A0] =	vst v1  }
0x1e: {  	[tilespmem:$0x28B0] =	vst v1  }
0x1f: {  	[tilespmem:$0x28C0] =	vst v1  }
0x20: {  	[tilespmem:$0x28D0] =	vst v1  }
0x21: {  	[tilespmem:$0x28E0] =	vst v1  }
0x22: {  	[tilespmem:$0x28F0] =	vst v1  }
0x23: {  	[tilespmem:$0x2900] =	vst v1  }
0x24: {  	[tilespmem:$0x2910] =	vst v1  }
0x25: {  	[tilespmem:$0x2920] =	vst v1  }
0x26: {  	[tilespmem:$0x2930] =	vst v1  }
0x27: {  	[tilespmem:$0x2940] =	vst v1  }
0x28: {  	[tilespmem:$0x2950] =	vst v1  }
0x29: {  	[tilespmem:$0x2960] =	vst v1  }
0x2a: {  	[tilespmem:$0x2970] =	vst v1  }
0x2b: {  	[tilespmem:$0x2980] =	vst v1  }
0x2c: {  	[tilespmem:$0x2990] =	vst v1  }
0x2d: {  	[tilespmem:$0x29A0] =	vst v1  }
0x2e: {  	[tilespmem:$0x29B0] =	vst v1  }
0x2f: {  	[tilespmem:$0x29C0] =	vst v1  }
0x30: {  	[tilespmem:$0x29D0] =	vst v1  }
0x31: {  	[tilespmem:$0x29E0] =	vst v1  }
0x32: {  	[tilespmem:$0x29F0] =	vst v1  }
0x33: {  	[tilespmem:$0x2A00] =	vst v1  }
0x34: {  	[tilespmem:$0x2A10] =	vst v1  }
0x35: {  	[tilespmem:$0x2A20] =	vst v1  }
0x36: {  	[tilespmem:$0x2A30] =	vst v1  }
0x37: {  	[tilespmem:$0x2A40] =	vst v1  }
0x38: {  	[tilespmem:$0x2A50] =	vst v1  }
0x39: {  	[tilespmem:$0x2A60] =	vst v1  }
0x3a: {  	[tilespmem:$0x2A70] =	vst v1  }
0x3b: {  	[tilespmem:$0x2A80] =	vst v1  }
0x3c: {  	[tilespmem:$0x2A90] =	vst v1  }
0x3d: {  	[tilespmem:$0x2AA0] =	vst v1  }
0x3e: {  	[tilespmem:$0x2AB0] =	vst v1  }
0x3f: {  	[tilespmem:$0x2AC0] =	vst v1  }
0x40: {  	[tilespmem:$0x2AD0] =	vst v1  }
0x41: {  	[tilespmem:$0x2AE0] =	vst v1  }
0x42: {  	[tilespmem:$0x2AF0] =	vst v1  }
0x43: {  	[spmem:s5] =	stream.linear.scatter [tilespmem:s9], [sflag:$0x1], $0x280, $0x38;
	[tilespmem:$0x2D80] =	vst v63  }
0x44: {  	_ =	swait.ge [sflag:s8], $0x280  }
0x45: {  	[sflag:s8] =	ssyncset.done $0x0  }
0x46: {  	[sflag:s8] =	ssyncadd.s32 $0xFFFFFD80  }
0x47: {  	s16 =	simm.s32 $0x0;
	[bflag:$0x0] =	sbarrier.arrive $0xFFFF  }
0x48: {  	[spmem:s2] =	stream.indirect.scatter.add.f32 [tilespmem:s11], [sflag:$0x1], $0x1, s16, s10, $0xb8;
	[tilespmem:$0x2D80] =	vst v63  }
0x49: {  	_ =	swait.ge [sflag:s8], $0x80  }
0x4a: {  	s16 =	simm.s32 $0x200;
	[sflag:s8] =	ssyncset.done $0x0  }
.LBB2_2:
0x4b: {  	s17 =	sshra.s32 s16, $0x2;
	[sflag:s8] =	ssyncadd.s32 $0xFFFFFF80;
	p0 =	sne.s32 s16, $0x9E00  }
0x4c: {  	[spmem:s2] =	stream.indirect.scatter.add.f32 [tilespmem:s11], [sflag:$0x1], $0x1, s17, s10, $0xb8;
	[tilespmem:$0x2D80] =	vst v63  }
.Ltmp0:
0x4d: {  	_ = 	snop;
	(pc) =	sbr.rel @p0 .LBB2_2-.Ltmp0, $4  }
0x4e: {  	_ = 	snop  }
0x4f: {  	s16 =	sadd.s32 $0x200, s16  }
0x50: {  	_ =	swait.ge [sflag:s8], $0x80  }
0x51: {  	[sflag:s8] =	ssyncset.done $0x0  }
0x52: {  	s15 =	sadd.s32 $0x1, s15  }
0x53: {  	[sflag:s8] =	ssyncadd.s32 $0xFFFFFF80;
	p0 =	sne.s32 s15, s7  }
.Ltmp1:
0x54: {  	[bflag:$0x0] =	sbarrier.arrive $0xFFFF;
	(pc) =	sbr.rel @p0 .LBB2_1-.Ltmp1, $4  }
0x55: {  	[hbm:s6@s10], [sflag:s12] =	dma.strided [spmem:s13@s14], $0x50, s8, $0x10   }
0x56: {  	_ =	swait.ge [sflag:s8], $0x50  }
0x57: {  	[sflag:s8] =	ssyncset.done $0x0  }
0x58: {  	[sflag:s8] =	ssyncadd.s32 $0xFFFFFFB0  }
0x59: {  	_ =	sfence.sel $0x180000  }
0x5a: {  	[bflag:$0x0] =	sbarrier.arrive $0xFFFF  }
0x5b: {  	p0 =	sne.s32 s0, $0x0;
	_ =	strace $0x90000047  }
0x5c: {  	s0 =	sadd.s32 @!p0 $0x100000, s1;
	[bflag:$0x2] =	sbarrier.arrive $0xFFFF  }
0x5d: {  	[sflag:s0] =	ssyncadd.tile.s32 @!p0 $0x1;
	_ =	shalt  }
.Lfunc_end2:
_tile_overlayer_lowered:
.L_overlay_start_2:
0x5e: {  	(tag) =	ssettag $0x2  }
0x5f: {  	s0 =	rddreg [dreg:$0x0];
	s2 =	stileid.u32  }
0x60: {  	s1 =	rddreg [dreg:$0x1];
	p0 =	sne.s32 s2, $0x0  }
0x61: {  	s3 =	rddreg [dreg:$0x2];
	[bflag:$0x3] =	sbarrier.arrive $0xFFFF;
	s2 =	simm.s32 @!p0 $0x1C01  }
0x62: {  	[timem:s3], [sflag:s2] =	dma.local @!p0 [hbm:s0], s1  }
0x63: {  	s0 =	simm.s32 @!p0 $0x1  }
0x64: {  	_ =	swait.ge @!p0 [sflag:s0], s1  }
0x65: {  	s1 =	ssub.s32 @!p0 $0x0, s1;
	[sflag:s0] =	ssyncset.done @!p0 $0x0  }
0x66: {  	[sflag:s0] =	ssyncadd.s32 @!p0 s1  }
0x67: {  	[bflag:$0x3] =	sbarrier.arrive $0xFFFF  }
0x68: {  	_ =	shalt  }

// kernel: gcn_edge2_sc.3.cloned.1.call-start
scs
__scs_entry_jumppad:
0x0: {  	(pc) =	sbr.rel $0x88, $3  }
0x1: {  	(tag) =	ssettag $0x0;
	lr =	simm.s32 $0x1  }
0x2: {  	[smem:$0x3F9B] =	sst lr;
	_ =	strace $0xD0000000  }
0x3: {  	_ = 	snop  }
0x4: {  	_ = 	snop  }
0x5: {  	_ = 	snop  }
0x6: {  	_ = 	snop  }
0x7: {  	_ = 	snop  }
__scs_overlays_trampoline_lowered:
0x8: {  	[smem:$0x3FAA] =	sst s0  }
0x9: {  	[smem:$0x3FAB] =	sst s1  }
0xa: {  	[smem:$0x3FAC] =	sst s2  }
0xb: {  	[smem:$0x3FAD] =	sst s3  }
0xc: {  	[smem:$0x3FAE] =	sst s4  }
0xd: {  	[smem:$0x3FAF] =	sst s5  }
0xe: {  	[smem:$0x3FB0] =	sst s6  }
0xf: {  	[smem:$0x3FB1] =	sst s7  }
0x10: {  	[smem:$0x3FB2] =	sst s8  }
0x11: {  	[smem:$0x3FB3] =	sst s9;
	s0 =	simm.s32 @!p0 $0x0  }
0x12: {  	s1 =	sld [smem:$0x3F99];
	s0 =	simm.s32 @p0 $0x1  }
0x13: {  	[smem:$0x3FB4] =	sst s0;
	s0 =	simm.s32 @!p1 $0x0  }
0x14: {  	s2 =	sld [smem:$0x3F98];
	s0 =	simm.s32 @p1 $0x1  }
0x15: {  	[smem:$0x3FB5] =	sst s0;
	s0 =	simm.s32 @!p2 $0x0  }
0x16: {  	s3 =	sld [smem:$0x3FDB];
	s0 =	simm.s32 @p2 $0x1  }
0x17: {  	s4 =	simm.s32 $0x1BF5;
	[smem:$0x3FB7] =	sst s0  }
0x18: {  	s0 =	sld [smem:$0x3F9A];
	_ =	swait.ge [sflag:s4], $0x0  }
0x19: {  	s7 =	sld [smem:$0x3F9B]  }
0x1a: {  	s8 =	sadd.s32 $0xFFFFE003, lr  }
0x1b: {  	s9 =	sadd.s32 $0xFFFFFEF7, lr;
	s5 =	simm.s32 $0xFFFFFFFF;
	p2 =	slt.u32 s8, $0xFFFFF086  }
0x1c: {  	p1 =	slt.u32 s9, $0xF7A;
	s5 =	simm.s32 @!p2 $0x0  }
0x1d: {  	s5 =	simm.s32 @p1 $0x1;
	p0 =	seq.s32 s7, s2  }
0x1e: {  	s7 =	smul.u32 @!p0 $0xF7A, s2;
	p2 =	seq.s32 @!p0 s5, $0x0  }
0x1f: {  	s9 =	smul.u32 $0xF7A, s1;
	s8 =	simm.s32 @!p0 $0x1BF5;
	p2 =	por !p2, p0  }
0x20: {  	[sflag:s8] =	ssyncset.s32 @!p0 $0xFFFFF086;
	s6 =	sadd.s32 @!p0 s3, s7;
	s7 =	simm.s32 @!p0 $0x108  }
0x21: {  	s3 =	sadd.s32 s3, s9;
	s6 =	sadd.s32 @!p0 $0x88, s6;
	s7 =	simm.s32 @p2 $0x1082  }
0x22: {  	[simem:s7], [sflag:s8] =	dma.local @!p0 [hbm:s6], $0xF7A  }
0x23: {  	s9 =	sor.u32 $0xD0000000, s2;
	s6 =	simm.s32 $0x108;
	_ =	swait.ge @!p0 [sflag:s8], $0x0  }
0x24: {  	s3 =	sadd.s32 $0x88, s3;
	s6 =	simm.s32 @!p1 $0x1082;
	[sflag:s4] =	ssyncset.s32 $0xFFFFF086  }
0x25: {  	[simem:s6], [sflag:s4] =	dma.local [hbm:s3], $0xF7A  }
0x26: {  	[smem:$0x3F9B] =	sst s1;
	(tag) =	ssettag s2;
	_ =	strace s9  }
0x27: {  	s1 =	sld [smem:$0x3FAB]  }
0x28: {  	s2 =	sld [smem:$0x3FAC]  }
0x29: {  	s4 =	sld [smem:$0x3FAE]  }
0x2a: {  	p0 =	seq.s32 s5, $0x0;
	s5 =	sld [smem:$0x3FAF]  }
0x2b: {  	s6 =	sld [smem:$0x3FB0]  }
0x2c: {  	s7 =	sld [smem:$0x3FB1]  }
0x2d: {  	s3 =	simm.s32 $0x108;
	s8 =	sld [smem:$0x3FB2]  }
0x2e: {  	s3 =	simm.s32 @!p0 $0x1082;
	s9 =	sld [smem:$0x3FB3]  }
0x2f: {  	lr =	sadd.s32 s0, s3;
	s0 =	sld [smem:$0x3FAA]  }
0x30: {  	s3 =	sld [smem:$0x3FAD]  }
0x31: {  	[smem:$0x3FB6] =	sst s10  }
0x32: {  	s10 =	sld [smem:$0x3FB4];
	_ =	sdelay $0x3  }
0x33: {  	p0 =	seq.s32 s10, $0x1;
	s10 =	sld [smem:$0x3FB6];
	_ =	sdelay $0x3  }
0x34: {  	[smem:$0x3FB6] =	sst s10  }
0x35: {  	s10 =	sld [smem:$0x3FB5];
	_ =	sdelay $0x3  }
0x36: {  	p1 =	seq.s32 s10, $0x1;
	s10 =	sld [smem:$0x3FB6];
	_ =	sdelay $0x3  }
0x37: {  	[smem:$0x3FB6] =	sst s10  }
0x38: {  	s10 =	sld [smem:$0x3FB7]  }
0x39: {  	_ = 	snop;
	(pc) =	sbr.ind lr, $3  }
0x3a: {  	_ = 	snop  }
0x3b: {  	_ = 	snop  }
0x3c: {  	p2 =	seq.s32 s10, $0x1;
	s10 =	sld [smem:$0x3FB6]  }
0x3d: {  	_ =	shalt  }
0x3e: {  	_ =	shalt  }
0x3f: {  	_ =	shalt  }
0x40: {  	_ =	shalt  }
0x41: {  	_ =	shalt  }
0x42: {  	_ =	shalt  }
0x43: {  	_ =	shalt  }
0x44: {  	_ =	shalt  }
0x45: {  	_ =	shalt  }
0x46: {  	_ =	shalt  }
0x47: {  	_ =	shalt  }
0x48: {  	_ =	shalt  }
0x49: {  	_ =	shalt  }
0x4a: {  	_ =	shalt  }
0x4b: {  	_ =	shalt  }
0x4c: {  	_ =	shalt  }
0x4d: {  	_ =	shalt  }
0x4e: {  	_ =	shalt  }
0x4f: {  	_ =	shalt  }
0x50: {  	_ =	shalt  }
0x51: {  	_ =	shalt  }
0x52: {  	_ =	shalt  }
0x53: {  	_ =	shalt  }
0x54: {  	_ =	shalt  }
0x55: {  	_ =	shalt  }
0x56: {  	_ =	shalt  }
0x57: {  	_ =	shalt  }
0x58: {  	_ =	shalt  }
0x59: {  	_ =	shalt  }
0x5a: {  	_ =	shalt  }
0x5b: {  	_ =	shalt  }
0x5c: {  	_ =	shalt  }
0x5d: {  	_ =	shalt  }
0x5e: {  	_ =	shalt  }
0x5f: {  	_ =	shalt  }
0x60: {  	_ =	shalt  }
0x61: {  	_ =	shalt  }
0x62: {  	_ =	shalt  }
0x63: {  	_ =	shalt  }
0x64: {  	_ =	shalt  }
0x65: {  	_ =	shalt  }
0x66: {  	_ =	shalt  }
0x67: {  	_ =	shalt  }
0x68: {  	_ =	shalt  }
0x69: {  	_ =	shalt  }
0x6a: {  	_ =	shalt  }
0x6b: {  	_ =	shalt  }
0x6c: {  	_ =	shalt  }
0x6d: {  	_ =	shalt  }
0x6e: {  	_ =	shalt  }
0x6f: {  	_ =	shalt  }
0x70: {  	_ =	shalt  }
0x71: {  	_ =	shalt  }
0x72: {  	_ =	shalt  }
0x73: {  	_ =	shalt  }
0x74: {  	_ =	shalt  }
0x75: {  	_ =	shalt  }
0x76: {  	_ =	shalt  }
0x77: {  	_ =	shalt  }
0x78: {  	_ =	shalt  }
0x79: {  	_ =	shalt  }
0x7a: {  	_ =	shalt  }
0x7b: {  	_ =	shalt  }
0x7c: {  	_ =	shalt  }
0x7d: {  	_ =	shalt  }
0x7e: {  	_ =	shalt  }
0x7f: {  	_ =	shalt  }
0x80: {  	_ =	shalt  }
0x81: {  	_ =	shalt  }
0x82: {  	_ =	shalt  }
0x83: {  	_ =	shalt  }
0x84: {  	_ =	shalt  }
0x85: {  	_ =	shalt  }
0x86: {  	_ =	shalt  }
0x87: {  	_ =	shalt  }
.Lfunc_end0:
.L_simem_size_0:
called_computation.2_lowered:
.L_overlay_start_0:
0x88: {  	s2 =	sld [smem:$0x3FD9]  }
0x89: {  	s3 =	sld [smem:$0x3FFE];
	_ =	sdelay $0x1  }
0x8a: {  	s1 =	srdreg.scid  }
0x8b: {  	s0 =	sand.u32 $0x1, s1  }
0x8c: {  	s17 =	sshll.u32 s0, $0xA;
	s2 =	sadd.s32 s3, s2  }
0x8d: {  	s2 =	sadd.s32 s2, s17  }
0x8e: {  	[smem:$0x3FC2] =	sst s2  }
0x8f: {  	_ = 	snop  }
0x90: {  	s2 =	sld [smem:$0x3FD0];
	(tm) =	ssettm $0x1  }
0x91: {  	s18 =	sld [smem:$0x3FFB];
	_ =	sdelay $0x3  }
0x92: {  	_ =	strace s18  }
0x93: {  	s3 =	sld [smem:$0x3FFC];
	_ =	sdelay $0x3  }
0x94: {  	_ =	strace s3  }
0x95: {  	s3 =	sld [smem:$0x3FFD];
	_ =	sdelay $0x3  }
0x96: {  	_ =	strace s3  }
0x97: {  	_ =	strace $0x8FFFFFFF  }
0x98: {  	s19 =	sld [smem:$0x3FDB];
	_ =	sdelay $0x1  }
0x99: {  	s4 =	simm.s32 $_scs_section_size  }
0x9a: {  	s5 =	simm.s32 $_size__tile_overlayer_lowered;
	s6 =	simm.s32 $_tile_overlayer_lowered  }
0x9b: {  	s22 =	simm.s32 $0x1BFF;
	s21 =	sshll.u32 s6, $0x1;
	s3 =	sadd.s32 s4, s19  }
0x9c: {  	s7 =	simm.s32 $0x0;
	s20 =	sshll.u32 s5, $0x1;
	s5 =	sadd.s32 s21, s3  }
0x9d: {  	[timem:s7], [sflag:s22] =	dma.local [hbm:s5], s20  }
0x9e: {  	_ =	swait.ge [sflag:s22], s20  }
0x9f: {  	s4 =	ssub.s32 $0x0, s20;
	[sflag:s22] =	ssyncset.done $0x0  }
0xa0: {  	[sflag:s22] =	ssyncadd.s32 s4;
	_ =	sdelay $0x1  }
0xa1: {  	s23 =	simm.s32 $0x1B8B  }
0xa2: {  	_ =	swait.ge [sflag:s23], $0x1  }
0xa3: {  	[sflag:s23] =	ssyncset.done $0x0  }
0xa4: {  	s25 =	simm.s32 $0x1B8E;
	s24 =	sld [smem:$0x3FFE];
	[sflag:s23] =	ssyncadd.s32 $0xFFFFFFFF  }
0xa5: {  	s26 =	simm.s32 $execute0_lowered;
	[smem:$0x3FD2] =	sst s25  }
0xa6: {  	s5 =	sshll.u32 s26, $0x1;
	_ =	strace $0x8000004C;
	[dreg:$0x1] =	wrdreg $0xFFFFFFFF  }
0xa7: {  	s28 =	simm.s32 $_size_execute0_lowered;
	s3 =	sadd.s32 s3, s5;
	[dreg:$0x0] =	wrdreg $0x0  }
0xa8: {  	s5 =	sshll.u32 s28, $0x1;
	[dreg:$0x2] =	wrdreg s3  }
0xa9: {  	[dreg:$0x3] =	wrdreg s5  }
0xaa: {  	[dreg:$0x4] =	wrdreg $0xC0  }
0xab: {  	_ =	task [dreg:s7], $0x5FFFF  }
0xac: {  	[dreg:$0x1] =	wrdreg $0xFFFFFFFF  }
0xad: {  	[dreg:$0x0] =	wrdreg $0x60  }
0xae: {  	[dreg:$0x2] =	wrdreg s24  }
0xaf: {  	[dreg:$0x3] =	wrdreg s2  }
0xb0: {  	[dreg:$0x4] =	wrdreg $0x56800  }
0xb1: {  	[dreg:$0x5] =	wrdreg $0x9  }
0xb2: {  	_ =	task.clear_ibuf [dreg:s7], $0x6FFFF;
	_ =	strace $0x9000004C  }
0xb3: {  	s29 =	simm.s32 $0x9;
	_ =	strace $0x8000004E  }
0xb4: {  	_ =	swait.ge [sflag:s29], $0x1  }
0xb5: {  	[sflag:s29] =	ssyncadd.s32 $0xFFFFFFFF  }
0xb6: {  	_ =	strace $0x9000004E  }
0xb7: {  	_ =	sfence  }
0xb8: {  	s30 =	sld [smem:$0x0];
	_ =	sdelay $0x2  }
0xb9: {  	s31 =	sshll.u32 s1, $0xD;
	s1 =	sshrl.u32 s1, $0x2  }
0xba: {  	s3 =	sand.u32 $0x4000, s31;
	s1 =	sadd.s32 s1, s30  }
0xbb: {  	s0 =	sor.u32 s3, s0;
	s1 =	sshll.u32 s1, $0x11  }
0xbc: {  	s0 =	sor.u32 s1, s0  }
0xbd: {  	s0 =	sadd.s32 $0x8F2B, s0  }
0xbe: {  	[sflag:s0] =	ssyncadd.remote.s32 $0x1  }
0xbf: {  	_ =	sfence.sel $0xFFFF  }
0xc0: {  	[dreg:$0x0] =	wrdreg $0xFFFFFFFF;
	(pc) =	sbr.abs _section_cstart, $3  }
0xc1: {  	[dreg:$0x1] =	wrdreg $0xFFFFFFFF  }
0xc2: {  	_ =	task.clear_ibuf [dreg:s7], $0x2FFFF;
	_ =	strace $0x9FFFFFFF  }
0xc3: {  	(tm) =	ssettm $0x7FFFFFFF  }
tec
execute0_lowered:
.L_overlay_start_1:
0x0: {  	(tag) =	ssettag $0x1  }
0x1: {  	s0 =	rddreg [dreg:$0x0]  }
0x2: {  	s2 =	rddreg [dreg:$0x1]  }
0x3: {  	s3 =	rddreg [dreg:$0x2];
	s1 =	srdreg.scid  }
0x4: {  	s8 =	stileid.u32;
	s6 =	simm.s32 $0x0;
	s9 =	simm.s32 $0x11  }
0x5: {  	s13 =	simm.s32 $0x80;
	s14 =	simm.s32 $0x5000;
	s15 =	simm.s32 $0x5080  }
0x6: {  	s17 =	simm.s32 $0x5100;
	s28 =	simm.s32 $0x5380;
	s29 =	simm.s32 $0x1  }
0x7: {  	s30 =	simm.s32 $0x2;
	s31 =	simm.s32 $0x3;
	s11 =	simm.s32 $0x5  }
0x8: {  	s12 =	simm.s32 $0x6;
	s16 =	simm.s32 $0x7;
	s18 =	simm.s32 $0x8  }
0x9: {  	s1 =	sand.u32 $0x1, s1;
	s5 =	sshrl.u32 s8, $0x3;
	s21 =	smul.u32 $0xA00, s8  }
0xa: {  	[smem:$0x7FF] =	sst s6;
	s7 =	sshll.u32 s8, $0x7;
	s4 =	smul.u32 $0x2800, s1  }
0xb: {  	s19 =	sshll.u32 s1, $0x4;
	s5 =	smul.u32 $0x1400, s5;
	_ =	strace $0x8000004D  }
0xc: {  	s20 =	sand.u32 $0x380, s7;
	s1 =	ssub.s32 $0x2, s1;
	s7 =	simm.s32 $0x0  }
0xd: {  	s6 =	sor.u32 s8, s19;
	s22 =	sshrl.u32 s1, $0x1;
	s23 =	sshrl.u32 s21, $0x2  }
0xe: {  	s19 =	simm.s32 $0x5180;
	s21 =	simm.s32 $0x5200;
	s8 =	simm.s32 $0x10  }
0xf: {  	s6 =	smul.u32 $0x500, s6;
	s4 =	sadd.s32 s4, s5;
	s1 =	ssub.s32 s1, s22  }
0x10: {  	s10 =	sadd.s32 s23, s3;
	s23 =	simm.s32 $0x5280;
	s22 =	simm.s32 $0xA  }
0x11: {  	s5 =	simm.s32 $0xE;
	s4 =	sor.u32 s20, s4;
	s26 =	smax.u32 s1, $0x1  }
0x12: {  	s20 =	simm.s32 $0x9;
	s1 =	simm.s32 $0xD;
	[dreg:$0x6] =	wrdreg s10  }
0x13: {  	s6 =	sadd.s32 s6, s0;
	s4 =	sshrl.u32 s4, $0x3;
	[dreg:$0x8] =	wrdreg s26  }
0x14: {  	s26 =	simm.s32 $0xC;
	s0 =	sadd.s32 s4, s0;
	s24 =	sadd.s32 $0xC600, s6  }
0x15: {  	s25 =	sadd.s32 $0x2600, s6;
	s6 =	simm.s32 $0xF;
	[dreg:$0x4] =	wrdreg s24  }
0x16: {  	[dreg:$0x5] =	wrdreg s25;
	s0 =	sadd.s32 $0x16600, s0;
	s25 =	simm.s32 $0x5300  }
0x17: {  	v0 =	vimm.f32 $0.0e+00;
	s24 =	simm.s32 $0xB;
	[dreg:$0x7] =	wrdreg s0;
	s0 =	simm.s32 $0x4  }
.LBB2_1:
0x18: {  	[dreg:$0x9] =	wrdreg s7  }
0x19: {  	s4 =	simm.s32 $0x0;
	s10 =	rddreg [dreg:$0x4]  }
0x1a: {  	[tilespmem:s4], [sflag:$0x11] =	stream.linear.gather [hbm4b:s10+s4], $0x2800, $0x38;
	[tilespmem:$0x5900] =	vst v63  }
0x1b: {  	_ =	swait.ge [sflag:s9], $0x2800  }
0x1c: {  	s4 =	simm.s32 $0x2800;
	[sflag:s9] =	ssyncset.done $0x0  }
0x1d: {  	s10 =	simm.s32 $0x0;
	s7 =	rddreg [dreg:$0x5];
	[sflag:s9] =	ssyncadd.s32 $0xFFFFD800  }
0x1e: {  	[tilespmem:s4], [sflag:$0x11] =	stream.linear.gather [hbm4b:s7+s10], $0x2800, $0x38;
	[tilespmem:$0x5900] =	vst v63  }
0x1f: {  	_ =	swait.ge [sflag:s9], $0x2800  }
0x20: {  	[sflag:s9] =	ssyncset.done $0x0  }
0x21: {  	[sflag:s9] =	ssyncadd.s32 $0xFFFFD800  }
0x22: {  	[tilespmem:$0x5400] =	vst v0  }
0x23: {  	[tilespmem:$0x5410] =	vst v0  }
0x24: {  	[tilespmem:$0x5420] =	vst v0  }
0x25: {  	[tilespmem:$0x5430] =	vst v0  }
0x26: {  	[tilespmem:$0x5440] =	vst v0  }
0x27: {  	[tilespmem:$0x5450] =	vst v0  }
0x28: {  	[tilespmem:$0x5460] =	vst v0  }
0x29: {  	[tilespmem:$0x5470] =	vst v0  }
0x2a: {  	[tilespmem:$0x5480] =	vst v0  }
0x2b: {  	[tilespmem:$0x5490] =	vst v0  }
0x2c: {  	[tilespmem:$0x54A0] =	vst v0  }
0x2d: {  	[tilespmem:$0x54B0] =	vst v0  }
0x2e: {  	[tilespmem:$0x54C0] =	vst v0  }
0x2f: {  	[tilespmem:$0x54D0] =	vst v0  }
0x30: {  	[tilespmem:$0x54E0] =	vst v0  }
0x31: {  	[tilespmem:$0x54F0] =	vst v0  }
0x32: {  	[tilespmem:$0x5500] =	vst v0  }
0x33: {  	[tilespmem:$0x5510] =	vst v0  }
0x34: {  	[tilespmem:$0x5520] =	vst v0  }
0x35: {  	[tilespmem:$0x5530] =	vst v0  }
0x36: {  	[tilespmem:$0x5540] =	vst v0  }
0x37: {  	[tilespmem:$0x5550] =	vst v0  }
0x38: {  	[tilespmem:$0x5560] =	vst v0  }
0x39: {  	[tilespmem:$0x5570] =	vst v0  }
0x3a: {  	[tilespmem:$0x5580] =	vst v0  }
0x3b: {  	[tilespmem:$0x5590] =	vst v0  }
0x3c: {  	[tilespmem:$0x55A0] =	vst v0  }
0x3d: {  	[tilespmem:$0x55B0] =	vst v0  }
0x3e: {  	[tilespmem:$0x55C0] =	vst v0  }
0x3f: {  	[tilespmem:$0x55D0] =	vst v0  }
0x40: {  	[tilespmem:$0x55E0] =	vst v0  }
0x41: {  	[tilespmem:$0x55F0] =	vst v0  }
0x42: {  	[tilespmem:$0x5600] =	vst v0  }
0x43: {  	[tilespmem:$0x5610] =	vst v0  }
0x44: {  	[tilespmem:$0x5620] =	vst v0  }
0x45: {  	[tilespmem:$0x5630] =	vst v0  }
0x46: {  	[tilespmem:$0x5640] =	vst v0  }
0x47: {  	[tilespmem:$0x5650] =	vst v0  }
0x48: {  	[tilespmem:$0x5660] =	vst v0  }
0x49: {  	s4 =	simm.s32 $0x5400;
	s10 =	rddreg [dreg:$0x6];
	[tilespmem:$0x5670] =	vst v0  }
0x4a: {  	[spmem:s10] =	stream.linear.scatter [tilespmem:s4], [sflag:$0x11], $0x280, $0x38;
	[tilespmem:$0x5900] =	vst v63  }
0x4b: {  	_ =	swait.ge [sflag:s9], $0x280  }
0x4c: {  	[sflag:s9] =	ssyncset.done $0x0  }
0x4d: {  	[sflag:s9] =	ssyncadd.s32 $0xFFFFFD80  }
0x4e: {  	s7 =	simm.s32 $0x0;
	[bflag:$0x0] =	sbarrier.arrive $0xFFFF  }
0x4f: {  	[tilespmem:s14], [sflag:$0x1] =	stream.indirect.gather [hbm4b:s2+s13], $0x1, s7, s13, $0xb8;
	[tilespmem:$0x5900] =	vst v63  }
0x50: {  	_ = 	snop  }
0x51: {  	[tilespmem:s15], [sflag:$0x2] =	stream.indirect.gather [hbm4b:s2+s13], $0x1, s13, s13, $0xb8;
	[tilespmem:$0x5900] =	vst v63  }
0x52: {  	s7 =	simm.s32 $0x100  }
0x53: {  	[tilespmem:s17], [sflag:$0x3] =	stream.indirect.gather [hbm4b:s2+s13], $0x1, s7, s13, $0xb8;
	[tilespmem:$0x5900] =	vst v63  }
0x54: {  	s9 =	simm.s32 $0x180  }
0x55: {  	[tilespmem:s19], [sflag:$0x4] =	stream.indirect.gather [hbm4b:s2+s13], $0x1, s9, s13, $0xb8;
	[tilespmem:$0x5900] =	vst v63  }
0x56: {  	s10 =	simm.s32 $0x200  }
0x57: {  	[tilespmem:s21], [sflag:$0x5] =	stream.indirect.gather [hbm4b:s2+s13], $0x1, s10, s13, $0xb8;
	[tilespmem:$0x5900] =	vst v63  }
0x58: {  	s7 =	simm.s32 $0x280  }
0x59: {  	[tilespmem:s23], [sflag:$0x6] =	stream.indirect.gather [hbm4b:s2+s13], $0x1, s7, s13, $0xb8;
	[tilespmem:$0x5900] =	vst v63  }
0x5a: {  	s9 =	simm.s32 $0x300  }
0x5b: {  	[tilespmem:s25], [sflag:$0x7] =	stream.indirect.gather [hbm4b:s2+s13], $0x1, s9, s13, $0xb8;
	[tilespmem:$0x5900] =	vst v63  }
0x5c: {  	s10 =	simm.s32 $0x380  }
0x5d: {  	[tilespmem:s28], [sflag:$0x8] =	stream.indirect.gather [hbm4b:s2+s13], $0x1, s10, s13, $0xb8;
	[tilespmem:$0x5900] =	vst v63  }
0x5e: {  	_ =	swait.ge [sflag:s29], $0x80  }
0x5f: {  	[sflag:s29] =	ssyncset.done $0x0  }
0x60: {  	s7 =	simm.s32 $0x2800;
	[sflag:s29] =	ssyncadd.s32 $0xFFFFFF80  }
0x61: {  	[spmem:s3] =	stream.indirect.scatter.add.f32 [tilespmem:s14], [sflag:$0x9], $0x1, s7, s13, $0xb8;
	[tilespmem:$0x5900] =	vst v63  }
0x62: {  	_ =	swait.ge [sflag:s30], $0x80  }
0x63: {  	[sflag:s30] =	ssyncset.done $0x0  }
0x64: {  	s9 =	simm.s32 $0x2880;
	[sflag:s30] =	ssyncadd.s32 $0xFFFFFF80  }
0x65: {  	[spmem:s3] =	stream.indirect.scatter.add.f32 [tilespmem:s15], [sflag:$0xA], $0x1, s9, s13, $0xb8;
	[tilespmem:$0x5900] =	vst v63  }
0x66: {  	_ =	swait.ge [sflag:s31], $0x80  }
0x67: {  	[sflag:s31] =	ssyncset.done $0x0  }
0x68: {  	s10 =	simm.s32 $0x2900;
	[sflag:s31] =	ssyncadd.s32 $0xFFFFFF80  }
0x69: {  	[spmem:s3] =	stream.indirect.scatter.add.f32 [tilespmem:s17], [sflag:$0xB], $0x1, s10, s13, $0xb8;
	[tilespmem:$0x5900] =	vst v63  }
0x6a: {  	_ =	swait.ge [sflag:s0], $0x80  }
0x6b: {  	[sflag:s0] =	ssyncset.done $0x0  }
0x6c: {  	s7 =	simm.s32 $0x2980;
	[sflag:s0] =	ssyncadd.s32 $0xFFFFFF80  }
0x6d: {  	[spmem:s3] =	stream.indirect.scatter.add.f32 [tilespmem:s19], [sflag:$0xC], $0x1, s7, s13, $0xb8;
	[tilespmem:$0x5900] =	vst v63  }
0x6e: {  	_ =	swait.ge [sflag:s11], $0x80  }
0x6f: {  	[sflag:s11] =	ssyncset.done $0x0  }
0x70: {  	s9 =	simm.s32 $0x2A00;
	[sflag:s11] =	ssyncadd.s32 $0xFFFFFF80  }
0x71: {  	[spmem:s3] =	stream.indirect.scatter.add.f32 [tilespmem:s21], [sflag:$0xD], $0x1, s9, s13, $0xb8;
	[tilespmem:$0x5900] =	vst v63  }
0x72: {  	_ =	swait.ge [sflag:s12], $0x80  }
0x73: {  	[sflag:s12] =	ssyncset.done $0x0  }
0x74: {  	s10 =	simm.s32 $0x2A80;
	[sflag:s12] =	ssyncadd.s32 $0xFFFFFF80  }
0x75: {  	[spmem:s3] =	stream.indirect.scatter.add.f32 [tilespmem:s23], [sflag:$0xE], $0x1, s10, s13, $0xb8;
	[tilespmem:$0x5900] =	vst v63  }
0x76: {  	_ =	swait.ge [sflag:s16], $0x80  }
0x77: {  	[sflag:s16] =	ssyncset.done $0x0  }
0x78: {  	s7 =	simm.s32 $0x2B00;
	[sflag:s16] =	ssyncadd.s32 $0xFFFFFF80  }
0x79: {  	[spmem:s3] =	stream.indirect.scatter.add.f32 [tilespmem:s25], [sflag:$0xF], $0x1, s7, s13, $0xb8;
	[tilespmem:$0x5900] =	vst v63  }
0x7a: {  	_ =	swait.ge [sflag:s18], $0x80  }
0x7b: {  	[sflag:s18] =	ssyncset.done $0x0  }
0x7c: {  	s9 =	simm.s32 $0x2B80;
	[sflag:s18] =	ssyncadd.s32 $0xFFFFFF80  }
0x7d: {  	[spmem:s3] =	stream.indirect.scatter.add.f32 [tilespmem:s28], [sflag:$0x10], $0x1, s9, s13, $0xb8;
	[tilespmem:$0x5900] =	vst v63  }
0x7e: {  	_ =	swait.ge [sflag:s20], $0x80  }
0x7f: {  	[sflag:s20] =	ssyncset.done $0x0  }
0x80: {  	s10 =	simm.s32 $0x400;
	[sflag:s20] =	ssyncadd.s32 $0xFFFFFF80  }
0x81: {  	[tilespmem:s14], [sflag:$0x1] =	stream.indirect.gather [hbm4b:s2+s13], $0x1, s10, s13, $0xb8;
	[tilespmem:$0x5900] =	vst v63  }
0x82: {  	_ =	swait.ge [sflag:s22], $0x80  }
0x83: {  	[sflag:s22] =	ssyncset.done $0x0  }
0x84: {  	s7 =	simm.s32 $0x480;
	[sflag:s22] =	ssyncadd.s32 $0xFFFFFF80  }
0x85: {  	[tilespmem:s15], [sflag:$0x2] =	stream.indirect.gather [hbm4b:s2+s13], $0x1, s7, s13, $0xb8;
	[tilespmem:$0x5900] =	vst v63  }
0x86: {  	_ =	swait.ge [sflag:s24], $0x80  }
0x87: {  	[sflag:s24] =	ssyncset.done $0x0  }
0x88: {  	s9 =	simm.s32 $0x500;
	[sflag:s24] =	ssyncadd.s32 $0xFFFFFF80  }
0x89: {  	[tilespmem:s17], [sflag:$0x3] =	stream.indirect.gather [hbm4b:s2+s13], $0x1, s9, s13, $0xb8;
	[tilespmem:$0x5900] =	vst v63  }
0x8a: {  	_ =	swait.ge [sflag:s26], $0x80  }
0x8b: {  	[sflag:s26] =	ssyncset.done $0x0  }
0x8c: {  	s10 =	simm.s32 $0x580;
	[sflag:s26] =	ssyncadd.s32 $0xFFFFFF80  }
0x8d: {  	[tilespmem:s19], [sflag:$0x4] =	stream.indirect.gather [hbm4b:s2+s13], $0x1, s10, s13, $0xb8;
	[tilespmem:$0x5900] =	vst v63  }
0x8e: {  	_ =	swait.ge [sflag:s1], $0x80  }
0x8f: {  	[sflag:s1] =	ssyncset.done $0x0  }
0x90: {  	s7 =	simm.s32 $0x600;
	[sflag:s1] =	ssyncadd.s32 $0xFFFFFF80  }
0x91: {  	[tilespmem:s21], [sflag:$0x5] =	stream.indirect.gather [hbm4b:s2+s13], $0x1, s7, s13, $0xb8;
	[tilespmem:$0x5900] =	vst v63  }
0x92: {  	_ =	swait.ge [sflag:s5], $0x80  }
0x93: {  	[sflag:s5] =	ssyncset.done $0x0  }
0x94: {  	s9 =	simm.s32 $0x680;
	[sflag:s5] =	ssyncadd.s32 $0xFFFFFF80  }
0x95: {  	[tilespmem:s23], [sflag:$0x6] =	stream.indirect.gather [hbm4b:s2+s13], $0x1, s9, s13, $0xb8;
	[tilespmem:$0x5900] =	vst v63  }
0x96: {  	_ =	swait.ge [sflag:s6], $0x80  }
0x97: {  	[sflag:s6] =	ssyncset.done $0x0  }
0x98: {  	s10 =	simm.s32 $0x700;
	[sflag:s6] =	ssyncadd.s32 $0xFFFFFF80  }
0x99: {  	[tilespmem:s25], [sflag:$0x7] =	stream.indirect.gather [hbm4b:s2+s13], $0x1, s10, s13, $0xb8;
	[tilespmem:$0x5900] =	vst v63  }
0x9a: {  	_ =	swait.ge [sflag:s8], $0x80  }
0x9b: {  	[sflag:s8] =	ssyncset.done $0x0  }
0x9c: {  	s4 =	simm.s32 $0x1000;
	s7 =	simm.s32 $0x780;
	[sflag:s8] =	ssyncadd.s32 $0xFFFFFF80  }
.LBB2_2:
0x9d: {  	[tilespmem:s28], [sflag:$0x8] =	stream.indirect.gather [hbm4b:s2+s13], $0x1, s7, s13, $0xb8;
	[tilespmem:$0x5900] =	vst v63  }
0x9e: {  	s7 =	smov.u32 s4  }
0x9f: {  	p0 =	sne.s32 s4, $0x8000;
	s4 =	sadd.s32 $0x1000, s4;
	_ =	swait.ge [sflag:s29], $0x80  }
0xa0: {  	s7 =	sshra.s32 s7, $0x2;
	[sflag:s29] =	ssyncset.done $0x0  }
0xa1: {  	s10 =	sadd.s32 $0x2800, s7;
	[sflag:s29] =	ssyncadd.s32 $0xFFFFFF80  }
0xa2: {  	[spmem:s3] =	stream.indirect.scatter.add.f32 [tilespmem:s14], [sflag:$0x9], $0x1, s10, s13, $0xb8;
	[tilespmem:$0x5900] =	vst v63  }
0xa3: {  	_ =	swait.ge [sflag:s30], $0x80  }
0xa4: {  	[sflag:s30] =	ssyncset.done $0x0  }
0xa5: {  	s10 =	sadd.s32 $0x2880, s7;
	[sflag:s30] =	ssyncadd.s32 $0xFFFFFF80  }
0xa6: {  	[spmem:s3] =	stream.indirect.scatter.add.f32 [tilespmem:s15], [sflag:$0xA], $0x1, s10, s13, $0xb8;
	[tilespmem:$0x5900] =	vst v63  }
0xa7: {  	_ =	swait.ge [sflag:s31], $0x80  }
0xa8: {  	[sflag:s31] =	ssyncset.done $0x0  }
0xa9: {  	s10 =	sadd.s32 $0x2900, s7;
	[sflag:s31] =	ssyncadd.s32 $0xFFFFFF80  }
0xaa: {  	[spmem:s3] =	stream.indirect.scatter.add.f32 [tilespmem:s17], [sflag:$0xB], $0x1, s10, s13, $0xb8;
	[tilespmem:$0x5900] =	vst v63  }
0xab: {  	_ =	swait.ge [sflag:s0], $0x80  }
0xac: {  	[sflag:s0] =	ssyncset.done $0x0  }
0xad: {  	s10 =	sadd.s32 $0x2980, s7;
	[sflag:s0] =	ssyncadd.s32 $0xFFFFFF80  }
0xae: {  	[spmem:s3] =	stream.indirect.scatter.add.f32 [tilespmem:s19], [sflag:$0xC], $0x1, s10, s13, $0xb8;
	[tilespmem:$0x5900] =	vst v63  }
0xaf: {  	_ =	swait.ge [sflag:s11], $0x80  }
0xb0: {  	[sflag:s11] =	ssyncset.done $0x0  }
0xb1: {  	s10 =	sadd.s32 $0x2A00, s7;
	[sflag:s11] =	ssyncadd.s32 $0xFFFFFF80  }
0xb2: {  	[spmem:s3] =	stream.indirect.scatter.add.f32 [tilespmem:s21], [sflag:$0xD], $0x1, s10, s13, $0xb8;
	[tilespmem:$0x5900] =	vst v63  }
0xb3: {  	_ =	swait.ge [sflag:s12], $0x80  }
0xb4: {  	[sflag:s12] =	ssyncset.done $0x0  }
0xb5: {  	s10 =	sadd.s32 $0x2A80, s7;
	[sflag:s12] =	ssyncadd.s32 $0xFFFFFF80  }
0xb6: {  	[spmem:s3] =	stream.indirect.scatter.add.f32 [tilespmem:s23], [sflag:$0xE], $0x1, s10, s13, $0xb8;
	[tilespmem:$0x5900] =	vst v63  }
0xb7: {  	_ =	swait.ge [sflag:s16], $0x80  }
0xb8: {  	[sflag:s16] =	ssyncset.done $0x0  }
0xb9: {  	s10 =	sadd.s32 $0x2B00, s7;
	[sflag:s16] =	ssyncadd.s32 $0xFFFFFF80  }
0xba: {  	[spmem:s3] =	stream.indirect.scatter.add.f32 [tilespmem:s25], [sflag:$0xF], $0x1, s10, s13, $0xb8;
	[tilespmem:$0x5900] =	vst v63  }
0xbb: {  	_ =	swait.ge [sflag:s18], $0x80  }
0xbc: {  	[sflag:s18] =	ssyncset.done $0x0  }
0xbd: {  	s10 =	sadd.s32 $0x2B80, s7;
	[sflag:s18] =	ssyncadd.s32 $0xFFFFFF80  }
0xbe: {  	[spmem:s3] =	stream.indirect.scatter.add.f32 [tilespmem:s28], [sflag:$0x10], $0x1, s10, s13, $0xb8;
	[tilespmem:$0x5900] =	vst v63  }
0xbf: {  	_ =	swait.ge [sflag:s20], $0x80  }
0xc0: {  	[sflag:s20] =	ssyncset.done $0x0  }
0xc1: {  	s10 =	sadd.s32 $0x400, s7;
	[sflag:s20] =	ssyncadd.s32 $0xFFFFFF80  }
0xc2: {  	[tilespmem:s14], [sflag:$0x1] =	stream.indirect.gather [hbm4b:s2+s13], $0x1, s10, s13, $0xb8;
	[tilespmem:$0x5900] =	vst v63  }
0xc3: {  	_ =	swait.ge [sflag:s22], $0x80  }
0xc4: {  	[sflag:s22] =	ssyncset.done $0x0  }
0xc5: {  	s10 =	sadd.s32 $0x480, s7;
	[sflag:s22] =	ssyncadd.s32 $0xFFFFFF80  }
0xc6: {  	[tilespmem:s15], [sflag:$0x2] =	stream.indirect.gather [hbm4b:s2+s13], $0x1, s10, s13, $0xb8;
	[tilespmem:$0x5900] =	vst v63  }
0xc7: {  	_ =	swait.ge [sflag:s24], $0x80  }
0xc8: {  	[sflag:s24] =	ssyncset.done $0x0  }
0xc9: {  	s10 =	sadd.s32 $0x500, s7;
	[sflag:s24] =	ssyncadd.s32 $0xFFFFFF80  }
0xca: {  	[tilespmem:s17], [sflag:$0x3] =	stream.indirect.gather [hbm4b:s2+s13], $0x1, s10, s13, $0xb8;
	[tilespmem:$0x5900] =	vst v63  }
0xcb: {  	_ =	swait.ge [sflag:s26], $0x80  }
0xcc: {  	[sflag:s26] =	ssyncset.done $0x0  }
0xcd: {  	s10 =	sadd.s32 $0x580, s7;
	[sflag:s26] =	ssyncadd.s32 $0xFFFFFF80  }
0xce: {  	[tilespmem:s19], [sflag:$0x4] =	stream.indirect.gather [hbm4b:s2+s13], $0x1, s10, s13, $0xb8;
	[tilespmem:$0x5900] =	vst v63  }
0xcf: {  	_ =	swait.ge [sflag:s1], $0x80  }
0xd0: {  	[sflag:s1] =	ssyncset.done $0x0  }
0xd1: {  	s10 =	sadd.s32 $0x600, s7;
	[sflag:s1] =	ssyncadd.s32 $0xFFFFFF80  }
0xd2: {  	[tilespmem:s21], [sflag:$0x5] =	stream.indirect.gather [hbm4b:s2+s13], $0x1, s10, s13, $0xb8;
	[tilespmem:$0x5900] =	vst v63  }
0xd3: {  	_ =	swait.ge [sflag:s5], $0x80  }
0xd4: {  	[sflag:s5] =	ssyncset.done $0x0  }
0xd5: {  	s10 =	sadd.s32 $0x680, s7;
	[sflag:s5] =	ssyncadd.s32 $0xFFFFFF80  }
0xd6: {  	[tilespmem:s23], [sflag:$0x6] =	stream.indirect.gather [hbm4b:s2+s13], $0x1, s10, s13, $0xb8;
	[tilespmem:$0x5900] =	vst v63  }
0xd7: {  	_ =	swait.ge [sflag:s6], $0x80  }
0xd8: {  	[sflag:s6] =	ssyncset.done $0x0  }
.Ltmp0:
0xd9: {  	s10 =	sadd.s32 $0x700, s7;
	[sflag:s6] =	ssyncadd.s32 $0xFFFFFF80;
	(pc) =	sbr.rel @p0 .LBB2_2-.Ltmp0, $4  }
0xda: {  	[tilespmem:s25], [sflag:$0x7] =	stream.indirect.gather [hbm4b:s2+s13], $0x1, s10, s13, $0xb8;
	[tilespmem:$0x5900] =	vst v63  }
0xdb: {  	_ =	swait.ge [sflag:s8], $0x80  }
0xdc: {  	[sflag:s8] =	ssyncset.done $0x0  }
0xdd: {  	s7 =	sadd.s32 $0x780, s7;
	[sflag:s8] =	ssyncadd.s32 $0xFFFFFF80  }
0xde: {  	[tilespmem:s28], [sflag:$0x8] =	stream.indirect.gather [hbm4b:s2+s13], $0x1, s7, s13, $0xb8;
	[tilespmem:$0x5900] =	vst v63  }
0xdf: {  	_ =	swait.ge [sflag:s29], $0x80  }
0xe0: {  	[sflag:s29] =	ssyncset.done $0x0  }
0xe1: {  	s4 =	simm.s32 $0x4C00;
	[sflag:s29] =	ssyncadd.s32 $0xFFFFFF80  }
0xe2: {  	[spmem:s3] =	stream.indirect.scatter.add.f32 [tilespmem:s14], [sflag:$0x9], $0x1, s4, s13, $0xb8;
	[tilespmem:$0x5900] =	vst v63  }
0xe3: {  	_ =	swait.ge [sflag:s30], $0x80  }
0xe4: {  	[sflag:s30] =	ssyncset.done $0x0  }
0xe5: {  	s7 =	simm.s32 $0x4C80;
	[sflag:s30] =	ssyncadd.s32 $0xFFFFFF80  }
0xe6: {  	[spmem:s3] =	stream.indirect.scatter.add.f32 [tilespmem:s15], [sflag:$0xA], $0x1, s7, s13, $0xb8;
	[tilespmem:$0x5900] =	vst v63  }
0xe7: {  	_ =	swait.ge [sflag:s31], $0x80  }
0xe8: {  	[sflag:s31] =	ssyncset.done $0x0  }
0xe9: {  	s9 =	simm.s32 $0x4D00;
	[sflag:s31] =	ssyncadd.s32 $0xFFFFFF80  }
0xea: {  	[spmem:s3] =	stream.indirect.scatter.add.f32 [tilespmem:s17], [sflag:$0xB], $0x1, s9, s13, $0xb8;
	[tilespmem:$0x5900] =	vst v63  }
0xeb: {  	_ =	swait.ge [sflag:s0], $0x80  }
0xec: {  	[sflag:s0] =	ssyncset.done $0x0  }
0xed: {  	s10 =	simm.s32 $0x4D80;
	[sflag:s0] =	ssyncadd.s32 $0xFFFFFF80  }
0xee: {  	[spmem:s3] =	stream.indirect.scatter.add.f32 [tilespmem:s19], [sflag:$0xC], $0x1, s10, s13, $0xb8;
	[tilespmem:$0x5900] =	vst v63  }
0xef: {  	_ =	swait.ge [sflag:s11], $0x80  }
0xf0: {  	[sflag:s11] =	ssyncset.done $0x0  }
0xf1: {  	s7 =	simm.s32 $0x4E00;
	[sflag:s11] =	ssyncadd.s32 $0xFFFFFF80  }
0xf2: {  	[spmem:s3] =	stream.indirect.scatter.add.f32 [tilespmem:s21], [sflag:$0xD], $0x1, s7, s13, $0xb8;
	[tilespmem:$0x5900] =	vst v63  }
0xf3: {  	_ =	swait.ge [sflag:s12], $0x80  }
0xf4: {  	[sflag:s12] =	ssyncset.done $0x0  }
0xf5: {  	s9 =	simm.s32 $0x4E80;
	[sflag:s12] =	ssyncadd.s32 $0xFFFFFF80  }
0xf6: {  	[spmem:s3] =	stream.indirect.scatter.add.f32 [tilespmem:s23], [sflag:$0xE], $0x1, s9, s13, $0xb8;
	[tilespmem:$0x5900] =	vst v63  }
0xf7: {  	_ =	swait.ge [sflag:s16], $0x80  }
0xf8: {  	[sflag:s16] =	ssyncset.done $0x0  }
0xf9: {  	s10 =	simm.s32 $0x4F00;
	[sflag:s16] =	ssyncadd.s32 $0xFFFFFF80  }
0xfa: {  	[spmem:s3] =	stream.indirect.scatter.add.f32 [tilespmem:s25], [sflag:$0xF], $0x1, s10, s13, $0xb8;
	[tilespmem:$0x5900] =	vst v63  }
0xfb: {  	_ =	swait.ge [sflag:s18], $0x80  }
0xfc: {  	[sflag:s18] =	ssyncset.done $0x0  }
0xfd: {  	s7 =	simm.s32 $0x4F80;
	[sflag:s18] =	ssyncadd.s32 $0xFFFFFF80  }
0xfe: {  	[spmem:s3] =	stream.indirect.scatter.add.f32 [tilespmem:s28], [sflag:$0x10], $0x1, s7, s13, $0xb8;
	[tilespmem:$0x5900] =	vst v63  }
0xff: {  	_ =	swait.ge [sflag:s20], $0x80  }
0x100: {  	[sflag:s20] =	ssyncset.done $0x0  }
0x101: {  	[sflag:s20] =	ssyncadd.s32 $0xFFFFFF80  }
0x102: {  	_ =	swait.ge [sflag:s22], $0x80  }
0x103: {  	[sflag:s22] =	ssyncset.done $0x0  }
0x104: {  	[sflag:s22] =	ssyncadd.s32 $0xFFFFFF80  }
0x105: {  	_ =	swait.ge [sflag:s24], $0x80  }
0x106: {  	[sflag:s24] =	ssyncset.done $0x0  }
0x107: {  	[sflag:s24] =	ssyncadd.s32 $0xFFFFFF80  }
0x108: {  	_ =	swait.ge [sflag:s26], $0x80  }
0x109: {  	[sflag:s26] =	ssyncset.done $0x0  }
0x10a: {  	[sflag:s26] =	ssyncadd.s32 $0xFFFFFF80  }
0x10b: {  	_ =	swait.ge [sflag:s1], $0x80  }
0x10c: {  	[sflag:s1] =	ssyncset.done $0x0  }
0x10d: {  	[sflag:s1] =	ssyncadd.s32 $0xFFFFFF80  }
0x10e: {  	_ =	swait.ge [sflag:s5], $0x80  }
0x10f: {  	[sflag:s5] =	ssyncset.done $0x0  }
0x110: {  	[sflag:s5] =	ssyncadd.s32 $0xFFFFFF80  }
0x111: {  	_ =	swait.ge [sflag:s6], $0x80  }
0x112: {  	[sflag:s6] =	ssyncset.done $0x0  }
0x113: {  	[sflag:s6] =	ssyncadd.s32 $0xFFFFFF80  }
0x114: {  	_ =	swait.ge [sflag:s8], $0x80  }
0x115: {  	[sflag:s8] =	ssyncset.done $0x0  }
0x116: {  	[sflag:s8] =	ssyncadd.s32 $0xFFFFFF80  }
0x117: {  	s9 =	stileid.u32;
	[bflag:$0x0] =	sbarrier.arrive $0xFFFF  }
0x118: {  	s4 =	sshll.u32 s9, $0x6;
	s10 =	rddreg [dreg:$0x6]  }
0x119: {  	s4 =	sor.u32 $0x1C11, s4;
	s9 =	rddreg [dreg:$0x7];
	s10 =	sshrl.u32 s10, $0x3  }
0x11a: {  	[hbm:s9@s13], [sflag:s4] =	dma.strided [spmem:s10@s8], $0x50, s29, $0x10   }
0x11b: {  	s9 =	simm.s32 $0x11  }
0x11c: {  	_ =	swait.ge [sflag:s9], $0x50  }
0x11d: {  	s4 =	rddreg [dreg:$0x9]  }
0x11e: {  	s10 =	rddreg [dreg:$0x8];
	s7 =	sadd.s32 $0x1, s4  }
0x11f: {  	p0 =	sne.s32 s7, s10  }
.Ltmp1:
0x120: {  	_ = 	snop;
	(pc) =	sbr.rel @p0 .LBB2_1-.Ltmp1, $3  }
0x121: {  	_ =	sdelay $0x1  }
0x122: {  	[sflag:s9] =	ssyncset.done $0x0  }
0x123: {  	[sflag:s9] =	ssyncadd.s32 $0xFFFFFFB0  }
0x124: {  	_ =	sfence.sel $0x180000  }
0x125: {  	[bflag:$0x0] =	sbarrier.arrive $0xFFFF  }
0x126: {  	_ =	strace $0x9000004D  }
0x127: {  	s0 =	stileid.u32;
	[bflag:$0x2] =	sbarrier.arrive $0xFFFF  }
0x128: {  	p0 =	sne.s32 s0, $0x0;
	s0 =	rddreg [dreg:$0x3]  }
0x129: {  	s0 =	sadd.s32 @!p0 $0x100000, s0  }
0x12a: {  	[sflag:s0] =	ssyncadd.tile.s32 @!p0 $0x1;
	_ =	shalt  }
.Lfunc_end2:
_tile_overlayer_lowered:
.L_overlay_start_2:
0x12b: {  	(tag) =	ssettag $0x2  }
0x12c: {  	s0 =	rddreg [dreg:$0x0];
	s2 =	stileid.u32  }
0x12d: {  	s1 =	rddreg [dreg:$0x1];
	p0 =	sne.s32 s2, $0x0  }
0x12e: {  	s3 =	rddreg [dreg:$0x2];
	[bflag:$0x3] =	sbarrier.arrive $0xFFFF;
	s2 =	simm.s32 @!p0 $0x1C11  }
0x12f: {  	[timem:s3], [sflag:s2] =	dma.local @!p0 [hbm:s0], s1  }
0x130: {  	s0 =	simm.s32 @!p0 $0x11  }
0x131: {  	_ =	swait.ge @!p0 [sflag:s0], s1  }
0x132: {  	s1 =	ssub.s32 @!p0 $0x0, s1;
	[sflag:s0] =	ssyncset.done @!p0 $0x0  }
0x133: {  	[sflag:s0] =	ssyncadd.s32 @!p0 s1  }
0x134: {  	[bflag:$0x3] =	sbarrier.arrive $0xFFFF  }
0x135: {  	_ =	shalt  }

// kernel: gcn_edge_sc.3.cloned.1.call-start
scs
__scs_entry_jumppad:
0x0: {  	(pc) =	sbr.rel $0x88, $3  }
0x1: {  	(tag) =	ssettag $0x0;
	lr =	simm.s32 $0x1  }
0x2: {  	[smem:$0x3F9B] =	sst lr;
	_ =	strace $0xD0000000  }
0x3: {  	_ = 	snop  }
0x4: {  	_ = 	snop  }
0x5: {  	_ = 	snop  }
0x6: {  	_ = 	snop  }
0x7: {  	_ = 	snop  }
__scs_overlays_trampoline_lowered:
0x8: {  	[smem:$0x3FAA] =	sst s0  }
0x9: {  	[smem:$0x3FAB] =	sst s1  }
0xa: {  	[smem:$0x3FAC] =	sst s2  }
0xb: {  	[smem:$0x3FAD] =	sst s3  }
0xc: {  	[smem:$0x3FAE] =	sst s4  }
0xd: {  	[smem:$0x3FAF] =	sst s5  }
0xe: {  	[smem:$0x3FB0] =	sst s6  }
0xf: {  	[smem:$0x3FB1] =	sst s7  }
0x10: {  	[smem:$0x3FB2] =	sst s8  }
0x11: {  	[smem:$0x3FB3] =	sst s9;
	s0 =	simm.s32 @!p0 $0x0  }
0x12: {  	s1 =	sld [smem:$0x3F99];
	s0 =	simm.s32 @p0 $0x1  }
0x13: {  	[smem:$0x3FB4] =	sst s0;
	s0 =	simm.s32 @!p1 $0x0  }
0x14: {  	s2 =	sld [smem:$0x3F98];
	s0 =	simm.s32 @p1 $0x1  }
0x15: {  	[smem:$0x3FB5] =	sst s0;
	s0 =	simm.s32 @!p2 $0x0  }
0x16: {  	s3 =	sld [smem:$0x3FDB];
	s0 =	simm.s32 @p2 $0x1  }
0x17: {  	s4 =	simm.s32 $0x1BF5;
	[smem:$0x3FB7] =	sst s0  }
0x18: {  	s0 =	sld [smem:$0x3F9A];
	_ =	swait.ge [sflag:s4], $0x0  }
0x19: {  	s7 =	sld [smem:$0x3F9B]  }
0x1a: {  	s8 =	sadd.s32 $0xFFFFE003, lr  }
0x1b: {  	s9 =	sadd.s32 $0xFFFFFEF7, lr;
	s5 =	simm.s32 $0xFFFFFFFF;
	p2 =	slt.u32 s8, $0xFFFFF086  }
0x1c: {  	p1 =	slt.u32 s9, $0xF7A;
	s5 =	simm.s32 @!p2 $0x0  }
0x1d: {  	s5 =	simm.s32 @p1 $0x1;
	p0 =	seq.s32 s7, s2  }
0x1e: {  	s7 =	smul.u32 @!p0 $0xF7A, s2;
	p2 =	seq.s32 @!p0 s5, $0x0  }
0x1f: {  	s9 =	smul.u32 $0xF7A, s1;
	s8 =	simm.s32 @!p0 $0x1BF5;
	p2 =	por !p2, p0  }
0x20: {  	[sflag:s8] =	ssyncset.s32 @!p0 $0xFFFFF086;
	s6 =	sadd.s32 @!p0 s3, s7;
	s7 =	simm.s32 @!p0 $0x108  }
0x21: {  	s3 =	sadd.s32 s3, s9;
	s6 =	sadd.s32 @!p0 $0x88, s6;
	s7 =	simm.s32 @p2 $0x1082  }
0x22: {  	[simem:s7], [sflag:s8] =	dma.local @!p0 [hbm:s6], $0xF7A  }
0x23: {  	s9 =	sor.u32 $0xD0000000, s2;
	s6 =	simm.s32 $0x108;
	_ =	swait.ge @!p0 [sflag:s8], $0x0  }
0x24: {  	s3 =	sadd.s32 $0x88, s3;
	s6 =	simm.s32 @!p1 $0x1082;
	[sflag:s4] =	ssyncset.s32 $0xFFFFF086  }
0x25: {  	[simem:s6], [sflag:s4] =	dma.local [hbm:s3], $0xF7A  }
0x26: {  	[smem:$0x3F9B] =	sst s1;
	(tag) =	ssettag s2;
	_ =	strace s9  }
0x27: {  	s1 =	sld [smem:$0x3FAB]  }
0x28: {  	s2 =	sld [smem:$0x3FAC]  }
0x29: {  	s4 =	sld [smem:$0x3FAE]  }
0x2a: {  	p0 =	seq.s32 s5, $0x0;
	s5 =	sld [smem:$0x3FAF]  }
0x2b: {  	s6 =	sld [smem:$0x3FB0]  }
0x2c: {  	s7 =	sld [smem:$0x3FB1]  }
0x2d: {  	s3 =	simm.s32 $0x108;
	s8 =	sld [smem:$0x3FB2]  }
0x2e: {  	s3 =	simm.s32 @!p0 $0x1082;
	s9 =	sld [smem:$0x3FB3]  }
0x2f: {  	lr =	sadd.s32 s0, s3;
	s0 =	sld [smem:$0x3FAA]  }
0x30: {  	s3 =	sld [smem:$0x3FAD]  }
0x31: {  	[smem:$0x3FB6] =	sst s10  }
0x32: {  	s10 =	sld [smem:$0x3FB4];
	_ =	sdelay $0x3  }
0x33: {  	p0 =	seq.s32 s10, $0x1;
	s10 =	sld [smem:$0x3FB6];
	_ =	sdelay $0x3  }
0x34: {  	[smem:$0x3FB6] =	sst s10  }
0x35: {  	s10 =	sld [smem:$0x3FB5];
	_ =	sdelay $0x3  }
0x36: {  	p1 =	seq.s32 s10, $0x1;
	s10 =	sld [smem:$0x3FB6];
	_ =	sdelay $0x3  }
0x37: {  	[smem:$0x3FB6] =	sst s10  }
0x38: {  	s10 =	sld [smem:$0x3FB7]  }
0x39: {  	_ = 	snop;
	(pc) =	sbr.ind lr, $3  }
0x3a: {  	_ = 	snop  }
0x3b: {  	_ = 	snop  }
0x3c: {  	p2 =	seq.s32 s10, $0x1;
	s10 =	sld [smem:$0x3FB6]  }
0x3d: {  	_ =	shalt  }
0x3e: {  	_ =	shalt  }
0x3f: {  	_ =	shalt  }
0x40: {  	_ =	shalt  }
0x41: {  	_ =	shalt  }
0x42: {  	_ =	shalt  }
0x43: {  	_ =	shalt  }
0x44: {  	_ =	shalt  }
0x45: {  	_ =	shalt  }
0x46: {  	_ =	shalt  }
0x47: {  	_ =	shalt  }
0x48: {  	_ =	shalt  }
0x49: {  	_ =	shalt  }
0x4a: {  	_ =	shalt  }
0x4b: {  	_ =	shalt  }
0x4c: {  	_ =	shalt  }
0x4d: {  	_ =	shalt  }
0x4e: {  	_ =	shalt  }
0x4f: {  	_ =	shalt  }
0x50: {  	_ =	shalt  }
0x51: {  	_ =	shalt  }
0x52: {  	_ =	shalt  }
0x53: {  	_ =	shalt  }
0x54: {  	_ =	shalt  }
0x55: {  	_ =	shalt  }
0x56: {  	_ =	shalt  }
0x57: {  	_ =	shalt  }
0x58: {  	_ =	shalt  }
0x59: {  	_ =	shalt  }
0x5a: {  	_ =	shalt  }
0x5b: {  	_ =	shalt  }
0x5c: {  	_ =	shalt  }
0x5d: {  	_ =	shalt  }
0x5e: {  	_ =	shalt  }
0x5f: {  	_ =	shalt  }
0x60: {  	_ =	shalt  }
0x61: {  	_ =	shalt  }
0x62: {  	_ =	shalt  }
0x63: {  	_ =	shalt  }
0x64: {  	_ =	shalt  }
0x65: {  	_ =	shalt  }
0x66: {  	_ =	shalt  }
0x67: {  	_ =	shalt  }
0x68: {  	_ =	shalt  }
0x69: {  	_ =	shalt  }
0x6a: {  	_ =	shalt  }
0x6b: {  	_ =	shalt  }
0x6c: {  	_ =	shalt  }
0x6d: {  	_ =	shalt  }
0x6e: {  	_ =	shalt  }
0x6f: {  	_ =	shalt  }
0x70: {  	_ =	shalt  }
0x71: {  	_ =	shalt  }
0x72: {  	_ =	shalt  }
0x73: {  	_ =	shalt  }
0x74: {  	_ =	shalt  }
0x75: {  	_ =	shalt  }
0x76: {  	_ =	shalt  }
0x77: {  	_ =	shalt  }
0x78: {  	_ =	shalt  }
0x79: {  	_ =	shalt  }
0x7a: {  	_ =	shalt  }
0x7b: {  	_ =	shalt  }
0x7c: {  	_ =	shalt  }
0x7d: {  	_ =	shalt  }
0x7e: {  	_ =	shalt  }
0x7f: {  	_ =	shalt  }
0x80: {  	_ =	shalt  }
0x81: {  	_ =	shalt  }
0x82: {  	_ =	shalt  }
0x83: {  	_ =	shalt  }
0x84: {  	_ =	shalt  }
0x85: {  	_ =	shalt  }
0x86: {  	_ =	shalt  }
0x87: {  	_ =	shalt  }
.Lfunc_end0:
.L_simem_size_0:
called_computation.1_lowered:
.L_overlay_start_0:
0x88: {  	s2 =	sld [smem:$0x3FD9]  }
0x89: {  	s3 =	sld [smem:$0x3FFE];
	_ =	sdelay $0x1  }
0x8a: {  	s1 =	srdreg.scid  }
0x8b: {  	s0 =	sand.u32 $0x1, s1  }
0x8c: {  	s16 =	sshll.u32 s0, $0xA;
	s2 =	sadd.s32 s3, s2  }
0x8d: {  	s2 =	sadd.s32 s2, s16  }
0x8e: {  	[smem:$0x3FC2] =	sst s2  }
0x8f: {  	_ = 	snop  }
0x90: {  	(tm) =	ssettm $0x1  }
0x91: {  	s17 =	sld [smem:$0x3FFB];
	_ =	sdelay $0x3  }
0x92: {  	_ =	strace s17  }
0x93: {  	s2 =	sld [smem:$0x3FFC];
	_ =	sdelay $0x3  }
0x94: {  	_ =	strace s2  }
0x95: {  	s2 =	sld [smem:$0x3FFD];
	_ =	sdelay $0x3  }
0x96: {  	_ =	strace s2  }
0x97: {  	_ =	strace $0x8FFFFFFF  }
0x98: {  	s18 =	sld [smem:$0x3FDB];
	_ =	sdelay $0x1  }
0x99: {  	s19 =	simm.s32 $_scs_section_size  }
0x9a: {  	s4 =	simm.s32 $_size__tile_overlayer_lowered;
	s5 =	simm.s32 $_tile_overlayer_lowered  }
0x9b: {  	s22 =	simm.s32 $0x1BFF;
	s21 =	sshll.u32 s5, $0x1;
	s2 =	sadd.s32 s19, s18  }
0x9c: {  	s6 =	simm.s32 $0x0;
	s20 =	sshll.u32 s4, $0x1;
	s4 =	sadd.s32 s21, s2  }
0x9d: {  	[timem:s6], [sflag:s22] =	dma.local [hbm:s4], s20  }
0x9e: {  	_ =	swait.ge [sflag:s22], s20  }
0x9f: {  	s3 =	ssub.s32 $0x0, s20;
	[sflag:s22] =	ssyncset.done $0x0  }
0xa0: {  	[sflag:s22] =	ssyncadd.s32 s3;
	_ =	sdelay $0x1  }
0xa1: {  	s23 =	simm.s32 $0x1B8B  }
0xa2: {  	_ =	swait.ge [sflag:s23], $0x1  }
0xa3: {  	[sflag:s23] =	ssyncset.done $0x0  }
0xa4: {  	s25 =	simm.s32 $0x1B8E;
	s24 =	sld [smem:$0x3FFE];
	[sflag:s23] =	ssyncadd.s32 $0xFFFFFFFF  }
0xa5: {  	s26 =	simm.s32 $execute0_lowered;
	[smem:$0x3FD2] =	sst s25  }
0xa6: {  	s4 =	sshll.u32 s26, $0x1;
	_ =	strace $0x80000049;
	[dreg:$0x1] =	wrdreg $0xFFFFFFFF  }
0xa7: {  	s28 =	simm.s32 $_size_execute0_lowered;
	s2 =	sadd.s32 s2, s4;
	[dreg:$0x0] =	wrdreg $0x0  }
0xa8: {  	s4 =	sshll.u32 s28, $0x1;
	[dreg:$0x2] =	wrdreg s2  }
0xa9: {  	[dreg:$0x3] =	wrdreg s4  }
0xaa: {  	[dreg:$0x4] =	wrdreg $0xC0  }
0xab: {  	_ =	task [dreg:s6], $0x5FFFF  }
0xac: {  	[dreg:$0x1] =	wrdreg $0xFFFFFFFF  }
0xad: {  	[dreg:$0x0] =	wrdreg $0x60  }
0xae: {  	[dreg:$0x2] =	wrdreg s24  }
0xaf: {  	[dreg:$0x3] =	wrdreg $0xBC000  }
0xb0: {  	[dreg:$0x4] =	wrdreg $0x9  }
0xb1: {  	_ =	task.clear_ibuf [dreg:s6], $0x5FFFF;
	_ =	strace $0x90000049  }
0xb2: {  	s29 =	simm.s32 $0x9;
	_ =	strace $0x8000004B  }
0xb3: {  	_ =	swait.ge [sflag:s29], $0x1  }
0xb4: {  	[sflag:s29] =	ssyncadd.s32 $0xFFFFFFFF  }
0xb5: {  	_ =	strace $0x9000004B  }
0xb6: {  	_ =	sfence  }
0xb7: {  	s30 =	sld [smem:$0x0];
	_ =	sdelay $0x2  }
0xb8: {  	s31 =	sshll.u32 s1, $0xD;
	s1 =	sshrl.u32 s1, $0x2  }
0xb9: {  	s3 =	sand.u32 $0x4000, s31;
	s1 =	sadd.s32 s1, s30  }
0xba: {  	s0 =	sor.u32 s3, s0;
	s1 =	sshll.u32 s1, $0x11  }
0xbb: {  	s0 =	sor.u32 s1, s0  }
0xbc: {  	s0 =	sadd.s32 $0x8F2B, s0  }
0xbd: {  	[sflag:s0] =	ssyncadd.remote.s32 $0x1  }
0xbe: {  	_ =	sfence.sel $0xFFFF  }
0xbf: {  	[dreg:$0x0] =	wrdreg $0xFFFFFFFF;
	(pc) =	sbr.abs _section_cstart, $3  }
0xc0: {  	[dreg:$0x1] =	wrdreg $0xFFFFFFFF  }
0xc1: {  	_ =	task.clear_ibuf [dreg:s6], $0x2FFFF;
	_ =	strace $0x9FFFFFFF  }
0xc2: {  	(tm) =	ssettm $0x7FFFFFFF  }
0xc3: {  	_ =	shalt  }
tec
execute0_lowered:
.L_overlay_start_1:
0x0: {  	(tag) =	ssettag $0x1  }
0x1: {  	s6 =	rddreg [dreg:$0x0]  }
0x2: {  	s0 =	srdreg.scid;
	s2 =	rddreg [dreg:$0x1]  }
0x3: {  	s3 =	simm.s32 $0x0;
	s14 =	simm.s32 $0x1400;
	s15 =	simm.s32 $0x3  }
0x4: {  	s16 =	simm.s32 $0x3C00;
	s17 =	simm.s32 $0x80;
	s18 =	simm.s32 $0x1  }
0x5: {  	s19 =	simm.s32 $0x7C00;
	s20 =	simm.s32 $0x2;
	s21 =	simm.s32 $0x1380  }
0x6: {  	s22 =	simm.s32 $0x2700;
	s23 =	simm.s32 $0x2780;
	s24 =	simm.s32 $0x3B00  }
0x7: {  	s25 =	simm.s32 $0x3B80;
	s5 =	sand.u32 $0x1, s0;
	s0 =	stileid.u32  }
0x8: {  	s26 =	simm.s32 $0x0;
	[smem:$0x7FF] =	sst s3;
	s7 =	smul.u32 $0x140000, s5  }
0x9: {  	s1 =	sshll.u32 s5, $0x4;
	s8 =	smul.u32 $0x14000, s0;
	_ =	strace $0x8000004A  }
0xa: {  	s10 =	smul.u32 $0x50000, s0;
	s5 =	ssub.s32 $0x2, s5;
	s1 =	sor.u32 s0, s1  }
0xb: {  	s31 =	sshrl.u32 s5, $0x1;
	s4 =	smul.u32 $0x500, s1;
	s7 =	sadd.s32 s8, s7  }
0xc: {  	s10 =	sshrl.u32 s10, $0x2;
	s13 =	ssub.s32 s5, s31;
	s7 =	sshrl.u32 s7, $0x3  }
0xd: {  	s5 =	sadd.s32 s10, s2;
	s13 =	smax.u32 s13, $0x1;
	s9 =	sadd.s32 s4, s6  }
0xe: {  	s4 =	sadd.s32 $0x16600, s6;
	s12 =	sadd.s32 s7, s6;
	s8 =	sadd.s32 $0x4000, s5  }
0xf: {  	s10 =	sadd.s32 $0xC000, s5;
	s11 =	sadd.s32 $0x10000, s5;
	s6 =	sadd.s32 $0x2600, s9  }
0x10: {  	v0 =	vimm.f32 $0.0e+00;
	s7 =	sadd.s32 $0xC600, s9;
	s9 =	sadd.s32 $0x8000, s5;
	s12 =	sadd.s32 $0x3E600, s12  }
.LBB2_1:
0x11: {  	[tilespmem:s14], [sflag:$0x3] =	stream.linear.gather [hbm4b:s6+s3], $0x2800, $0x38;
	[tilespmem:$0x1FC00] =	vst v63  }
0x12: {  	_ =	swait.ge [sflag:s15], $0x2800  }
0x13: {  	[sflag:s15] =	ssyncset.done $0x0  }
0x14: {  	[sflag:s15] =	ssyncadd.s32 $0xFFFFD800  }
0x15: {  	[tilespmem:s3], [sflag:$0x3] =	stream.linear.gather [hbm4b:s7+s3], $0x1400, $0x38;
	[tilespmem:$0x1FC00] =	vst v63  }
0x16: {  	s28 =	sand.u32 $0xFE00, s3;
	s29 =	sand.u32 $0x70, s3;
	_ =	swait.ge [sflag:s15], $0x1400  }
0x17: {  	s30 =	sshrl.u32 s28, $0x2;
	s28 =	simm.s32 $0x40;
	[sflag:s15] =	ssyncset.done $0x0  }
0x18: {  	s30 =	sor.u32 s29, s30;
	s29 =	simm.s32 $0x0;
	[sflag:s15] =	ssyncadd.s32 $0xFFFFEC00  }
.LBB2_2:
0x19: {  	p0 =	sne.s32 s28, $0xFFC0  }
0x1a: {  	[tilespmem:s30+$0x3C00] =	vst v0;
	s29 =	sadd.s32 $0x10, s29;
	s30 =	smov.u32 s28;
	s28 =	sadd.s32 $0x40, s28  }
.Ltmp0:
0x1b: {  	(pc) =	sbr.rel @p0 .LBB2_2-.Ltmp0, $4  }
0x1c: {  	_ = 	snop  }
0x1d: {  	s30 =	sand.u32 $0xFE00, s30  }
0x1e: {  	s31 =	sand.u32 $0x70, s29;
	s30 =	sshrl.u32 s30, $0x2  }
0x1f: {  	s30 =	sor.u32 s31, s30  }
0x20: {  	[tilespmem:s30+$0x3C00] =	vst v0  }
0x21: {  	[spmem:s5] =	stream.linear.scatter [tilespmem:s16], [sflag:$0x3], $0x4000, $0x38;
	[tilespmem:$0x1FC00] =	vst v63  }
0x22: {  	_ =	swait.ge [sflag:s15], $0x4000  }
0x23: {  	[sflag:s15] =	ssyncset.done $0x0  }
0x24: {  	[sflag:s15] =	ssyncadd.s32 $0xFFFFC000  }
0x25: {  	[spmem:s8] =	stream.linear.scatter [tilespmem:s16], [sflag:$0x3], $0x4000, $0x38;
	[tilespmem:$0x1FC00] =	vst v63  }
0x26: {  	_ =	swait.ge [sflag:s15], $0x4000  }
0x27: {  	[sflag:s15] =	ssyncset.done $0x0  }
0x28: {  	[sflag:s15] =	ssyncadd.s32 $0xFFFFC000  }
0x29: {  	[spmem:s9] =	stream.linear.scatter [tilespmem:s16], [sflag:$0x3], $0x4000, $0x38;
	[tilespmem:$0x1FC00] =	vst v63  }
0x2a: {  	_ =	swait.ge [sflag:s15], $0x4000  }
0x2b: {  	[sflag:s15] =	ssyncset.done $0x0  }
0x2c: {  	[sflag:s15] =	ssyncadd.s32 $0xFFFFC000  }
0x2d: {  	[spmem:s10] =	stream.linear.scatter [tilespmem:s16], [sflag:$0x3], $0x4000, $0x38;
	[tilespmem:$0x1FC00] =	vst v63  }
0x2e: {  	_ =	swait.ge [sflag:s15], $0x4000  }
0x2f: {  	[sflag:s15] =	ssyncset.done $0x0  }
0x30: {  	[sflag:s15] =	ssyncadd.s32 $0xFFFFC000  }
0x31: {  	[spmem:s11] =	stream.linear.scatter [tilespmem:s16], [sflag:$0x3], $0x4000, $0x38;
	[tilespmem:$0x1FC00] =	vst v63  }
0x32: {  	_ =	swait.ge [sflag:s15], $0x4000  }
0x33: {  	[sflag:s15] =	ssyncset.done $0x0  }
0x34: {  	[sflag:s15] =	ssyncadd.s32 $0xFFFFC000  }
0x35: {  	s28 =	simm.s32 $0x0;
	[bflag:$0x0] =	sbarrier.arrive $0xFFFF  }
0x36: {  	[tilespmem:s16], [sflag:$0x1] =	stream.indirect.gather [hbm4b:s4+s17], $0x80, s28, s17, $0xb8;
	[tilespmem:$0x1FC00] =	vst v63  }
0x37: {  	_ =	swait.ge [sflag:s18], $0x4000  }
0x38: {  	[sflag:s18] =	ssyncset.done $0x0  }
0x39: {  	s28 =	simm.s32 $0x80;
	[sflag:s18] =	ssyncadd.s32 $0xFFFFC000  }
0x3a: {  	[tilespmem:s19], [sflag:$0x2] =	stream.indirect.gather [hbm4b:s4+s17], $0x80, s28, s17, $0xb8;
	[tilespmem:$0x1FC00] =	vst v63  }
0x3b: {  	s28 =	simm.s32 $0x1400  }
0x3c: {  	[spmem:s2] =	stream.indirect.scatter.add.f32 [tilespmem:s16], [sflag:$0x3], $0x80, s28, s17, $0xb8;
	[tilespmem:$0x1FC00] =	vst v63  }
0x3d: {  	_ =	swait.ge [sflag:s15], $0x4000  }
0x3e: {  	[sflag:s15] =	ssyncset.done $0x0  }
0x3f: {  	[sflag:s15] =	ssyncadd.s32 $0xFFFFC000  }
0x40: {  	_ =	swait.ge [sflag:s20], $0x4000  }
0x41: {  	[sflag:s20] =	ssyncset.done $0x0  }
0x42: {  	s28 =	simm.s32 $0x100;
	[sflag:s20] =	ssyncadd.s32 $0xFFFFC000  }
0x43: {  	[tilespmem:s16], [sflag:$0x1] =	stream.indirect.gather [hbm4b:s4+s17], $0x80, s28, s17, $0xb8;
	[tilespmem:$0x1FC00] =	vst v63  }
0x44: {  	s28 =	simm.s32 $0x1480  }
0x45: {  	[spmem:s2] =	stream.indirect.scatter.add.f32 [tilespmem:s19], [sflag:$0x3], $0x80, s28, s17, $0xb8;
	[tilespmem:$0x1FC00] =	vst v63  }
0x46: {  	_ =	swait.ge [sflag:s15], $0x4000  }
0x47: {  	[sflag:s15] =	ssyncset.done $0x0  }
0x48: {  	[sflag:s15] =	ssyncadd.s32 $0xFFFFC000  }
0x49: {  	_ =	swait.ge [sflag:s18], $0x4000  }
0x4a: {  	s29 =	simm.s32 $0x800;
	s28 =	simm.s32 $0x100;
	[sflag:s18] =	ssyncset.done $0x0  }
.LBB2_4:
0x4b: {  	s30 =	sadd.s32 $0x80, s28  }
0x4c: {  	[sflag:s18] =	ssyncadd.s32 $0xFFFFC000;
	s31 =	smov.u32 s29;
	s1 =	sadd.s32 $0x400, s29  }
0x4d: {  	[tilespmem:s19], [sflag:$0x2] =	stream.indirect.gather [hbm4b:s4+s17], $0x80, s30, s17, $0xb8;
	[tilespmem:$0x1FC00] =	vst v63  }
0x4e: {  	p0 =	sne.s32 s29, $0x4800;
	s29 =	sadd.s32 $0x1400, s28  }
0x4f: {  	[spmem:s2] =	stream.indirect.scatter.add.f32 [tilespmem:s16], [sflag:$0x3], $0x80, s29, s17, $0xb8;
	[tilespmem:$0x1FC00] =	vst v63  }
0x50: {  	_ =	swait.ge [sflag:s15], $0x4000  }
0x51: {  	[sflag:s15] =	ssyncset.done $0x0  }
0x52: {  	[sflag:s15] =	ssyncadd.s32 $0xFFFFC000  }
0x53: {  	_ =	swait.ge [sflag:s20], $0x4000  }
0x54: {  	[sflag:s20] =	ssyncset.done $0x0  }
0x55: {  	s29 =	sadd.s32 $0x100, s28;
	[sflag:s20] =	ssyncadd.s32 $0xFFFFC000  }
0x56: {  	[tilespmem:s16], [sflag:$0x1] =	stream.indirect.gather [hbm4b:s4+s17], $0x80, s29, s17, $0xb8;
	[tilespmem:$0x1FC00] =	vst v63  }
0x57: {  	s28 =	sadd.s32 $0x1480, s28  }
0x58: {  	[spmem:s2] =	stream.indirect.scatter.add.f32 [tilespmem:s19], [sflag:$0x3], $0x80, s28, s17, $0xb8;
	[tilespmem:$0x1FC00] =	vst v63  }
.Ltmp1:
0x59: {  	_ =	swait.ge [sflag:s15], $0x4000;
	(pc) =	sbr.rel @p0 .LBB2_4-.Ltmp1, $4  }
0x5a: {  	[sflag:s15] =	ssyncset.done $0x0  }
0x5b: {  	[sflag:s15] =	ssyncadd.s32 $0xFFFFC000  }
0x5c: {  	_ =	swait.ge [sflag:s18], $0x4000  }
0x5d: {  	s29 =	smov.u32 s1;
	s28 =	sshra.s32 s31, $0x2;
	[sflag:s18] =	ssyncset.done $0x0  }
0x5e: {  	s1 =	sadd.s32 $0x80, s28;
	[sflag:s18] =	ssyncadd.s32 $0xFFFFC000  }
0x5f: {  	[tilespmem:s19], [sflag:$0x2] =	stream.indirect.gather [hbm4b:s4+s17], $0x80, s1, s17, $0xb8;
	[tilespmem:$0x1FC00] =	vst v63  }
0x60: {  	s30 =	sadd.s32 $0x1400, s28  }
0x61: {  	[spmem:s2] =	stream.indirect.scatter.add.f32 [tilespmem:s16], [sflag:$0x3], $0x80, s30, s17, $0xb8;
	[tilespmem:$0x1FC00] =	vst v63  }
0x62: {  	_ =	swait.ge [sflag:s15], $0x4000  }
0x63: {  	[sflag:s15] =	ssyncset.done $0x0  }
0x64: {  	[sflag:s15] =	ssyncadd.s32 $0xFFFFC000  }
0x65: {  	_ =	swait.ge [sflag:s20], $0x4000  }
0x66: {  	[sflag:s20] =	ssyncset.done $0x0  }
0x67: {  	s31 =	sadd.s32 $0x100, s28;
	[sflag:s20] =	ssyncadd.s32 $0xFFFFC000  }
0x68: {  	[tilespmem:s16], [sflag:$0x1] =	stream.indirect.gather [hbm4b:s4+s17], $0x80, s31, s17, $0xb8;
	[tilespmem:$0x1FC00] =	vst v63  }
0x69: {  	s30 =	sadd.s32 $0x1480, s28  }
0x6a: {  	[spmem:s2] =	stream.indirect.scatter.add.f32 [tilespmem:s19], [sflag:$0x3], $0x80, s30, s17, $0xb8;
	[tilespmem:$0x1FC00] =	vst v63  }
0x6b: {  	_ =	swait.ge [sflag:s15], $0x4000  }
0x6c: {  	[sflag:s15] =	ssyncset.done $0x0  }
0x6d: {  	[sflag:s15] =	ssyncadd.s32 $0xFFFFC000  }
0x6e: {  	_ =	swait.ge [sflag:s18], $0x4000  }
0x6f: {  	[sflag:s18] =	ssyncset.done $0x0  }
0x70: {  	[sflag:s18] =	ssyncadd.s32 $0xFFFFC000  }
0x71: {  	[tilespmem:s19], [sflag:$0x2] =	stream.indirect.gather [hbm4b:s4+s17], $0x80, s21, s17, $0xb8;
	[tilespmem:$0x1FC00] =	vst v63  }
0x72: {  	_ = 	snop  }
0x73: {  	[spmem:s2] =	stream.indirect.scatter.add.f32 [tilespmem:s16], [sflag:$0x3], $0x80, s22, s17, $0xb8;
	[tilespmem:$0x1FC00] =	vst v63  }
0x74: {  	_ =	swait.ge [sflag:s15], $0x4000  }
0x75: {  	[sflag:s15] =	ssyncset.done $0x0  }
0x76: {  	[sflag:s15] =	ssyncadd.s32 $0xFFFFC000  }
0x77: {  	_ =	swait.ge [sflag:s20], $0x4000  }
0x78: {  	[sflag:s20] =	ssyncset.done $0x0  }
0x79: {  	[sflag:s20] =	ssyncadd.s32 $0xFFFFC000  }
0x7a: {  	[spmem:s2] =	stream.indirect.scatter.add.f32 [tilespmem:s19], [sflag:$0x3], $0x80, s23, s17, $0xb8;
	[tilespmem:$0x1FC00] =	vst v63  }
0x7b: {  	_ =	swait.ge [sflag:s15], $0x4000  }
0x7c: {  	[sflag:s15] =	ssyncset.done $0x0  }
0x7d: {  	s31 =	sadd.s32 $0x280, s7;
	[sflag:s15] =	ssyncadd.s32 $0xFFFFC000  }
0x7e: {  	[tilespmem:s3], [sflag:$0x3] =	stream.linear.gather [hbm4b:s31+s3], $0x1400, $0x38;
	[tilespmem:$0x1FC00] =	vst v63  }
0x7f: {  	_ =	swait.ge [sflag:s15], $0x1400  }
0x80: {  	[sflag:s15] =	ssyncset.done $0x0  }
0x81: {  	[sflag:s15] =	ssyncadd.s32 $0xFFFFEC00  }
0x82: {  	[tilespmem:s16], [sflag:$0x1] =	stream.indirect.gather [hbm4b:s4+s17], $0x80, s3, s17, $0xb8;
	[tilespmem:$0x1FC00] =	vst v63  }
0x83: {  	_ =	swait.ge [sflag:s18], $0x4000  }
0x84: {  	[sflag:s18] =	ssyncset.done $0x0  }
0x85: {  	s30 =	simm.s32 $0x80;
	[sflag:s18] =	ssyncadd.s32 $0xFFFFC000  }
0x86: {  	[tilespmem:s19], [sflag:$0x2] =	stream.indirect.gather [hbm4b:s4+s17], $0x80, s30, s17, $0xb8;
	[tilespmem:$0x1FC00] =	vst v63  }
0x87: {  	s31 =	simm.s32 $0x2800  }
0x88: {  	[spmem:s2] =	stream.indirect.scatter.add.f32 [tilespmem:s16], [sflag:$0x3], $0x80, s31, s17, $0xb8;
	[tilespmem:$0x1FC00] =	vst v63  }
0x89: {  	_ =	swait.ge [sflag:s15], $0x4000  }
0x8a: {  	[sflag:s15] =	ssyncset.done $0x0  }
0x8b: {  	[sflag:s15] =	ssyncadd.s32 $0xFFFFC000  }
0x8c: {  	_ =	swait.ge [sflag:s20], $0x4000  }
0x8d: {  	[sflag:s20] =	ssyncset.done $0x0  }
0x8e: {  	s30 =	simm.s32 $0x100;
	[sflag:s20] =	ssyncadd.s32 $0xFFFFC000  }
0x8f: {  	[tilespmem:s16], [sflag:$0x1] =	stream.indirect.gather [hbm4b:s4+s17], $0x80, s30, s17, $0xb8;
	[tilespmem:$0x1FC00] =	vst v63  }
0x90: {  	s31 =	simm.s32 $0x2880  }
0x91: {  	[spmem:s2] =	stream.indirect.scatter.add.f32 [tilespmem:s19], [sflag:$0x3], $0x80, s31, s17, $0xb8;
	[tilespmem:$0x1FC00] =	vst v63  }
0x92: {  	_ =	swait.ge [sflag:s15], $0x4000  }
0x93: {  	[sflag:s15] =	ssyncset.done $0x0  }
0x94: {  	[sflag:s15] =	ssyncadd.s32 $0xFFFFC000  }
0x95: {  	_ =	swait.ge [sflag:s18], $0x4000  }
0x96: {  	s29 =	simm.s32 $0xFFFFBC00;
	s28 =	simm.s32 $0xFFFFEE00;
	[sflag:s18] =	ssyncset.done $0x0  }
.LBB2_6:
0x97: {  	s1 =	sadd.s32 $0x1380, s28  }
0x98: {  	[sflag:s18] =	ssyncadd.s32 $0xFFFFC000;
	s30 =	smov.u32 s29;
	s31 =	sadd.s32 $0x400, s29  }
0x99: {  	[tilespmem:s19], [sflag:$0x2] =	stream.indirect.gather [hbm4b:s4+s17], $0x80, s1, s17, $0xb8;
	[tilespmem:$0x1FC00] =	vst v63  }
0x9a: {  	p0 =	sne.s32 s29, $0xFFFFFC00;
	s1 =	sadd.s32 $0x3B00, s28  }
0x9b: {  	[spmem:s2] =	stream.indirect.scatter.add.f32 [tilespmem:s16], [sflag:$0x3], $0x80, s1, s17, $0xb8;
	[tilespmem:$0x1FC00] =	vst v63  }
0x9c: {  	_ =	swait.ge [sflag:s15], $0x4000  }
0x9d: {  	[sflag:s15] =	ssyncset.done $0x0  }
0x9e: {  	[sflag:s15] =	ssyncadd.s32 $0xFFFFC000  }
0x9f: {  	_ =	swait.ge [sflag:s20], $0x4000  }
0xa0: {  	[sflag:s20] =	ssyncset.done $0x0  }
0xa1: {  	s1 =	sadd.s32 $0x1400, s28;
	[sflag:s20] =	ssyncadd.s32 $0xFFFFC000  }
0xa2: {  	[tilespmem:s16], [sflag:$0x1] =	stream.indirect.gather [hbm4b:s4+s17], $0x80, s1, s17, $0xb8;
	[tilespmem:$0x1FC00] =	vst v63  }
0xa3: {  	s1 =	sadd.s32 $0x3B80, s28  }
0xa4: {  	[spmem:s2] =	stream.indirect.scatter.add.f32 [tilespmem:s19], [sflag:$0x3], $0x80, s1, s17, $0xb8;
	[tilespmem:$0x1FC00] =	vst v63  }
.Ltmp2:
0xa5: {  	_ =	swait.ge [sflag:s15], $0x4000;
	(pc) =	sbr.rel @p0 .LBB2_6-.Ltmp2, $4  }
0xa6: {  	[sflag:s15] =	ssyncset.done $0x0  }
0xa7: {  	[sflag:s15] =	ssyncadd.s32 $0xFFFFC000  }
0xa8: {  	_ =	swait.ge [sflag:s18], $0x4000  }
0xa9: {  	s29 =	smov.u32 s31;
	s28 =	sshra.s32 s30, $0x2;
	[sflag:s18] =	ssyncset.done $0x0  }
0xaa: {  	s1 =	sadd.s32 $0x1380, s28;
	[sflag:s18] =	ssyncadd.s32 $0xFFFFC000  }
0xab: {  	[tilespmem:s19], [sflag:$0x2] =	stream.indirect.gather [hbm4b:s4+s17], $0x80, s1, s17, $0xb8;
	[tilespmem:$0x1FC00] =	vst v63  }
0xac: {  	s30 =	sadd.s32 $0x3B00, s28  }
0xad: {  	[spmem:s2] =	stream.indirect.scatter.add.f32 [tilespmem:s16], [sflag:$0x3], $0x80, s30, s17, $0xb8;
	[tilespmem:$0x1FC00] =	vst v63  }
0xae: {  	_ =	swait.ge [sflag:s15], $0x4000  }
0xaf: {  	[sflag:s15] =	ssyncset.done $0x0  }
0xb0: {  	[sflag:s15] =	ssyncadd.s32 $0xFFFFC000  }
0xb1: {  	_ =	swait.ge [sflag:s20], $0x4000  }
0xb2: {  	[sflag:s20] =	ssyncset.done $0x0  }
0xb3: {  	s31 =	sadd.s32 $0x1400, s28;
	[sflag:s20] =	ssyncadd.s32 $0xFFFFC000  }
0xb4: {  	[tilespmem:s16], [sflag:$0x1] =	stream.indirect.gather [hbm4b:s4+s17], $0x80, s31, s17, $0xb8;
	[tilespmem:$0x1FC00] =	vst v63  }
0xb5: {  	s28 =	sadd.s32 $0x3B80, s28  }
0xb6: {  	[spmem:s2] =	stream.indirect.scatter.add.f32 [tilespmem:s19], [sflag:$0x3], $0x80, s28, s17, $0xb8;
	[tilespmem:$0x1FC00] =	vst v63  }
0xb7: {  	_ =	swait.ge [sflag:s15], $0x4000  }
0xb8: {  	[sflag:s15] =	ssyncset.done $0x0  }
0xb9: {  	[sflag:s15] =	ssyncadd.s32 $0xFFFFC000  }
0xba: {  	_ =	swait.ge [sflag:s18], $0x4000  }
0xbb: {  	[sflag:s18] =	ssyncset.done $0x0  }
0xbc: {  	[sflag:s18] =	ssyncadd.s32 $0xFFFFC000  }
0xbd: {  	[tilespmem:s19], [sflag:$0x2] =	stream.indirect.gather [hbm4b:s4+s17], $0x80, s21, s17, $0xb8;
	[tilespmem:$0x1FC00] =	vst v63  }
0xbe: {  	_ = 	snop  }
0xbf: {  	[spmem:s2] =	stream.indirect.scatter.add.f32 [tilespmem:s16], [sflag:$0x3], $0x80, s24, s17, $0xb8;
	[tilespmem:$0x1FC00] =	vst v63  }
0xc0: {  	_ =	swait.ge [sflag:s15], $0x4000  }
0xc1: {  	[sflag:s15] =	ssyncset.done $0x0  }
0xc2: {  	[sflag:s15] =	ssyncadd.s32 $0xFFFFC000  }
0xc3: {  	_ =	swait.ge [sflag:s20], $0x4000  }
0xc4: {  	[sflag:s20] =	ssyncset.done $0x0  }
0xc5: {  	[sflag:s20] =	ssyncadd.s32 $0xFFFFC000  }
0xc6: {  	[spmem:s2] =	stream.indirect.scatter.add.f32 [tilespmem:s19], [sflag:$0x3], $0x80, s25, s17, $0xb8;
	[tilespmem:$0x1FC00] =	vst v63  }
0xc7: {  	_ =	swait.ge [sflag:s15], $0x4000  }
0xc8: {  	[sflag:s15] =	ssyncset.done $0x0  }
0xc9: {  	s29 =	sshll.u32 s0, $0x6;
	[sflag:s15] =	ssyncadd.s32 $0xFFFFC000  }
0xca: {  	s1 =	sor.u32 $0x1C03, s29;
	s30 =	sshrl.u32 s5, $0x3;
	[bflag:$0x0] =	sbarrier.arrive $0xFFFF  }
0xcb: {  	[hbm:s12], [sflag:s1] =	dma.local [spmem:s30], $0x800  }
0xcc: {  	_ =	swait.ge [sflag:s15], $0x800  }
0xcd: {  	[sflag:s15] =	ssyncset.done $0x0  }
0xce: {  	s29 =	sshrl.u32 s8, $0x3;
	s31 =	sadd.s32 $0x800, s12;
	[sflag:s15] =	ssyncadd.s32 $0xFFFFF800  }
0xcf: {  	[hbm:s31], [sflag:s1] =	dma.local [spmem:s29], $0x800  }
0xd0: {  	_ =	swait.ge [sflag:s15], $0x800  }
0xd1: {  	[sflag:s15] =	ssyncset.done $0x0  }
0xd2: {  	s30 =	sadd.s32 $0x1000, s12;
	s31 =	sshrl.u32 s9, $0x3;
	[sflag:s15] =	ssyncadd.s32 $0xFFFFF800  }
0xd3: {  	[hbm:s30], [sflag:s1] =	dma.local [spmem:s31], $0x800  }
0xd4: {  	_ =	swait.ge [sflag:s15], $0x800  }
0xd5: {  	[sflag:s15] =	ssyncset.done $0x0  }
0xd6: {  	s30 =	sadd.s32 $0x1800, s12;
	s31 =	sshrl.u32 s10, $0x3;
	[sflag:s15] =	ssyncadd.s32 $0xFFFFF800  }
0xd7: {  	[hbm:s30], [sflag:s1] =	dma.local [spmem:s31], $0x800  }
0xd8: {  	s26 =	sadd.s32 $0x1, s26;
	_ =	swait.ge [sflag:s15], $0x800  }
0xd9: {  	p0 =	sne.s32 s26, s13;
	s30 =	sadd.s32 $0x2000, s12;
	[sflag:s15] =	ssyncset.done $0x0  }
.Ltmp3:
0xda: {  	s31 =	sshrl.u32 s11, $0x3;
	[sflag:s15] =	ssyncadd.s32 $0xFFFFF800;
	(pc) =	sbr.rel @p0 .LBB2_1-.Ltmp3, $4  }
0xdb: {  	[hbm:s30], [sflag:s1] =	dma.local [spmem:s31], $0x800  }
0xdc: {  	_ =	swait.ge [sflag:s15], $0x800  }
0xdd: {  	[sflag:s15] =	ssyncset.done $0x0  }
0xde: {  	[sflag:s15] =	ssyncadd.s32 $0xFFFFF800  }
0xdf: {  	_ =	sfence.sel $0x180000  }
0xe0: {  	[bflag:$0x0] =	sbarrier.arrive $0xFFFF  }
0xe1: {  	_ =	strace $0x9000004A  }
0xe2: {  	[bflag:$0x2] =	sbarrier.arrive $0xFFFF  }
0xe3: {  	p0 =	sne.s32 s0, $0x0;
	s0 =	rddreg [dreg:$0x2]  }
0xe4: {  	s0 =	sadd.s32 @!p0 $0x100000, s0  }
0xe5: {  	[sflag:s0] =	ssyncadd.tile.s32 @!p0 $0x1;
	_ =	shalt  }
.Lfunc_end2:
_tile_overlayer_lowered:
.L_overlay_start_2:
0xe6: {  	(tag) =	ssettag $0x2  }
0xe7: {  	s0 =	rddreg [dreg:$0x0];
	s2 =	stileid.u32  }
0xe8: {  	s1 =	rddreg [dreg:$0x1];
	p0 =	sne.s32 s2, $0x0  }
0xe9: {  	s3 =	rddreg [dreg:$0x2];
	[bflag:$0x3] =	sbarrier.arrive $0xFFFF;
	s2 =	simm.s32 @!p0 $0x1C03  }
0xea: {  	[timem:s3], [sflag:s2] =	dma.local @!p0 [hbm:s0], s1  }
0xeb: {  	s0 =	simm.s32 @!p0 $0x3  }
0xec: {  	_ =	swait.ge @!p0 [sflag:s0], s1  }
0xed: {  	s1 =	ssub.s32 @!p0 $0x0, s1;
	[sflag:s0] =	ssyncset.done @!p0 $0x0  }
0xee: {  	[sflag:s0] =	ssyncadd.s32 @!p0 s1  }
0xef: {  	[bflag:$0x3] =	sbarrier.arrive $0xFFFF  }
0xf0: {  	_ =	shalt  }

</sc_bundles>
